<compile_context>
chip_gen: v7x
topology: tpu7x:2x2x1
jax: 0.10.2.dev20260603
libtpu: 0.0.44.dev20260713+nightly
codegen_flags: <defaults>
</compile_context>

<pallas_src>
import functools

import jax
import jax.numpy as jnp
from jax import lax
from jax.experimental import pallas as pl
from jax.experimental.pallas import tpu as pltpu
from jax.experimental.pallas import tpu_sc as plsc

N = 10000
HN = N // 2
E = 160000
G = 64
F = 500
H = 64
PW = 2 * H
NPAD = 10240
NC, NS = 2, 16
EPAD = 163840
CPT = 40
CHUNK = 128
HB = 1000
GRID = HN // HB
NBUF = 8
ZR = 16
RPT = NPAD // NS

_f32 = jnp.float32


def _dotT(a, b):
    return jax.lax.dot_general(a, b, (((0,), (0,)), ((), ())),
                               preferred_element_type=_f32)


def _dot(a, b):
    return jax.lax.dot_general(a, b, (((1,), (0,)), ((), ())),
                               preferred_element_type=_f32)


def _tc1_body(xa_ref, xb_ref, wlt_ref, wrt_ref, z_ref, r_ref):
    outs = []
    for xref in (xa_ref, xb_ref):
        xb = xref[...]
        nrm = jnp.maximum(jnp.sum(jnp.abs(xb), axis=1, keepdims=True), 1e-12)
        xn = xb / nrm
        outs.append((_dot(xn, wlt_ref[...]), _dot(xn, wrt_ref[...])))
    z_ref[...] = jnp.concatenate([outs[0][0], outs[1][0]], axis=1)
    r_ref[...] = jnp.concatenate([outs[0][1], outs[1][1]], axis=1)


def _tc1(x, wlt, wrt):
    return pl.pallas_call(
        _tc1_body,
        grid=(GRID,),
        in_specs=[
            pl.BlockSpec((HB, F), lambda i: (i, 0)),
            pl.BlockSpec((HB, F), lambda i: (GRID + i, 0)),
            pl.BlockSpec((F, H), lambda i: (0, 0)),
            pl.BlockSpec((F, H), lambda i: (0, 0)),
        ],
        out_specs=[
            pl.BlockSpec((HB, PW), lambda i: (i, 0)),
            pl.BlockSpec((HB, PW), lambda i: (i, 0)),
        ],
        out_shape=[
            jax.ShapeDtypeStruct((HN, PW), _f32),
            jax.ShapeDtypeStruct((HN, PW), _f32),
        ],
    )(x, x, wlt, wrt)


_sc_mesh = dict(core_axis_name="c", subcore_axis_name="s",
                num_cores=NC, num_subcores=NS)


def _sc_zero_acc(sid, acc, zbuf):
    def zrow(i, c):
        for j in range(H // 16):
            zbuf[i, pl.ds(j * 16, 16)] = jnp.zeros((16,), _f32)
        return c
    lax.fori_loop(0, ZR, zrow, 0)

    def zcp(k, c):
        pltpu.sync_copy(zbuf, acc.at[pl.ds(sid * RPT + k * ZR, ZR)])
        return c
    lax.fori_loop(0, RPT // ZR, zcp, 0)


def _make_sc_scatter():
    mesh = plsc.VectorSubcoreMesh(**_sc_mesh)

    @functools.partial(
        pl.kernel,
        out_type=jax.ShapeDtypeStruct((NC * NPAD, H), _f32),
        mesh=mesh,
        compiler_params=pltpu.CompilerParams(use_tc_tiling_on_sc=False),
        scratch_types=[
            pltpu.VMEM_SHARED((NPAD, H), _f32),
            pltpu.VMEM((CPT, CHUNK), jnp.int32),
            pltpu.VMEM((CPT, CHUNK), jnp.int32),
            pltpu.VMEM((NBUF, CHUNK, H), _f32),
            pltpu.VMEM((ZR, H), _f32),
            [pltpu.SemaphoreType.DMA] * NBUF,
        ],
    )
    def sc_fn(z_hbm, src_hbm, dst_hbm, out_hbm, acc, idx_s, idx_d, rows,
              zbuf, sems):
        cid = lax.axis_index("c")
        sid = lax.axis_index("s")
        wid = cid * NS + sid
        _sc_zero_acc(sid, acc, zbuf)

        pltpu.sync_copy(src_hbm.at[pl.ds(wid * CPT, CPT)], idx_s)
        pltpu.sync_copy(dst_hbm.at[pl.ds(wid * CPT, CPT)], idx_d)
        plsc.subcore_barrier()

        def superchunk(s, carry):
            base = s * NBUF
            descs = [
                pltpu.async_copy(z_hbm.at[idx_s.at[base + b]], rows.at[b],
                                 sems[b])
                for b in range(NBUF)
            ]
            for b in range(NBUF):
                descs[b].wait()
                pltpu.sync_copy(rows.at[b], acc.at[idx_d.at[base + b]],
                                add=True)
            return carry
        lax.fori_loop(0, CPT // NBUF, superchunk, 0)
        plsc.subcore_barrier()

        pltpu.sync_copy(acc.at[pl.ds(sid * RPT, RPT)],
                        out_hbm.at[pl.ds(cid * NPAD + sid * RPT, RPT)])

    return sc_fn


def _make_sc_degree():
    mesh = plsc.VectorSubcoreMesh(**_sc_mesh)

    @functools.partial(
        pl.kernel,
        out_type=jax.ShapeDtypeStruct((NC * NPAD, H), _f32),
        mesh=mesh,
        compiler_params=pltpu.CompilerParams(use_tc_tiling_on_sc=False),
        scratch_types=[
            pltpu.VMEM_SHARED((NPAD, H), _f32),
            pltpu.VMEM((CPT, CHUNK), jnp.int32),
            pltpu.VMEM((CHUNK, H), _f32),
            pltpu.VMEM((ZR, H), _f32),
        ],
    )
    def deg_fn(dst_hbm, out_hbm, acc, idx_d, ones, zbuf):
        cid = lax.axis_index("c")
        sid = lax.axis_index("s")
        wid = cid * NS + sid
        _sc_zero_acc(sid, acc, zbuf)

        def orow(i, c):
            for j in range(H // 16):
                ones[i, pl.ds(j * 16, 16)] = jnp.ones((16,), _f32)
            return c
        lax.fori_loop(0, CHUNK, orow, 0)

        pltpu.sync_copy(dst_hbm.at[pl.ds(wid * CPT, CPT)], idx_d)
        plsc.subcore_barrier()

        def chunk(c, carry):
            pltpu.sync_copy(ones, acc.at[idx_d.at[c]], add=True)
            return carry
        lax.fori_loop(0, CPT, chunk, 0)
        plsc.subcore_barrier()

        pltpu.sync_copy(acc.at[pl.ds(sid * RPT, RPT)],
                        out_hbm.at[pl.ds(cid * NPAD + sid * RPT, RPT)])

    return deg_fn


_sc_cache = {}


def _sc_scatter_impl(zp, src2, dst2):
    if "scatter" not in _sc_cache:
        _sc_cache["scatter"] = _make_sc_scatter()
    out = _sc_cache["scatter"](zp.reshape(N, H), src2, dst2)
    return out.reshape(NC, NPAD // 2, PW)


def _sc_degree_impl(dst2):
    if "degree" not in _sc_cache:
        _sc_cache["degree"] = _make_sc_degree()
    return _sc_cache["degree"](dst2).reshape(NC, NPAD // 2, PW)


def _tc2_body(agg_ref, deg_ref, r_ref, b_ref, wl_ref, wr_ref, z_ref, r2_ref):
    s = agg_ref[0] + agg_ref[1]
    d = deg_ref[0] + deg_ref[1]
    e = s * (1.0 / jnp.maximum(d, 1.0)) + b_ref[...] + r_ref[...]
    z_ref[...] = _dot(e, wl_ref[...])
    r2_ref[...] = _dot(e, wr_ref[...])


def _tc2(agg, deg, r1, b, wlbd, wrbd):
    return pl.pallas_call(
        _tc2_body,
        grid=(GRID,),
        in_specs=[
            pl.BlockSpec((NC, HB, PW), lambda i: (0, i, 0)),
            pl.BlockSpec((NC, HB, PW), lambda i: (0, i, 0)),
            pl.BlockSpec((HB, PW), lambda i: (i, 0)),
            pl.BlockSpec((1, PW), lambda i: (0, 0)),
            pl.BlockSpec((PW, PW), lambda i: (0, 0)),
            pl.BlockSpec((PW, PW), lambda i: (0, 0)),
        ],
        out_specs=[
            pl.BlockSpec((HB, PW), lambda i: (i, 0)),
            pl.BlockSpec((HB, PW), lambda i: (i, 0)),
        ],
        out_shape=[
            jax.ShapeDtypeStruct((HN, PW), _f32),
            jax.ShapeDtypeStruct((HN, PW), _f32),
        ],
    )(agg, deg, r1, b, wlbd, wrbd)


def _tc4_body(agg_ref, deg_ref, r_ref, b_ref, ba_ref, bb_ref,
              l1w_ref, l1b_ref, l2w_ref, l2b_ref, l3w_ref, l3b_ref,
              l4w_ref, l4b_ref, out_ref, pooled, cnt):
    i = pl.program_id(0)

    @pl.when(i == 0)
    def _init():
        pooled[...] = jnp.zeros_like(pooled)
        cnt[...] = jnp.zeros_like(cnt)

    s = agg_ref[0] + agg_ref[1]
    d = deg_ref[0] + deg_ref[1]
    e3 = s * (1.0 / jnp.maximum(d, 1.0)) + b_ref[...] + r_ref[...]
    gid = lax.broadcasted_iota(jnp.int32, (HB, G), 1)
    oha = (ba_ref[0, 0, :][:, None] == gid).astype(_f32)
    ohb = (bb_ref[0, 0, :][:, None] == gid).astype(_f32)
    ones = jnp.ones((HB, 1), _f32)
    pooled[...] += _dotT(oha, e3[:, :H]) + _dotT(ohb, e3[:, H:])
    cnt[...] += _dotT(oha, ones) + _dotT(ohb, ones)

    @pl.when(i == GRID - 1)
    def _finish():
        c = pooled[...] * (1.0 / jnp.maximum(cnt[...], 1.0))
        h = jnp.tanh(_dot(c, l1w_ref[...]) + l1b_ref[...])
        h = jnp.tanh(_dot(h, l2w_ref[...]) + l2b_ref[...])
        h = jnp.tanh(_dot(h, l3w_ref[...]) + l3b_ref[...])
        out_ref[...] = _dot(h, l4w_ref[...]) + l4b_ref[...]


def _tc4(agg, deg, r3, b, batch_r, l1w, l1b, l2w, l2b, l3w, l3b, l4w, l4b):
    full = lambda a: pl.BlockSpec(a.shape, lambda i: tuple(0 for _ in a.shape))
    return pl.pallas_call(
        _tc4_body,
        grid=(GRID,),
        in_specs=[
            pl.BlockSpec((NC, HB, PW), lambda i: (0, i, 0)),
            pl.BlockSpec((NC, HB, PW), lambda i: (0, i, 0)),
            pl.BlockSpec((HB, PW), lambda i: (i, 0)),
            pl.BlockSpec((1, PW), lambda i: (0, 0)),
            pl.BlockSpec((1, 1, HB), lambda i: (i, 0, 0)),
            pl.BlockSpec((1, 1, HB), lambda i: (GRID + i, 0, 0)),
            full(l1w), full(l1b), full(l2w), full(l2b),
            full(l3w), full(l3b), full(l4w), full(l4b),
        ],
        out_specs=pl.BlockSpec((G, 80), lambda i: (0, 0)),
        out_shape=jax.ShapeDtypeStruct((G, 80), _f32),
        scratch_shapes=[
            pltpu.VMEM((G, H), _f32),
            pltpu.VMEM((G, 1), _f32),
        ],
    )(agg, deg, r3, b, batch_r, batch_r,
      l1w, l1b, l2w, l2b, l3w, l3b, l4w, l4b)


def kernel(x, edge_index, batch, y, W1l, b1l, W1r, W2l, b2l, W2r, W3l, b3l,
           W3r, lin1_W, lin1_b, bn1_g, bn1_b, bn1_m, bn1_v, lin2_W, lin2_b,
           bn2_g, bn2_b, bn2_m, bn2_v, lin3_W, lin3_b, bn3_g, bn3_b, bn3_m,
           bn3_v, lin4_W, lin4_b):
    rho = lambda v: jnp.where(v < HN, 2 * v, 2 * (v - HN) + 1)
    src = rho(edge_index[0])
    dst = rho(edge_index[1])
    pad = EPAD - E
    pad_i = jnp.arange(pad, dtype=jnp.int32)
    src2 = jnp.concatenate([src, pad_i % N]).reshape(EPAD // CHUNK, CHUNK)
    dst2 = jnp.concatenate([dst, N + pad_i % (NPAD - N)]).reshape(
        EPAD // CHUNK, CHUNK)
    batch_r = batch.reshape(2 * GRID, 1, HB)

    bd = lambda w: jnp.zeros((PW, PW), _f32).at[:H, :H].set(
        w.T).at[H:, H:].set(w.T)
    pk = lambda v: jnp.concatenate([v, v]).reshape(1, PW)
    row = lambda v: v.reshape(1, -1)

    def fold(Wt, b, g, bb, m, v):
        s = g / jnp.sqrt(v + 1e-5)
        return Wt * s[None, :], row(b * s + bb - m * s)

    l1w, l1b = fold(lin1_W.T, lin1_b, bn1_g, bn1_b, bn1_m, bn1_v)
    l2w, l2b = fold(lin2_W.T, lin2_b, bn2_g, bn2_b, bn2_m, bn2_v)
    l3w, l3b = fold(lin3_W.T, lin3_b, bn3_g, bn3_b, bn3_m, bn3_v)
    l4w, l4b = lin4_W.T, row(lin4_b)

    deg = _sc_degree_impl(dst2)
    z1, r1 = _tc1(x, W1l.T, W1r.T)
    agg1 = _sc_scatter_impl(z1, src2, dst2)
    z2, r2 = _tc2(agg1, deg, r1, pk(b1l), bd(W2l), bd(W2r))
    agg2 = _sc_scatter_impl(z2, src2, dst2)
    z3, r3 = _tc2(agg2, deg, r2, pk(b2l), bd(W3l), bd(W3r))
    agg3 = _sc_scatter_impl(z3, src2, dst2)
    return _tc4(agg3, deg, r3, pk(b3l), batch_r,
                l1w, l1b, l2w, l2b, l3w, l3b, l4w, l4b)

# --- scband reference (transcript-rebuilt; emitter-appended) ---
"""Pipeline reference for scband-net-53807350284776 (READ-ONLY COPY).

The authoritative reference and input builder live on the scoring server;
editing this copy changes nothing except your own understanding.
"""

import jax, jax.numpy as jnp
import numpy as np

N = 10000
E = 160000
G = 64

def _init_lin(key, out_dim, in_dim):
    return (jax.random.normal(key, (out_dim, in_dim), dtype=jnp.float32) * (1.0 / np.sqrt(in_dim))).astype(jnp.float32)

def setup_inputs(seed: int = 0):
    key = jax.random.key(seed)
    ks = jax.random.split(key, 40)
    inp = {}
    inp['x'] = jax.random.normal(ks[0], (N, 500), dtype=jnp.float32)
    inp['edge_index'] = jax.random.randint(ks[1], (2, E), 0, N, dtype=jnp.int32)
    inp['batch'] = jnp.sort(jax.random.randint(ks[2], (N,), 0, G, dtype=jnp.int32))
    inp['y'] = jax.random.randint(ks[3], (G,), 0, 80, dtype=jnp.int32)
    inp['W1l'] = _init_lin(ks[4], 64, 500); inp['b1l'] = jnp.zeros((64,), jnp.float32); inp['W1r'] = _init_lin(ks[5], 64, 500)
    inp['W2l'] = _init_lin(ks[6], 64, 64); inp['b2l'] = jnp.zeros((64,), jnp.float32); inp['W2r'] = _init_lin(ks[7], 64, 64)
    inp['W3l'] = _init_lin(ks[8], 64, 64); inp['b3l'] = jnp.zeros((64,), jnp.float32); inp['W3r'] = _init_lin(ks[9], 64, 64)
    inp['lin1_W'] = _init_lin(ks[10], 200, 64); inp['lin1_b'] = jnp.zeros((200,), jnp.float32)
    inp['bn1_g'] = jnp.ones((200,), jnp.float32); inp['bn1_b'] = jnp.zeros((200,), jnp.float32); inp['bn1_m'] = jnp.zeros((200,), jnp.float32); inp['bn1_v'] = jnp.ones((200,), jnp.float32)
    inp['lin2_W'] = _init_lin(ks[11], 100, 200); inp['lin2_b'] = jnp.zeros((100,), jnp.float32)
    inp['bn2_g'] = jnp.ones((100,), jnp.float32); inp['bn2_b'] = jnp.zeros((100,), jnp.float32); inp['bn2_m'] = jnp.zeros((100,), jnp.float32); inp['bn2_v'] = jnp.ones((100,), jnp.float32)
    inp['lin3_W'] = _init_lin(ks[12], 100, 100); inp['lin3_b'] = jnp.zeros((100,), jnp.float32)
    inp['bn3_g'] = jnp.ones((100,), jnp.float32); inp['bn3_b'] = jnp.zeros((100,), jnp.float32); inp['bn3_m'] = jnp.zeros((100,), jnp.float32); inp['bn3_v'] = jnp.ones((100,), jnp.float32)
    inp['lin4_W'] = _init_lin(ks[13], 80, 100); inp['lin4_b'] = jnp.zeros((80,), jnp.float32)
    return inp

def _sage(x, src, dst, Wl, bl, Wr):
    agg = jax.ops.segment_sum(x[src], dst, num_segments=N)
    deg = jax.ops.segment_sum(jnp.ones((src.shape[0],), x.dtype), dst, num_segments=N)
    mean = agg / jnp.maximum(deg, 1.0)[:, None]
    return mean @ Wl.T + bl + x @ Wr.T

def _bn(x, g, b, m, v):
    return (x - m) / jnp.sqrt(v + 1e-5) * g + b

def reference(x, edge_index, batch, y, W1l, b1l, W1r, W2l, b2l, W2r, W3l, b3l, W3r, lin1_W, lin1_b, bn1_g, bn1_b, bn1_m, bn1_v, lin2_W, lin2_b, bn2_g, bn2_b, bn2_m, bn2_v, lin3_W, lin3_b, bn3_g, bn3_b, bn3_m, bn3_v, lin4_W, lin4_b):
    xn = x / jnp.maximum(jnp.sum(jnp.abs(x), axis=-1, keepdims=True), 1e-12)
    src = edge_index[0]; dst = edge_index[1]
    e = _sage(xn, src, dst, W1l, b1l, W1r)
    e = _sage(e, src, dst, W2l, b2l, W2r)
    e = _sage(e, src, dst, W3l, b3l, W3r)
    counts = jax.ops.segment_sum(jnp.ones((N,), e.dtype), batch, num_segments=G)
    c = jax.ops.segment_sum(e, batch, num_segments=G) / jnp.maximum(counts, 1.0)[:, None]
    c = c @ lin1_W.T + lin1_b
    h = jnp.tanh(_bn(c, bn1_g, bn1_b, bn1_m, bn1_v))
    c = h @ lin2_W.T + lin2_b
    h = jnp.tanh(_bn(c, bn2_g, bn2_b, bn2_m, bn2_v))
    c = h @ lin3_W.T + lin3_b
    h = jnp.tanh(_bn(c, bn3_g, bn3_b, bn3_m, bn3_v))
    return h @ lin4_W.T + lin4_b

if __name__ == "__main__":
    import jax
    _d = setup_inputs()
    print(jax.jit(kernel)(*tuple(_d.values())))

</pallas_src>

<mosaic_0001>
#map = affine_map<(d0, d1) -> (0, 0)>
module attributes {stable_mosaic.version = 14 : i64} {
  func.func @deg_fn(%arg0: i32, %arg1: i32, %arg2: memref<1280x128xi32, #tpu.memory_space<hbm>>, %arg3: memref<20480x64xf32, #tpu.memory_space<hbm>>, %arg4: memref<10240x64xf32, #tpu.memory_space<vmem_shared>>, %arg5: memref<40x128xi32, #tpu.memory_space<vmem>>, %arg6: memref<128x64xf32, #tpu.memory_space<vmem>>, %arg7: memref<16x64xf32, #tpu.memory_space<vmem>>) attributes {dimension_semantics = [#tpu.dimension_semantics<core_parallel>, #tpu.dimension_semantics<subcore_parallel>], iteration_bounds = array<i64: 2, 16>, scalar_prefetch = 0 : i64, scratch_operands = 4 : i64, tpu.core_type = #tpu.core_type<sc_vector_subcore>, window_params = [{transform_indices = #map}, {transform_indices = #map}]} {
    %mul3A = arith.constant 16 : i32
    %mul3A_0 = arith.muli %arg0, %mul3A : i32
    %add3A = arith.addi %mul3A_0, %arg1 : i32
    %scan3A = arith.constant 0 : i32
    %scan3A_1 = arith.constant 0 : i32
    %scan3A_2 = arith.constant 16 : i32
    %scan3A_3 = arith.addi %scan3A_1, %scan3A_2 : i32
    %scan3A_4 = arith.constant 1 : i32
    scf.for %scan3A_34 = %scan3A_1 to %scan3A_3 step %scan3A_4  : i32 {
      %broadcast_in_dim3A = arith.constant 0.000000e+00 : f32
      %broadcast_in_dim3A_35 = vector.broadcast %broadcast_in_dim3A : f32 to vector<16xf32>
      %swap3A = arith.index_cast %scan3A_34 : i32 to index
      %swap3A_36 = arith.constant 0 : index
      %swap3A_37 = tpu.vector_load %arg7[%swap3A, %swap3A_36] {strides = array<i32>} : memref<16x64xf32, #tpu.memory_space<vmem>>, vector<1x16xf32>,
      %swap3A_38 = vector.shape_cast %swap3A_37 : vector<1x16xf32> to vector<16xf32>
      %swap3A_39 = vector.shape_cast %broadcast_in_dim3A_35 : vector<16xf32> to vector<1x16xf32>
      tpu.vector_store %arg7[%swap3A, %swap3A_36], %swap3A_39 {strides = array<i32>} : memref<16x64xf32, #tpu.memory_space<vmem>>, vector<1x16xf32>,
      %broadcast_in_dim3A_40 = arith.constant 0.000000e+00 : f32
      %broadcast_in_dim3A_41 = vector.broadcast %broadcast_in_dim3A_40 : f32 to vector<16xf32>
      %swap3A_42 = arith.index_cast %scan3A_34 : i32 to index
      %swap3A_43 = arith.constant 16 : index
      %swap3A_44 = tpu.vector_load %arg7[%swap3A_42, %swap3A_43] {strides = array<i32>} : memref<16x64xf32, #tpu.memory_space<vmem>>, vector<1x16xf32>,
      %swap3A_45 = vector.shape_cast %swap3A_44 : vector<1x16xf32> to vector<16xf32>
      %swap3A_46 = vector.shape_cast %broadcast_in_dim3A_41 : vector<16xf32> to vector<1x16xf32>
      tpu.vector_store %arg7[%swap3A_42, %swap3A_43], %swap3A_46 {strides = array<i32>} : memref<16x64xf32, #tpu.memory_space<vmem>>, vector<1x16xf32>,
      %broadcast_in_dim3A_47 = arith.constant 0.000000e+00 : f32
      %broadcast_in_dim3A_48 = vector.broadcast %broadcast_in_dim3A_47 : f32 to vector<16xf32>
      %swap3A_49 = arith.index_cast %scan3A_34 : i32 to index
      %swap3A_50 = arith.constant 32 : index
      %swap3A_51 = tpu.vector_load %arg7[%swap3A_49, %swap3A_50] {strides = array<i32>} : memref<16x64xf32, #tpu.memory_space<vmem>>, vector<1x16xf32>,
      %swap3A_52 = vector.shape_cast %swap3A_51 : vector<1x16xf32> to vector<16xf32>
      %swap3A_53 = vector.shape_cast %broadcast_in_dim3A_48 : vector<16xf32> to vector<1x16xf32>
      tpu.vector_store %arg7[%swap3A_49, %swap3A_50], %swap3A_53 {strides = array<i32>} : memref<16x64xf32, #tpu.memory_space<vmem>>, vector<1x16xf32>,
      %broadcast_in_dim3A_54 = arith.constant 0.000000e+00 : f32
      %broadcast_in_dim3A_55 = vector.broadcast %broadcast_in_dim3A_54 : f32 to vector<16xf32>
      %swap3A_56 = arith.index_cast %scan3A_34 : i32 to index
      %swap3A_57 = arith.constant 48 : index
      %swap3A_58 = tpu.vector_load %arg7[%swap3A_56, %swap3A_57] {strides = array<i32>} : memref<16x64xf32, #tpu.memory_space<vmem>>, vector<1x16xf32>,
      %swap3A_59 = vector.shape_cast %swap3A_58 : vector<1x16xf32> to vector<16xf32>
      %swap3A_60 = vector.shape_cast %broadcast_in_dim3A_55 : vector<16xf32> to vector<1x16xf32>
      tpu.vector_store %arg7[%swap3A_56, %swap3A_57], %swap3A_60 {strides = array<i32>} : memref<16x64xf32, #tpu.memory_space<vmem>>, vector<1x16xf32>,
    }
    %scan3A_5 = arith.constant 16 : i32
    %scan3A_6 = arith.constant 0 : i32
    %scan3A_7 = arith.constant 0 : i32
    %scan3A_8 = arith.constant 40 : i32
    %scan3A_9 = arith.addi %scan3A_7, %scan3A_8 : i32
    %scan3A_10 = arith.constant 1 : i32
    scf.for %scan3A_34 = %scan3A_7 to %scan3A_9 step %scan3A_10  : i32 {
      %mul3A_35 = arith.constant 640 : i32
      %mul3A_36 = arith.muli %arg1, %mul3A_35 : i32
      %mul3A_37 = arith.constant 16 : i32
      %mul3A_38 = arith.muli %scan3A_34, %mul3A_37 : i32
      %add3A_39 = arith.addi %mul3A_36, %mul3A_38 : i32
      "tpu.region"() ({
        %run_scoped3A = tpu.sem_alloc : memref<!tpu.dma_semaphore, #tpu.memory_space<semaphore_mem>>
        %dma_start3A = arith.constant 0 : i32
        %dma_start3A_40 = tpu.memref_slice %arg4[%add3A_39, %dma_start3A] : memref<10240x64xf32, #tpu.memory_space<vmem_shared>> -> memref<16x64xf32, #tpu.memory_space<vmem_shared>>
        %dma_start3A_41 = arith.constant 0 : i32
        %dma_start3A_42 = tpu.memref_slice %arg4[%add3A_39, %dma_start3A_41] : memref<10240x64xf32, #tpu.memory_space<vmem_shared>> -> memref<16x64xf32, #tpu.memory_space<vmem_shared>>
        tpu.enqueue_dma source(%arg7 : memref<16x64xf32, #tpu.memory_space<vmem>>) target(%dma_start3A_42 : memref<16x64xf32, #tpu.memory_space<vmem_shared>>) target_semaphore(%run_scoped3A : memref<!tpu.dma_semaphore, #tpu.memory_space<semaphore_mem>>)
        %dma_wait3A = arith.constant 0 : i32
        %dma_wait3A_43 = tpu.memref_slice %arg4[%add3A_39, %dma_wait3A] : memref<10240x64xf32, #tpu.memory_space<vmem_shared>> -> memref<16x64xf32, #tpu.memory_space<vmem_shared>>
        %dma_wait3A_44 = arith.constant 0 : i32
        %dma_wait3A_45 = tpu.memref_slice %arg4[%add3A_39, %dma_wait3A_44] : memref<10240x64xf32, #tpu.memory_space<vmem_shared>> -> memref<16x64xf32, #tpu.memory_space<vmem_shared>>
        tpu.wait_dma2 semaphore(%run_scoped3A : memref<!tpu.dma_semaphore, #tpu.memory_space<semaphore_mem>>) src(%arg7 : memref<16x64xf32, #tpu.memory_space<vmem>>) dst(%dma_wait3A_45 : memref<16x64xf32, #tpu.memory_space<vmem_shared>>)
        tpu.yield
      }) : () -> ()
    }
    %scan3A_11 = arith.constant 40 : i32
    %scan3A_12 = arith.constant 0 : i32
    %scan3A_13 = arith.constant 0 : i32
    %scan3A_14 = arith.constant 128 : i32
    %scan3A_15 = arith.addi %scan3A_13, %scan3A_14 : i32
    %scan3A_16 = arith.constant 1 : i32
    scf.for %scan3A_34 = %scan3A_13 to %scan3A_15 step %scan3A_16  : i32 {
      %broadcast_in_dim3A = arith.constant 1.000000e+00 : f32
      %broadcast_in_dim3A_35 = vector.broadcast %broadcast_in_dim3A : f32 to vector<16xf32>
      %swap3A = arith.index_cast %scan3A_34 : i32 to index
      %swap3A_36 = arith.constant 0 : index
      %swap3A_37 = tpu.vector_load %arg6[%swap3A, %swap3A_36] {strides = array<i32>} : memref<128x64xf32, #tpu.memory_space<vmem>>, vector<1x16xf32>,
      %swap3A_38 = vector.shape_cast %swap3A_37 : vector<1x16xf32> to vector<16xf32>
      %swap3A_39 = vector.shape_cast %broadcast_in_dim3A_35 : vector<16xf32> to vector<1x16xf32>
      tpu.vector_store %arg6[%swap3A, %swap3A_36], %swap3A_39 {strides = array<i32>} : memref<128x64xf32, #tpu.memory_space<vmem>>, vector<1x16xf32>,
      %broadcast_in_dim3A_40 = arith.constant 1.000000e+00 : f32
      %broadcast_in_dim3A_41 = vector.broadcast %broadcast_in_dim3A_40 : f32 to vector<16xf32>
      %swap3A_42 = arith.index_cast %scan3A_34 : i32 to index
      %swap3A_43 = arith.constant 16 : index
      %swap3A_44 = tpu.vector_load %arg6[%swap3A_42, %swap3A_43] {strides = array<i32>} : memref<128x64xf32, #tpu.memory_space<vmem>>, vector<1x16xf32>,
      %swap3A_45 = vector.shape_cast %swap3A_44 : vector<1x16xf32> to vector<16xf32>
      %swap3A_46 = vector.shape_cast %broadcast_in_dim3A_41 : vector<16xf32> to vector<1x16xf32>
      tpu.vector_store %arg6[%swap3A_42, %swap3A_43], %swap3A_46 {strides = array<i32>} : memref<128x64xf32, #tpu.memory_space<vmem>>, vector<1x16xf32>,
      %broadcast_in_dim3A_47 = arith.constant 1.000000e+00 : f32
      %broadcast_in_dim3A_48 = vector.broadcast %broadcast_in_dim3A_47 : f32 to vector<16xf32>
      %swap3A_49 = arith.index_cast %scan3A_34 : i32 to index
      %swap3A_50 = arith.constant 32 : index
      %swap3A_51 = tpu.vector_load %arg6[%swap3A_49, %swap3A_50] {strides = array<i32>} : memref<128x64xf32, #tpu.memory_space<vmem>>, vector<1x16xf32>,
      %swap3A_52 = vector.shape_cast %swap3A_51 : vector<1x16xf32> to vector<16xf32>
      %swap3A_53 = vector.shape_cast %broadcast_in_dim3A_48 : vector<16xf32> to vector<1x16xf32>
      tpu.vector_store %arg6[%swap3A_49, %swap3A_50], %swap3A_53 {strides = array<i32>} : memref<128x64xf32, #tpu.memory_space<vmem>>, vector<1x16xf32>,
      %broadcast_in_dim3A_54 = arith.constant 1.000000e+00 : f32
      %broadcast_in_dim3A_55 = vector.broadcast %broadcast_in_dim3A_54 : f32 to vector<16xf32>
      %swap3A_56 = arith.index_cast %scan3A_34 : i32 to index
      %swap3A_57 = arith.constant 48 : index
      %swap3A_58 = tpu.vector_load %arg6[%swap3A_56, %swap3A_57] {strides = array<i32>} : memref<128x64xf32, #tpu.memory_space<vmem>>, vector<1x16xf32>,
      %swap3A_59 = vector.shape_cast %swap3A_58 : vector<1x16xf32> to vector<16xf32>
      %swap3A_60 = vector.shape_cast %broadcast_in_dim3A_55 : vector<16xf32> to vector<1x16xf32>
      tpu.vector_store %arg6[%swap3A_56, %swap3A_57], %swap3A_60 {strides = array<i32>} : memref<128x64xf32, #tpu.memory_space<vmem>>, vector<1x16xf32>,
    }
    %scan3A_17 = arith.constant 128 : i32
    %mul3A_18 = arith.constant 40 : i32
    %mul3A_19 = arith.muli %add3A, %mul3A_18 : i32
    "tpu.region"() ({
      %run_scoped3A = tpu.sem_alloc : memref<!tpu.dma_semaphore, #tpu.memory_space<semaphore_mem>>
      %dma_start3A = arith.constant 0 : i32
      %dma_start3A_34 = tpu.memref_slice %arg2[%mul3A_19, %dma_start3A] : memref<1280x128xi32, #tpu.memory_space<hbm>> -> memref<40x128xi32, #tpu.memory_space<hbm>>
      %dma_start3A_35 = arith.constant 0 : i32
      %dma_start3A_36 = tpu.memref_slice %arg2[%mul3A_19, %dma_start3A_35] : memref<1280x128xi32, #tpu.memory_space<hbm>> -> memref<40x128xi32, #tpu.memory_space<hbm>>
      tpu.enqueue_dma source(%dma_start3A_36 : memref<40x128xi32, #tpu.memory_space<hbm>>) target(%arg5 : memref<40x128xi32, #tpu.memory_space<vmem>>) target_semaphore(%run_scoped3A : memref<!tpu.dma_semaphore, #tpu.memory_space<semaphore_mem>>)
      %dma_wait3A = arith.constant 0 : i32
      %dma_wait3A_37 = tpu.memref_slice %arg2[%mul3A_19, %dma_wait3A] : memref<1280x128xi32, #tpu.memory_space<hbm>> -> memref<40x128xi32, #tpu.memory_space<hbm>>
      %dma_wait3A_38 = arith.constant 0 : i32
      %dma_wait3A_39 = tpu.memref_slice %arg2[%mul3A_19, %dma_wait3A_38] : memref<1280x128xi32, #tpu.memory_space<hbm>> -> memref<40x128xi32, #tpu.memory_space<hbm>>
      tpu.wait_dma2 semaphore(%run_scoped3A : memref<!tpu.dma_semaphore, #tpu.memory_space<semaphore_mem>>) src(%dma_wait3A_39 : memref<40x128xi32, #tpu.memory_space<hbm>>) dst(%arg5 : memref<40x128xi32, #tpu.memory_space<vmem>>)
      tpu.yield
    }) : () -> ()
    %barrier3A = arith.constant 0 : index
    tpu.barrier barrier_id(%barrier3A)
    %scan3A_20 = arith.constant 0 : i32
    %scan3A_21 = arith.constant 0 : i32
    %scan3A_22 = arith.constant 40 : i32
    %scan3A_23 = arith.addi %scan3A_21, %scan3A_22 : i32
    %scan3A_24 = arith.constant 1 : i32
    scf.for %scan3A_34 = %scan3A_21 to %scan3A_23 step %scan3A_24  : i32 {
      "tpu.region"() ({
        %run_scoped3A = tpu.sem_alloc : memref<!tpu.dma_semaphore, #tpu.memory_space<semaphore_mem>>
        %dma_start3A = arith.constant 0 : i32
        %dma_start3A_35 = tpu.memref_slice %arg5[%scan3A_34, %dma_start3A] : memref<40x128xi32, #tpu.memory_space<vmem>> -> memref<1x128xi32, #tpu.memory_space<vmem>>
        %dma_start3A_36 = tpu.memref_squeeze %dma_start3A_35 : memref<1x128xi32, #tpu.memory_space<vmem>> -> memref<128xi32, #tpu.memory_space<vmem>>
        %dma_start3A_37 = arith.constant 0 : i32
        %dma_start3A_38 = arith.constant 0 : i32
        %dma_start3A_39 = tpu.memref_slice %arg4[%dma_start3A_37, %dma_start3A_38] : memref<10240x64xf32, #tpu.memory_space<vmem_shared>> -> memref<10240x64xf32, #tpu.memory_space<vmem_shared>>
        tpu.enqueue_indirect_dma source(%arg6 : memref<128x64xf32, #tpu.memory_space<vmem>>) target(%dma_start3A_39 : memref<10240x64xf32, #tpu.memory_space<vmem_shared>>) offsets(%dma_start3A_36 : memref<128xi32, #tpu.memory_space<vmem>>) semaphore(%run_scoped3A : memref<!tpu.dma_semaphore, #tpu.memory_space<semaphore_mem>>) {add = true}
        %dma_wait3A = arith.constant 0 : i32
        %dma_wait3A_40 = tpu.memref_slice %arg5[%scan3A_34, %dma_wait3A] : memref<40x128xi32, #tpu.memory_space<vmem>> -> memref<1x128xi32, #tpu.memory_space<vmem>>
        %dma_wait3A_41 = tpu.memref_squeeze %dma_wait3A_40 : memref<1x128xi32, #tpu.memory_space<vmem>> -> memref<128xi32, #tpu.memory_space<vmem>>
        %dma_wait3A_42 = arith.constant 0 : i32
        %dma_wait3A_43 = arith.constant 0 : i32
        %dma_wait3A_44 = tpu.memref_slice %arg4[%dma_wait3A_42, %dma_wait3A_43] : memref<10240x64xf32, #tpu.memory_space<vmem_shared>> -> memref<10240x64xf32, #tpu.memory_space<vmem_shared>>
        tpu.wait_indirect_dma semaphore(%run_scoped3A : memref<!tpu.dma_semaphore, #tpu.memory_space<semaphore_mem>>) src(%arg6 : memref<128x64xf32, #tpu.memory_space<vmem>>) dst(%dma_wait3A_44 : memref<10240x64xf32, #tpu.memory_space<vmem_shared>>)
        tpu.yield
      }) : () -> ()
    }
    %scan3A_25 = arith.constant 40 : i32
    %barrier3A_26 = arith.constant 0 : index
    tpu.barrier barrier_id(%barrier3A_26)
    %mul3A_27 = arith.constant 640 : i32
    %mul3A_28 = arith.muli %arg1, %mul3A_27 : i32
    %mul3A_29 = arith.constant 10240 : i32
    %mul3A_30 = arith.muli %arg0, %mul3A_29 : i32
    %mul3A_31 = arith.constant 640 : i32
    %mul3A_32 = arith.muli %arg1, %mul3A_31 : i32
    %add3A_33 = arith.addi %mul3A_30, %mul3A_32 : i32
    "tpu.region"() ({
      %run_scoped3A = tpu.sem_alloc : memref<!tpu.dma_semaphore, #tpu.memory_space<semaphore_mem>>
      %dma_start3A = arith.constant 0 : i32
      %dma_start3A_34 = tpu.memref_slice %arg3[%add3A_33, %dma_start3A] : memref<20480x64xf32, #tpu.memory_space<hbm>> -> memref<640x64xf32, #tpu.memory_space<hbm>>
      %dma_start3A_35 = arith.constant 0 : i32
      %dma_start3A_36 = tpu.memref_slice %arg4[%mul3A_28, %dma_start3A_35] : memref<10240x64xf32, #tpu.memory_space<vmem_shared>> -> memref<640x64xf32, #tpu.memory_space<vmem_shared>>
      tpu.enqueue_dma source(%dma_start3A_36 : memref<640x64xf32, #tpu.memory_space<vmem_shared>>) target(%dma_start3A_34 : memref<640x64xf32, #tpu.memory_space<hbm>>) target_semaphore(%run_scoped3A : memref<!tpu.dma_semaphore, #tpu.memory_space<semaphore_mem>>)
      %dma_wait3A = arith.constant 0 : i32
      %dma_wait3A_37 = tpu.memref_slice %arg3[%add3A_33, %dma_wait3A] : memref<20480x64xf32, #tpu.memory_space<hbm>> -> memref<640x64xf32, #tpu.memory_space<hbm>>
      %dma_wait3A_38 = arith.constant 0 : i32
      %dma_wait3A_39 = tpu.memref_slice %arg4[%mul3A_28, %dma_wait3A_38] : memref<10240x64xf32, #tpu.memory_space<vmem_shared>> -> memref<640x64xf32, #tpu.memory_space<vmem_shared>>
      tpu.wait_dma2 semaphore(%run_scoped3A : memref<!tpu.dma_semaphore, #tpu.memory_space<semaphore_mem>>) src(%dma_wait3A_39 : memref<640x64xf32, #tpu.memory_space<vmem_shared>>) dst(%dma_wait3A_37 : memref<640x64xf32, #tpu.memory_space<hbm>>)
      tpu.yield
    }) : () -> ()
    return
  }
}

#map = affine_map<(d0, d1) -> (0, 0)>
module attributes {stable_mosaic.version = 14 : i64} {
  func.func @sc_fn(%arg0: i32, %arg1: i32, %arg2: memref<10000x64xf32, #tpu.memory_space<hbm>>, %arg3: memref<1280x128xi32, #tpu.memory_space<hbm>>, %arg4: memref<1280x128xi32, #tpu.memory_space<hbm>>, %arg5: memref<20480x64xf32, #tpu.memory_space<hbm>>, %arg6: memref<10240x64xf32, #tpu.memory_space<vmem_shared>>, %arg7: memref<40x128xi32, #tpu.memory_space<vmem>>, %arg8: memref<40x128xi32, #tpu.memory_space<vmem>>, %arg9: memref<8x128x64xf32, #tpu.memory_space<vmem>>, %arg10: memref<16x64xf32, #tpu.memory_space<vmem>>, %arg11: memref<!tpu.dma_semaphore, #tpu.memory_space<semaphore_mem>>, %arg12: memref<!tpu.dma_semaphore, #tpu.memory_space<semaphore_mem>>, %arg13: memref<!tpu.dma_semaphore, #tpu.memory_space<semaphore_mem>>, %arg14: memref<!tpu.dma_semaphore, #tpu.memory_space<semaphore_mem>>, %arg15: memref<!tpu.dma_semaphore, #tpu.memory_space<semaphore_mem>>, %arg16: memref<!tpu.dma_semaphore, #tpu.memory_space<semaphore_mem>>, %arg17: memref<!tpu.dma_semaphore, #tpu.memory_space<semaphore_mem>>, %arg18: memref<!tpu.dma_semaphore, #tpu.memory_space<semaphore_mem>>) attributes {dimension_semantics = [#tpu.dimension_semantics<core_parallel>, #tpu.dimension_semantics<subcore_parallel>], iteration_bounds = array<i64: 2, 16>, scalar_prefetch = 0 : i64, scratch_operands = 13 : i64, tpu.core_type = #tpu.core_type<sc_vector_subcore>, window_params = [{transform_indices = #map}, {transform_indices = #map}, {transform_indices = #map}, {transform_indices = #map}]} {
    %mul3A = arith.constant 16 : i32
    %mul3A_0 = arith.muli %arg0, %mul3A : i32
    %add3A = arith.addi %mul3A_0, %arg1 : i32
    %scan3A = arith.constant 0 : i32
    %scan3A_1 = arith.constant 0 : i32
    %scan3A_2 = arith.constant 16 : i32
    %scan3A_3 = arith.addi %scan3A_1, %scan3A_2 : i32
    %scan3A_4 = arith.constant 1 : i32
    scf.for %scan3A_30 = %scan3A_1 to %scan3A_3 step %scan3A_4  : i32 {
      %broadcast_in_dim3A = arith.constant 0.000000e+00 : f32
      %broadcast_in_dim3A_31 = vector.broadcast %broadcast_in_dim3A : f32 to vector<16xf32>
      %swap3A = arith.index_cast %scan3A_30 : i32 to index
      %swap3A_32 = arith.constant 0 : index
      %swap3A_33 = tpu.vector_load %arg10[%swap3A, %swap3A_32] {strides = array<i32>} : memref<16x64xf32, #tpu.memory_space<vmem>>, vector<1x16xf32>,
      %swap3A_34 = vector.shape_cast %swap3A_33 : vector<1x16xf32> to vector<16xf32>
      %swap3A_35 = vector.shape_cast %broadcast_in_dim3A_31 : vector<16xf32> to vector<1x16xf32>
      tpu.vector_store %arg10[%swap3A, %swap3A_32], %swap3A_35 {strides = array<i32>} : memref<16x64xf32, #tpu.memory_space<vmem>>, vector<1x16xf32>,
      %broadcast_in_dim3A_36 = arith.constant 0.000000e+00 : f32
      %broadcast_in_dim3A_37 = vector.broadcast %broadcast_in_dim3A_36 : f32 to vector<16xf32>
      %swap3A_38 = arith.index_cast %scan3A_30 : i32 to index
      %swap3A_39 = arith.constant 16 : index
      %swap3A_40 = tpu.vector_load %arg10[%swap3A_38, %swap3A_39] {strides = array<i32>} : memref<16x64xf32, #tpu.memory_space<vmem>>, vector<1x16xf32>,
      %swap3A_41 = vector.shape_cast %swap3A_40 : vector<1x16xf32> to vector<16xf32>
      %swap3A_42 = vector.shape_cast %broadcast_in_dim3A_37 : vector<16xf32> to vector<1x16xf32>
      tpu.vector_store %arg10[%swap3A_38, %swap3A_39], %swap3A_42 {strides = array<i32>} : memref<16x64xf32, #tpu.memory_space<vmem>>, vector<1x16xf32>,
      %broadcast_in_dim3A_43 = arith.constant 0.000000e+00 : f32
      %broadcast_in_dim3A_44 = vector.broadcast %broadcast_in_dim3A_43 : f32 to vector<16xf32>
      %swap3A_45 = arith.index_cast %scan3A_30 : i32 to index
      %swap3A_46 = arith.constant 32 : index
      %swap3A_47 = tpu.vector_load %arg10[%swap3A_45, %swap3A_46] {strides = array<i32>} : memref<16x64xf32, #tpu.memory_space<vmem>>, vector<1x16xf32>,
      %swap3A_48 = vector.shape_cast %swap3A_47 : vector<1x16xf32> to vector<16xf32>
      %swap3A_49 = vector.shape_cast %broadcast_in_dim3A_44 : vector<16xf32> to vector<1x16xf32>
      tpu.vector_store %arg10[%swap3A_45, %swap3A_46], %swap3A_49 {strides = array<i32>} : memref<16x64xf32, #tpu.memory_space<vmem>>, vector<1x16xf32>,
      %broadcast_in_dim3A_50 = arith.constant 0.000000e+00 : f32
      %broadcast_in_dim3A_51 = vector.broadcast %broadcast_in_dim3A_50 : f32 to vector<16xf32>
      %swap3A_52 = arith.index_cast %scan3A_30 : i32 to index
      %swap3A_53 = arith.constant 48 : index
      %swap3A_54 = tpu.vector_load %arg10[%swap3A_52, %swap3A_53] {strides = array<i32>} : memref<16x64xf32, #tpu.memory_space<vmem>>, vector<1x16xf32>,
      %swap3A_55 = vector.shape_cast %swap3A_54 : vector<1x16xf32> to vector<16xf32>
      %swap3A_56 = vector.shape_cast %broadcast_in_dim3A_51 : vector<16xf32> to vector<1x16xf32>
      tpu.vector_store %arg10[%swap3A_52, %swap3A_53], %swap3A_56 {strides = array<i32>} : memref<16x64xf32, #tpu.memory_space<vmem>>, vector<1x16xf32>,
    }
    %scan3A_5 = arith.constant 16 : i32
    %scan3A_6 = arith.constant 0 : i32
    %scan3A_7 = arith.constant 0 : i32
    %scan3A_8 = arith.constant 40 : i32
    %scan3A_9 = arith.addi %scan3A_7, %scan3A_8 : i32
    %scan3A_10 = arith.constant 1 : i32
    scf.for %scan3A_30 = %scan3A_7 to %scan3A_9 step %scan3A_10  : i32 {
      %mul3A_31 = arith.constant 640 : i32
      %mul3A_32 = arith.muli %arg1, %mul3A_31 : i32
      %mul3A_33 = arith.constant 16 : i32
      %mul3A_34 = arith.muli %scan3A_30, %mul3A_33 : i32
      %add3A_35 = arith.addi %mul3A_32, %mul3A_34 : i32
      "tpu.region"() ({
        %run_scoped3A = tpu.sem_alloc : memref<!tpu.dma_semaphore, #tpu.memory_space<semaphore_mem>>
        %dma_start3A = arith.constant 0 : i32
        %dma_start3A_36 = tpu.memref_slice %arg6[%add3A_35, %dma_start3A] : memref<10240x64xf32, #tpu.memory_space<vmem_shared>> -> memref<16x64xf32, #tpu.memory_space<vmem_shared>>
        %dma_start3A_37 = arith.constant 0 : i32
        %dma_start3A_38 = tpu.memref_slice %arg6[%add3A_35, %dma_start3A_37] : memref<10240x64xf32, #tpu.memory_space<vmem_shared>> -> memref<16x64xf32, #tpu.memory_space<vmem_shared>>
        tpu.enqueue_dma source(%arg10 : memref<16x64xf32, #tpu.memory_space<vmem>>) target(%dma_start3A_38 : memref<16x64xf32, #tpu.memory_space<vmem_shared>>) target_semaphore(%run_scoped3A : memref<!tpu.dma_semaphore, #tpu.memory_space<semaphore_mem>>)
        %dma_wait3A = arith.constant 0 : i32
        %dma_wait3A_39 = tpu.memref_slice %arg6[%add3A_35, %dma_wait3A] : memref<10240x64xf32, #tpu.memory_space<vmem_shared>> -> memref<16x64xf32, #tpu.memory_space<vmem_shared>>
        %dma_wait3A_40 = arith.constant 0 : i32
        %dma_wait3A_41 = tpu.memref_slice %arg6[%add3A_35, %dma_wait3A_40] : memref<10240x64xf32, #tpu.memory_space<vmem_shared>> -> memref<16x64xf32, #tpu.memory_space<vmem_shared>>
        tpu.wait_dma2 semaphore(%run_scoped3A : memref<!tpu.dma_semaphore, #tpu.memory_space<semaphore_mem>>) src(%arg10 : memref<16x64xf32, #tpu.memory_space<vmem>>) dst(%dma_wait3A_41 : memref<16x64xf32, #tpu.memory_space<vmem_shared>>)
        tpu.yield
      }) : () -> ()
    }
    %scan3A_11 = arith.constant 40 : i32
    %mul3A_12 = arith.constant 40 : i32
    %mul3A_13 = arith.muli %add3A, %mul3A_12 : i32
    "tpu.region"() ({
      %run_scoped3A = tpu.sem_alloc : memref<!tpu.dma_semaphore, #tpu.memory_space<semaphore_mem>>
      %dma_start3A = arith.constant 0 : i32
      %dma_start3A_30 = tpu.memref_slice %arg3[%mul3A_13, %dma_start3A] : memref<1280x128xi32, #tpu.memory_space<hbm>> -> memref<40x128xi32, #tpu.memory_space<hbm>>
      %dma_start3A_31 = arith.constant 0 : i32
      %dma_start3A_32 = tpu.memref_slice %arg3[%mul3A_13, %dma_start3A_31] : memref<1280x128xi32, #tpu.memory_space<hbm>> -> memref<40x128xi32, #tpu.memory_space<hbm>>
      tpu.enqueue_dma source(%dma_start3A_32 : memref<40x128xi32, #tpu.memory_space<hbm>>) target(%arg7 : memref<40x128xi32, #tpu.memory_space<vmem>>) target_semaphore(%run_scoped3A : memref<!tpu.dma_semaphore, #tpu.memory_space<semaphore_mem>>)
      %dma_wait3A = arith.constant 0 : i32
      %dma_wait3A_33 = tpu.memref_slice %arg3[%mul3A_13, %dma_wait3A] : memref<1280x128xi32, #tpu.memory_space<hbm>> -> memref<40x128xi32, #tpu.memory_space<hbm>>
      %dma_wait3A_34 = arith.constant 0 : i32
      %dma_wait3A_35 = tpu.memref_slice %arg3[%mul3A_13, %dma_wait3A_34] : memref<1280x128xi32, #tpu.memory_space<hbm>> -> memref<40x128xi32, #tpu.memory_space<hbm>>
      tpu.wait_dma2 semaphore(%run_scoped3A : memref<!tpu.dma_semaphore, #tpu.memory_space<semaphore_mem>>) src(%dma_wait3A_35 : memref<40x128xi32, #tpu.memory_space<hbm>>) dst(%arg7 : memref<40x128xi32, #tpu.memory_space<vmem>>)
      tpu.yield
    }) : () -> ()
    %mul3A_14 = arith.constant 40 : i32
    %mul3A_15 = arith.muli %add3A, %mul3A_14 : i32
    "tpu.region"() ({
      %run_scoped3A = tpu.sem_alloc : memref<!tpu.dma_semaphore, #tpu.memory_space<semaphore_mem>>
      %dma_start3A = arith.constant 0 : i32
      %dma_start3A_30 = tpu.memref_slice %arg4[%mul3A_15, %dma_start3A] : memref<1280x128xi32, #tpu.memory_space<hbm>> -> memref<40x128xi32, #tpu.memory_space<hbm>>
      %dma_start3A_31 = arith.constant 0 : i32
      %dma_start3A_32 = tpu.memref_slice %arg4[%mul3A_15, %dma_start3A_31] : memref<1280x128xi32, #tpu.memory_space<hbm>> -> memref<40x128xi32, #tpu.memory_space<hbm>>
      tpu.enqueue_dma source(%dma_start3A_32 : memref<40x128xi32, #tpu.memory_space<hbm>>) target(%arg8 : memref<40x128xi32, #tpu.memory_space<vmem>>) target_semaphore(%run_scoped3A : memref<!tpu.dma_semaphore, #tpu.memory_space<semaphore_mem>>)
      %dma_wait3A = arith.constant 0 : i32
      %dma_wait3A_33 = tpu.memref_slice %arg4[%mul3A_15, %dma_wait3A] : memref<1280x128xi32, #tpu.memory_space<hbm>> -> memref<40x128xi32, #tpu.memory_space<hbm>>
      %dma_wait3A_34 = arith.constant 0 : i32
      %dma_wait3A_35 = tpu.memref_slice %arg4[%mul3A_15, %dma_wait3A_34] : memref<1280x128xi32, #tpu.memory_space<hbm>> -> memref<40x128xi32, #tpu.memory_space<hbm>>
      tpu.wait_dma2 semaphore(%run_scoped3A : memref<!tpu.dma_semaphore, #tpu.memory_space<semaphore_mem>>) src(%dma_wait3A_35 : memref<40x128xi32, #tpu.memory_space<hbm>>) dst(%arg8 : memref<40x128xi32, #tpu.memory_space<vmem>>)
      tpu.yield
    }) : () -> ()
    %barrier3A = arith.constant 0 : index
    tpu.barrier barrier_id(%barrier3A)
    %scan3A_16 = arith.constant 0 : i32
    %scan3A_17 = arith.constant 0 : i32
    %scan3A_18 = arith.constant 5 : i32
    %scan3A_19 = arith.addi %scan3A_17, %scan3A_18 : i32
    %scan3A_20 = arith.constant 1 : i32
    scf.for %scan3A_30 = %scan3A_17 to %scan3A_19 step %scan3A_20  : i32 {
      %mul3A_31 = arith.constant 8 : i32
      %mul3A_32 = arith.muli %scan3A_30, %mul3A_31 : i32
      %add3A_33 = arith.constant 0 : i32
      %add3A_34 = arith.addi %mul3A_32, %add3A_33 : i32
      %dma_start3A = arith.constant 0 : i32
      %dma_start3A_35 = arith.constant 0 : i32
      %dma_start3A_36 = arith.constant 0 : i32
      %dma_start3A_37 = tpu.memref_slice %arg9[%dma_start3A, %dma_start3A_35, %dma_start3A_36] : memref<8x128x64xf32, #tpu.memory_space<vmem>> -> memref<1x128x64xf32, #tpu.memory_space<vmem>>
      %dma_start3A_38 = tpu.memref_squeeze %dma_start3A_37 : memref<1x128x64xf32, #tpu.memory_space<vmem>> -> memref<128x64xf32, #tpu.memory_space<vmem>>
      %dma_start3A_39 = arith.constant 0 : i32
      %dma_start3A_40 = tpu.memref_slice %arg7[%add3A_34, %dma_start3A_39] : memref<40x128xi32, #tpu.memory_space<vmem>> -> memref<1x128xi32, #tpu.memory_space<vmem>>
      %dma_start3A_41 = tpu.memref_squeeze %dma_start3A_40 : memref<1x128xi32, #tpu.memory_space<vmem>> -> memref<128xi32, #tpu.memory_space<vmem>>
      %dma_start3A_42 = arith.constant 0 : i32
      %dma_start3A_43 = arith.constant 0 : i32
      %dma_start3A_44 = tpu.memref_slice %arg2[%dma_start3A_42, %dma_start3A_43] : memref<10000x64xf32, #tpu.memory_space<hbm>> -> memref<10000x64xf32, #tpu.memory_space<hbm>>
      tpu.enqueue_indirect_dma source(%dma_start3A_44 : memref<10000x64xf32, #tpu.memory_space<hbm>>) target(%dma_start3A_38 : memref<128x64xf32, #tpu.memory_space<vmem>>) offsets(%dma_start3A_41 : memref<128xi32, #tpu.memory_space<vmem>>) semaphore(%arg11 : memref<!tpu.dma_semaphore, #tpu.memory_space<semaphore_mem>>)
      %add3A_45 = arith.constant 1 : i32
      %add3A_46 = arith.addi %mul3A_32, %add3A_45 : i32
      %dma_start3A_47 = arith.constant 1 : i32
      %dma_start3A_48 = arith.constant 0 : i32
      %dma_start3A_49 = arith.constant 0 : i32
      %dma_start3A_50 = tpu.memref_slice %arg9[%dma_start3A_47, %dma_start3A_48, %dma_start3A_49] : memref<8x128x64xf32, #tpu.memory_space<vmem>> -> memref<1x128x64xf32, #tpu.memory_space<vmem>>
      %dma_start3A_51 = tpu.memref_squeeze %dma_start3A_50 : memref<1x128x64xf32, #tpu.memory_space<vmem>> -> memref<128x64xf32, #tpu.memory_space<vmem>>
      %dma_start3A_52 = arith.constant 0 : i32
      %dma_start3A_53 = tpu.memref_slice %arg7[%add3A_46, %dma_start3A_52] : memref<40x128xi32, #tpu.memory_space<vmem>> -> memref<1x128xi32, #tpu.memory_space<vmem>>
      %dma_start3A_54 = tpu.memref_squeeze %dma_start3A_53 : memref<1x128xi32, #tpu.memory_space<vmem>> -> memref<128xi32, #tpu.memory_space<vmem>>
      %dma_start3A_55 = arith.constant 0 : i32
      %dma_start3A_56 = arith.constant 0 : i32
      %dma_start3A_57 = tpu.memref_slice %arg2[%dma_start3A_55, %dma_start3A_56] : memref<10000x64xf32, #tpu.memory_space<hbm>> -> memref<10000x64xf32, #tpu.memory_space<hbm>>
      tpu.enqueue_indirect_dma source(%dma_start3A_57 : memref<10000x64xf32, #tpu.memory_space<hbm>>) target(%dma_start3A_51 : memref<128x64xf32, #tpu.memory_space<vmem>>) offsets(%dma_start3A_54 : memref<128xi32, #tpu.memory_space<vmem>>) semaphore(%arg12 : memref<!tpu.dma_semaphore, #tpu.memory_space<semaphore_mem>>)
      %add3A_58 = arith.constant 2 : i32
      %add3A_59 = arith.addi %mul3A_32, %add3A_58 : i32
      %dma_start3A_60 = arith.constant 2 : i32
      %dma_start3A_61 = arith.constant 0 : i32
      %dma_start3A_62 = arith.constant 0 : i32
      %dma_start3A_63 = tpu.memref_slice %arg9[%dma_start3A_60, %dma_start3A_61, %dma_start3A_62] : memref<8x128x64xf32, #tpu.memory_space<vmem>> -> memref<1x128x64xf32, #tpu.memory_space<vmem>>
      %dma_start3A_64 = tpu.memref_squeeze %dma_start3A_63 : memref<1x128x64xf32, #tpu.memory_space<vmem>> -> memref<128x64xf32, #tpu.memory_space<vmem>>
      %dma_start3A_65 = arith.constant 0 : i32
      %dma_start3A_66 = tpu.memref_slice %arg7[%add3A_59, %dma_start3A_65] : memref<40x128xi32, #tpu.memory_space<vmem>> -> memref<1x128xi32, #tpu.memory_space<vmem>>
      %dma_start3A_67 = tpu.memref_squeeze %dma_start3A_66 : memref<1x128xi32, #tpu.memory_space<vmem>> -> memref<128xi32, #tpu.memory_space<vmem>>
      %dma_start3A_68 = arith.constant 0 : i32
      %dma_start3A_69 = arith.constant 0 : i32
      %dma_start3A_70 = tpu.memref_slice %arg2[%dma_start3A_68, %dma_start3A_69] : memref<10000x64xf32, #tpu.memory_space<hbm>> -> memref<10000x64xf32, #tpu.memory_space<hbm>>
      tpu.enqueue_indirect_dma source(%dma_start3A_70 : memref<10000x64xf32, #tpu.memory_space<hbm>>) target(%dma_start3A_64 : memref<128x64xf32, #tpu.memory_space<vmem>>) offsets(%dma_start3A_67 : memref<128xi32, #tpu.memory_space<vmem>>) semaphore(%arg13 : memref<!tpu.dma_semaphore, #tpu.memory_space<semaphore_mem>>)
      %add3A_71 = arith.constant 3 : i32
      %add3A_72 = arith.addi %mul3A_32, %add3A_71 : i32
      %dma_start3A_73 = arith.constant 3 : i32
      %dma_start3A_74 = arith.constant 0 : i32
      %dma_start3A_75 = arith.constant 0 : i32
      %dma_start3A_76 = tpu.memref_slice %arg9[%dma_start3A_73, %dma_start3A_74, %dma_start3A_75] : memref<8x128x64xf32, #tpu.memory_space<vmem>> -> memref<1x128x64xf32, #tpu.memory_space<vmem>>
      %dma_start3A_77 = tpu.memref_squeeze %dma_start3A_76 : memref<1x128x64xf32, #tpu.memory_space<vmem>> -> memref<128x64xf32, #tpu.memory_space<vmem>>
      %dma_start3A_78 = arith.constant 0 : i32
      %dma_start3A_79 = tpu.memref_slice %arg7[%add3A_72, %dma_start3A_78] : memref<40x128xi32, #tpu.memory_space<vmem>> -> memref<1x128xi32, #tpu.memory_space<vmem>>
      %dma_start3A_80 = tpu.memref_squeeze %dma_start3A_79 : memref<1x128xi32, #tpu.memory_space<vmem>> -> memref<128xi32, #tpu.memory_space<vmem>>
      %dma_start3A_81 = arith.constant 0 : i32
      %dma_start3A_82 = arith.constant 0 : i32
      %dma_start3A_83 = tpu.memref_slice %arg2[%dma_start3A_81, %dma_start3A_82] : memref<10000x64xf32, #tpu.memory_space<hbm>> -> memref<10000x64xf32, #tpu.memory_space<hbm>>
      tpu.enqueue_indirect_dma source(%dma_start3A_83 : memref<10000x64xf32, #tpu.memory_space<hbm>>) target(%dma_start3A_77 : memref<128x64xf32, #tpu.memory_space<vmem>>) offsets(%dma_start3A_80 : memref<128xi32, #tpu.memory_space<vmem>>) semaphore(%arg14 : memref<!tpu.dma_semaphore, #tpu.memory_space<semaphore_mem>>)
      %add3A_84 = arith.constant 4 : i32
      %add3A_85 = arith.addi %mul3A_32, %add3A_84 : i32
      %dma_start3A_86 = arith.constant 4 : i32
      %dma_start3A_87 = arith.constant 0 : i32
      %dma_start3A_88 = arith.constant 0 : i32
      %dma_start3A_89 = tpu.memref_slice %arg9[%dma_start3A_86, %dma_start3A_87, %dma_start3A_88] : memref<8x128x64xf32, #tpu.memory_space<vmem>> -> memref<1x128x64xf32, #tpu.memory_space<vmem>>
      %dma_start3A_90 = tpu.memref_squeeze %dma_start3A_89 : memref<1x128x64xf32, #tpu.memory_space<vmem>> -> memref<128x64xf32, #tpu.memory_space<vmem>>
      %dma_start3A_91 = arith.constant 0 : i32
      %dma_start3A_92 = tpu.memref_slice %arg7[%add3A_85, %dma_start3A_91] : memref<40x128xi32, #tpu.memory_space<vmem>> -> memref<1x128xi32, #tpu.memory_space<vmem>>
      %dma_start3A_93 = tpu.memref_squeeze %dma_start3A_92 : memref<1x128xi32, #tpu.memory_space<vmem>> -> memref<128xi32, #tpu.memory_space<vmem>>
      %dma_start3A_94 = arith.constant 0 : i32
      %dma_start3A_95 = arith.constant 0 : i32
      %dma_start3A_96 = tpu.memref_slice %arg2[%dma_start3A_94, %dma_start3A_95] : memref<10000x64xf32, #tpu.memory_space<hbm>> -> memref<10000x64xf32, #tpu.memory_space<hbm>>
      tpu.enqueue_indirect_dma source(%dma_start3A_96 : memref<10000x64xf32, #tpu.memory_space<hbm>>) target(%dma_start3A_90 : memref<128x64xf32, #tpu.memory_space<vmem>>) offsets(%dma_start3A_93 : memref<128xi32, #tpu.memory_space<vmem>>) semaphore(%arg15 : memref<!tpu.dma_semaphore, #tpu.memory_space<semaphore_mem>>)
      %add3A_97 = arith.constant 5 : i32
      %add3A_98 = arith.addi %mul3A_32, %add3A_97 : i32
      %dma_start3A_99 = arith.constant 5 : i32
      %dma_start3A_100 = arith.constant 0 : i32
      %dma_start3A_101 = arith.constant 0 : i32
      %dma_start3A_102 = tpu.memref_slice %arg9[%dma_start3A_99, %dma_start3A_100, %dma_start3A_101] : memref<8x128x64xf32, #tpu.memory_space<vmem>> -> memref<1x128x64xf32, #tpu.memory_space<vmem>>
      %dma_start3A_103 = tpu.memref_squeeze %dma_start3A_102 : memref<1x128x64xf32, #tpu.memory_space<vmem>> -> memref<128x64xf32, #tpu.memory_space<vmem>>
      %dma_start3A_104 = arith.constant 0 : i32
      %dma_start3A_105 = tpu.memref_slice %arg7[%add3A_98, %dma_start3A_104] : memref<40x128xi32, #tpu.memory_space<vmem>> -> memref<1x128xi32, #tpu.memory_space<vmem>>
      %dma_start3A_106 = tpu.memref_squeeze %dma_start3A_105 : memref<1x128xi32, #tpu.memory_space<vmem>> -> memref<128xi32, #tpu.memory_space<vmem>>
      %dma_start3A_107 = arith.constant 0 : i32
      %dma_start3A_108 = arith.constant 0 : i32
      %dma_start3A_109 = tpu.memref_slice %arg2[%dma_start3A_107, %dma_start3A_108] : memref<10000x64xf32, #tpu.memory_space<hbm>> -> memref<10000x64xf32, #tpu.memory_space<hbm>>
      tpu.enqueue_indirect_dma source(%dma_start3A_109 : memref<10000x64xf32, #tpu.memory_space<hbm>>) target(%dma_start3A_103 : memref<128x64xf32, #tpu.memory_space<vmem>>) offsets(%dma_start3A_106 : memref<128xi32, #tpu.memory_space<vmem>>) semaphore(%arg16 : memref<!tpu.dma_semaphore, #tpu.memory_space<semaphore_mem>>)
      %add3A_110 = arith.constant 6 : i32
      %add3A_111 = arith.addi %mul3A_32, %add3A_110 : i32
      %dma_start3A_112 = arith.constant 6 : i32
      %dma_start3A_113 = arith.constant 0 : i32
      %dma_start3A_114 = arith.constant 0 : i32
      %dma_start3A_115 = tpu.memref_slice %arg9[%dma_start3A_112, %dma_start3A_113, %dma_start3A_114] : memref<8x128x64xf32, #tpu.memory_space<vmem>> -> memref<1x128x64xf32, #tpu.memory_space<vmem>>
      %dma_start3A_116 = tpu.memref_squeeze %dma_start3A_115 : memref<1x128x64xf32, #tpu.memory_space<vmem>> -> memref<128x64xf32, #tpu.memory_space<vmem>>
      %dma_start3A_117 = arith.constant 0 : i32
      %dma_start3A_118 = tpu.memref_slice %arg7[%add3A_111, %dma_start3A_117] : memref<40x128xi32, #tpu.memory_space<vmem>> -> memref<1x128xi32, #tpu.memory_space<vmem>>
      %dma_start3A_119 = tpu.memref_squeeze %dma_start3A_118 : memref<1x128xi32, #tpu.memory_space<vmem>> -> memref<128xi32, #tpu.memory_space<vmem>>
      %dma_start3A_120 = arith.constant 0 : i32
      %dma_start3A_121 = arith.constant 0 : i32
      %dma_start3A_122 = tpu.memref_slice %arg2[%dma_start3A_120, %dma_start3A_121] : memref<10000x64xf32, #tpu.memory_space<hbm>> -> memref<10000x64xf32, #tpu.memory_space<hbm>>
      tpu.enqueue_indirect_dma source(%dma_start3A_122 : memref<10000x64xf32, #tpu.memory_space<hbm>>) target(%dma_start3A_116 : memref<128x64xf32, #tpu.memory_space<vmem>>) offsets(%dma_start3A_119 : memref<128xi32, #tpu.memory_space<vmem>>) semaphore(%arg17 : memref<!tpu.dma_semaphore, #tpu.memory_space<semaphore_mem>>)
      %add3A_123 = arith.constant 7 : i32
      %add3A_124 = arith.addi %mul3A_32, %add3A_123 : i32
      %dma_start3A_125 = arith.constant 7 : i32
      %dma_start3A_126 = arith.constant 0 : i32
      %dma_start3A_127 = arith.constant 0 : i32
      %dma_start3A_128 = tpu.memref_slice %arg9[%dma_start3A_125, %dma_start3A_126, %dma_start3A_127] : memref<8x128x64xf32, #tpu.memory_space<vmem>> -> memref<1x128x64xf32, #tpu.memory_space<vmem>>
      %dma_start3A_129 = tpu.memref_squeeze %dma_start3A_128 : memref<1x128x64xf32, #tpu.memory_space<vmem>> -> memref<128x64xf32, #tpu.memory_space<vmem>>
      %dma_start3A_130 = arith.constant 0 : i32
      %dma_start3A_131 = tpu.memref_slice %arg7[%add3A_124, %dma_start3A_130] : memref<40x128xi32, #tpu.memory_space<vmem>> -> memref<1x128xi32, #tpu.memory_space<vmem>>
      %dma_start3A_132 = tpu.memref_squeeze %dma_start3A_131 : memref<1x128xi32, #tpu.memory_space<vmem>> -> memref<128xi32, #tpu.memory_space<vmem>>
      %dma_start3A_133 = arith.constant 0 : i32
      %dma_start3A_134 = arith.constant 0 : i32
      %dma_start3A_135 = tpu.memref_slice %arg2[%dma_start3A_133, %dma_start3A_134] : memref<10000x64xf32, #tpu.memory_space<hbm>> -> memref<10000x64xf32, #tpu.memory_space<hbm>>
      tpu.enqueue_indirect_dma source(%dma_start3A_135 : memref<10000x64xf32, #tpu.memory_space<hbm>>) target(%dma_start3A_129 : memref<128x64xf32, #tpu.memory_space<vmem>>) offsets(%dma_start3A_132 : memref<128xi32, #tpu.memory_space<vmem>>) semaphore(%arg18 : memref<!tpu.dma_semaphore, #tpu.memory_space<semaphore_mem>>)
      %dma_wait3A = arith.constant 0 : i32
      %dma_wait3A_136 = arith.constant 0 : i32
      %dma_wait3A_137 = arith.constant 0 : i32
      %dma_wait3A_138 = tpu.memref_slice %arg9[%dma_wait3A, %dma_wait3A_136, %dma_wait3A_137] : memref<8x128x64xf32, #tpu.memory_space<vmem>> -> memref<1x128x64xf32, #tpu.memory_space<vmem>>
      %dma_wait3A_139 = tpu.memref_squeeze %dma_wait3A_138 : memref<1x128x64xf32, #tpu.memory_space<vmem>> -> memref<128x64xf32, #tpu.memory_space<vmem>>
      %dma_wait3A_140 = arith.constant 0 : i32
      %dma_wait3A_141 = tpu.memref_slice %arg7[%add3A_34, %dma_wait3A_140] : memref<40x128xi32, #tpu.memory_space<vmem>> -> memref<1x128xi32, #tpu.memory_space<vmem>>
      %dma_wait3A_142 = tpu.memref_squeeze %dma_wait3A_141 : memref<1x128xi32, #tpu.memory_space<vmem>> -> memref<128xi32, #tpu.memory_space<vmem>>
      %dma_wait3A_143 = arith.constant 0 : i32
      %dma_wait3A_144 = arith.constant 0 : i32
      %dma_wait3A_145 = tpu.memref_slice %arg2[%dma_wait3A_143, %dma_wait3A_144] : memref<10000x64xf32, #tpu.memory_space<hbm>> -> memref<10000x64xf32, #tpu.memory_space<hbm>>
      tpu.wait_indirect_dma semaphore(%arg11 : memref<!tpu.dma_semaphore, #tpu.memory_space<semaphore_mem>>) src(%dma_wait3A_145 : memref<10000x64xf32, #tpu.memory_space<hbm>>) dst(%dma_wait3A_139 : memref<128x64xf32, #tpu.memory_space<vmem>>)
      %add3A_146 = arith.constant 0 : i32
      %add3A_147 = arith.addi %mul3A_32, %add3A_146 : i32
      %run_scoped3A = arith.constant 0 : i32
      "tpu.region"() ({
        %run_scoped3A_246 = tpu.sem_alloc : memref<!tpu.dma_semaphore, #tpu.memory_space<semaphore_mem>>
        %dma_start3A_247 = arith.constant 0 : i32
        %dma_start3A_248 = arith.constant 0 : i32
        %dma_start3A_249 = tpu.memref_slice %arg9[%run_scoped3A, %dma_start3A_247, %dma_start3A_248] : memref<8x128x64xf32, #tpu.memory_space<vmem>> -> memref<1x128x64xf32, #tpu.memory_space<vmem>>
        %dma_start3A_250 = tpu.memref_squeeze %dma_start3A_249 : memref<1x128x64xf32, #tpu.memory_space<vmem>> -> memref<128x64xf32, #tpu.memory_space<vmem>>
        %dma_start3A_251 = arith.constant 0 : i32
        %dma_start3A_252 = tpu.memref_slice %arg8[%add3A_147, %dma_start3A_251] : memref<40x128xi32, #tpu.memory_space<vmem>> -> memref<1x128xi32, #tpu.memory_space<vmem>>
        %dma_start3A_253 = tpu.memref_squeeze %dma_start3A_252 : memref<1x128xi32, #tpu.memory_space<vmem>> -> memref<128xi32, #tpu.memory_space<vmem>>
        %dma_start3A_254 = arith.constant 0 : i32
        %dma_start3A_255 = arith.constant 0 : i32
        %dma_start3A_256 = tpu.memref_slice %arg6[%dma_start3A_254, %dma_start3A_255] : memref<10240x64xf32, #tpu.memory_space<vmem_shared>> -> memref<10240x64xf32, #tpu.memory_space<vmem_shared>>
        tpu.enqueue_indirect_dma source(%dma_start3A_250 : memref<128x64xf32, #tpu.memory_space<vmem>>) target(%dma_start3A_256 : memref<10240x64xf32, #tpu.memory_space<vmem_shared>>) offsets(%dma_start3A_253 : memref<128xi32, #tpu.memory_space<vmem>>) semaphore(%run_scoped3A_246 : memref<!tpu.dma_semaphore, #tpu.memory_space<semaphore_mem>>) {add = true}
        %dma_wait3A_257 = arith.constant 0 : i32
        %dma_wait3A_258 = arith.constant 0 : i32
        %dma_wait3A_259 = tpu.memref_slice %arg9[%run_scoped3A, %dma_wait3A_257, %dma_wait3A_258] : memref<8x128x64xf32, #tpu.memory_space<vmem>> -> memref<1x128x64xf32, #tpu.memory_space<vmem>>
        %dma_wait3A_260 = tpu.memref_squeeze %dma_wait3A_259 : memref<1x128x64xf32, #tpu.memory_space<vmem>> -> memref<128x64xf32, #tpu.memory_space<vmem>>
        %dma_wait3A_261 = arith.constant 0 : i32
        %dma_wait3A_262 = tpu.memref_slice %arg8[%add3A_147, %dma_wait3A_261] : memref<40x128xi32, #tpu.memory_space<vmem>> -> memref<1x128xi32, #tpu.memory_space<vmem>>
        %dma_wait3A_263 = tpu.memref_squeeze %dma_wait3A_262 : memref<1x128xi32, #tpu.memory_space<vmem>> -> memref<128xi32, #tpu.memory_space<vmem>>
        %dma_wait3A_264 = arith.constant 0 : i32
        %dma_wait3A_265 = arith.constant 0 : i32
        %dma_wait3A_266 = tpu.memref_slice %arg6[%dma_wait3A_264, %dma_wait3A_265] : memref<10240x64xf32, #tpu.memory_space<vmem_shared>> -> memref<10240x64xf32, #tpu.memory_space<vmem_shared>>
        tpu.wait_indirect_dma semaphore(%run_scoped3A_246 : memref<!tpu.dma_semaphore, #tpu.memory_space<semaphore_mem>>) src(%dma_wait3A_260 : memref<128x64xf32, #tpu.memory_space<vmem>>) dst(%dma_wait3A_266 : memref<10240x64xf32, #tpu.memory_space<vmem_shared>>)
        tpu.yield
      }) : () -> ()
      %dma_wait3A_148 = arith.constant 1 : i32
      %dma_wait3A_149 = arith.constant 0 : i32
      %dma_wait3A_150 = arith.constant 0 : i32
      %dma_wait3A_151 = tpu.memref_slice %arg9[%dma_wait3A_148, %dma_wait3A_149, %dma_wait3A_150] : memref<8x128x64xf32, #tpu.memory_space<vmem>> -> memref<1x128x64xf32, #tpu.memory_space<vmem>>
      %dma_wait3A_152 = tpu.memref_squeeze %dma_wait3A_151 : memref<1x128x64xf32, #tpu.memory_space<vmem>> -> memref<128x64xf32, #tpu.memory_space<vmem>>
      %dma_wait3A_153 = arith.constant 0 : i32
      %dma_wait3A_154 = tpu.memref_slice %arg7[%add3A_46, %dma_wait3A_153] : memref<40x128xi32, #tpu.memory_space<vmem>> -> memref<1x128xi32, #tpu.memory_space<vmem>>
      %dma_wait3A_155 = tpu.memref_squeeze %dma_wait3A_154 : memref<1x128xi32, #tpu.memory_space<vmem>> -> memref<128xi32, #tpu.memory_space<vmem>>
      %dma_wait3A_156 = arith.constant 0 : i32
      %dma_wait3A_157 = arith.constant 0 : i32
      %dma_wait3A_158 = tpu.memref_slice %arg2[%dma_wait3A_156, %dma_wait3A_157] : memref<10000x64xf32, #tpu.memory_space<hbm>> -> memref<10000x64xf32, #tpu.memory_space<hbm>>
      tpu.wait_indirect_dma semaphore(%arg12 : memref<!tpu.dma_semaphore, #tpu.memory_space<semaphore_mem>>) src(%dma_wait3A_158 : memref<10000x64xf32, #tpu.memory_space<hbm>>) dst(%dma_wait3A_152 : memref<128x64xf32, #tpu.memory_space<vmem>>)
      %add3A_159 = arith.constant 1 : i32
      %add3A_160 = arith.addi %mul3A_32, %add3A_159 : i32
      %run_scoped3A_161 = arith.constant 1 : i32
      "tpu.region"() ({
        %run_scoped3A_246 = tpu.sem_alloc : memref<!tpu.dma_semaphore, #tpu.memory_space<semaphore_mem>>
        %dma_start3A_247 = arith.constant 0 : i32
        %dma_start3A_248 = arith.constant 0 : i32
        %dma_start3A_249 = tpu.memref_slice %arg9[%run_scoped3A_161, %dma_start3A_247, %dma_start3A_248] : memref<8x128x64xf32, #tpu.memory_space<vmem>> -> memref<1x128x64xf32, #tpu.memory_space<vmem>>
        %dma_start3A_250 = tpu.memref_squeeze %dma_start3A_249 : memref<1x128x64xf32, #tpu.memory_space<vmem>> -> memref<128x64xf32, #tpu.memory_space<vmem>>
        %dma_start3A_251 = arith.constant 0 : i32
        %dma_start3A_252 = tpu.memref_slice %arg8[%add3A_160, %dma_start3A_251] : memref<40x128xi32, #tpu.memory_space<vmem>> -> memref<1x128xi32, #tpu.memory_space<vmem>>
        %dma_start3A_253 = tpu.memref_squeeze %dma_start3A_252 : memref<1x128xi32, #tpu.memory_space<vmem>> -> memref<128xi32, #tpu.memory_space<vmem>>
        %dma_start3A_254 = arith.constant 0 : i32
        %dma_start3A_255 = arith.constant 0 : i32
        %dma_start3A_256 = tpu.memref_slice %arg6[%dma_start3A_254, %dma_start3A_255] : memref<10240x64xf32, #tpu.memory_space<vmem_shared>> -> memref<10240x64xf32, #tpu.memory_space<vmem_shared>>
        tpu.enqueue_indirect_dma source(%dma_start3A_250 : memref<128x64xf32, #tpu.memory_space<vmem>>) target(%dma_start3A_256 : memref<10240x64xf32, #tpu.memory_space<vmem_shared>>) offsets(%dma_start3A_253 : memref<128xi32, #tpu.memory_space<vmem>>) semaphore(%run_scoped3A_246 : memref<!tpu.dma_semaphore, #tpu.memory_space<semaphore_mem>>) {add = true}
        %dma_wait3A_257 = arith.constant 0 : i32
        %dma_wait3A_258 = arith.constant 0 : i32
        %dma_wait3A_259 = tpu.memref_slice %arg9[%run_scoped3A_161, %dma_wait3A_257, %dma_wait3A_258] : memref<8x128x64xf32, #tpu.memory_space<vmem>> -> memref<1x128x64xf32, #tpu.memory_space<vmem>>
        %dma_wait3A_260 = tpu.memref_squeeze %dma_wait3A_259 : memref<1x128x64xf32, #tpu.memory_space<vmem>> -> memref<128x64xf32, #tpu.memory_space<vmem>>
        %dma_wait3A_261 = arith.constant 0 : i32
        %dma_wait3A_262 = tpu.memref_slice %arg8[%add3A_160, %dma_wait3A_261] : memref<40x128xi32, #tpu.memory_space<vmem>> -> memref<1x128xi32, #tpu.memory_space<vmem>>
        %dma_wait3A_263 = tpu.memref_squeeze %dma_wait3A_262 : memref<1x128xi32, #tpu.memory_space<vmem>> -> memref<128xi32, #tpu.memory_space<vmem>>
        %dma_wait3A_264 = arith.constant 0 : i32
        %dma_wait3A_265 = arith.constant 0 : i32
        %dma_wait3A_266 = tpu.memref_slice %arg6[%dma_wait3A_264, %dma_wait3A_265] : memref<10240x64xf32, #tpu.memory_space<vmem_shared>> -> memref<10240x64xf32, #tpu.memory_space<vmem_shared>>
        tpu.wait_indirect_dma semaphore(%run_scoped3A_246 : memref<!tpu.dma_semaphore, #tpu.memory_space<semaphore_mem>>) src(%dma_wait3A_260 : memref<128x64xf32, #tpu.memory_space<vmem>>) dst(%dma_wait3A_266 : memref<10240x64xf32, #tpu.memory_space<vmem_shared>>)
        tpu.yield
      }) : () -> ()
      %dma_wait3A_162 = arith.constant 2 : i32
      %dma_wait3A_163 = arith.constant 0 : i32
      %dma_wait3A_164 = arith.constant 0 : i32
      %dma_wait3A_165 = tpu.memref_slice %arg9[%dma_wait3A_162, %dma_wait3A_163, %dma_wait3A_164] : memref<8x128x64xf32, #tpu.memory_space<vmem>> -> memref<1x128x64xf32, #tpu.memory_space<vmem>>
      %dma_wait3A_166 = tpu.memref_squeeze %dma_wait3A_165 : memref<1x128x64xf32, #tpu.memory_space<vmem>> -> memref<128x64xf32, #tpu.memory_space<vmem>>
      %dma_wait3A_167 = arith.constant 0 : i32
      %dma_wait3A_168 = tpu.memref_slice %arg7[%add3A_59, %dma_wait3A_167] : memref<40x128xi32, #tpu.memory_space<vmem>> -> memref<1x128xi32, #tpu.memory_space<vmem>>
      %dma_wait3A_169 = tpu.memref_squeeze %dma_wait3A_168 : memref<1x128xi32, #tpu.memory_space<vmem>> -> memref<128xi32, #tpu.memory_space<vmem>>
      %dma_wait3A_170 = arith.constant 0 : i32
      %dma_wait3A_171 = arith.constant 0 : i32
      %dma_wait3A_172 = tpu.memref_slice %arg2[%dma_wait3A_170, %dma_wait3A_171] : memref<10000x64xf32, #tpu.memory_space<hbm>> -> memref<10000x64xf32, #tpu.memory_space<hbm>>
      tpu.wait_indirect_dma semaphore(%arg13 : memref<!tpu.dma_semaphore, #tpu.memory_space<semaphore_mem>>) src(%dma_wait3A_172 : memref<10000x64xf32, #tpu.memory_space<hbm>>) dst(%dma_wait3A_166 : memref<128x64xf32, #tpu.memory_space<vmem>>)
      %add3A_173 = arith.constant 2 : i32
      %add3A_174 = arith.addi %mul3A_32, %add3A_173 : i32
      %run_scoped3A_175 = arith.constant 2 : i32
      "tpu.region"() ({
        %run_scoped3A_246 = tpu.sem_alloc : memref<!tpu.dma_semaphore, #tpu.memory_space<semaphore_mem>>
        %dma_start3A_247 = arith.constant 0 : i32
        %dma_start3A_248 = arith.constant 0 : i32
        %dma_start3A_249 = tpu.memref_slice %arg9[%run_scoped3A_175, %dma_start3A_247, %dma_start3A_248] : memref<8x128x64xf32, #tpu.memory_space<vmem>> -> memref<1x128x64xf32, #tpu.memory_space<vmem>>
        %dma_start3A_250 = tpu.memref_squeeze %dma_start3A_249 : memref<1x128x64xf32, #tpu.memory_space<vmem>> -> memref<128x64xf32, #tpu.memory_space<vmem>>
        %dma_start3A_251 = arith.constant 0 : i32
        %dma_start3A_252 = tpu.memref_slice %arg8[%add3A_174, %dma_start3A_251] : memref<40x128xi32, #tpu.memory_space<vmem>> -> memref<1x128xi32, #tpu.memory_space<vmem>>
        %dma_start3A_253 = tpu.memref_squeeze %dma_start3A_252 : memref<1x128xi32, #tpu.memory_space<vmem>> -> memref<128xi32, #tpu.memory_space<vmem>>
        %dma_start3A_254 = arith.constant 0 : i32
        %dma_start3A_255 = arith.constant 0 : i32
        %dma_start3A_256 = tpu.memref_slice %arg6[%dma_start3A_254, %dma_start3A_255] : memref<10240x64xf32, #tpu.memory_space<vmem_shared>> -> memref<10240x64xf32, #tpu.memory_space<vmem_shared>>
        tpu.enqueue_indirect_dma source(%dma_start3A_250 : memref<128x64xf32, #tpu.memory_space<vmem>>) target(%dma_start3A_256 : memref<10240x64xf32, #tpu.memory_space<vmem_shared>>) offsets(%dma_start3A_253 : memref<128xi32, #tpu.memory_space<vmem>>) semaphore(%run_scoped3A_246 : memref<!tpu.dma_semaphore, #tpu.memory_space<semaphore_mem>>) {add = true}
        %dma_wait3A_257 = arith.constant 0 : i32
        %dma_wait3A_258 = arith.constant 0 : i32
        %dma_wait3A_259 = tpu.memref_slice %arg9[%run_scoped3A_175, %dma_wait3A_257, %dma_wait3A_258] : memref<8x128x64xf32, #tpu.memory_space<vmem>> -> memref<1x128x64xf32, #tpu.memory_space<vmem>>
        %dma_wait3A_260 = tpu.memref_squeeze %dma_wait3A_259 : memref<1x128x64xf32, #tpu.memory_space<vmem>> -> memref<128x64xf32, #tpu.memory_space<vmem>>
        %dma_wait3A_261 = arith.constant 0 : i32
        %dma_wait3A_262 = tpu.memref_slice %arg8[%add3A_174, %dma_wait3A_261] : memref<40x128xi32, #tpu.memory_space<vmem>> -> memref<1x128xi32, #tpu.memory_space<vmem>>
        %dma_wait3A_263 = tpu.memref_squeeze %dma_wait3A_262 : memref<1x128xi32, #tpu.memory_space<vmem>> -> memref<128xi32, #tpu.memory_space<vmem>>
        %dma_wait3A_264 = arith.constant 0 : i32
        %dma_wait3A_265 = arith.constant 0 : i32
        %dma_wait3A_266 = tpu.memref_slice %arg6[%dma_wait3A_264, %dma_wait3A_265] : memref<10240x64xf32, #tpu.memory_space<vmem_shared>> -> memref<10240x64xf32, #tpu.memory_space<vmem_shared>>
        tpu.wait_indirect_dma semaphore(%run_scoped3A_246 : memref<!tpu.dma_semaphore, #tpu.memory_space<semaphore_mem>>) src(%dma_wait3A_260 : memref<128x64xf32, #tpu.memory_space<vmem>>) dst(%dma_wait3A_266 : memref<10240x64xf32, #tpu.memory_space<vmem_shared>>)
        tpu.yield
      }) : () -> ()
      %dma_wait3A_176 = arith.constant 3 : i32
      %dma_wait3A_177 = arith.constant 0 : i32
      %dma_wait3A_178 = arith.constant 0 : i32
      %dma_wait3A_179 = tpu.memref_slice %arg9[%dma_wait3A_176, %dma_wait3A_177, %dma_wait3A_178] : memref<8x128x64xf32, #tpu.memory_space<vmem>> -> memref<1x128x64xf32, #tpu.memory_space<vmem>>
      %dma_wait3A_180 = tpu.memref_squeeze %dma_wait3A_179 : memref<1x128x64xf32, #tpu.memory_space<vmem>> -> memref<128x64xf32, #tpu.memory_space<vmem>>
      %dma_wait3A_181 = arith.constant 0 : i32
      %dma_wait3A_182 = tpu.memref_slice %arg7[%add3A_72, %dma_wait3A_181] : memref<40x128xi32, #tpu.memory_space<vmem>> -> memref<1x128xi32, #tpu.memory_space<vmem>>
      %dma_wait3A_183 = tpu.memref_squeeze %dma_wait3A_182 : memref<1x128xi32, #tpu.memory_space<vmem>> -> memref<128xi32, #tpu.memory_space<vmem>>
      %dma_wait3A_184 = arith.constant 0 : i32
      %dma_wait3A_185 = arith.constant 0 : i32
      %dma_wait3A_186 = tpu.memref_slice %arg2[%dma_wait3A_184, %dma_wait3A_185] : memref<10000x64xf32, #tpu.memory_space<hbm>> -> memref<10000x64xf32, #tpu.memory_space<hbm>>
      tpu.wait_indirect_dma semaphore(%arg14 : memref<!tpu.dma_semaphore, #tpu.memory_space<semaphore_mem>>) src(%dma_wait3A_186 : memref<10000x64xf32, #tpu.memory_space<hbm>>) dst(%dma_wait3A_180 : memref<128x64xf32, #tpu.memory_space<vmem>>)
      %add3A_187 = arith.constant 3 : i32
      %add3A_188 = arith.addi %mul3A_32, %add3A_187 : i32
      %run_scoped3A_189 = arith.constant 3 : i32
      "tpu.region"() ({
        %run_scoped3A_246 = tpu.sem_alloc : memref<!tpu.dma_semaphore, #tpu.memory_space<semaphore_mem>>
        %dma_start3A_247 = arith.constant 0 : i32
        %dma_start3A_248 = arith.constant 0 : i32
        %dma_start3A_249 = tpu.memref_slice %arg9[%run_scoped3A_189, %dma_start3A_247, %dma_start3A_248] : memref<8x128x64xf32, #tpu.memory_space<vmem>> -> memref<1x128x64xf32, #tpu.memory_space<vmem>>
        %dma_start3A_250 = tpu.memref_squeeze %dma_start3A_249 : memref<1x128x64xf32, #tpu.memory_space<vmem>> -> memref<128x64xf32, #tpu.memory_space<vmem>>
        %dma_start3A_251 = arith.constant 0 : i32
        %dma_start3A_252 = tpu.memref_slice %arg8[%add3A_188, %dma_start3A_251] : memref<40x128xi32, #tpu.memory_space<vmem>> -> memref<1x128xi32, #tpu.memory_space<vmem>>
        %dma_start3A_253 = tpu.memref_squeeze %dma_start3A_252 : memref<1x128xi32, #tpu.memory_space<vmem>> -> memref<128xi32, #tpu.memory_space<vmem>>
        %dma_start3A_254 = arith.constant 0 : i32
        %dma_start3A_255 = arith.constant 0 : i32
        %dma_start3A_256 = tpu.memref_slice %arg6[%dma_start3A_254, %dma_start3A_255] : memref<10240x64xf32, #tpu.memory_space<vmem_shared>> -> memref<10240x64xf32, #tpu.memory_space<vmem_shared>>
        tpu.enqueue_indirect_dma source(%dma_start3A_250 : memref<128x64xf32, #tpu.memory_space<vmem>>) target(%dma_start3A_256 : memref<10240x64xf32, #tpu.memory_space<vmem_shared>>) offsets(%dma_start3A_253 : memref<128xi32, #tpu.memory_space<vmem>>) semaphore(%run_scoped3A_246 : memref<!tpu.dma_semaphore, #tpu.memory_space<semaphore_mem>>) {add = true}
        %dma_wait3A_257 = arith.constant 0 : i32
        %dma_wait3A_258 = arith.constant 0 : i32
        %dma_wait3A_259 = tpu.memref_slice %arg9[%run_scoped3A_189, %dma_wait3A_257, %dma_wait3A_258] : memref<8x128x64xf32, #tpu.memory_space<vmem>> -> memref<1x128x64xf32, #tpu.memory_space<vmem>>
        %dma_wait3A_260 = tpu.memref_squeeze %dma_wait3A_259 : memref<1x128x64xf32, #tpu.memory_space<vmem>> -> memref<128x64xf32, #tpu.memory_space<vmem>>
        %dma_wait3A_261 = arith.constant 0 : i32
        %dma_wait3A_262 = tpu.memref_slice %arg8[%add3A_188, %dma_wait3A_261] : memref<40x128xi32, #tpu.memory_space<vmem>> -> memref<1x128xi32, #tpu.memory_space<vmem>>
        %dma_wait3A_263 = tpu.memref_squeeze %dma_wait3A_262 : memref<1x128xi32, #tpu.memory_space<vmem>> -> memref<128xi32, #tpu.memory_space<vmem>>
        %dma_wait3A_264 = arith.constant 0 : i32
        %dma_wait3A_265 = arith.constant 0 : i32
        %dma_wait3A_266 = tpu.memref_slice %arg6[%dma_wait3A_264, %dma_wait3A_265] : memref<10240x64xf32, #tpu.memory_space<vmem_shared>> -> memref<10240x64xf32, #tpu.memory_space<vmem_shared>>
        tpu.wait_indirect_dma semaphore(%run_scoped3A_246 : memref<!tpu.dma_semaphore, #tpu.memory_space<semaphore_mem>>) src(%dma_wait3A_260 : memref<128x64xf32, #tpu.memory_space<vmem>>) dst(%dma_wait3A_266 : memref<10240x64xf32, #tpu.memory_space<vmem_shared>>)
        tpu.yield
      }) : () -> ()
      %dma_wait3A_190 = arith.constant 4 : i32
      %dma_wait3A_191 = arith.constant 0 : i32
      %dma_wait3A_192 = arith.constant 0 : i32
      %dma_wait3A_193 = tpu.memref_slice %arg9[%dma_wait3A_190, %dma_wait3A_191, %dma_wait3A_192] : memref<8x128x64xf32, #tpu.memory_space<vmem>> -> memref<1x128x64xf32, #tpu.memory_space<vmem>>
      %dma_wait3A_194 = tpu.memref_squeeze %dma_wait3A_193 : memref<1x128x64xf32, #tpu.memory_space<vmem>> -> memref<128x64xf32, #tpu.memory_space<vmem>>
      %dma_wait3A_195 = arith.constant 0 : i32
      %dma_wait3A_196 = tpu.memref_slice %arg7[%add3A_85, %dma_wait3A_195] : memref<40x128xi32, #tpu.memory_space<vmem>> -> memref<1x128xi32, #tpu.memory_space<vmem>>
      %dma_wait3A_197 = tpu.memref_squeeze %dma_wait3A_196 : memref<1x128xi32, #tpu.memory_space<vmem>> -> memref<128xi32, #tpu.memory_space<vmem>>
      %dma_wait3A_198 = arith.constant 0 : i32
      %dma_wait3A_199 = arith.constant 0 : i32
      %dma_wait3A_200 = tpu.memref_slice %arg2[%dma_wait3A_198, %dma_wait3A_199] : memref<10000x64xf32, #tpu.memory_space<hbm>> -> memref<10000x64xf32, #tpu.memory_space<hbm>>
      tpu.wait_indirect_dma semaphore(%arg15 : memref<!tpu.dma_semaphore, #tpu.memory_space<semaphore_mem>>) src(%dma_wait3A_200 : memref<10000x64xf32, #tpu.memory_space<hbm>>) dst(%dma_wait3A_194 : memref<128x64xf32, #tpu.memory_space<vmem>>)
      %add3A_201 = arith.constant 4 : i32
      %add3A_202 = arith.addi %mul3A_32, %add3A_201 : i32
      %run_scoped3A_203 = arith.constant 4 : i32
      "tpu.region"() ({
        %run_scoped3A_246 = tpu.sem_alloc : memref<!tpu.dma_semaphore, #tpu.memory_space<semaphore_mem>>
        %dma_start3A_247 = arith.constant 0 : i32
        %dma_start3A_248 = arith.constant 0 : i32
        %dma_start3A_249 = tpu.memref_slice %arg9[%run_scoped3A_203, %dma_start3A_247, %dma_start3A_248] : memref<8x128x64xf32, #tpu.memory_space<vmem>> -> memref<1x128x64xf32, #tpu.memory_space<vmem>>
        %dma_start3A_250 = tpu.memref_squeeze %dma_start3A_249 : memref<1x128x64xf32, #tpu.memory_space<vmem>> -> memref<128x64xf32, #tpu.memory_space<vmem>>
        %dma_start3A_251 = arith.constant 0 : i32
        %dma_start3A_252 = tpu.memref_slice %arg8[%add3A_202, %dma_start3A_251] : memref<40x128xi32, #tpu.memory_space<vmem>> -> memref<1x128xi32, #tpu.memory_space<vmem>>
        %dma_start3A_253 = tpu.memref_squeeze %dma_start3A_252 : memref<1x128xi32, #tpu.memory_space<vmem>> -> memref<128xi32, #tpu.memory_space<vmem>>
        %dma_start3A_254 = arith.constant 0 : i32
        %dma_start3A_255 = arith.constant 0 : i32
        %dma_start3A_256 = tpu.memref_slice %arg6[%dma_start3A_254, %dma_start3A_255] : memref<10240x64xf32, #tpu.memory_space<vmem_shared>> -> memref<10240x64xf32, #tpu.memory_space<vmem_shared>>
        tpu.enqueue_indirect_dma source(%dma_start3A_250 : memref<128x64xf32, #tpu.memory_space<vmem>>) target(%dma_start3A_256 : memref<10240x64xf32, #tpu.memory_space<vmem_shared>>) offsets(%dma_start3A_253 : memref<128xi32, #tpu.memory_space<vmem>>) semaphore(%run_scoped3A_246 : memref<!tpu.dma_semaphore, #tpu.memory_space<semaphore_mem>>) {add = true}
        %dma_wait3A_257 = arith.constant 0 : i32
        %dma_wait3A_258 = arith.constant 0 : i32
        %dma_wait3A_259 = tpu.memref_slice %arg9[%run_scoped3A_203, %dma_wait3A_257, %dma_wait3A_258] : memref<8x128x64xf32, #tpu.memory_space<vmem>> -> memref<1x128x64xf32, #tpu.memory_space<vmem>>
        %dma_wait3A_260 = tpu.memref_squeeze %dma_wait3A_259 : memref<1x128x64xf32, #tpu.memory_space<vmem>> -> memref<128x64xf32, #tpu.memory_space<vmem>>
        %dma_wait3A_261 = arith.constant 0 : i32
        %dma_wait3A_262 = tpu.memref_slice %arg8[%add3A_202, %dma_wait3A_261] : memref<40x128xi32, #tpu.memory_space<vmem>> -> memref<1x128xi32, #tpu.memory_space<vmem>>
        %dma_wait3A_263 = tpu.memref_squeeze %dma_wait3A_262 : memref<1x128xi32, #tpu.memory_space<vmem>> -> memref<128xi32, #tpu.memory_space<vmem>>
        %dma_wait3A_264 = arith.constant 0 : i32
        %dma_wait3A_265 = arith.constant 0 : i32
        %dma_wait3A_266 = tpu.memref_slice %arg6[%dma_wait3A_264, %dma_wait3A_265] : memref<10240x64xf32, #tpu.memory_space<vmem_shared>> -> memref<10240x64xf32, #tpu.memory_space<vmem_shared>>
        tpu.wait_indirect_dma semaphore(%run_scoped3A_246 : memref<!tpu.dma_semaphore, #tpu.memory_space<semaphore_mem>>) src(%dma_wait3A_260 : memref<128x64xf32, #tpu.memory_space<vmem>>) dst(%dma_wait3A_266 : memref<10240x64xf32, #tpu.memory_space<vmem_shared>>)
        tpu.yield
      }) : () -> ()
      %dma_wait3A_204 = arith.constant 5 : i32
      %dma_wait3A_205 = arith.constant 0 : i32
      %dma_wait3A_206 = arith.constant 0 : i32
      %dma_wait3A_207 = tpu.memref_slice %arg9[%dma_wait3A_204, %dma_wait3A_205, %dma_wait3A_206] : memref<8x128x64xf32, #tpu.memory_space<vmem>> -> memref<1x128x64xf32, #tpu.memory_space<vmem>>
      %dma_wait3A_208 = tpu.memref_squeeze %dma_wait3A_207 : memref<1x128x64xf32, #tpu.memory_space<vmem>> -> memref<128x64xf32, #tpu.memory_space<vmem>>
      %dma_wait3A_209 = arith.constant 0 : i32
      %dma_wait3A_210 = tpu.memref_slice %arg7[%add3A_98, %dma_wait3A_209] : memref<40x128xi32, #tpu.memory_space<vmem>> -> memref<1x128xi32, #tpu.memory_space<vmem>>
      %dma_wait3A_211 = tpu.memref_squeeze %dma_wait3A_210 : memref<1x128xi32, #tpu.memory_space<vmem>> -> memref<128xi32, #tpu.memory_space<vmem>>
      %dma_wait3A_212 = arith.constant 0 : i32
      %dma_wait3A_213 = arith.constant 0 : i32
      %dma_wait3A_214 = tpu.memref_slice %arg2[%dma_wait3A_212, %dma_wait3A_213] : memref<10000x64xf32, #tpu.memory_space<hbm>> -> memref<10000x64xf32, #tpu.memory_space<hbm>>
      tpu.wait_indirect_dma semaphore(%arg16 : memref<!tpu.dma_semaphore, #tpu.memory_space<semaphore_mem>>) src(%dma_wait3A_214 : memref<10000x64xf32, #tpu.memory_space<hbm>>) dst(%dma_wait3A_208 : memref<128x64xf32, #tpu.memory_space<vmem>>)
      %add3A_215 = arith.constant 5 : i32
      %add3A_216 = arith.addi %mul3A_32, %add3A_215 : i32
      %run_scoped3A_217 = arith.constant 5 : i32
      "tpu.region"() ({
        %run_scoped3A_246 = tpu.sem_alloc : memref<!tpu.dma_semaphore, #tpu.memory_space<semaphore_mem>>
        %dma_start3A_247 = arith.constant 0 : i32
        %dma_start3A_248 = arith.constant 0 : i32
        %dma_start3A_249 = tpu.memref_slice %arg9[%run_scoped3A_217, %dma_start3A_247, %dma_start3A_248] : memref<8x128x64xf32, #tpu.memory_space<vmem>> -> memref<1x128x64xf32, #tpu.memory_space<vmem>>
        %dma_start3A_250 = tpu.memref_squeeze %dma_start3A_249 : memref<1x128x64xf32, #tpu.memory_space<vmem>> -> memref<128x64xf32, #tpu.memory_space<vmem>>
        %dma_start3A_251 = arith.constant 0 : i32
        %dma_start3A_252 = tpu.memref_slice %arg8[%add3A_216, %dma_start3A_251] : memref<40x128xi32, #tpu.memory_space<vmem>> -> memref<1x128xi32, #tpu.memory_space<vmem>>
        %dma_start3A_253 = tpu.memref_squeeze %dma_start3A_252 : memref<1x128xi32, #tpu.memory_space<vmem>> -> memref<128xi32, #tpu.memory_space<vmem>>
        %dma_start3A_254 = arith.constant 0 : i32
        %dma_start3A_255 = arith.constant 0 : i32
        %dma_start3A_256 = tpu.memref_slice %arg6[%dma_start3A_254, %dma_start3A_255] : memref<10240x64xf32, #tpu.memory_space<vmem_shared>> -> memref<10240x64xf32, #tpu.memory_space<vmem_shared>>
        tpu.enqueue_indirect_dma source(%dma_start3A_250 : memref<128x64xf32, #tpu.memory_space<vmem>>) target(%dma_start3A_256 : memref<10240x64xf32, #tpu.memory_space<vmem_shared>>) offsets(%dma_start3A_253 : memref<128xi32, #tpu.memory_space<vmem>>) semaphore(%run_scoped3A_246 : memref<!tpu.dma_semaphore, #tpu.memory_space<semaphore_mem>>) {add = true}
        %dma_wait3A_257 = arith.constant 0 : i32
        %dma_wait3A_258 = arith.constant 0 : i32
        %dma_wait3A_259 = tpu.memref_slice %arg9[%run_scoped3A_217, %dma_wait3A_257, %dma_wait3A_258] : memref<8x128x64xf32, #tpu.memory_space<vmem>> -> memref<1x128x64xf32, #tpu.memory_space<vmem>>
        %dma_wait3A_260 = tpu.memref_squeeze %dma_wait3A_259 : memref<1x128x64xf32, #tpu.memory_space<vmem>> -> memref<128x64xf32, #tpu.memory_space<vmem>>
        %dma_wait3A_261 = arith.constant 0 : i32
        %dma_wait3A_262 = tpu.memref_slice %arg8[%add3A_216, %dma_wait3A_261] : memref<40x128xi32, #tpu.memory_space<vmem>> -> memref<1x128xi32, #tpu.memory_space<vmem>>
        %dma_wait3A_263 = tpu.memref_squeeze %dma_wait3A_262 : memref<1x128xi32, #tpu.memory_space<vmem>> -> memref<128xi32, #tpu.memory_space<vmem>>
        %dma_wait3A_264 = arith.constant 0 : i32
        %dma_wait3A_265 = arith.constant 0 : i32
        %dma_wait3A_266 = tpu.memref_slice %arg6[%dma_wait3A_264, %dma_wait3A_265] : memref<10240x64xf32, #tpu.memory_space<vmem_shared>> -> memref<10240x64xf32, #tpu.memory_space<vmem_shared>>
        tpu.wait_indirect_dma semaphore(%run_scoped3A_246 : memref<!tpu.dma_semaphore, #tpu.memory_space<semaphore_mem>>) src(%dma_wait3A_260 : memref<128x64xf32, #tpu.memory_space<vmem>>) dst(%dma_wait3A_266 : memref<10240x64xf32, #tpu.memory_space<vmem_shared>>)
        tpu.yield
      }) : () -> ()
      %dma_wait3A_218 = arith.constant 6 : i32
      %dma_wait3A_219 = arith.constant 0 : i32
      %dma_wait3A_220 = arith.constant 0 : i32
      %dma_wait3A_221 = tpu.memref_slice %arg9[%dma_wait3A_218, %dma_wait3A_219, %dma_wait3A_220] : memref<8x128x64xf32, #tpu.memory_space<vmem>> -> memref<1x128x64xf32, #tpu.memory_space<vmem>>
      %dma_wait3A_222 = tpu.memref_squeeze %dma_wait3A_221 : memref<1x128x64xf32, #tpu.memory_space<vmem>> -> memref<128x64xf32, #tpu.memory_space<vmem>>
      %dma_wait3A_223 = arith.constant 0 : i32
      %dma_wait3A_224 = tpu.memref_slice %arg7[%add3A_111, %dma_wait3A_223] : memref<40x128xi32, #tpu.memory_space<vmem>> -> memref<1x128xi32, #tpu.memory_space<vmem>>
      %dma_wait3A_225 = tpu.memref_squeeze %dma_wait3A_224 : memref<1x128xi32, #tpu.memory_space<vmem>> -> memref<128xi32, #tpu.memory_space<vmem>>
      %dma_wait3A_226 = arith.constant 0 : i32
      %dma_wait3A_227 = arith.constant 0 : i32
      %dma_wait3A_228 = tpu.memref_slice %arg2[%dma_wait3A_226, %dma_wait3A_227] : memref<10000x64xf32, #tpu.memory_space<hbm>> -> memref<10000x64xf32, #tpu.memory_space<hbm>>
      tpu.wait_indirect_dma semaphore(%arg17 : memref<!tpu.dma_semaphore, #tpu.memory_space<semaphore_mem>>) src(%dma_wait3A_228 : memref<10000x64xf32, #tpu.memory_space<hbm>>) dst(%dma_wait3A_222 : memref<128x64xf32, #tpu.memory_space<vmem>>)
      %add3A_229 = arith.constant 6 : i32
      %add3A_230 = arith.addi %mul3A_32, %add3A_229 : i32
      %run_scoped3A_231 = arith.constant 6 : i32
      "tpu.region"() ({
        %run_scoped3A_246 = tpu.sem_alloc : memref<!tpu.dma_semaphore, #tpu.memory_space<semaphore_mem>>
        %dma_start3A_247 = arith.constant 0 : i32
        %dma_start3A_248 = arith.constant 0 : i32
        %dma_start3A_249 = tpu.memref_slice %arg9[%run_scoped3A_231, %dma_start3A_247, %dma_start3A_248] : memref<8x128x64xf32, #tpu.memory_space<vmem>> -> memref<1x128x64xf32, #tpu.memory_space<vmem>>
        %dma_start3A_250 = tpu.memref_squeeze %dma_start3A_249 : memref<1x128x64xf32, #tpu.memory_space<vmem>> -> memref<128x64xf32, #tpu.memory_space<vmem>>
        %dma_start3A_251 = arith.constant 0 : i32
        %dma_start3A_252 = tpu.memref_slice %arg8[%add3A_230, %dma_start3A_251] : memref<40x128xi32, #tpu.memory_space<vmem>> -> memref<1x128xi32, #tpu.memory_space<vmem>>
        %dma_start3A_253 = tpu.memref_squeeze %dma_start3A_252 : memref<1x128xi32, #tpu.memory_space<vmem>> -> memref<128xi32, #tpu.memory_space<vmem>>
        %dma_start3A_254 = arith.constant 0 : i32
        %dma_start3A_255 = arith.constant 0 : i32
        %dma_start3A_256 = tpu.memref_slice %arg6[%dma_start3A_254, %dma_start3A_255] : memref<10240x64xf32, #tpu.memory_space<vmem_shared>> -> memref<10240x64xf32, #tpu.memory_space<vmem_shared>>
        tpu.enqueue_indirect_dma source(%dma_start3A_250 : memref<128x64xf32, #tpu.memory_space<vmem>>) target(%dma_start3A_256 : memref<10240x64xf32, #tpu.memory_space<vmem_shared>>) offsets(%dma_start3A_253 : memref<128xi32, #tpu.memory_space<vmem>>) semaphore(%run_scoped3A_246 : memref<!tpu.dma_semaphore, #tpu.memory_space<semaphore_mem>>) {add = true}
        %dma_wait3A_257 = arith.constant 0 : i32
        %dma_wait3A_258 = arith.constant 0 : i32
        %dma_wait3A_259 = tpu.memref_slice %arg9[%run_scoped3A_231, %dma_wait3A_257, %dma_wait3A_258] : memref<8x128x64xf32, #tpu.memory_space<vmem>> -> memref<1x128x64xf32, #tpu.memory_space<vmem>>
        %dma_wait3A_260 = tpu.memref_squeeze %dma_wait3A_259 : memref<1x128x64xf32, #tpu.memory_space<vmem>> -> memref<128x64xf32, #tpu.memory_space<vmem>>
        %dma_wait3A_261 = arith.constant 0 : i32
        %dma_wait3A_262 = tpu.memref_slice %arg8[%add3A_230, %dma_wait3A_261] : memref<40x128xi32, #tpu.memory_space<vmem>> -> memref<1x128xi32, #tpu.memory_space<vmem>>
        %dma_wait3A_263 = tpu.memref_squeeze %dma_wait3A_262 : memref<1x128xi32, #tpu.memory_space<vmem>> -> memref<128xi32, #tpu.memory_space<vmem>>
        %dma_wait3A_264 = arith.constant 0 : i32
        %dma_wait3A_265 = arith.constant 0 : i32
        %dma_wait3A_266 = tpu.memref_slice %arg6[%dma_wait3A_264, %dma_wait3A_265] : memref<10240x64xf32, #tpu.memory_space<vmem_shared>> -> memref<10240x64xf32, #tpu.memory_space<vmem_shared>>
        tpu.wait_indirect_dma semaphore(%run_scoped3A_246 : memref<!tpu.dma_semaphore, #tpu.memory_space<semaphore_mem>>) src(%dma_wait3A_260 : memref<128x64xf32, #tpu.memory_space<vmem>>) dst(%dma_wait3A_266 : memref<10240x64xf32, #tpu.memory_space<vmem_shared>>)
        tpu.yield
      }) : () -> ()
      %dma_wait3A_232 = arith.constant 7 : i32
      %dma_wait3A_233 = arith.constant 0 : i32
      %dma_wait3A_234 = arith.constant 0 : i32
      %dma_wait3A_235 = tpu.memref_slice %arg9[%dma_wait3A_232, %dma_wait3A_233, %dma_wait3A_234] : memref<8x128x64xf32, #tpu.memory_space<vmem>> -> memref<1x128x64xf32, #tpu.memory_space<vmem>>
      %dma_wait3A_236 = tpu.memref_squeeze %dma_wait3A_235 : memref<1x128x64xf32, #tpu.memory_space<vmem>> -> memref<128x64xf32, #tpu.memory_space<vmem>>
      %dma_wait3A_237 = arith.constant 0 : i32
      %dma_wait3A_238 = tpu.memref_slice %arg7[%add3A_124, %dma_wait3A_237] : memref<40x128xi32, #tpu.memory_space<vmem>> -> memref<1x128xi32, #tpu.memory_space<vmem>>
      %dma_wait3A_239 = tpu.memref_squeeze %dma_wait3A_238 : memref<1x128xi32, #tpu.memory_space<vmem>> -> memref<128xi32, #tpu.memory_space<vmem>>
      %dma_wait3A_240 = arith.constant 0 : i32
      %dma_wait3A_241 = arith.constant 0 : i32
      %dma_wait3A_242 = tpu.memref_slice %arg2[%dma_wait3A_240, %dma_wait3A_241] : memref<10000x64xf32, #tpu.memory_space<hbm>> -> memref<10000x64xf32, #tpu.memory_space<hbm>>
      tpu.wait_indirect_dma semaphore(%arg18 : memref<!tpu.dma_semaphore, #tpu.memory_space<semaphore_mem>>) src(%dma_wait3A_242 : memref<10000x64xf32, #tpu.memory_space<hbm>>) dst(%dma_wait3A_236 : memref<128x64xf32, #tpu.memory_space<vmem>>)
      %add3A_243 = arith.constant 7 : i32
      %add3A_244 = arith.addi %mul3A_32, %add3A_243 : i32
      %run_scoped3A_245 = arith.constant 7 : i32
      "tpu.region"() ({
        %run_scoped3A_246 = tpu.sem_alloc : memref<!tpu.dma_semaphore, #tpu.memory_space<semaphore_mem>>
        %dma_start3A_247 = arith.constant 0 : i32
        %dma_start3A_248 = arith.constant 0 : i32
        %dma_start3A_249 = tpu.memref_slice %arg9[%run_scoped3A_245, %dma_start3A_247, %dma_start3A_248] : memref<8x128x64xf32, #tpu.memory_space<vmem>> -> memref<1x128x64xf32, #tpu.memory_space<vmem>>
        %dma_start3A_250 = tpu.memref_squeeze %dma_start3A_249 : memref<1x128x64xf32, #tpu.memory_space<vmem>> -> memref<128x64xf32, #tpu.memory_space<vmem>>
        %dma_start3A_251 = arith.constant 0 : i32
        %dma_start3A_252 = tpu.memref_slice %arg8[%add3A_244, %dma_start3A_251] : memref<40x128xi32, #tpu.memory_space<vmem>> -> memref<1x128xi32, #tpu.memory_space<vmem>>
        %dma_start3A_253 = tpu.memref_squeeze %dma_start3A_252 : memref<1x128xi32, #tpu.memory_space<vmem>> -> memref<128xi32, #tpu.memory_space<vmem>>
        %dma_start3A_254 = arith.constant 0 : i32
        %dma_start3A_255 = arith.constant 0 : i32
        %dma_start3A_256 = tpu.memref_slice %arg6[%dma_start3A_254, %dma_start3A_255] : memref<10240x64xf32, #tpu.memory_space<vmem_shared>> -> memref<10240x64xf32, #tpu.memory_space<vmem_shared>>
        tpu.enqueue_indirect_dma source(%dma_start3A_250 : memref<128x64xf32, #tpu.memory_space<vmem>>) target(%dma_start3A_256 : memref<10240x64xf32, #tpu.memory_space<vmem_shared>>) offsets(%dma_start3A_253 : memref<128xi32, #tpu.memory_space<vmem>>) semaphore(%run_scoped3A_246 : memref<!tpu.dma_semaphore, #tpu.memory_space<semaphore_mem>>) {add = true}
        %dma_wait3A_257 = arith.constant 0 : i32
        %dma_wait3A_258 = arith.constant 0 : i32
        %dma_wait3A_259 = tpu.memref_slice %arg9[%run_scoped3A_245, %dma_wait3A_257, %dma_wait3A_258] : memref<8x128x64xf32, #tpu.memory_space<vmem>> -> memref<1x128x64xf32, #tpu.memory_space<vmem>>
        %dma_wait3A_260 = tpu.memref_squeeze %dma_wait3A_259 : memref<1x128x64xf32, #tpu.memory_space<vmem>> -> memref<128x64xf32, #tpu.memory_space<vmem>>
        %dma_wait3A_261 = arith.constant 0 : i32
        %dma_wait3A_262 = tpu.memref_slice %arg8[%add3A_244, %dma_wait3A_261] : memref<40x128xi32, #tpu.memory_space<vmem>> -> memref<1x128xi32, #tpu.memory_space<vmem>>
        %dma_wait3A_263 = tpu.memref_squeeze %dma_wait3A_262 : memref<1x128xi32, #tpu.memory_space<vmem>> -> memref<128xi32, #tpu.memory_space<vmem>>
        %dma_wait3A_264 = arith.constant 0 : i32
        %dma_wait3A_265 = arith.constant 0 : i32
        %dma_wait3A_266 = tpu.memref_slice %arg6[%dma_wait3A_264, %dma_wait3A_265] : memref<10240x64xf32, #tpu.memory_space<vmem_shared>> -> memref<10240x64xf32, #tpu.memory_space<vmem_shared>>
        tpu.wait_indirect_dma semaphore(%run_scoped3A_246 : memref<!tpu.dma_semaphore, #tpu.memory_space<semaphore_mem>>) src(%dma_wait3A_260 : memref<128x64xf32, #tpu.memory_space<vmem>>) dst(%dma_wait3A_266 : memref<10240x64xf32, #tpu.memory_space<vmem_shared>>)
        tpu.yield
      }) : () -> ()
    }
    %scan3A_21 = arith.constant 5 : i32
    %barrier3A_22 = arith.constant 0 : index
    tpu.barrier barrier_id(%barrier3A_22)
    %mul3A_23 = arith.constant 640 : i32
    %mul3A_24 = arith.muli %arg1, %mul3A_23 : i32
    %mul3A_25 = arith.constant 10240 : i32
    %mul3A_26 = arith.muli %arg0, %mul3A_25 : i32
    %mul3A_27 = arith.constant 640 : i32
    %mul3A_28 = arith.muli %arg1, %mul3A_27 : i32
    %add3A_29 = arith.addi %mul3A_26, %mul3A_28 : i32
    "tpu.region"() ({
      %run_scoped3A = tpu.sem_alloc : memref<!tpu.dma_semaphore, #tpu.memory_space<semaphore_mem>>
      %dma_start3A = arith.constant 0 : i32
      %dma_start3A_30 = tpu.memref_slice %arg5[%add3A_29, %dma_start3A] : memref<20480x64xf32, #tpu.memory_space<hbm>> -> memref<640x64xf32, #tpu.memory_space<hbm>>
      %dma_start3A_31 = arith.constant 0 : i32
      %dma_start3A_32 = tpu.memref_slice %arg6[%mul3A_24, %dma_start3A_31] : memref<10240x64xf32, #tpu.memory_space<vmem_shared>> -> memref<640x64xf32, #tpu.memory_space<vmem_shared>>
      tpu.enqueue_dma source(%dma_start3A_32 : memref<640x64xf32, #tpu.memory_space<vmem_shared>>) target(%dma_start3A_30 : memref<640x64xf32, #tpu.memory_space<hbm>>) target_semaphore(%run_scoped3A : memref<!tpu.dma_semaphore, #tpu.memory_space<semaphore_mem>>)
      %dma_wait3A = arith.constant 0 : i32
      %dma_wait3A_33 = tpu.memref_slice %arg5[%add3A_29, %dma_wait3A] : memref<20480x64xf32, #tpu.memory_space<hbm>> -> memref<640x64xf32, #tpu.memory_space<hbm>>
      %dma_wait3A_34 = arith.constant 0 : i32
      %dma_wait3A_35 = tpu.memref_slice %arg6[%mul3A_24, %dma_wait3A_34] : memref<10240x64xf32, #tpu.memory_space<vmem_shared>> -> memref<640x64xf32, #tpu.memory_space<vmem_shared>>
      tpu.wait_dma2 semaphore(%run_scoped3A : memref<!tpu.dma_semaphore, #tpu.memory_space<semaphore_mem>>) src(%dma_wait3A_35 : memref<640x64xf32, #tpu.memory_space<vmem_shared>>) dst(%dma_wait3A_33 : memref<640x64xf32, #tpu.memory_space<hbm>>)
      tpu.yield
    }) : () -> ()
    return
  }
}

#map = affine_map<(d0, d1) -> (0, 0)>
module attributes {stable_mosaic.version = 14 : i64} {
  func.func @sc_fn(%arg0: i32, %arg1: i32, %arg2: memref<10000x64xf32, #tpu.memory_space<hbm>>, %arg3: memref<1280x128xi32, #tpu.memory_space<hbm>>, %arg4: memref<1280x128xi32, #tpu.memory_space<hbm>>, %arg5: memref<20480x64xf32, #tpu.memory_space<hbm>>, %arg6: memref<10240x64xf32, #tpu.memory_space<vmem_shared>>, %arg7: memref<40x128xi32, #tpu.memory_space<vmem>>, %arg8: memref<40x128xi32, #tpu.memory_space<vmem>>, %arg9: memref<8x128x64xf32, #tpu.memory_space<vmem>>, %arg10: memref<16x64xf32, #tpu.memory_space<vmem>>, %arg11: memref<!tpu.dma_semaphore, #tpu.memory_space<semaphore_mem>>, %arg12: memref<!tpu.dma_semaphore, #tpu.memory_space<semaphore_mem>>, %arg13: memref<!tpu.dma_semaphore, #tpu.memory_space<semaphore_mem>>, %arg14: memref<!tpu.dma_semaphore, #tpu.memory_space<semaphore_mem>>, %arg15: memref<!tpu.dma_semaphore, #tpu.memory_space<semaphore_mem>>, %arg16: memref<!tpu.dma_semaphore, #tpu.memory_space<semaphore_mem>>, %arg17: memref<!tpu.dma_semaphore, #tpu.memory_space<semaphore_mem>>, %arg18: memref<!tpu.dma_semaphore, #tpu.memory_space<semaphore_mem>>) attributes {dimension_semantics = [#tpu.dimension_semantics<core_parallel>, #tpu.dimension_semantics<subcore_parallel>], iteration_bounds = array<i64: 2, 16>, scalar_prefetch = 0 : i64, scratch_operands = 13 : i64, tpu.core_type = #tpu.core_type<sc_vector_subcore>, window_params = [{transform_indices = #map}, {transform_indices = #map}, {transform_indices = #map}, {transform_indices = #map}]} {
    %mul3A = arith.constant 16 : i32
    %mul3A_0 = arith.muli %arg0, %mul3A : i32
    %add3A = arith.addi %mul3A_0, %arg1 : i32
    %scan3A = arith.constant 0 : i32
    %scan3A_1 = arith.constant 0 : i32
    %scan3A_2 = arith.constant 16 : i32
    %scan3A_3 = arith.addi %scan3A_1, %scan3A_2 : i32
    %scan3A_4 = arith.constant 1 : i32
    scf.for %scan3A_30 = %scan3A_1 to %scan3A_3 step %scan3A_4  : i32 {
      %broadcast_in_dim3A = arith.constant 0.000000e+00 : f32
      %broadcast_in_dim3A_31 = vector.broadcast %broadcast_in_dim3A : f32 to vector<16xf32>
      %swap3A = arith.index_cast %scan3A_30 : i32 to index
      %swap3A_32 = arith.constant 0 : index
      %swap3A_33 = tpu.vector_load %arg10[%swap3A, %swap3A_32] {strides = array<i32>} : memref<16x64xf32, #tpu.memory_space<vmem>>, vector<1x16xf32>,
      %swap3A_34 = vector.shape_cast %swap3A_33 : vector<1x16xf32> to vector<16xf32>
      %swap3A_35 = vector.shape_cast %broadcast_in_dim3A_31 : vector<16xf32> to vector<1x16xf32>
      tpu.vector_store %arg10[%swap3A, %swap3A_32], %swap3A_35 {strides = array<i32>} : memref<16x64xf32, #tpu.memory_space<vmem>>, vector<1x16xf32>,
      %broadcast_in_dim3A_36 = arith.constant 0.000000e+00 : f32
      %broadcast_in_dim3A_37 = vector.broadcast %broadcast_in_dim3A_36 : f32 to vector<16xf32>
      %swap3A_38 = arith.index_cast %scan3A_30 : i32 to index
      %swap3A_39 = arith.constant 16 : index
      %swap3A_40 = tpu.vector_load %arg10[%swap3A_38, %swap3A_39] {strides = array<i32>} : memref<16x64xf32, #tpu.memory_space<vmem>>, vector<1x16xf32>,
      %swap3A_41 = vector.shape_cast %swap3A_40 : vector<1x16xf32> to vector<16xf32>
      %swap3A_42 = vector.shape_cast %broadcast_in_dim3A_37 : vector<16xf32> to vector<1x16xf32>
      tpu.vector_store %arg10[%swap3A_38, %swap3A_39], %swap3A_42 {strides = array<i32>} : memref<16x64xf32, #tpu.memory_space<vmem>>, vector<1x16xf32>,
      %broadcast_in_dim3A_43 = arith.constant 0.000000e+00 : f32
      %broadcast_in_dim3A_44 = vector.broadcast %broadcast_in_dim3A_43 : f32 to vector<16xf32>
      %swap3A_45 = arith.index_cast %scan3A_30 : i32 to index
      %swap3A_46 = arith.constant 32 : index
      %swap3A_47 = tpu.vector_load %arg10[%swap3A_45, %swap3A_46] {strides = array<i32>} : memref<16x64xf32, #tpu.memory_space<vmem>>, vector<1x16xf32>,
      %swap3A_48 = vector.shape_cast %swap3A_47 : vector<1x16xf32> to vector<16xf32>
      %swap3A_49 = vector.shape_cast %broadcast_in_dim3A_44 : vector<16xf32> to vector<1x16xf32>
      tpu.vector_store %arg10[%swap3A_45, %swap3A_46], %swap3A_49 {strides = array<i32>} : memref<16x64xf32, #tpu.memory_space<vmem>>, vector<1x16xf32>,
      %broadcast_in_dim3A_50 = arith.constant 0.000000e+00 : f32
      %broadcast_in_dim3A_51 = vector.broadcast %broadcast_in_dim3A_50 : f32 to vector<16xf32>
      %swap3A_52 = arith.index_cast %scan3A_30 : i32 to index
      %swap3A_53 = arith.constant 48 : index
      %swap3A_54 = tpu.vector_load %arg10[%swap3A_52, %swap3A_53] {strides = array<i32>} : memref<16x64xf32, #tpu.memory_space<vmem>>, vector<1x16xf32>,
      %swap3A_55 = vector.shape_cast %swap3A_54 : vector<1x16xf32> to vector<16xf32>
      %swap3A_56 = vector.shape_cast %broadcast_in_dim3A_51 : vector<16xf32> to vector<1x16xf32>
      tpu.vector_store %arg10[%swap3A_52, %swap3A_53], %swap3A_56 {strides = array<i32>} : memref<16x64xf32, #tpu.memory_space<vmem>>, vector<1x16xf32>,
    }
    %scan3A_5 = arith.constant 16 : i32
    %scan3A_6 = arith.constant 0 : i32
    %scan3A_7 = arith.constant 0 : i32
    %scan3A_8 = arith.constant 40 : i32
    %scan3A_9 = arith.addi %scan3A_7, %scan3A_8 : i32
    %scan3A_10 = arith.constant 1 : i32
    scf.for %scan3A_30 = %scan3A_7 to %scan3A_9 step %scan3A_10  : i32 {
      %mul3A_31 = arith.constant 640 : i32
      %mul3A_32 = arith.muli %arg1, %mul3A_31 : i32
      %mul3A_33 = arith.constant 16 : i32
      %mul3A_34 = arith.muli %scan3A_30, %mul3A_33 : i32
      %add3A_35 = arith.addi %mul3A_32, %mul3A_34 : i32
      "tpu.region"() ({
        %run_scoped3A = tpu.sem_alloc : memref<!tpu.dma_semaphore, #tpu.memory_space<semaphore_mem>>
        %dma_start3A = arith.constant 0 : i32
        %dma_start3A_36 = tpu.memref_slice %arg6[%add3A_35, %dma_start3A] : memref<10240x64xf32, #tpu.memory_space<vmem_shared>> -> memref<16x64xf32, #tpu.memory_space<vmem_shared>>
        %dma_start3A_37 = arith.constant 0 : i32
        %dma_start3A_38 = tpu.memref_slice %arg6[%add3A_35, %dma_start3A_37] : memref<10240x64xf32, #tpu.memory_space<vmem_shared>> -> memref<16x64xf32, #tpu.memory_space<vmem_shared>>
        tpu.enqueue_dma source(%arg10 : memref<16x64xf32, #tpu.memory_space<vmem>>) target(%dma_start3A_38 : memref<16x64xf32, #tpu.memory_space<vmem_shared>>) target_semaphore(%run_scoped3A : memref<!tpu.dma_semaphore, #tpu.memory_space<semaphore_mem>>)
        %dma_wait3A = arith.constant 0 : i32
        %dma_wait3A_39 = tpu.memref_slice %arg6[%add3A_35, %dma_wait3A] : memref<10240x64xf32, #tpu.memory_space<vmem_shared>> -> memref<16x64xf32, #tpu.memory_space<vmem_shared>>
        %dma_wait3A_40 = arith.constant 0 : i32
        %dma_wait3A_41 = tpu.memref_slice %arg6[%add3A_35, %dma_wait3A_40] : memref<10240x64xf32, #tpu.memory_space<vmem_shared>> -> memref<16x64xf32, #tpu.memory_space<vmem_shared>>
        tpu.wait_dma2 semaphore(%run_scoped3A : memref<!tpu.dma_semaphore, #tpu.memory_space<semaphore_mem>>) src(%arg10 : memref<16x64xf32, #tpu.memory_space<vmem>>) dst(%dma_wait3A_41 : memref<16x64xf32, #tpu.memory_space<vmem_shared>>)
        tpu.yield
      }) : () -> ()
    }
    %scan3A_11 = arith.constant 40 : i32
    %mul3A_12 = arith.constant 40 : i32
    %mul3A_13 = arith.muli %add3A, %mul3A_12 : i32
    "tpu.region"() ({
      %run_scoped3A = tpu.sem_alloc : memref<!tpu.dma_semaphore, #tpu.memory_space<semaphore_mem>>
      %dma_start3A = arith.constant 0 : i32
      %dma_start3A_30 = tpu.memref_slice %arg3[%mul3A_13, %dma_start3A] : memref<1280x128xi32, #tpu.memory_space<hbm>> -> memref<40x128xi32, #tpu.memory_space<hbm>>
      %dma_start3A_31 = arith.constant 0 : i32
      %dma_start3A_32 = tpu.memref_slice %arg3[%mul3A_13, %dma_start3A_31] : memref<1280x128xi32, #tpu.memory_space<hbm>> -> memref<40x128xi32, #tpu.memory_space<hbm>>
      tpu.enqueue_dma source(%dma_start3A_32 : memref<40x128xi32, #tpu.memory_space<hbm>>) target(%arg7 : memref<40x128xi32, #tpu.memory_space<vmem>>) target_semaphore(%run_scoped3A : memref<!tpu.dma_semaphore, #tpu.memory_space<semaphore_mem>>)
      %dma_wait3A = arith.constant 0 : i32
      %dma_wait3A_33 = tpu.memref_slice %arg3[%mul3A_13, %dma_wait3A] : memref<1280x128xi32, #tpu.memory_space<hbm>> -> memref<40x128xi32, #tpu.memory_space<hbm>>
      %dma_wait3A_34 = arith.constant 0 : i32
      %dma_wait3A_35 = tpu.memref_slice %arg3[%mul3A_13, %dma_wait3A_34] : memref<1280x128xi32, #tpu.memory_space<hbm>> -> memref<40x128xi32, #tpu.memory_space<hbm>>
      tpu.wait_dma2 semaphore(%run_scoped3A : memref<!tpu.dma_semaphore, #tpu.memory_space<semaphore_mem>>) src(%dma_wait3A_35 : memref<40x128xi32, #tpu.memory_space<hbm>>) dst(%arg7 : memref<40x128xi32, #tpu.memory_space<vmem>>)
      tpu.yield
    }) : () -> ()
    %mul3A_14 = arith.constant 40 : i32
    %mul3A_15 = arith.muli %add3A, %mul3A_14 : i32
    "tpu.region"() ({
      %run_scoped3A = tpu.sem_alloc : memref<!tpu.dma_semaphore, #tpu.memory_space<semaphore_mem>>
      %dma_start3A = arith.constant 0 : i32
      %dma_start3A_30 = tpu.memref_slice %arg4[%mul3A_15, %dma_start3A] : memref<1280x128xi32, #tpu.memory_space<hbm>> -> memref<40x128xi32, #tpu.memory_space<hbm>>
      %dma_start3A_31 = arith.constant 0 : i32
      %dma_start3A_32 = tpu.memref_slice %arg4[%mul3A_15, %dma_start3A_31] : memref<1280x128xi32, #tpu.memory_space<hbm>> -> memref<40x128xi32, #tpu.memory_space<hbm>>
      tpu.enqueue_dma source(%dma_start3A_32 : memref<40x128xi32, #tpu.memory_space<hbm>>) target(%arg8 : memref<40x128xi32, #tpu.memory_space<vmem>>) target_semaphore(%run_scoped3A : memref<!tpu.dma_semaphore, #tpu.memory_space<semaphore_mem>>)
      %dma_wait3A = arith.constant 0 : i32
      %dma_wait3A_33 = tpu.memref_slice %arg4[%mul3A_15, %dma_wait3A] : memref<1280x128xi32, #tpu.memory_space<hbm>> -> memref<40x128xi32, #tpu.memory_space<hbm>>
      %dma_wait3A_34 = arith.constant 0 : i32
      %dma_wait3A_35 = tpu.memref_slice %arg4[%mul3A_15, %dma_wait3A_34] : memref<1280x128xi32, #tpu.memory_space<hbm>> -> memref<40x128xi32, #tpu.memory_space<hbm>>
      tpu.wait_dma2 semaphore(%run_scoped3A : memref<!tpu.dma_semaphore, #tpu.memory_space<semaphore_mem>>) src(%dma_wait3A_35 : memref<40x128xi32, #tpu.memory_space<hbm>>) dst(%arg8 : memref<40x128xi32, #tpu.memory_space<vmem>>)
      tpu.yield
    }) : () -> ()
    %barrier3A = arith.constant 0 : index
    tpu.barrier barrier_id(%barrier3A)
    %scan3A_16 = arith.constant 0 : i32
    %scan3A_17 = arith.constant 0 : i32
    %scan3A_18 = arith.constant 5 : i32
    %scan3A_19 = arith.addi %scan3A_17, %scan3A_18 : i32
    %scan3A_20 = arith.constant 1 : i32
    scf.for %scan3A_30 = %scan3A_17 to %scan3A_19 step %scan3A_20  : i32 {
      %mul3A_31 = arith.constant 8 : i32
      %mul3A_32 = arith.muli %scan3A_30, %mul3A_31 : i32
      %add3A_33 = arith.constant 0 : i32
      %add3A_34 = arith.addi %mul3A_32, %add3A_33 : i32
      %dma_start3A = arith.constant 0 : i32
      %dma_start3A_35 = arith.constant 0 : i32
      %dma_start3A_36 = arith.constant 0 : i32
      %dma_start3A_37 = tpu.memref_slice %arg9[%dma_start3A, %dma_start3A_35, %dma_start3A_36] : memref<8x128x64xf32, #tpu.memory_space<vmem>> -> memref<1x128x64xf32, #tpu.memory_space<vmem>>
      %dma_start3A_38 = tpu.memref_squeeze %dma_start3A_37 : memref<1x128x64xf32, #tpu.memory_space<vmem>> -> memref<128x64xf32, #tpu.memory_space<vmem>>
      %dma_start3A_39 = arith.constant 0 : i32
      %dma_start3A_40 = tpu.memref_slice %arg7[%add3A_34, %dma_start3A_39] : memref<40x128xi32, #tpu.memory_space<vmem>> -> memref<1x128xi32, #tpu.memory_space<vmem>>
      %dma_start3A_41 = tpu.memref_squeeze %dma_start3A_40 : memref<1x128xi32, #tpu.memory_space<vmem>> -> memref<128xi32, #tpu.memory_space<vmem>>
      %dma_start3A_42 = arith.constant 0 : i32
      %dma_start3A_43 = arith.constant 0 : i32
      %dma_start3A_44 = tpu.memref_slice %arg2[%dma_start3A_42, %dma_start3A_43] : memref<10000x64xf32, #tpu.memory_space<hbm>> -> memref<10000x64xf32, #tpu.memory_space<hbm>>
      tpu.enqueue_indirect_dma source(%dma_start3A_44 : memref<10000x64xf32, #tpu.memory_space<hbm>>) target(%dma_start3A_38 : memref<128x64xf32, #tpu.memory_space<vmem>>) offsets(%dma_start3A_41 : memref<128xi32, #tpu.memory_space<vmem>>) semaphore(%arg11 : memref<!tpu.dma_semaphore, #tpu.memory_space<semaphore_mem>>)
      %add3A_45 = arith.constant 1 : i32
      %add3A_46 = arith.addi %mul3A_32, %add3A_45 : i32
      %dma_start3A_47 = arith.constant 1 : i32
      %dma_start3A_48 = arith.constant 0 : i32
      %dma_start3A_49 = arith.constant 0 : i32
      %dma_start3A_50 = tpu.memref_slice %arg9[%dma_start3A_47, %dma_start3A_48, %dma_start3A_49] : memref<8x128x64xf32, #tpu.memory_space<vmem>> -> memref<1x128x64xf32, #tpu.memory_space<vmem>>
      %dma_start3A_51 = tpu.memref_squeeze %dma_start3A_50 : memref<1x128x64xf32, #tpu.memory_space<vmem>> -> memref<128x64xf32, #tpu.memory_space<vmem>>
      %dma_start3A_52 = arith.constant 0 : i32
      %dma_start3A_53 = tpu.memref_slice %arg7[%add3A_46, %dma_start3A_52] : memref<40x128xi32, #tpu.memory_space<vmem>> -> memref<1x128xi32, #tpu.memory_space<vmem>>
      %dma_start3A_54 = tpu.memref_squeeze %dma_start3A_53 : memref<1x128xi32, #tpu.memory_space<vmem>> -> memref<128xi32, #tpu.memory_space<vmem>>
      %dma_start3A_55 = arith.constant 0 : i32
      %dma_start3A_56 = arith.constant 0 : i32
      %dma_start3A_57 = tpu.memref_slice %arg2[%dma_start3A_55, %dma_start3A_56] : memref<10000x64xf32, #tpu.memory_space<hbm>> -> memref<10000x64xf32, #tpu.memory_space<hbm>>
      tpu.enqueue_indirect_dma source(%dma_start3A_57 : memref<10000x64xf32, #tpu.memory_space<hbm>>) target(%dma_start3A_51 : memref<128x64xf32, #tpu.memory_space<vmem>>) offsets(%dma_start3A_54 : memref<128xi32, #tpu.memory_space<vmem>>) semaphore(%arg12 : memref<!tpu.dma_semaphore, #tpu.memory_space<semaphore_mem>>)
      %add3A_58 = arith.constant 2 : i32
      %add3A_59 = arith.addi %mul3A_32, %add3A_58 : i32
      %dma_start3A_60 = arith.constant 2 : i32
      %dma_start3A_61 = arith.constant 0 : i32
      %dma_start3A_62 = arith.constant 0 : i32
      %dma_start3A_63 = tpu.memref_slice %arg9[%dma_start3A_60, %dma_start3A_61, %dma_start3A_62] : memref<8x128x64xf32, #tpu.memory_space<vmem>> -> memref<1x128x64xf32, #tpu.memory_space<vmem>>
      %dma_start3A_64 = tpu.memref_squeeze %dma_start3A_63 : memref<1x128x64xf32, #tpu.memory_space<vmem>> -> memref<128x64xf32, #tpu.memory_space<vmem>>
      %dma_start3A_65 = arith.constant 0 : i32
      %dma_start3A_66 = tpu.memref_slice %arg7[%add3A_59, %dma_start3A_65] : memref<40x128xi32, #tpu.memory_space<vmem>> -> memref<1x128xi32, #tpu.memory_space<vmem>>
      %dma_start3A_67 = tpu.memref_squeeze %dma_start3A_66 : memref<1x128xi32, #tpu.memory_space<vmem>> -> memref<128xi32, #tpu.memory_space<vmem>>
      %dma_start3A_68 = arith.constant 0 : i32
      %dma_start3A_69 = arith.constant 0 : i32
      %dma_start3A_70 = tpu.memref_slice %arg2[%dma_start3A_68, %dma_start3A_69] : memref<10000x64xf32, #tpu.memory_space<hbm>> -> memref<10000x64xf32, #tpu.memory_space<hbm>>
      tpu.enqueue_indirect_dma source(%dma_start3A_70 : memref<10000x64xf32, #tpu.memory_space<hbm>>) target(%dma_start3A_64 : memref<128x64xf32, #tpu.memory_space<vmem>>) offsets(%dma_start3A_67 : memref<128xi32, #tpu.memory_space<vmem>>) semaphore(%arg13 : memref<!tpu.dma_semaphore, #tpu.memory_space<semaphore_mem>>)
      %add3A_71 = arith.constant 3 : i32
      %add3A_72 = arith.addi %mul3A_32, %add3A_71 : i32
      %dma_start3A_73 = arith.constant 3 : i32
      %dma_start3A_74 = arith.constant 0 : i32
      %dma_start3A_75 = arith.constant 0 : i32
      %dma_start3A_76 = tpu.memref_slice %arg9[%dma_start3A_73, %dma_start3A_74, %dma_start3A_75] : memref<8x128x64xf32, #tpu.memory_space<vmem>> -> memref<1x128x64xf32, #tpu.memory_space<vmem>>
      %dma_start3A_77 = tpu.memref_squeeze %dma_start3A_76 : memref<1x128x64xf32, #tpu.memory_space<vmem>> -> memref<128x64xf32, #tpu.memory_space<vmem>>
      %dma_start3A_78 = arith.constant 0 : i32
      %dma_start3A_79 = tpu.memref_slice %arg7[%add3A_72, %dma_start3A_78] : memref<40x128xi32, #tpu.memory_space<vmem>> -> memref<1x128xi32, #tpu.memory_space<vmem>>
      %dma_start3A_80 = tpu.memref_squeeze %dma_start3A_79 : memref<1x128xi32, #tpu.memory_space<vmem>> -> memref<128xi32, #tpu.memory_space<vmem>>
      %dma_start3A_81 = arith.constant 0 : i32
      %dma_start3A_82 = arith.constant 0 : i32
      %dma_start3A_83 = tpu.memref_slice %arg2[%dma_start3A_81, %dma_start3A_82] : memref<10000x64xf32, #tpu.memory_space<hbm>> -> memref<10000x64xf32, #tpu.memory_space<hbm>>
      tpu.enqueue_indirect_dma source(%dma_start3A_83 : memref<10000x64xf32, #tpu.memory_space<hbm>>) target(%dma_start3A_77 : memref<128x64xf32, #tpu.memory_space<vmem>>) offsets(%dma_start3A_80 : memref<128xi32, #tpu.memory_space<vmem>>) semaphore(%arg14 : memref<!tpu.dma_semaphore, #tpu.memory_space<semaphore_mem>>)
      %add3A_84 = arith.constant 4 : i32
      %add3A_85 = arith.addi %mul3A_32, %add3A_84 : i32
      %dma_start3A_86 = arith.constant 4 : i32
      %dma_start3A_87 = arith.constant 0 : i32
      %dma_start3A_88 = arith.constant 0 : i32
      %dma_start3A_89 = tpu.memref_slice %arg9[%dma_start3A_86, %dma_start3A_87, %dma_start3A_88] : memref<8x128x64xf32, #tpu.memory_space<vmem>> -> memref<1x128x64xf32, #tpu.memory_space<vmem>>
      %dma_start3A_90 = tpu.memref_squeeze %dma_start3A_89 : memref<1x128x64xf32, #tpu.memory_space<vmem>> -> memref<128x64xf32, #tpu.memory_space<vmem>>
      %dma_start3A_91 = arith.constant 0 : i32
      %dma_start3A_92 = tpu.memref_slice %arg7[%add3A_85, %dma_start3A_91] : memref<40x128xi32, #tpu.memory_space<vmem>> -> memref<1x128xi32, #tpu.memory_space<vmem>>
      %dma_start3A_93 = tpu.memref_squeeze %dma_start3A_92 : memref<1x128xi32, #tpu.memory_space<vmem>> -> memref<128xi32, #tpu.memory_space<vmem>>
      %dma_start3A_94 = arith.constant 0 : i32
      %dma_start3A_95 = arith.constant 0 : i32
      %dma_start3A_96 = tpu.memref_slice %arg2[%dma_start3A_94, %dma_start3A_95] : memref<10000x64xf32, #tpu.memory_space<hbm>> -> memref<10000x64xf32, #tpu.memory_space<hbm>>
      tpu.enqueue_indirect_dma source(%dma_start3A_96 : memref<10000x64xf32, #tpu.memory_space<hbm>>) target(%dma_start3A_90 : memref<128x64xf32, #tpu.memory_space<vmem>>) offsets(%dma_start3A_93 : memref<128xi32, #tpu.memory_space<vmem>>) semaphore(%arg15 : memref<!tpu.dma_semaphore, #tpu.memory_space<semaphore_mem>>)
      %add3A_97 = arith.constant 5 : i32
      %add3A_98 = arith.addi %mul3A_32, %add3A_97 : i32
      %dma_start3A_99 = arith.constant 5 : i32
      %dma_start3A_100 = arith.constant 0 : i32
      %dma_start3A_101 = arith.constant 0 : i32
      %dma_start3A_102 = tpu.memref_slice %arg9[%dma_start3A_99, %dma_start3A_100, %dma_start3A_101] : memref<8x128x64xf32, #tpu.memory_space<vmem>> -> memref<1x128x64xf32, #tpu.memory_space<vmem>>
      %dma_start3A_103 = tpu.memref_squeeze %dma_start3A_102 : memref<1x128x64xf32, #tpu.memory_space<vmem>> -> memref<128x64xf32, #tpu.memory_space<vmem>>
      %dma_start3A_104 = arith.constant 0 : i32
      %dma_start3A_105 = tpu.memref_slice %arg7[%add3A_98, %dma_start3A_104] : memref<40x128xi32, #tpu.memory_space<vmem>> -> memref<1x128xi32, #tpu.memory_space<vmem>>
      %dma_start3A_106 = tpu.memref_squeeze %dma_start3A_105 : memref<1x128xi32, #tpu.memory_space<vmem>> -> memref<128xi32, #tpu.memory_space<vmem>>
      %dma_start3A_107 = arith.constant 0 : i32
      %dma_start3A_108 = arith.constant 0 : i32
      %dma_start3A_109 = tpu.memref_slice %arg2[%dma_start3A_107, %dma_start3A_108] : memref<10000x64xf32, #tpu.memory_space<hbm>> -> memref<10000x64xf32, #tpu.memory_space<hbm>>
      tpu.enqueue_indirect_dma source(%dma_start3A_109 : memref<10000x64xf32, #tpu.memory_space<hbm>>) target(%dma_start3A_103 : memref<128x64xf32, #tpu.memory_space<vmem>>) offsets(%dma_start3A_106 : memref<128xi32, #tpu.memory_space<vmem>>) semaphore(%arg16 : memref<!tpu.dma_semaphore, #tpu.memory_space<semaphore_mem>>)
      %add3A_110 = arith.constant 6 : i32
      %add3A_111 = arith.addi %mul3A_32, %add3A_110 : i32
      %dma_start3A_112 = arith.constant 6 : i32
      %dma_start3A_113 = arith.constant 0 : i32
      %dma_start3A_114 = arith.constant 0 : i32
      %dma_start3A_115 = tpu.memref_slice %arg9[%dma_start3A_112, %dma_start3A_113, %dma_start3A_114] : memref<8x128x64xf32, #tpu.memory_space<vmem>> -> memref<1x128x64xf32, #tpu.memory_space<vmem>>
      %dma_start3A_116 = tpu.memref_squeeze %dma_start3A_115 : memref<1x128x64xf32, #tpu.memory_space<vmem>> -> memref<128x64xf32, #tpu.memory_space<vmem>>
      %dma_start3A_117 = arith.constant 0 : i32
      %dma_start3A_118 = tpu.memref_slice %arg7[%add3A_111, %dma_start3A_117] : memref<40x128xi32, #tpu.memory_space<vmem>> -> memref<1x128xi32, #tpu.memory_space<vmem>>
      %dma_start3A_119 = tpu.memref_squeeze %dma_start3A_118 : memref<1x128xi32, #tpu.memory_space<vmem>> -> memref<128xi32, #tpu.memory_space<vmem>>
      %dma_start3A_120 = arith.constant 0 : i32
      %dma_start3A_121 = arith.constant 0 : i32
      %dma_start3A_122 = tpu.memref_slice %arg2[%dma_start3A_120, %dma_start3A_121] : memref<10000x64xf32, #tpu.memory_space<hbm>> -> memref<10000x64xf32, #tpu.memory_space<hbm>>
      tpu.enqueue_indirect_dma source(%dma_start3A_122 : memref<10000x64xf32, #tpu.memory_space<hbm>>) target(%dma_start3A_116 : memref<128x64xf32, #tpu.memory_space<vmem>>) offsets(%dma_start3A_119 : memref<128xi32, #tpu.memory_space<vmem>>) semaphore(%arg17 : memref<!tpu.dma_semaphore, #tpu.memory_space<semaphore_mem>>)
      %add3A_123 = arith.constant 7 : i32
      %add3A_124 = arith.addi %mul3A_32, %add3A_123 : i32
      %dma_start3A_125 = arith.constant 7 : i32
      %dma_start3A_126 = arith.constant 0 : i32
      %dma_start3A_127 = arith.constant 0 : i32
      %dma_start3A_128 = tpu.memref_slice %arg9[%dma_start3A_125, %dma_start3A_126, %dma_start3A_127] : memref<8x128x64xf32, #tpu.memory_space<vmem>> -> memref<1x128x64xf32, #tpu.memory_space<vmem>>
      %dma_start3A_129 = tpu.memref_squeeze %dma_start3A_128 : memref<1x128x64xf32, #tpu.memory_space<vmem>> -> memref<128x64xf32, #tpu.memory_space<vmem>>
      %dma_start3A_130 = arith.constant 0 : i32
      %dma_start3A_131 = tpu.memref_slice %arg7[%add3A_124, %dma_start3A_130] : memref<40x128xi32, #tpu.memory_space<vmem>> -> memref<1x128xi32, #tpu.memory_space<vmem>>
      %dma_start3A_132 = tpu.memref_squeeze %dma_start3A_131 : memref<1x128xi32, #tpu.memory_space<vmem>> -> memref<128xi32, #tpu.memory_space<vmem>>
      %dma_start3A_133 = arith.constant 0 : i32
      %dma_start3A_134 = arith.constant 0 : i32
      %dma_start3A_135 = tpu.memref_slice %arg2[%dma_start3A_133, %dma_start3A_134] : memref<10000x64xf32, #tpu.memory_space<hbm>> -> memref<10000x64xf32, #tpu.memory_space<hbm>>
      tpu.enqueue_indirect_dma source(%dma_start3A_135 : memref<10000x64xf32, #tpu.memory_space<hbm>>) target(%dma_start3A_129 : memref<128x64xf32, #tpu.memory_space<vmem>>) offsets(%dma_start3A_132 : memref<128xi32, #tpu.memory_space<vmem>>) semaphore(%arg18 : memref<!tpu.dma_semaphore, #tpu.memory_space<semaphore_mem>>)
      %dma_wait3A = arith.constant 0 : i32
      %dma_wait3A_136 = arith.constant 0 : i32
      %dma_wait3A_137 = arith.constant 0 : i32
      %dma_wait3A_138 = tpu.memref_slice %arg9[%dma_wait3A, %dma_wait3A_136, %dma_wait3A_137] : memref<8x128x64xf32, #tpu.memory_space<vmem>> -> memref<1x128x64xf32, #tpu.memory_space<vmem>>
      %dma_wait3A_139 = tpu.memref_squeeze %dma_wait3A_138 : memref<1x128x64xf32, #tpu.memory_space<vmem>> -> memref<128x64xf32, #tpu.memory_space<vmem>>
      %dma_wait3A_140 = arith.constant 0 : i32
      %dma_wait3A_141 = tpu.memref_slice %arg7[%add3A_34, %dma_wait3A_140] : memref<40x128xi32, #tpu.memory_space<vmem>> -> memref<1x128xi32, #tpu.memory_space<vmem>>
      %dma_wait3A_142 = tpu.memref_squeeze %dma_wait3A_141 : memref<1x128xi32, #tpu.memory_space<vmem>> -> memref<128xi32, #tpu.memory_space<vmem>>
      %dma_wait3A_143 = arith.constant 0 : i32
      %dma_wait3A_144 = arith.constant 0 : i32
      %dma_wait3A_145 = tpu.memref_slice %arg2[%dma_wait3A_143, %dma_wait3A_144] : memref<10000x64xf32, #tpu.memory_space<hbm>> -> memref<10000x64xf32, #tpu.memory_space<hbm>>
      tpu.wait_indirect_dma semaphore(%arg11 : memref<!tpu.dma_semaphore, #tpu.memory_space<semaphore_mem>>) src(%dma_wait3A_145 : memref<10000x64xf32, #tpu.memory_space<hbm>>) dst(%dma_wait3A_139 : memref<128x64xf32, #tpu.memory_space<vmem>>)
      %add3A_146 = arith.constant 0 : i32
      %add3A_147 = arith.addi %mul3A_32, %add3A_146 : i32
      %run_scoped3A = arith.constant 0 : i32
      "tpu.region"() ({
        %run_scoped3A_246 = tpu.sem_alloc : memref<!tpu.dma_semaphore, #tpu.memory_space<semaphore_mem>>
        %dma_start3A_247 = arith.constant 0 : i32
        %dma_start3A_248 = arith.constant 0 : i32
        %dma_start3A_249 = tpu.memref_slice %arg9[%run_scoped3A, %dma_start3A_247, %dma_start3A_248] : memref<8x128x64xf32, #tpu.memory_space<vmem>> -> memref<1x128x64xf32, #tpu.memory_space<vmem>>
        %dma_start3A_250 = tpu.memref_squeeze %dma_start3A_249 : memref<1x128x64xf32, #tpu.memory_space<vmem>> -> memref<128x64xf32, #tpu.memory_space<vmem>>
        %dma_start3A_251 = arith.constant 0 : i32
        %dma_start3A_252 = tpu.memref_slice %arg8[%add3A_147, %dma_start3A_251] : memref<40x128xi32, #tpu.memory_space<vmem>> -> memref<1x128xi32, #tpu.memory_space<vmem>>
        %dma_start3A_253 = tpu.memref_squeeze %dma_start3A_252 : memref<1x128xi32, #tpu.memory_space<vmem>> -> memref<128xi32, #tpu.memory_space<vmem>>
        %dma_start3A_254 = arith.constant 0 : i32
        %dma_start3A_255 = arith.constant 0 : i32
        %dma_start3A_256 = tpu.memref_slice %arg6[%dma_start3A_254, %dma_start3A_255] : memref<10240x64xf32, #tpu.memory_space<vmem_shared>> -> memref<10240x64xf32, #tpu.memory_space<vmem_shared>>
        tpu.enqueue_indirect_dma source(%dma_start3A_250 : memref<128x64xf32, #tpu.memory_space<vmem>>) target(%dma_start3A_256 : memref<10240x64xf32, #tpu.memory_space<vmem_shared>>) offsets(%dma_start3A_253 : memref<128xi32, #tpu.memory_space<vmem>>) semaphore(%run_scoped3A_246 : memref<!tpu.dma_semaphore, #tpu.memory_space<semaphore_mem>>) {add = true}
        %dma_wait3A_257 = arith.constant 0 : i32
        %dma_wait3A_258 = arith.constant 0 : i32
        %dma_wait3A_259 = tpu.memref_slice %arg9[%run_scoped3A, %dma_wait3A_257, %dma_wait3A_258] : memref<8x128x64xf32, #tpu.memory_space<vmem>> -> memref<1x128x64xf32, #tpu.memory_space<vmem>>
        %dma_wait3A_260 = tpu.memref_squeeze %dma_wait3A_259 : memref<1x128x64xf32, #tpu.memory_space<vmem>> -> memref<128x64xf32, #tpu.memory_space<vmem>>
        %dma_wait3A_261 = arith.constant 0 : i32
        %dma_wait3A_262 = tpu.memref_slice %arg8[%add3A_147, %dma_wait3A_261] : memref<40x128xi32, #tpu.memory_space<vmem>> -> memref<1x128xi32, #tpu.memory_space<vmem>>
        %dma_wait3A_263 = tpu.memref_squeeze %dma_wait3A_262 : memref<1x128xi32, #tpu.memory_space<vmem>> -> memref<128xi32, #tpu.memory_space<vmem>>
        %dma_wait3A_264 = arith.constant 0 : i32
        %dma_wait3A_265 = arith.constant 0 : i32
        %dma_wait3A_266 = tpu.memref_slice %arg6[%dma_wait3A_264, %dma_wait3A_265] : memref<10240x64xf32, #tpu.memory_space<vmem_shared>> -> memref<10240x64xf32, #tpu.memory_space<vmem_shared>>
        tpu.wait_indirect_dma semaphore(%run_scoped3A_246 : memref<!tpu.dma_semaphore, #tpu.memory_space<semaphore_mem>>) src(%dma_wait3A_260 : memref<128x64xf32, #tpu.memory_space<vmem>>) dst(%dma_wait3A_266 : memref<10240x64xf32, #tpu.memory_space<vmem_shared>>)
        tpu.yield
      }) : () -> ()
      %dma_wait3A_148 = arith.constant 1 : i32
      %dma_wait3A_149 = arith.constant 0 : i32
      %dma_wait3A_150 = arith.constant 0 : i32
      %dma_wait3A_151 = tpu.memref_slice %arg9[%dma_wait3A_148, %dma_wait3A_149, %dma_wait3A_150] : memref<8x128x64xf32, #tpu.memory_space<vmem>> -> memref<1x128x64xf32, #tpu.memory_space<vmem>>
      %dma_wait3A_152 = tpu.memref_squeeze %dma_wait3A_151 : memref<1x128x64xf32, #tpu.memory_space<vmem>> -> memref<128x64xf32, #tpu.memory_space<vmem>>
      %dma_wait3A_153 = arith.constant 0 : i32
      %dma_wait3A_154 = tpu.memref_slice %arg7[%add3A_46, %dma_wait3A_153] : memref<40x128xi32, #tpu.memory_space<vmem>> -> memref<1x128xi32, #tpu.memory_space<vmem>>
      %dma_wait3A_155 = tpu.memref_squeeze %dma_wait3A_154 : memref<1x128xi32, #tpu.memory_space<vmem>> -> memref<128xi32, #tpu.memory_space<vmem>>
      %dma_wait3A_156 = arith.constant 0 : i32
      %dma_wait3A_157 = arith.constant 0 : i32
      %dma_wait3A_158 = tpu.memref_slice %arg2[%dma_wait3A_156, %dma_wait3A_157] : memref<10000x64xf32, #tpu.memory_space<hbm>> -> memref<10000x64xf32, #tpu.memory_space<hbm>>
      tpu.wait_indirect_dma semaphore(%arg12 : memref<!tpu.dma_semaphore, #tpu.memory_space<semaphore_mem>>) src(%dma_wait3A_158 : memref<10000x64xf32, #tpu.memory_space<hbm>>) dst(%dma_wait3A_152 : memref<128x64xf32, #tpu.memory_space<vmem>>)
      %add3A_159 = arith.constant 1 : i32
      %add3A_160 = arith.addi %mul3A_32, %add3A_159 : i32
      %run_scoped3A_161 = arith.constant 1 : i32
      "tpu.region"() ({
        %run_scoped3A_246 = tpu.sem_alloc : memref<!tpu.dma_semaphore, #tpu.memory_space<semaphore_mem>>
        %dma_start3A_247 = arith.constant 0 : i32
        %dma_start3A_248 = arith.constant 0 : i32
        %dma_start3A_249 = tpu.memref_slice %arg9[%run_scoped3A_161, %dma_start3A_247, %dma_start3A_248] : memref<8x128x64xf32, #tpu.memory_space<vmem>> -> memref<1x128x64xf32, #tpu.memory_space<vmem>>
        %dma_start3A_250 = tpu.memref_squeeze %dma_start3A_249 : memref<1x128x64xf32, #tpu.memory_space<vmem>> -> memref<128x64xf32, #tpu.memory_space<vmem>>
        %dma_start3A_251 = arith.constant 0 : i32
        %dma_start3A_252 = tpu.memref_slice %arg8[%add3A_160, %dma_start3A_251] : memref<40x128xi32, #tpu.memory_space<vmem>> -> memref<1x128xi32, #tpu.memory_space<vmem>>
        %dma_start3A_253 = tpu.memref_squeeze %dma_start3A_252 : memref<1x128xi32, #tpu.memory_space<vmem>> -> memref<128xi32, #tpu.memory_space<vmem>>
        %dma_start3A_254 = arith.constant 0 : i32
        %dma_start3A_255 = arith.constant 0 : i32
        %dma_start3A_256 = tpu.memref_slice %arg6[%dma_start3A_254, %dma_start3A_255] : memref<10240x64xf32, #tpu.memory_space<vmem_shared>> -> memref<10240x64xf32, #tpu.memory_space<vmem_shared>>
        tpu.enqueue_indirect_dma source(%dma_start3A_250 : memref<128x64xf32, #tpu.memory_space<vmem>>) target(%dma_start3A_256 : memref<10240x64xf32, #tpu.memory_space<vmem_shared>>) offsets(%dma_start3A_253 : memref<128xi32, #tpu.memory_space<vmem>>) semaphore(%run_scoped3A_246 : memref<!tpu.dma_semaphore, #tpu.memory_space<semaphore_mem>>) {add = true}
        %dma_wait3A_257 = arith.constant 0 : i32
        %dma_wait3A_258 = arith.constant 0 : i32
        %dma_wait3A_259 = tpu.memref_slice %arg9[%run_scoped3A_161, %dma_wait3A_257, %dma_wait3A_258] : memref<8x128x64xf32, #tpu.memory_space<vmem>> -> memref<1x128x64xf32, #tpu.memory_space<vmem>>
        %dma_wait3A_260 = tpu.memref_squeeze %dma_wait3A_259 : memref<1x128x64xf32, #tpu.memory_space<vmem>> -> memref<128x64xf32, #tpu.memory_space<vmem>>
        %dma_wait3A_261 = arith.constant 0 : i32
        %dma_wait3A_262 = tpu.memref_slice %arg8[%add3A_160, %dma_wait3A_261] : memref<40x128xi32, #tpu.memory_space<vmem>> -> memref<1x128xi32, #tpu.memory_space<vmem>>
        %dma_wait3A_263 = tpu.memref_squeeze %dma_wait3A_262 : memref<1x128xi32, #tpu.memory_space<vmem>> -> memref<128xi32, #tpu.memory_space<vmem>>
        %dma_wait3A_264 = arith.constant 0 : i32
        %dma_wait3A_265 = arith.constant 0 : i32
        %dma_wait3A_266 = tpu.memref_slice %arg6[%dma_wait3A_264, %dma_wait3A_265] : memref<10240x64xf32, #tpu.memory_space<vmem_shared>> -> memref<10240x64xf32, #tpu.memory_space<vmem_shared>>
        tpu.wait_indirect_dma semaphore(%run_scoped3A_246 : memref<!tpu.dma_semaphore, #tpu.memory_space<semaphore_mem>>) src(%dma_wait3A_260 : memref<128x64xf32, #tpu.memory_space<vmem>>) dst(%dma_wait3A_266 : memref<10240x64xf32, #tpu.memory_space<vmem_shared>>)
        tpu.yield
      }) : () -> ()
      %dma_wait3A_162 = arith.constant 2 : i32
      %dma_wait3A_163 = arith.constant 0 : i32
      %dma_wait3A_164 = arith.constant 0 : i32
      %dma_wait3A_165 = tpu.memref_slice %arg9[%dma_wait3A_162, %dma_wait3A_163, %dma_wait3A_164] : memref<8x128x64xf32, #tpu.memory_space<vmem>> -> memref<1x128x64xf32, #tpu.memory_space<vmem>>
      %dma_wait3A_166 = tpu.memref_squeeze %dma_wait3A_165 : memref<1x128x64xf32, #tpu.memory_space<vmem>> -> memref<128x64xf32, #tpu.memory_space<vmem>>
      %dma_wait3A_167 = arith.constant 0 : i32
      %dma_wait3A_168 = tpu.memref_slice %arg7[%add3A_59, %dma_wait3A_167] : memref<40x128xi32, #tpu.memory_space<vmem>> -> memref<1x128xi32, #tpu.memory_space<vmem>>
      %dma_wait3A_169 = tpu.memref_squeeze %dma_wait3A_168 : memref<1x128xi32, #tpu.memory_space<vmem>> -> memref<128xi32, #tpu.memory_space<vmem>>
      %dma_wait3A_170 = arith.constant 0 : i32
      %dma_wait3A_171 = arith.constant 0 : i32
      %dma_wait3A_172 = tpu.memref_slice %arg2[%dma_wait3A_170, %dma_wait3A_171] : memref<10000x64xf32, #tpu.memory_space<hbm>> -> memref<10000x64xf32, #tpu.memory_space<hbm>>
      tpu.wait_indirect_dma semaphore(%arg13 : memref<!tpu.dma_semaphore, #tpu.memory_space<semaphore_mem>>) src(%dma_wait3A_172 : memref<10000x64xf32, #tpu.memory_space<hbm>>) dst(%dma_wait3A_166 : memref<128x64xf32, #tpu.memory_space<vmem>>)
      %add3A_173 = arith.constant 2 : i32
      %add3A_174 = arith.addi %mul3A_32, %add3A_173 : i32
      %run_scoped3A_175 = arith.constant 2 : i32
      "tpu.region"() ({
        %run_scoped3A_246 = tpu.sem_alloc : memref<!tpu.dma_semaphore, #tpu.memory_space<semaphore_mem>>
        %dma_start3A_247 = arith.constant 0 : i32
        %dma_start3A_248 = arith.constant 0 : i32
        %dma_start3A_249 = tpu.memref_slice %arg9[%run_scoped3A_175, %dma_start3A_247, %dma_start3A_248] : memref<8x128x64xf32, #tpu.memory_space<vmem>> -> memref<1x128x64xf32, #tpu.memory_space<vmem>>
        %dma_start3A_250 = tpu.memref_squeeze %dma_start3A_249 : memref<1x128x64xf32, #tpu.memory_space<vmem>> -> memref<128x64xf32, #tpu.memory_space<vmem>>
        %dma_start3A_251 = arith.constant 0 : i32
        %dma_start3A_252 = tpu.memref_slice %arg8[%add3A_174, %dma_start3A_251] : memref<40x128xi32, #tpu.memory_space<vmem>> -> memref<1x128xi32, #tpu.memory_space<vmem>>
        %dma_start3A_253 = tpu.memref_squeeze %dma_start3A_252 : memref<1x128xi32, #tpu.memory_space<vmem>> -> memref<128xi32, #tpu.memory_space<vmem>>
        %dma_start3A_254 = arith.constant 0 : i32
        %dma_start3A_255 = arith.constant 0 : i32
        %dma_start3A_256 = tpu.memref_slice %arg6[%dma_start3A_254, %dma_start3A_255] : memref<10240x64xf32, #tpu.memory_space<vmem_shared>> -> memref<10240x64xf32, #tpu.memory_space<vmem_shared>>
        tpu.enqueue_indirect_dma source(%dma_start3A_250 : memref<128x64xf32, #tpu.memory_space<vmem>>) target(%dma_start3A_256 : memref<10240x64xf32, #tpu.memory_space<vmem_shared>>) offsets(%dma_start3A_253 : memref<128xi32, #tpu.memory_space<vmem>>) semaphore(%run_scoped3A_246 : memref<!tpu.dma_semaphore, #tpu.memory_space<semaphore_mem>>) {add = true}
        %dma_wait3A_257 = arith.constant 0 : i32
        %dma_wait3A_258 = arith.constant 0 : i32
        %dma_wait3A_259 = tpu.memref_slice %arg9[%run_scoped3A_175, %dma_wait3A_257, %dma_wait3A_258] : memref<8x128x64xf32, #tpu.memory_space<vmem>> -> memref<1x128x64xf32, #tpu.memory_space<vmem>>
        %dma_wait3A_260 = tpu.memref_squeeze %dma_wait3A_259 : memref<1x128x64xf32, #tpu.memory_space<vmem>> -> memref<128x64xf32, #tpu.memory_space<vmem>>
        %dma_wait3A_261 = arith.constant 0 : i32
        %dma_wait3A_262 = tpu.memref_slice %arg8[%add3A_174, %dma_wait3A_261] : memref<40x128xi32, #tpu.memory_space<vmem>> -> memref<1x128xi32, #tpu.memory_space<vmem>>
        %dma_wait3A_263 = tpu.memref_squeeze %dma_wait3A_262 : memref<1x128xi32, #tpu.memory_space<vmem>> -> memref<128xi32, #tpu.memory_space<vmem>>
        %dma_wait3A_264 = arith.constant 0 : i32
        %dma_wait3A_265 = arith.constant 0 : i32
        %dma_wait3A_266 = tpu.memref_slice %arg6[%dma_wait3A_264, %dma_wait3A_265] : memref<10240x64xf32, #tpu.memory_space<vmem_shared>> -> memref<10240x64xf32, #tpu.memory_space<vmem_shared>>
        tpu.wait_indirect_dma semaphore(%run_scoped3A_246 : memref<!tpu.dma_semaphore, #tpu.memory_space<semaphore_mem>>) src(%dma_wait3A_260 : memref<128x64xf32, #tpu.memory_space<vmem>>) dst(%dma_wait3A_266 : memref<10240x64xf32, #tpu.memory_space<vmem_shared>>)
        tpu.yield
      }) : () -> ()
      %dma_wait3A_176 = arith.constant 3 : i32
      %dma_wait3A_177 = arith.constant 0 : i32
      %dma_wait3A_178 = arith.constant 0 : i32
      %dma_wait3A_179 = tpu.memref_slice %arg9[%dma_wait3A_176, %dma_wait3A_177, %dma_wait3A_178] : memref<8x128x64xf32, #tpu.memory_space<vmem>> -> memref<1x128x64xf32, #tpu.memory_space<vmem>>
      %dma_wait3A_180 = tpu.memref_squeeze %dma_wait3A_179 : memref<1x128x64xf32, #tpu.memory_space<vmem>> -> memref<128x64xf32, #tpu.memory_space<vmem>>
      %dma_wait3A_181 = arith.constant 0 : i32
      %dma_wait3A_182 = tpu.memref_slice %arg7[%add3A_72, %dma_wait3A_181] : memref<40x128xi32, #tpu.memory_space<vmem>> -> memref<1x128xi32, #tpu.memory_space<vmem>>
      %dma_wait3A_183 = tpu.memref_squeeze %dma_wait3A_182 : memref<1x128xi32, #tpu.memory_space<vmem>> -> memref<128xi32, #tpu.memory_space<vmem>>
      %dma_wait3A_184 = arith.constant 0 : i32
      %dma_wait3A_185 = arith.constant 0 : i32
      %dma_wait3A_186 = tpu.memref_slice %arg2[%dma_wait3A_184, %dma_wait3A_185] : memref<10000x64xf32, #tpu.memory_space<hbm>> -> memref<10000x64xf32, #tpu.memory_space<hbm>>
      tpu.wait_indirect_dma semaphore(%arg14 : memref<!tpu.dma_semaphore, #tpu.memory_space<semaphore_mem>>) src(%dma_wait3A_186 : memref<10000x64xf32, #tpu.memory_space<hbm>>) dst(%dma_wait3A_180 : memref<128x64xf32, #tpu.memory_space<vmem>>)
      %add3A_187 = arith.constant 3 : i32
      %add3A_188 = arith.addi %mul3A_32, %add3A_187 : i32
      %run_scoped3A_189 = arith.constant 3 : i32
      "tpu.region"() ({
        %run_scoped3A_246 = tpu.sem_alloc : memref<!tpu.dma_semaphore, #tpu.memory_space<semaphore_mem>>
        %dma_start3A_247 = arith.constant 0 : i32
        %dma_start3A_248 = arith.constant 0 : i32
        %dma_start3A_249 = tpu.memref_slice %arg9[%run_scoped3A_189, %dma_start3A_247, %dma_start3A_248] : memref<8x128x64xf32, #tpu.memory_space<vmem>> -> memref<1x128x64xf32, #tpu.memory_space<vmem>>
        %dma_start3A_250 = tpu.memref_squeeze %dma_start3A_249 : memref<1x128x64xf32, #tpu.memory_space<vmem>> -> memref<128x64xf32, #tpu.memory_space<vmem>>
        %dma_start3A_251 = arith.constant 0 : i32
        %dma_start3A_252 = tpu.memref_slice %arg8[%add3A_188, %dma_start3A_251] : memref<40x128xi32, #tpu.memory_space<vmem>> -> memref<1x128xi32, #tpu.memory_space<vmem>>
        %dma_start3A_253 = tpu.memref_squeeze %dma_start3A_252 : memref<1x128xi32, #tpu.memory_space<vmem>> -> memref<128xi32, #tpu.memory_space<vmem>>
        %dma_start3A_254 = arith.constant 0 : i32
        %dma_start3A_255 = arith.constant 0 : i32
        %dma_start3A_256 = tpu.memref_slice %arg6[%dma_start3A_254, %dma_start3A_255] : memref<10240x64xf32, #tpu.memory_space<vmem_shared>> -> memref<10240x64xf32, #tpu.memory_space<vmem_shared>>
        tpu.enqueue_indirect_dma source(%dma_start3A_250 : memref<128x64xf32, #tpu.memory_space<vmem>>) target(%dma_start3A_256 : memref<10240x64xf32, #tpu.memory_space<vmem_shared>>) offsets(%dma_start3A_253 : memref<128xi32, #tpu.memory_space<vmem>>) semaphore(%run_scoped3A_246 : memref<!tpu.dma_semaphore, #tpu.memory_space<semaphore_mem>>) {add = true}
        %dma_wait3A_257 = arith.constant 0 : i32
        %dma_wait3A_258 = arith.constant 0 : i32
        %dma_wait3A_259 = tpu.memref_slice %arg9[%run_scoped3A_189, %dma_wait3A_257, %dma_wait3A_258] : memref<8x128x64xf32, #tpu.memory_space<vmem>> -> memref<1x128x64xf32, #tpu.memory_space<vmem>>
        %dma_wait3A_260 = tpu.memref_squeeze %dma_wait3A_259 : memref<1x128x64xf32, #tpu.memory_space<vmem>> -> memref<128x64xf32, #tpu.memory_space<vmem>>
        %dma_wait3A_261 = arith.constant 0 : i32
        %dma_wait3A_262 = tpu.memref_slice %arg8[%add3A_188, %dma_wait3A_261] : memref<40x128xi32, #tpu.memory_space<vmem>> -> memref<1x128xi32, #tpu.memory_space<vmem>>
        %dma_wait3A_263 = tpu.memref_squeeze %dma_wait3A_262 : memref<1x128xi32, #tpu.memory_space<vmem>> -> memref<128xi32, #tpu.memory_space<vmem>>
        %dma_wait3A_264 = arith.constant 0 : i32
        %dma_wait3A_265 = arith.constant 0 : i32
        %dma_wait3A_266 = tpu.memref_slice %arg6[%dma_wait3A_264, %dma_wait3A_265] : memref<10240x64xf32, #tpu.memory_space<vmem_shared>> -> memref<10240x64xf32, #tpu.memory_space<vmem_shared>>
        tpu.wait_indirect_dma semaphore(%run_scoped3A_246 : memref<!tpu.dma_semaphore, #tpu.memory_space<semaphore_mem>>) src(%dma_wait3A_260 : memref<128x64xf32, #tpu.memory_space<vmem>>) dst(%dma_wait3A_266 : memref<10240x64xf32, #tpu.memory_space<vmem_shared>>)
        tpu.yield
      }) : () -> ()
      %dma_wait3A_190 = arith.constant 4 : i32
      %dma_wait3A_191 = arith.constant 0 : i32
      %dma_wait3A_192 = arith.constant 0 : i32
      %dma_wait3A_193 = tpu.memref_slice %arg9[%dma_wait3A_190, %dma_wait3A_191, %dma_wait3A_192] : memref<8x128x64xf32, #tpu.memory_space<vmem>> -> memref<1x128x64xf32, #tpu.memory_space<vmem>>
      %dma_wait3A_194 = tpu.memref_squeeze %dma_wait3A_193 : memref<1x128x64xf32, #tpu.memory_space<vmem>> -> memref<128x64xf32, #tpu.memory_space<vmem>>
      %dma_wait3A_195 = arith.constant 0 : i32
      %dma_wait3A_196 = tpu.memref_slice %arg7[%add3A_85, %dma_wait3A_195] : memref<40x128xi32, #tpu.memory_space<vmem>> -> memref<1x128xi32, #tpu.memory_space<vmem>>
      %dma_wait3A_197 = tpu.memref_squeeze %dma_wait3A_196 : memref<1x128xi32, #tpu.memory_space<vmem>> -> memref<128xi32, #tpu.memory_space<vmem>>
      %dma_wait3A_198 = arith.constant 0 : i32
      %dma_wait3A_199 = arith.constant 0 : i32
      %dma_wait3A_200 = tpu.memref_slice %arg2[%dma_wait3A_198, %dma_wait3A_199] : memref<10000x64xf32, #tpu.memory_space<hbm>> -> memref<10000x64xf32, #tpu.memory_space<hbm>>
      tpu.wait_indirect_dma semaphore(%arg15 : memref<!tpu.dma_semaphore, #tpu.memory_space<semaphore_mem>>) src(%dma_wait3A_200 : memref<10000x64xf32, #tpu.memory_space<hbm>>) dst(%dma_wait3A_194 : memref<128x64xf32, #tpu.memory_space<vmem>>)
      %add3A_201 = arith.constant 4 : i32
      %add3A_202 = arith.addi %mul3A_32, %add3A_201 : i32
      %run_scoped3A_203 = arith.constant 4 : i32
      "tpu.region"() ({
        %run_scoped3A_246 = tpu.sem_alloc : memref<!tpu.dma_semaphore, #tpu.memory_space<semaphore_mem>>
        %dma_start3A_247 = arith.constant 0 : i32
        %dma_start3A_248 = arith.constant 0 : i32
        %dma_start3A_249 = tpu.memref_slice %arg9[%run_scoped3A_203, %dma_start3A_247, %dma_start3A_248] : memref<8x128x64xf32, #tpu.memory_space<vmem>> -> memref<1x128x64xf32, #tpu.memory_space<vmem>>
        %dma_start3A_250 = tpu.memref_squeeze %dma_start3A_249 : memref<1x128x64xf32, #tpu.memory_space<vmem>> -> memref<128x64xf32, #tpu.memory_space<vmem>>
        %dma_start3A_251 = arith.constant 0 : i32
        %dma_start3A_252 = tpu.memref_slice %arg8[%add3A_202, %dma_start3A_251] : memref<40x128xi32, #tpu.memory_space<vmem>> -> memref<1x128xi32, #tpu.memory_space<vmem>>
        %dma_start3A_253 = tpu.memref_squeeze %dma_start3A_252 : memref<1x128xi32, #tpu.memory_space<vmem>> -> memref<128xi32, #tpu.memory_space<vmem>>
        %dma_start3A_254 = arith.constant 0 : i32
        %dma_start3A_255 = arith.constant 0 : i32
        %dma_start3A_256 = tpu.memref_slice %arg6[%dma_start3A_254, %dma_start3A_255] : memref<10240x64xf32, #tpu.memory_space<vmem_shared>> -> memref<10240x64xf32, #tpu.memory_space<vmem_shared>>
        tpu.enqueue_indirect_dma source(%dma_start3A_250 : memref<128x64xf32, #tpu.memory_space<vmem>>) target(%dma_start3A_256 : memref<10240x64xf32, #tpu.memory_space<vmem_shared>>) offsets(%dma_start3A_253 : memref<128xi32, #tpu.memory_space<vmem>>) semaphore(%run_scoped3A_246 : memref<!tpu.dma_semaphore, #tpu.memory_space<semaphore_mem>>) {add = true}
        %dma_wait3A_257 = arith.constant 0 : i32
        %dma_wait3A_258 = arith.constant 0 : i32
        %dma_wait3A_259 = tpu.memref_slice %arg9[%run_scoped3A_203, %dma_wait3A_257, %dma_wait3A_258] : memref<8x128x64xf32, #tpu.memory_space<vmem>> -> memref<1x128x64xf32, #tpu.memory_space<vmem>>
        %dma_wait3A_260 = tpu.memref_squeeze %dma_wait3A_259 : memref<1x128x64xf32, #tpu.memory_space<vmem>> -> memref<128x64xf32, #tpu.memory_space<vmem>>
        %dma_wait3A_261 = arith.constant 0 : i32
        %dma_wait3A_262 = tpu.memref_slice %arg8[%add3A_202, %dma_wait3A_261] : memref<40x128xi32, #tpu.memory_space<vmem>> -> memref<1x128xi32, #tpu.memory_space<vmem>>
        %dma_wait3A_263 = tpu.memref_squeeze %dma_wait3A_262 : memref<1x128xi32, #tpu.memory_space<vmem>> -> memref<128xi32, #tpu.memory_space<vmem>>
        %dma_wait3A_264 = arith.constant 0 : i32
        %dma_wait3A_265 = arith.constant 0 : i32
        %dma_wait3A_266 = tpu.memref_slice %arg6[%dma_wait3A_264, %dma_wait3A_265] : memref<10240x64xf32, #tpu.memory_space<vmem_shared>> -> memref<10240x64xf32, #tpu.memory_space<vmem_shared>>
        tpu.wait_indirect_dma semaphore(%run_scoped3A_246 : memref<!tpu.dma_semaphore, #tpu.memory_space<semaphore_mem>>) src(%dma_wait3A_260 : memref<128x64xf32, #tpu.memory_space<vmem>>) dst(%dma_wait3A_266 : memref<10240x64xf32, #tpu.memory_space<vmem_shared>>)
        tpu.yield
      }) : () -> ()
      %dma_wait3A_204 = arith.constant 5 : i32
      %dma_wait3A_205 = arith.constant 0 : i32
      %dma_wait3A_206 = arith.constant 0 : i32
      %dma_wait3A_207 = tpu.memref_slice %arg9[%dma_wait3A_204, %dma_wait3A_205, %dma_wait3A_206] : memref<8x128x64xf32, #tpu.memory_space<vmem>> -> memref<1x128x64xf32, #tpu.memory_space<vmem>>
      %dma_wait3A_208 = tpu.memref_squeeze %dma_wait3A_207 : memref<1x128x64xf32, #tpu.memory_space<vmem>> -> memref<128x64xf32, #tpu.memory_space<vmem>>
      %dma_wait3A_209 = arith.constant 0 : i32
      %dma_wait3A_210 = tpu.memref_slice %arg7[%add3A_98, %dma_wait3A_209] : memref<40x128xi32, #tpu.memory_space<vmem>> -> memref<1x128xi32, #tpu.memory_space<vmem>>
      %dma_wait3A_211 = tpu.memref_squeeze %dma_wait3A_210 : memref<1x128xi32, #tpu.memory_space<vmem>> -> memref<128xi32, #tpu.memory_space<vmem>>
      %dma_wait3A_212 = arith.constant 0 : i32
      %dma_wait3A_213 = arith.constant 0 : i32
      %dma_wait3A_214 = tpu.memref_slice %arg2[%dma_wait3A_212, %dma_wait3A_213] : memref<10000x64xf32, #tpu.memory_space<hbm>> -> memref<10000x64xf32, #tpu.memory_space<hbm>>
      tpu.wait_indirect_dma semaphore(%arg16 : memref<!tpu.dma_semaphore, #tpu.memory_space<semaphore_mem>>) src(%dma_wait3A_214 : memref<10000x64xf32, #tpu.memory_space<hbm>>) dst(%dma_wait3A_208 : memref<128x64xf32, #tpu.memory_space<vmem>>)
      %add3A_215 = arith.constant 5 : i32
      %add3A_216 = arith.addi %mul3A_32, %add3A_215 : i32
      %run_scoped3A_217 = arith.constant 5 : i32
      "tpu.region"() ({
        %run_scoped3A_246 = tpu.sem_alloc : memref<!tpu.dma_semaphore, #tpu.memory_space<semaphore_mem>>
        %dma_start3A_247 = arith.constant 0 : i32
        %dma_start3A_248 = arith.constant 0 : i32
        %dma_start3A_249 = tpu.memref_slice %arg9[%run_scoped3A_217, %dma_start3A_247, %dma_start3A_248] : memref<8x128x64xf32, #tpu.memory_space<vmem>> -> memref<1x128x64xf32, #tpu.memory_space<vmem>>
        %dma_start3A_250 = tpu.memref_squeeze %dma_start3A_249 : memref<1x128x64xf32, #tpu.memory_space<vmem>> -> memref<128x64xf32, #tpu.memory_space<vmem>>
        %dma_start3A_251 = arith.constant 0 : i32
        %dma_start3A_252 = tpu.memref_slice %arg8[%add3A_216, %dma_start3A_251] : memref<40x128xi32, #tpu.memory_space<vmem>> -> memref<1x128xi32, #tpu.memory_space<vmem>>
        %dma_start3A_253 = tpu.memref_squeeze %dma_start3A_252 : memref<1x128xi32, #tpu.memory_space<vmem>> -> memref<128xi32, #tpu.memory_space<vmem>>
        %dma_start3A_254 = arith.constant 0 : i32
        %dma_start3A_255 = arith.constant 0 : i32
        %dma_start3A_256 = tpu.memref_slice %arg6[%dma_start3A_254, %dma_start3A_255] : memref<10240x64xf32, #tpu.memory_space<vmem_shared>> -> memref<10240x64xf32, #tpu.memory_space<vmem_shared>>
        tpu.enqueue_indirect_dma source(%dma_start3A_250 : memref<128x64xf32, #tpu.memory_space<vmem>>) target(%dma_start3A_256 : memref<10240x64xf32, #tpu.memory_space<vmem_shared>>) offsets(%dma_start3A_253 : memref<128xi32, #tpu.memory_space<vmem>>) semaphore(%run_scoped3A_246 : memref<!tpu.dma_semaphore, #tpu.memory_space<semaphore_mem>>) {add = true}
        %dma_wait3A_257 = arith.constant 0 : i32
        %dma_wait3A_258 = arith.constant 0 : i32
        %dma_wait3A_259 = tpu.memref_slice %arg9[%run_scoped3A_217, %dma_wait3A_257, %dma_wait3A_258] : memref<8x128x64xf32, #tpu.memory_space<vmem>> -> memref<1x128x64xf32, #tpu.memory_space<vmem>>
        %dma_wait3A_260 = tpu.memref_squeeze %dma_wait3A_259 : memref<1x128x64xf32, #tpu.memory_space<vmem>> -> memref<128x64xf32, #tpu.memory_space<vmem>>
        %dma_wait3A_261 = arith.constant 0 : i32
        %dma_wait3A_262 = tpu.memref_slice %arg8[%add3A_216, %dma_wait3A_261] : memref<40x128xi32, #tpu.memory_space<vmem>> -> memref<1x128xi32, #tpu.memory_space<vmem>>
        %dma_wait3A_263 = tpu.memref_squeeze %dma_wait3A_262 : memref<1x128xi32, #tpu.memory_space<vmem>> -> memref<128xi32, #tpu.memory_space<vmem>>
        %dma_wait3A_264 = arith.constant 0 : i32
        %dma_wait3A_265 = arith.constant 0 : i32
        %dma_wait3A_266 = tpu.memref_slice %arg6[%dma_wait3A_264, %dma_wait3A_265] : memref<10240x64xf32, #tpu.memory_space<vmem_shared>> -> memref<10240x64xf32, #tpu.memory_space<vmem_shared>>
        tpu.wait_indirect_dma semaphore(%run_scoped3A_246 : memref<!tpu.dma_semaphore, #tpu.memory_space<semaphore_mem>>) src(%dma_wait3A_260 : memref<128x64xf32, #tpu.memory_space<vmem>>) dst(%dma_wait3A_266 : memref<10240x64xf32, #tpu.memory_space<vmem_shared>>)
        tpu.yield
      }) : () -> ()
      %dma_wait3A_218 = arith.constant 6 : i32
      %dma_wait3A_219 = arith.constant 0 : i32
      %dma_wait3A_220 = arith.constant 0 : i32
      %dma_wait3A_221 = tpu.memref_slice %arg9[%dma_wait3A_218, %dma_wait3A_219, %dma_wait3A_220] : memref<8x128x64xf32, #tpu.memory_space<vmem>> -> memref<1x128x64xf32, #tpu.memory_space<vmem>>
      %dma_wait3A_222 = tpu.memref_squeeze %dma_wait3A_221 : memref<1x128x64xf32, #tpu.memory_space<vmem>> -> memref<128x64xf32, #tpu.memory_space<vmem>>
      %dma_wait3A_223 = arith.constant 0 : i32
      %dma_wait3A_224 = tpu.memref_slice %arg7[%add3A_111, %dma_wait3A_223] : memref<40x128xi32, #tpu.memory_space<vmem>> -> memref<1x128xi32, #tpu.memory_space<vmem>>
      %dma_wait3A_225 = tpu.memref_squeeze %dma_wait3A_224 : memref<1x128xi32, #tpu.memory_space<vmem>> -> memref<128xi32, #tpu.memory_space<vmem>>
      %dma_wait3A_226 = arith.constant 0 : i32
      %dma_wait3A_227 = arith.constant 0 : i32
      %dma_wait3A_228 = tpu.memref_slice %arg2[%dma_wait3A_226, %dma_wait3A_227] : memref<10000x64xf32, #tpu.memory_space<hbm>> -> memref<10000x64xf32, #tpu.memory_space<hbm>>
      tpu.wait_indirect_dma semaphore(%arg17 : memref<!tpu.dma_semaphore, #tpu.memory_space<semaphore_mem>>) src(%dma_wait3A_228 : memref<10000x64xf32, #tpu.memory_space<hbm>>) dst(%dma_wait3A_222 : memref<128x64xf32, #tpu.memory_space<vmem>>)
      %add3A_229 = arith.constant 6 : i32
      %add3A_230 = arith.addi %mul3A_32, %add3A_229 : i32
      %run_scoped3A_231 = arith.constant 6 : i32
      "tpu.region"() ({
        %run_scoped3A_246 = tpu.sem_alloc : memref<!tpu.dma_semaphore, #tpu.memory_space<semaphore_mem>>
        %dma_start3A_247 = arith.constant 0 : i32
        %dma_start3A_248 = arith.constant 0 : i32
        %dma_start3A_249 = tpu.memref_slice %arg9[%run_scoped3A_231, %dma_start3A_247, %dma_start3A_248] : memref<8x128x64xf32, #tpu.memory_space<vmem>> -> memref<1x128x64xf32, #tpu.memory_space<vmem>>
        %dma_start3A_250 = tpu.memref_squeeze %dma_start3A_249 : memref<1x128x64xf32, #tpu.memory_space<vmem>> -> memref<128x64xf32, #tpu.memory_space<vmem>>
        %dma_start3A_251 = arith.constant 0 : i32
        %dma_start3A_252 = tpu.memref_slice %arg8[%add3A_230, %dma_start3A_251] : memref<40x128xi32, #tpu.memory_space<vmem>> -> memref<1x128xi32, #tpu.memory_space<vmem>>
        %dma_start3A_253 = tpu.memref_squeeze %dma_start3A_252 : memref<1x128xi32, #tpu.memory_space<vmem>> -> memref<128xi32, #tpu.memory_space<vmem>>
        %dma_start3A_254 = arith.constant 0 : i32
        %dma_start3A_255 = arith.constant 0 : i32
        %dma_start3A_256 = tpu.memref_slice %arg6[%dma_start3A_254, %dma_start3A_255] : memref<10240x64xf32, #tpu.memory_space<vmem_shared>> -> memref<10240x64xf32, #tpu.memory_space<vmem_shared>>
        tpu.enqueue_indirect_dma source(%dma_start3A_250 : memref<128x64xf32, #tpu.memory_space<vmem>>) target(%dma_start3A_256 : memref<10240x64xf32, #tpu.memory_space<vmem_shared>>) offsets(%dma_start3A_253 : memref<128xi32, #tpu.memory_space<vmem>>) semaphore(%run_scoped3A_246 : memref<!tpu.dma_semaphore, #tpu.memory_space<semaphore_mem>>) {add = true}
        %dma_wait3A_257 = arith.constant 0 : i32
        %dma_wait3A_258 = arith.constant 0 : i32
        %dma_wait3A_259 = tpu.memref_slice %arg9[%run_scoped3A_231, %dma_wait3A_257, %dma_wait3A_258] : memref<8x128x64xf32, #tpu.memory_space<vmem>> -> memref<1x128x64xf32, #tpu.memory_space<vmem>>
        %dma_wait3A_260 = tpu.memref_squeeze %dma_wait3A_259 : memref<1x128x64xf32, #tpu.memory_space<vmem>> -> memref<128x64xf32, #tpu.memory_space<vmem>>
        %dma_wait3A_261 = arith.constant 0 : i32
        %dma_wait3A_262 = tpu.memref_slice %arg8[%add3A_230, %dma_wait3A_261] : memref<40x128xi32, #tpu.memory_space<vmem>> -> memref<1x128xi32, #tpu.memory_space<vmem>>
        %dma_wait3A_263 = tpu.memref_squeeze %dma_wait3A_262 : memref<1x128xi32, #tpu.memory_space<vmem>> -> memref<128xi32, #tpu.memory_space<vmem>>
        %dma_wait3A_264 = arith.constant 0 : i32
        %dma_wait3A_265 = arith.constant 0 : i32
        %dma_wait3A_266 = tpu.memref_slice %arg6[%dma_wait3A_264, %dma_wait3A_265] : memref<10240x64xf32, #tpu.memory_space<vmem_shared>> -> memref<10240x64xf32, #tpu.memory_space<vmem_shared>>
        tpu.wait_indirect_dma semaphore(%run_scoped3A_246 : memref<!tpu.dma_semaphore, #tpu.memory_space<semaphore_mem>>) src(%dma_wait3A_260 : memref<128x64xf32, #tpu.memory_space<vmem>>) dst(%dma_wait3A_266 : memref<10240x64xf32, #tpu.memory_space<vmem_shared>>)
        tpu.yield
      }) : () -> ()
      %dma_wait3A_232 = arith.constant 7 : i32
      %dma_wait3A_233 = arith.constant 0 : i32
      %dma_wait3A_234 = arith.constant 0 : i32
      %dma_wait3A_235 = tpu.memref_slice %arg9[%dma_wait3A_232, %dma_wait3A_233, %dma_wait3A_234] : memref<8x128x64xf32, #tpu.memory_space<vmem>> -> memref<1x128x64xf32, #tpu.memory_space<vmem>>
      %dma_wait3A_236 = tpu.memref_squeeze %dma_wait3A_235 : memref<1x128x64xf32, #tpu.memory_space<vmem>> -> memref<128x64xf32, #tpu.memory_space<vmem>>
      %dma_wait3A_237 = arith.constant 0 : i32
      %dma_wait3A_238 = tpu.memref_slice %arg7[%add3A_124, %dma_wait3A_237] : memref<40x128xi32, #tpu.memory_space<vmem>> -> memref<1x128xi32, #tpu.memory_space<vmem>>
      %dma_wait3A_239 = tpu.memref_squeeze %dma_wait3A_238 : memref<1x128xi32, #tpu.memory_space<vmem>> -> memref<128xi32, #tpu.memory_space<vmem>>
      %dma_wait3A_240 = arith.constant 0 : i32
      %dma_wait3A_241 = arith.constant 0 : i32
      %dma_wait3A_242 = tpu.memref_slice %arg2[%dma_wait3A_240, %dma_wait3A_241] : memref<10000x64xf32, #tpu.memory_space<hbm>> -> memref<10000x64xf32, #tpu.memory_space<hbm>>
      tpu.wait_indirect_dma semaphore(%arg18 : memref<!tpu.dma_semaphore, #tpu.memory_space<semaphore_mem>>) src(%dma_wait3A_242 : memref<10000x64xf32, #tpu.memory_space<hbm>>) dst(%dma_wait3A_236 : memref<128x64xf32, #tpu.memory_space<vmem>>)
      %add3A_243 = arith.constant 7 : i32
      %add3A_244 = arith.addi %mul3A_32, %add3A_243 : i32
      %run_scoped3A_245 = arith.constant 7 : i32
      "tpu.region"() ({
        %run_scoped3A_246 = tpu.sem_alloc : memref<!tpu.dma_semaphore, #tpu.memory_space<semaphore_mem>>
        %dma_start3A_247 = arith.constant 0 : i32
        %dma_start3A_248 = arith.constant 0 : i32
        %dma_start3A_249 = tpu.memref_slice %arg9[%run_scoped3A_245, %dma_start3A_247, %dma_start3A_248] : memref<8x128x64xf32, #tpu.memory_space<vmem>> -> memref<1x128x64xf32, #tpu.memory_space<vmem>>
        %dma_start3A_250 = tpu.memref_squeeze %dma_start3A_249 : memref<1x128x64xf32, #tpu.memory_space<vmem>> -> memref<128x64xf32, #tpu.memory_space<vmem>>
        %dma_start3A_251 = arith.constant 0 : i32
        %dma_start3A_252 = tpu.memref_slice %arg8[%add3A_244, %dma_start3A_251] : memref<40x128xi32, #tpu.memory_space<vmem>> -> memref<1x128xi32, #tpu.memory_space<vmem>>
        %dma_start3A_253 = tpu.memref_squeeze %dma_start3A_252 : memref<1x128xi32, #tpu.memory_space<vmem>> -> memref<128xi32, #tpu.memory_space<vmem>>
        %dma_start3A_254 = arith.constant 0 : i32
        %dma_start3A_255 = arith.constant 0 : i32
        %dma_start3A_256 = tpu.memref_slice %arg6[%dma_start3A_254, %dma_start3A_255] : memref<10240x64xf32, #tpu.memory_space<vmem_shared>> -> memref<10240x64xf32, #tpu.memory_space<vmem_shared>>
        tpu.enqueue_indirect_dma source(%dma_start3A_250 : memref<128x64xf32, #tpu.memory_space<vmem>>) target(%dma_start3A_256 : memref<10240x64xf32, #tpu.memory_space<vmem_shared>>) offsets(%dma_start3A_253 : memref<128xi32, #tpu.memory_space<vmem>>) semaphore(%run_scoped3A_246 : memref<!tpu.dma_semaphore, #tpu.memory_space<semaphore_mem>>) {add = true}
        %dma_wait3A_257 = arith.constant 0 : i32
        %dma_wait3A_258 = arith.constant 0 : i32
        %dma_wait3A_259 = tpu.memref_slice %arg9[%run_scoped3A_245, %dma_wait3A_257, %dma_wait3A_258] : memref<8x128x64xf32, #tpu.memory_space<vmem>> -> memref<1x128x64xf32, #tpu.memory_space<vmem>>
        %dma_wait3A_260 = tpu.memref_squeeze %dma_wait3A_259 : memref<1x128x64xf32, #tpu.memory_space<vmem>> -> memref<128x64xf32, #tpu.memory_space<vmem>>
        %dma_wait3A_261 = arith.constant 0 : i32
        %dma_wait3A_262 = tpu.memref_slice %arg8[%add3A_244, %dma_wait3A_261] : memref<40x128xi32, #tpu.memory_space<vmem>> -> memref<1x128xi32, #tpu.memory_space<vmem>>
        %dma_wait3A_263 = tpu.memref_squeeze %dma_wait3A_262 : memref<1x128xi32, #tpu.memory_space<vmem>> -> memref<128xi32, #tpu.memory_space<vmem>>
        %dma_wait3A_264 = arith.constant 0 : i32
        %dma_wait3A_265 = arith.constant 0 : i32
        %dma_wait3A_266 = tpu.memref_slice %arg6[%dma_wait3A_264, %dma_wait3A_265] : memref<10240x64xf32, #tpu.memory_space<vmem_shared>> -> memref<10240x64xf32, #tpu.memory_space<vmem_shared>>
        tpu.wait_indirect_dma semaphore(%run_scoped3A_246 : memref<!tpu.dma_semaphore, #tpu.memory_space<semaphore_mem>>) src(%dma_wait3A_260 : memref<128x64xf32, #tpu.memory_space<vmem>>) dst(%dma_wait3A_266 : memref<10240x64xf32, #tpu.memory_space<vmem_shared>>)
        tpu.yield
      }) : () -> ()
    }
    %scan3A_21 = arith.constant 5 : i32
    %barrier3A_22 = arith.constant 0 : index
    tpu.barrier barrier_id(%barrier3A_22)
    %mul3A_23 = arith.constant 640 : i32
    %mul3A_24 = arith.muli %arg1, %mul3A_23 : i32
    %mul3A_25 = arith.constant 10240 : i32
    %mul3A_26 = arith.muli %arg0, %mul3A_25 : i32
    %mul3A_27 = arith.constant 640 : i32
    %mul3A_28 = arith.muli %arg1, %mul3A_27 : i32
    %add3A_29 = arith.addi %mul3A_26, %mul3A_28 : i32
    "tpu.region"() ({
      %run_scoped3A = tpu.sem_alloc : memref<!tpu.dma_semaphore, #tpu.memory_space<semaphore_mem>>
      %dma_start3A = arith.constant 0 : i32
      %dma_start3A_30 = tpu.memref_slice %arg5[%add3A_29, %dma_start3A] : memref<20480x64xf32, #tpu.memory_space<hbm>> -> memref<640x64xf32, #tpu.memory_space<hbm>>
      %dma_start3A_31 = arith.constant 0 : i32
      %dma_start3A_32 = tpu.memref_slice %arg6[%mul3A_24, %dma_start3A_31] : memref<10240x64xf32, #tpu.memory_space<vmem_shared>> -> memref<640x64xf32, #tpu.memory_space<vmem_shared>>
      tpu.enqueue_dma source(%dma_start3A_32 : memref<640x64xf32, #tpu.memory_space<vmem_shared>>) target(%dma_start3A_30 : memref<640x64xf32, #tpu.memory_space<hbm>>) target_semaphore(%run_scoped3A : memref<!tpu.dma_semaphore, #tpu.memory_space<semaphore_mem>>)
      %dma_wait3A = arith.constant 0 : i32
      %dma_wait3A_33 = tpu.memref_slice %arg5[%add3A_29, %dma_wait3A] : memref<20480x64xf32, #tpu.memory_space<hbm>> -> memref<640x64xf32, #tpu.memory_space<hbm>>
      %dma_wait3A_34 = arith.constant 0 : i32
      %dma_wait3A_35 = tpu.memref_slice %arg6[%mul3A_24, %dma_wait3A_34] : memref<10240x64xf32, #tpu.memory_space<vmem_shared>> -> memref<640x64xf32, #tpu.memory_space<vmem_shared>>
      tpu.wait_dma2 semaphore(%run_scoped3A : memref<!tpu.dma_semaphore, #tpu.memory_space<semaphore_mem>>) src(%dma_wait3A_35 : memref<640x64xf32, #tpu.memory_space<vmem_shared>>) dst(%dma_wait3A_33 : memref<640x64xf32, #tpu.memory_space<hbm>>)
      tpu.yield
    }) : () -> ()
    return
  }
}

#map = affine_map<(d0, d1) -> (0, 0)>
module attributes {stable_mosaic.version = 14 : i64} {
  func.func @sc_fn(%arg0: i32, %arg1: i32, %arg2: memref<10000x64xf32, #tpu.memory_space<hbm>>, %arg3: memref<1280x128xi32, #tpu.memory_space<hbm>>, %arg4: memref<1280x128xi32, #tpu.memory_space<hbm>>, %arg5: memref<20480x64xf32, #tpu.memory_space<hbm>>, %arg6: memref<10240x64xf32, #tpu.memory_space<vmem_shared>>, %arg7: memref<40x128xi32, #tpu.memory_space<vmem>>, %arg8: memref<40x128xi32, #tpu.memory_space<vmem>>, %arg9: memref<8x128x64xf32, #tpu.memory_space<vmem>>, %arg10: memref<16x64xf32, #tpu.memory_space<vmem>>, %arg11: memref<!tpu.dma_semaphore, #tpu.memory_space<semaphore_mem>>, %arg12: memref<!tpu.dma_semaphore, #tpu.memory_space<semaphore_mem>>, %arg13: memref<!tpu.dma_semaphore, #tpu.memory_space<semaphore_mem>>, %arg14: memref<!tpu.dma_semaphore, #tpu.memory_space<semaphore_mem>>, %arg15: memref<!tpu.dma_semaphore, #tpu.memory_space<semaphore_mem>>, %arg16: memref<!tpu.dma_semaphore, #tpu.memory_space<semaphore_mem>>, %arg17: memref<!tpu.dma_semaphore, #tpu.memory_space<semaphore_mem>>, %arg18: memref<!tpu.dma_semaphore, #tpu.memory_space<semaphore_mem>>) attributes {dimension_semantics = [#tpu.dimension_semantics<core_parallel>, #tpu.dimension_semantics<subcore_parallel>], iteration_bounds = array<i64: 2, 16>, scalar_prefetch = 0 : i64, scratch_operands = 13 : i64, tpu.core_type = #tpu.core_type<sc_vector_subcore>, window_params = [{transform_indices = #map}, {transform_indices = #map}, {transform_indices = #map}, {transform_indices = #map}]} {
    %mul3A = arith.constant 16 : i32
    %mul3A_0 = arith.muli %arg0, %mul3A : i32
    %add3A = arith.addi %mul3A_0, %arg1 : i32
    %scan3A = arith.constant 0 : i32
    %scan3A_1 = arith.constant 0 : i32
    %scan3A_2 = arith.constant 16 : i32
    %scan3A_3 = arith.addi %scan3A_1, %scan3A_2 : i32
    %scan3A_4 = arith.constant 1 : i32
    scf.for %scan3A_30 = %scan3A_1 to %scan3A_3 step %scan3A_4  : i32 {
      %broadcast_in_dim3A = arith.constant 0.000000e+00 : f32
      %broadcast_in_dim3A_31 = vector.broadcast %broadcast_in_dim3A : f32 to vector<16xf32>
      %swap3A = arith.index_cast %scan3A_30 : i32 to index
      %swap3A_32 = arith.constant 0 : index
      %swap3A_33 = tpu.vector_load %arg10[%swap3A, %swap3A_32] {strides = array<i32>} : memref<16x64xf32, #tpu.memory_space<vmem>>, vector<1x16xf32>,
      %swap3A_34 = vector.shape_cast %swap3A_33 : vector<1x16xf32> to vector<16xf32>
      %swap3A_35 = vector.shape_cast %broadcast_in_dim3A_31 : vector<16xf32> to vector<1x16xf32>
      tpu.vector_store %arg10[%swap3A, %swap3A_32], %swap3A_35 {strides = array<i32>} : memref<16x64xf32, #tpu.memory_space<vmem>>, vector<1x16xf32>,
      %broadcast_in_dim3A_36 = arith.constant 0.000000e+00 : f32
      %broadcast_in_dim3A_37 = vector.broadcast %broadcast_in_dim3A_36 : f32 to vector<16xf32>
      %swap3A_38 = arith.index_cast %scan3A_30 : i32 to index
      %swap3A_39 = arith.constant 16 : index
      %swap3A_40 = tpu.vector_load %arg10[%swap3A_38, %swap3A_39] {strides = array<i32>} : memref<16x64xf32, #tpu.memory_space<vmem>>, vector<1x16xf32>,
      %swap3A_41 = vector.shape_cast %swap3A_40 : vector<1x16xf32> to vector<16xf32>
      %swap3A_42 = vector.shape_cast %broadcast_in_dim3A_37 : vector<16xf32> to vector<1x16xf32>
      tpu.vector_store %arg10[%swap3A_38, %swap3A_39], %swap3A_42 {strides = array<i32>} : memref<16x64xf32, #tpu.memory_space<vmem>>, vector<1x16xf32>,
      %broadcast_in_dim3A_43 = arith.constant 0.000000e+00 : f32
      %broadcast_in_dim3A_44 = vector.broadcast %broadcast_in_dim3A_43 : f32 to vector<16xf32>
      %swap3A_45 = arith.index_cast %scan3A_30 : i32 to index
      %swap3A_46 = arith.constant 32 : index
      %swap3A_47 = tpu.vector_load %arg10[%swap3A_45, %swap3A_46] {strides = array<i32>} : memref<16x64xf32, #tpu.memory_space<vmem>>, vector<1x16xf32>,
      %swap3A_48 = vector.shape_cast %swap3A_47 : vector<1x16xf32> to vector<16xf32>
      %swap3A_49 = vector.shape_cast %broadcast_in_dim3A_44 : vector<16xf32> to vector<1x16xf32>
      tpu.vector_store %arg10[%swap3A_45, %swap3A_46], %swap3A_49 {strides = array<i32>} : memref<16x64xf32, #tpu.memory_space<vmem>>, vector<1x16xf32>,
      %broadcast_in_dim3A_50 = arith.constant 0.000000e+00 : f32
      %broadcast_in_dim3A_51 = vector.broadcast %broadcast_in_dim3A_50 : f32 to vector<16xf32>
      %swap3A_52 = arith.index_cast %scan3A_30 : i32 to index
      %swap3A_53 = arith.constant 48 : index
      %swap3A_54 = tpu.vector_load %arg10[%swap3A_52, %swap3A_53] {strides = array<i32>} : memref<16x64xf32, #tpu.memory_space<vmem>>, vector<1x16xf32>,
      %swap3A_55 = vector.shape_cast %swap3A_54 : vector<1x16xf32> to vector<16xf32>
      %swap3A_56 = vector.shape_cast %broadcast_in_dim3A_51 : vector<16xf32> to vector<1x16xf32>
      tpu.vector_store %arg10[%swap3A_52, %swap3A_53], %swap3A_56 {strides = array<i32>} : memref<16x64xf32, #tpu.memory_space<vmem>>, vector<1x16xf32>,
    }
    %scan3A_5 = arith.constant 16 : i32
    %scan3A_6 = arith.constant 0 : i32
    %scan3A_7 = arith.constant 0 : i32
    %scan3A_8 = arith.constant 40 : i32
    %scan3A_9 = arith.addi %scan3A_7, %scan3A_8 : i32
    %scan3A_10 = arith.constant 1 : i32
    scf.for %scan3A_30 = %scan3A_7 to %scan3A_9 step %scan3A_10  : i32 {
      %mul3A_31 = arith.constant 640 : i32
      %mul3A_32 = arith.muli %arg1, %mul3A_31 : i32
      %mul3A_33 = arith.constant 16 : i32
      %mul3A_34 = arith.muli %scan3A_30, %mul3A_33 : i32
      %add3A_35 = arith.addi %mul3A_32, %mul3A_34 : i32
      "tpu.region"() ({
        %run_scoped3A = tpu.sem_alloc : memref<!tpu.dma_semaphore, #tpu.memory_space<semaphore_mem>>
        %dma_start3A = arith.constant 0 : i32
        %dma_start3A_36 = tpu.memref_slice %arg6[%add3A_35, %dma_start3A] : memref<10240x64xf32, #tpu.memory_space<vmem_shared>> -> memref<16x64xf32, #tpu.memory_space<vmem_shared>>
        %dma_start3A_37 = arith.constant 0 : i32
        %dma_start3A_38 = tpu.memref_slice %arg6[%add3A_35, %dma_start3A_37] : memref<10240x64xf32, #tpu.memory_space<vmem_shared>> -> memref<16x64xf32, #tpu.memory_space<vmem_shared>>
        tpu.enqueue_dma source(%arg10 : memref<16x64xf32, #tpu.memory_space<vmem>>) target(%dma_start3A_38 : memref<16x64xf32, #tpu.memory_space<vmem_shared>>) target_semaphore(%run_scoped3A : memref<!tpu.dma_semaphore, #tpu.memory_space<semaphore_mem>>)
        %dma_wait3A = arith.constant 0 : i32
        %dma_wait3A_39 = tpu.memref_slice %arg6[%add3A_35, %dma_wait3A] : memref<10240x64xf32, #tpu.memory_space<vmem_shared>> -> memref<16x64xf32, #tpu.memory_space<vmem_shared>>
        %dma_wait3A_40 = arith.constant 0 : i32
        %dma_wait3A_41 = tpu.memref_slice %arg6[%add3A_35, %dma_wait3A_40] : memref<10240x64xf32, #tpu.memory_space<vmem_shared>> -> memref<16x64xf32, #tpu.memory_space<vmem_shared>>
        tpu.wait_dma2 semaphore(%run_scoped3A : memref<!tpu.dma_semaphore, #tpu.memory_space<semaphore_mem>>) src(%arg10 : memref<16x64xf32, #tpu.memory_space<vmem>>) dst(%dma_wait3A_41 : memref<16x64xf32, #tpu.memory_space<vmem_shared>>)
        tpu.yield
      }) : () -> ()
    }
    %scan3A_11 = arith.constant 40 : i32
    %mul3A_12 = arith.constant 40 : i32
    %mul3A_13 = arith.muli %add3A, %mul3A_12 : i32
    "tpu.region"() ({
      %run_scoped3A = tpu.sem_alloc : memref<!tpu.dma_semaphore, #tpu.memory_space<semaphore_mem>>
      %dma_start3A = arith.constant 0 : i32
      %dma_start3A_30 = tpu.memref_slice %arg3[%mul3A_13, %dma_start3A] : memref<1280x128xi32, #tpu.memory_space<hbm>> -> memref<40x128xi32, #tpu.memory_space<hbm>>
      %dma_start3A_31 = arith.constant 0 : i32
      %dma_start3A_32 = tpu.memref_slice %arg3[%mul3A_13, %dma_start3A_31] : memref<1280x128xi32, #tpu.memory_space<hbm>> -> memref<40x128xi32, #tpu.memory_space<hbm>>
      tpu.enqueue_dma source(%dma_start3A_32 : memref<40x128xi32, #tpu.memory_space<hbm>>) target(%arg7 : memref<40x128xi32, #tpu.memory_space<vmem>>) target_semaphore(%run_scoped3A : memref<!tpu.dma_semaphore, #tpu.memory_space<semaphore_mem>>)
      %dma_wait3A = arith.constant 0 : i32
      %dma_wait3A_33 = tpu.memref_slice %arg3[%mul3A_13, %dma_wait3A] : memref<1280x128xi32, #tpu.memory_space<hbm>> -> memref<40x128xi32, #tpu.memory_space<hbm>>
      %dma_wait3A_34 = arith.constant 0 : i32
      %dma_wait3A_35 = tpu.memref_slice %arg3[%mul3A_13, %dma_wait3A_34] : memref<1280x128xi32, #tpu.memory_space<hbm>> -> memref<40x128xi32, #tpu.memory_space<hbm>>
      tpu.wait_dma2 semaphore(%run_scoped3A : memref<!tpu.dma_semaphore, #tpu.memory_space<semaphore_mem>>) src(%dma_wait3A_35 : memref<40x128xi32, #tpu.memory_space<hbm>>) dst(%arg7 : memref<40x128xi32, #tpu.memory_space<vmem>>)
      tpu.yield
    }) : () -> ()
    %mul3A_14 = arith.constant 40 : i32
    %mul3A_15 = arith.muli %add3A, %mul3A_14 : i32
    "tpu.region"() ({
      %run_scoped3A = tpu.sem_alloc : memref<!tpu.dma_semaphore, #tpu.memory_space<semaphore_mem>>
      %dma_start3A = arith.constant 0 : i32
      %dma_start3A_30 = tpu.memref_slice %arg4[%mul3A_15, %dma_start3A] : memref<1280x128xi32, #tpu.memory_space<hbm>> -> memref<40x128xi32, #tpu.memory_space<hbm>>
      %dma_start3A_31 = arith.constant 0 : i32
      %dma_start3A_32 = tpu.memref_slice %arg4[%mul3A_15, %dma_start3A_31] : memref<1280x128xi32, #tpu.memory_space<hbm>> -> memref<40x128xi32, #tpu.memory_space<hbm>>
      tpu.enqueue_dma source(%dma_start3A_32 : memref<40x128xi32, #tpu.memory_space<hbm>>) target(%arg8 : memref<40x128xi32, #tpu.memory_space<vmem>>) target_semaphore(%run_scoped3A : memref<!tpu.dma_semaphore, #tpu.memory_space<semaphore_mem>>)
      %dma_wait3A = arith.constant 0 : i32
      %dma_wait3A_33 = tpu.memref_slice %arg4[%mul3A_15, %dma_wait3A] : memref<1280x128xi32, #tpu.memory_space<hbm>> -> memref<40x128xi32, #tpu.memory_space<hbm>>
      %dma_wait3A_34 = arith.constant 0 : i32
      %dma_wait3A_35 = tpu.memref_slice %arg4[%mul3A_15, %dma_wait3A_34] : memref<1280x128xi32, #tpu.memory_space<hbm>> -> memref<40x128xi32, #tpu.memory_space<hbm>>
      tpu.wait_dma2 semaphore(%run_scoped3A : memref<!tpu.dma_semaphore, #tpu.memory_space<semaphore_mem>>) src(%dma_wait3A_35 : memref<40x128xi32, #tpu.memory_space<hbm>>) dst(%arg8 : memref<40x128xi32, #tpu.memory_space<vmem>>)
      tpu.yield
    }) : () -> ()
    %barrier3A = arith.constant 0 : index
    tpu.barrier barrier_id(%barrier3A)
    %scan3A_16 = arith.constant 0 : i32
    %scan3A_17 = arith.constant 0 : i32
    %scan3A_18 = arith.constant 5 : i32
    %scan3A_19 = arith.addi %scan3A_17, %scan3A_18 : i32
    %scan3A_20 = arith.constant 1 : i32
    scf.for %scan3A_30 = %scan3A_17 to %scan3A_19 step %scan3A_20  : i32 {
      %mul3A_31 = arith.constant 8 : i32
      %mul3A_32 = arith.muli %scan3A_30, %mul3A_31 : i32
      %add3A_33 = arith.constant 0 : i32
      %add3A_34 = arith.addi %mul3A_32, %add3A_33 : i32
      %dma_start3A = arith.constant 0 : i32
      %dma_start3A_35 = arith.constant 0 : i32
      %dma_start3A_36 = arith.constant 0 : i32
      %dma_start3A_37 = tpu.memref_slice %arg9[%dma_start3A, %dma_start3A_35, %dma_start3A_36] : memref<8x128x64xf32, #tpu.memory_space<vmem>> -> memref<1x128x64xf32, #tpu.memory_space<vmem>>
      %dma_start3A_38 = tpu.memref_squeeze %dma_start3A_37 : memref<1x128x64xf32, #tpu.memory_space<vmem>> -> memref<128x64xf32, #tpu.memory_space<vmem>>
      %dma_start3A_39 = arith.constant 0 : i32
      %dma_start3A_40 = tpu.memref_slice %arg7[%add3A_34, %dma_start3A_39] : memref<40x128xi32, #tpu.memory_space<vmem>> -> memref<1x128xi32, #tpu.memory_space<vmem>>
      %dma_start3A_41 = tpu.memref_squeeze %dma_start3A_40 : memref<1x128xi32, #tpu.memory_space<vmem>> -> memref<128xi32, #tpu.memory_space<vmem>>
      %dma_start3A_42 = arith.constant 0 : i32
      %dma_start3A_43 = arith.constant 0 : i32
      %dma_start3A_44 = tpu.memref_slice %arg2[%dma_start3A_42, %dma_start3A_43] : memref<10000x64xf32, #tpu.memory_space<hbm>> -> memref<10000x64xf32, #tpu.memory_space<hbm>>
      tpu.enqueue_indirect_dma source(%dma_start3A_44 : memref<10000x64xf32, #tpu.memory_space<hbm>>) target(%dma_start3A_38 : memref<128x64xf32, #tpu.memory_space<vmem>>) offsets(%dma_start3A_41 : memref<128xi32, #tpu.memory_space<vmem>>) semaphore(%arg11 : memref<!tpu.dma_semaphore, #tpu.memory_space<semaphore_mem>>)
      %add3A_45 = arith.constant 1 : i32
      %add3A_46 = arith.addi %mul3A_32, %add3A_45 : i32
      %dma_start3A_47 = arith.constant 1 : i32
      %dma_start3A_48 = arith.constant 0 : i32
      %dma_start3A_49 = arith.constant 0 : i32
      %dma_start3A_50 = tpu.memref_slice %arg9[%dma_start3A_47, %dma_start3A_48, %dma_start3A_49] : memref<8x128x64xf32, #tpu.memory_space<vmem>> -> memref<1x128x64xf32, #tpu.memory_space<vmem>>
      %dma_start3A_51 = tpu.memref_squeeze %dma_start3A_50 : memref<1x128x64xf32, #tpu.memory_space<vmem>> -> memref<128x64xf32, #tpu.memory_space<vmem>>
      %dma_start3A_52 = arith.constant 0 : i32
      %dma_start3A_53 = tpu.memref_slice %arg7[%add3A_46, %dma_start3A_52] : memref<40x128xi32, #tpu.memory_space<vmem>> -> memref<1x128xi32, #tpu.memory_space<vmem>>
      %dma_start3A_54 = tpu.memref_squeeze %dma_start3A_53 : memref<1x128xi32, #tpu.memory_space<vmem>> -> memref<128xi32, #tpu.memory_space<vmem>>
      %dma_start3A_55 = arith.constant 0 : i32
      %dma_start3A_56 = arith.constant 0 : i32
      %dma_start3A_57 = tpu.memref_slice %arg2[%dma_start3A_55, %dma_start3A_56] : memref<10000x64xf32, #tpu.memory_space<hbm>> -> memref<10000x64xf32, #tpu.memory_space<hbm>>
      tpu.enqueue_indirect_dma source(%dma_start3A_57 : memref<10000x64xf32, #tpu.memory_space<hbm>>) target(%dma_start3A_51 : memref<128x64xf32, #tpu.memory_space<vmem>>) offsets(%dma_start3A_54 : memref<128xi32, #tpu.memory_space<vmem>>) semaphore(%arg12 : memref<!tpu.dma_semaphore, #tpu.memory_space<semaphore_mem>>)
      %add3A_58 = arith.constant 2 : i32
      %add3A_59 = arith.addi %mul3A_32, %add3A_58 : i32
      %dma_start3A_60 = arith.constant 2 : i32
      %dma_start3A_61 = arith.constant 0 : i32
      %dma_start3A_62 = arith.constant 0 : i32
      %dma_start3A_63 = tpu.memref_slice %arg9[%dma_start3A_60, %dma_start3A_61, %dma_start3A_62] : memref<8x128x64xf32, #tpu.memory_space<vmem>> -> memref<1x128x64xf32, #tpu.memory_space<vmem>>
      %dma_start3A_64 = tpu.memref_squeeze %dma_start3A_63 : memref<1x128x64xf32, #tpu.memory_space<vmem>> -> memref<128x64xf32, #tpu.memory_space<vmem>>
      %dma_start3A_65 = arith.constant 0 : i32
      %dma_start3A_66 = tpu.memref_slice %arg7[%add3A_59, %dma_start3A_65] : memref<40x128xi32, #tpu.memory_space<vmem>> -> memref<1x128xi32, #tpu.memory_space<vmem>>
      %dma_start3A_67 = tpu.memref_squeeze %dma_start3A_66 : memref<1x128xi32, #tpu.memory_space<vmem>> -> memref<128xi32, #tpu.memory_space<vmem>>
      %dma_start3A_68 = arith.constant 0 : i32
      %dma_start3A_69 = arith.constant 0 : i32
      %dma_start3A_70 = tpu.memref_slice %arg2[%dma_start3A_68, %dma_start3A_69] : memref<10000x64xf32, #tpu.memory_space<hbm>> -> memref<10000x64xf32, #tpu.memory_space<hbm>>
      tpu.enqueue_indirect_dma source(%dma_start3A_70 : memref<10000x64xf32, #tpu.memory_space<hbm>>) target(%dma_start3A_64 : memref<128x64xf32, #tpu.memory_space<vmem>>) offsets(%dma_start3A_67 : memref<128xi32, #tpu.memory_space<vmem>>) semaphore(%arg13 : memref<!tpu.dma_semaphore, #tpu.memory_space<semaphore_mem>>)
      %add3A_71 = arith.constant 3 : i32
      %add3A_72 = arith.addi %mul3A_32, %add3A_71 : i32
      %dma_start3A_73 = arith.constant 3 : i32
      %dma_start3A_74 = arith.constant 0 : i32
      %dma_start3A_75 = arith.constant 0 : i32
      %dma_start3A_76 = tpu.memref_slice %arg9[%dma_start3A_73, %dma_start3A_74, %dma_start3A_75] : memref<8x128x64xf32, #tpu.memory_space<vmem>> -> memref<1x128x64xf32, #tpu.memory_space<vmem>>
      %dma_start3A_77 = tpu.memref_squeeze %dma_start3A_76 : memref<1x128x64xf32, #tpu.memory_space<vmem>> -> memref<128x64xf32, #tpu.memory_space<vmem>>
      %dma_start3A_78 = arith.constant 0 : i32
      %dma_start3A_79 = tpu.memref_slice %arg7[%add3A_72, %dma_start3A_78] : memref<40x128xi32, #tpu.memory_space<vmem>> -> memref<1x128xi32, #tpu.memory_space<vmem>>
      %dma_start3A_80 = tpu.memref_squeeze %dma_start3A_79 : memref<1x128xi32, #tpu.memory_space<vmem>> -> memref<128xi32, #tpu.memory_space<vmem>>
      %dma_start3A_81 = arith.constant 0 : i32
      %dma_start3A_82 = arith.constant 0 : i32
      %dma_start3A_83 = tpu.memref_slice %arg2[%dma_start3A_81, %dma_start3A_82] : memref<10000x64xf32, #tpu.memory_space<hbm>> -> memref<10000x64xf32, #tpu.memory_space<hbm>>
      tpu.enqueue_indirect_dma source(%dma_start3A_83 : memref<10000x64xf32, #tpu.memory_space<hbm>>) target(%dma_start3A_77 : memref<128x64xf32, #tpu.memory_space<vmem>>) offsets(%dma_start3A_80 : memref<128xi32, #tpu.memory_space<vmem>>) semaphore(%arg14 : memref<!tpu.dma_semaphore, #tpu.memory_space<semaphore_mem>>)
      %add3A_84 = arith.constant 4 : i32
      %add3A_85 = arith.addi %mul3A_32, %add3A_84 : i32
      %dma_start3A_86 = arith.constant 4 : i32
      %dma_start3A_87 = arith.constant 0 : i32
      %dma_start3A_88 = arith.constant 0 : i32
      %dma_start3A_89 = tpu.memref_slice %arg9[%dma_start3A_86, %dma_start3A_87, %dma_start3A_88] : memref<8x128x64xf32, #tpu.memory_space<vmem>> -> memref<1x128x64xf32, #tpu.memory_space<vmem>>
      %dma_start3A_90 = tpu.memref_squeeze %dma_start3A_89 : memref<1x128x64xf32, #tpu.memory_space<vmem>> -> memref<128x64xf32, #tpu.memory_space<vmem>>
      %dma_start3A_91 = arith.constant 0 : i32
      %dma_start3A_92 = tpu.memref_slice %arg7[%add3A_85, %dma_start3A_91] : memref<40x128xi32, #tpu.memory_space<vmem>> -> memref<1x128xi32, #tpu.memory_space<vmem>>
      %dma_start3A_93 = tpu.memref_squeeze %dma_start3A_92 : memref<1x128xi32, #tpu.memory_space<vmem>> -> memref<128xi32, #tpu.memory_space<vmem>>
      %dma_start3A_94 = arith.constant 0 : i32
      %dma_start3A_95 = arith.constant 0 : i32
      %dma_start3A_96 = tpu.memref_slice %arg2[%dma_start3A_94, %dma_start3A_95] : memref<10000x64xf32, #tpu.memory_space<hbm>> -> memref<10000x64xf32, #tpu.memory_space<hbm>>
      tpu.enqueue_indirect_dma source(%dma_start3A_96 : memref<10000x64xf32, #tpu.memory_space<hbm>>) target(%dma_start3A_90 : memref<128x64xf32, #tpu.memory_space<vmem>>) offsets(%dma_start3A_93 : memref<128xi32, #tpu.memory_space<vmem>>) semaphore(%arg15 : memref<!tpu.dma_semaphore, #tpu.memory_space<semaphore_mem>>)
      %add3A_97 = arith.constant 5 : i32
      %add3A_98 = arith.addi %mul3A_32, %add3A_97 : i32
      %dma_start3A_99 = arith.constant 5 : i32
      %dma_start3A_100 = arith.constant 0 : i32
      %dma_start3A_101 = arith.constant 0 : i32
      %dma_start3A_102 = tpu.memref_slice %arg9[%dma_start3A_99, %dma_start3A_100, %dma_start3A_101] : memref<8x128x64xf32, #tpu.memory_space<vmem>> -> memref<1x128x64xf32, #tpu.memory_space<vmem>>
      %dma_start3A_103 = tpu.memref_squeeze %dma_start3A_102 : memref<1x128x64xf32, #tpu.memory_space<vmem>> -> memref<128x64xf32, #tpu.memory_space<vmem>>
      %dma_start3A_104 = arith.constant 0 : i32
      %dma_start3A_105 = tpu.memref_slice %arg7[%add3A_98, %dma_start3A_104] : memref<40x128xi32, #tpu.memory_space<vmem>> -> memref<1x128xi32, #tpu.memory_space<vmem>>
      %dma_start3A_106 = tpu.memref_squeeze %dma_start3A_105 : memref<1x128xi32, #tpu.memory_space<vmem>> -> memref<128xi32, #tpu.memory_space<vmem>>
      %dma_start3A_107 = arith.constant 0 : i32
      %dma_start3A_108 = arith.constant 0 : i32
      %dma_start3A_109 = tpu.memref_slice %arg2[%dma_start3A_107, %dma_start3A_108] : memref<10000x64xf32, #tpu.memory_space<hbm>> -> memref<10000x64xf32, #tpu.memory_space<hbm>>
      tpu.enqueue_indirect_dma source(%dma_start3A_109 : memref<10000x64xf32, #tpu.memory_space<hbm>>) target(%dma_start3A_103 : memref<128x64xf32, #tpu.memory_space<vmem>>) offsets(%dma_start3A_106 : memref<128xi32, #tpu.memory_space<vmem>>) semaphore(%arg16 : memref<!tpu.dma_semaphore, #tpu.memory_space<semaphore_mem>>)
      %add3A_110 = arith.constant 6 : i32
      %add3A_111 = arith.addi %mul3A_32, %add3A_110 : i32
      %dma_start3A_112 = arith.constant 6 : i32
      %dma_start3A_113 = arith.constant 0 : i32
      %dma_start3A_114 = arith.constant 0 : i32
      %dma_start3A_115 = tpu.memref_slice %arg9[%dma_start3A_112, %dma_start3A_113, %dma_start3A_114] : memref<8x128x64xf32, #tpu.memory_space<vmem>> -> memref<1x128x64xf32, #tpu.memory_space<vmem>>
      %dma_start3A_116 = tpu.memref_squeeze %dma_start3A_115 : memref<1x128x64xf32, #tpu.memory_space<vmem>> -> memref<128x64xf32, #tpu.memory_space<vmem>>
      %dma_start3A_117 = arith.constant 0 : i32
      %dma_start3A_118 = tpu.memref_slice %arg7[%add3A_111, %dma_start3A_117] : memref<40x128xi32, #tpu.memory_space<vmem>> -> memref<1x128xi32, #tpu.memory_space<vmem>>
      %dma_start3A_119 = tpu.memref_squeeze %dma_start3A_118 : memref<1x128xi32, #tpu.memory_space<vmem>> -> memref<128xi32, #tpu.memory_space<vmem>>
      %dma_start3A_120 = arith.constant 0 : i32
      %dma_start3A_121 = arith.constant 0 : i32
      %dma_start3A_122 = tpu.memref_slice %arg2[%dma_start3A_120, %dma_start3A_121] : memref<10000x64xf32, #tpu.memory_space<hbm>> -> memref<10000x64xf32, #tpu.memory_space<hbm>>
      tpu.enqueue_indirect_dma source(%dma_start3A_122 : memref<10000x64xf32, #tpu.memory_space<hbm>>) target(%dma_start3A_116 : memref<128x64xf32, #tpu.memory_space<vmem>>) offsets(%dma_start3A_119 : memref<128xi32, #tpu.memory_space<vmem>>) semaphore(%arg17 : memref<!tpu.dma_semaphore, #tpu.memory_space<semaphore_mem>>)
      %add3A_123 = arith.constant 7 : i32
      %add3A_124 = arith.addi %mul3A_32, %add3A_123 : i32
      %dma_start3A_125 = arith.constant 7 : i32
      %dma_start3A_126 = arith.constant 0 : i32
      %dma_start3A_127 = arith.constant 0 : i32
      %dma_start3A_128 = tpu.memref_slice %arg9[%dma_start3A_125, %dma_start3A_126, %dma_start3A_127] : memref<8x128x64xf32, #tpu.memory_space<vmem>> -> memref<1x128x64xf32, #tpu.memory_space<vmem>>
      %dma_start3A_129 = tpu.memref_squeeze %dma_start3A_128 : memref<1x128x64xf32, #tpu.memory_space<vmem>> -> memref<128x64xf32, #tpu.memory_space<vmem>>
      %dma_start3A_130 = arith.constant 0 : i32
      %dma_start3A_131 = tpu.memref_slice %arg7[%add3A_124, %dma_start3A_130] : memref<40x128xi32, #tpu.memory_space<vmem>> -> memref<1x128xi32, #tpu.memory_space<vmem>>
      %dma_start3A_132 = tpu.memref_squeeze %dma_start3A_131 : memref<1x128xi32, #tpu.memory_space<vmem>> -> memref<128xi32, #tpu.memory_space<vmem>>
      %dma_start3A_133 = arith.constant 0 : i32
      %dma_start3A_134 = arith.constant 0 : i32
      %dma_start3A_135 = tpu.memref_slice %arg2[%dma_start3A_133, %dma_start3A_134] : memref<10000x64xf32, #tpu.memory_space<hbm>> -> memref<10000x64xf32, #tpu.memory_space<hbm>>
      tpu.enqueue_indirect_dma source(%dma_start3A_135 : memref<10000x64xf32, #tpu.memory_space<hbm>>) target(%dma_start3A_129 : memref<128x64xf32, #tpu.memory_space<vmem>>) offsets(%dma_start3A_132 : memref<128xi32, #tpu.memory_space<vmem>>) semaphore(%arg18 : memref<!tpu.dma_semaphore, #tpu.memory_space<semaphore_mem>>)
      %dma_wait3A = arith.constant 0 : i32
      %dma_wait3A_136 = arith.constant 0 : i32
      %dma_wait3A_137 = arith.constant 0 : i32
      %dma_wait3A_138 = tpu.memref_slice %arg9[%dma_wait3A, %dma_wait3A_136, %dma_wait3A_137] : memref<8x128x64xf32, #tpu.memory_space<vmem>> -> memref<1x128x64xf32, #tpu.memory_space<vmem>>
      %dma_wait3A_139 = tpu.memref_squeeze %dma_wait3A_138 : memref<1x128x64xf32, #tpu.memory_space<vmem>> -> memref<128x64xf32, #tpu.memory_space<vmem>>
      %dma_wait3A_140 = arith.constant 0 : i32
      %dma_wait3A_141 = tpu.memref_slice %arg7[%add3A_34, %dma_wait3A_140] : memref<40x128xi32, #tpu.memory_space<vmem>> -> memref<1x128xi32, #tpu.memory_space<vmem>>
      %dma_wait3A_142 = tpu.memref_squeeze %dma_wait3A_141 : memref<1x128xi32, #tpu.memory_space<vmem>> -> memref<128xi32, #tpu.memory_space<vmem>>
      %dma_wait3A_143 = arith.constant 0 : i32
      %dma_wait3A_144 = arith.constant 0 : i32
      %dma_wait3A_145 = tpu.memref_slice %arg2[%dma_wait3A_143, %dma_wait3A_144] : memref<10000x64xf32, #tpu.memory_space<hbm>> -> memref<10000x64xf32, #tpu.memory_space<hbm>>
      tpu.wait_indirect_dma semaphore(%arg11 : memref<!tpu.dma_semaphore, #tpu.memory_space<semaphore_mem>>) src(%dma_wait3A_145 : memref<10000x64xf32, #tpu.memory_space<hbm>>) dst(%dma_wait3A_139 : memref<128x64xf32, #tpu.memory_space<vmem>>)
      %add3A_146 = arith.constant 0 : i32
      %add3A_147 = arith.addi %mul3A_32, %add3A_146 : i32
      %run_scoped3A = arith.constant 0 : i32
      "tpu.region"() ({
        %run_scoped3A_246 = tpu.sem_alloc : memref<!tpu.dma_semaphore, #tpu.memory_space<semaphore_mem>>
        %dma_start3A_247 = arith.constant 0 : i32
        %dma_start3A_248 = arith.constant 0 : i32
        %dma_start3A_249 = tpu.memref_slice %arg9[%run_scoped3A, %dma_start3A_247, %dma_start3A_248] : memref<8x128x64xf32, #tpu.memory_space<vmem>> -> memref<1x128x64xf32, #tpu.memory_space<vmem>>
        %dma_start3A_250 = tpu.memref_squeeze %dma_start3A_249 : memref<1x128x64xf32, #tpu.memory_space<vmem>> -> memref<128x64xf32, #tpu.memory_space<vmem>>
        %dma_start3A_251 = arith.constant 0 : i32
        %dma_start3A_252 = tpu.memref_slice %arg8[%add3A_147, %dma_start3A_251] : memref<40x128xi32, #tpu.memory_space<vmem>> -> memref<1x128xi32, #tpu.memory_space<vmem>>
        %dma_start3A_253 = tpu.memref_squeeze %dma_start3A_252 : memref<1x128xi32, #tpu.memory_space<vmem>> -> memref<128xi32, #tpu.memory_space<vmem>>
        %dma_start3A_254 = arith.constant 0 : i32
        %dma_start3A_255 = arith.constant 0 : i32
        %dma_start3A_256 = tpu.memref_slice %arg6[%dma_start3A_254, %dma_start3A_255] : memref<10240x64xf32, #tpu.memory_space<vmem_shared>> -> memref<10240x64xf32, #tpu.memory_space<vmem_shared>>
        tpu.enqueue_indirect_dma source(%dma_start3A_250 : memref<128x64xf32, #tpu.memory_space<vmem>>) target(%dma_start3A_256 : memref<10240x64xf32, #tpu.memory_space<vmem_shared>>) offsets(%dma_start3A_253 : memref<128xi32, #tpu.memory_space<vmem>>) semaphore(%run_scoped3A_246 : memref<!tpu.dma_semaphore, #tpu.memory_space<semaphore_mem>>) {add = true}
        %dma_wait3A_257 = arith.constant 0 : i32
        %dma_wait3A_258 = arith.constant 0 : i32
        %dma_wait3A_259 = tpu.memref_slice %arg9[%run_scoped3A, %dma_wait3A_257, %dma_wait3A_258] : memref<8x128x64xf32, #tpu.memory_space<vmem>> -> memref<1x128x64xf32, #tpu.memory_space<vmem>>
        %dma_wait3A_260 = tpu.memref_squeeze %dma_wait3A_259 : memref<1x128x64xf32, #tpu.memory_space<vmem>> -> memref<128x64xf32, #tpu.memory_space<vmem>>
        %dma_wait3A_261 = arith.constant 0 : i32
        %dma_wait3A_262 = tpu.memref_slice %arg8[%add3A_147, %dma_wait3A_261] : memref<40x128xi32, #tpu.memory_space<vmem>> -> memref<1x128xi32, #tpu.memory_space<vmem>>
        %dma_wait3A_263 = tpu.memref_squeeze %dma_wait3A_262 : memref<1x128xi32, #tpu.memory_space<vmem>> -> memref<128xi32, #tpu.memory_space<vmem>>
        %dma_wait3A_264 = arith.constant 0 : i32
        %dma_wait3A_265 = arith.constant 0 : i32
        %dma_wait3A_266 = tpu.memref_slice %arg6[%dma_wait3A_264, %dma_wait3A_265] : memref<10240x64xf32, #tpu.memory_space<vmem_shared>> -> memref<10240x64xf32, #tpu.memory_space<vmem_shared>>
        tpu.wait_indirect_dma semaphore(%run_scoped3A_246 : memref<!tpu.dma_semaphore, #tpu.memory_space<semaphore_mem>>) src(%dma_wait3A_260 : memref<128x64xf32, #tpu.memory_space<vmem>>) dst(%dma_wait3A_266 : memref<10240x64xf32, #tpu.memory_space<vmem_shared>>)
        tpu.yield
      }) : () -> ()
      %dma_wait3A_148 = arith.constant 1 : i32
      %dma_wait3A_149 = arith.constant 0 : i32
      %dma_wait3A_150 = arith.constant 0 : i32
      %dma_wait3A_151 = tpu.memref_slice %arg9[%dma_wait3A_148, %dma_wait3A_149, %dma_wait3A_150] : memref<8x128x64xf32, #tpu.memory_space<vmem>> -> memref<1x128x64xf32, #tpu.memory_space<vmem>>
      %dma_wait3A_152 = tpu.memref_squeeze %dma_wait3A_151 : memref<1x128x64xf32, #tpu.memory_space<vmem>> -> memref<128x64xf32, #tpu.memory_space<vmem>>
      %dma_wait3A_153 = arith.constant 0 : i32
      %dma_wait3A_154 = tpu.memref_slice %arg7[%add3A_46, %dma_wait3A_153] : memref<40x128xi32, #tpu.memory_space<vmem>> -> memref<1x128xi32, #tpu.memory_space<vmem>>
      %dma_wait3A_155 = tpu.memref_squeeze %dma_wait3A_154 : memref<1x128xi32, #tpu.memory_space<vmem>> -> memref<128xi32, #tpu.memory_space<vmem>>
      %dma_wait3A_156 = arith.constant 0 : i32
      %dma_wait3A_157 = arith.constant 0 : i32
      %dma_wait3A_158 = tpu.memref_slice %arg2[%dma_wait3A_156, %dma_wait3A_157] : memref<10000x64xf32, #tpu.memory_space<hbm>> -> memref<10000x64xf32, #tpu.memory_space<hbm>>
      tpu.wait_indirect_dma semaphore(%arg12 : memref<!tpu.dma_semaphore, #tpu.memory_space<semaphore_mem>>) src(%dma_wait3A_158 : memref<10000x64xf32, #tpu.memory_space<hbm>>) dst(%dma_wait3A_152 : memref<128x64xf32, #tpu.memory_space<vmem>>)
      %add3A_159 = arith.constant 1 : i32
      %add3A_160 = arith.addi %mul3A_32, %add3A_159 : i32
      %run_scoped3A_161 = arith.constant 1 : i32
      "tpu.region"() ({
        %run_scoped3A_246 = tpu.sem_alloc : memref<!tpu.dma_semaphore, #tpu.memory_space<semaphore_mem>>
        %dma_start3A_247 = arith.constant 0 : i32
        %dma_start3A_248 = arith.constant 0 : i32
        %dma_start3A_249 = tpu.memref_slice %arg9[%run_scoped3A_161, %dma_start3A_247, %dma_start3A_248] : memref<8x128x64xf32, #tpu.memory_space<vmem>> -> memref<1x128x64xf32, #tpu.memory_space<vmem>>
        %dma_start3A_250 = tpu.memref_squeeze %dma_start3A_249 : memref<1x128x64xf32, #tpu.memory_space<vmem>> -> memref<128x64xf32, #tpu.memory_space<vmem>>
        %dma_start3A_251 = arith.constant 0 : i32
        %dma_start3A_252 = tpu.memref_slice %arg8[%add3A_160, %dma_start3A_251] : memref<40x128xi32, #tpu.memory_space<vmem>> -> memref<1x128xi32, #tpu.memory_space<vmem>>
        %dma_start3A_253 = tpu.memref_squeeze %dma_start3A_252 : memref<1x128xi32, #tpu.memory_space<vmem>> -> memref<128xi32, #tpu.memory_space<vmem>>
        %dma_start3A_254 = arith.constant 0 : i32
        %dma_start3A_255 = arith.constant 0 : i32
        %dma_start3A_256 = tpu.memref_slice %arg6[%dma_start3A_254, %dma_start3A_255] : memref<10240x64xf32, #tpu.memory_space<vmem_shared>> -> memref<10240x64xf32, #tpu.memory_space<vmem_shared>>
        tpu.enqueue_indirect_dma source(%dma_start3A_250 : memref<128x64xf32, #tpu.memory_space<vmem>>) target(%dma_start3A_256 : memref<10240x64xf32, #tpu.memory_space<vmem_shared>>) offsets(%dma_start3A_253 : memref<128xi32, #tpu.memory_space<vmem>>) semaphore(%run_scoped3A_246 : memref<!tpu.dma_semaphore, #tpu.memory_space<semaphore_mem>>) {add = true}
        %dma_wait3A_257 = arith.constant 0 : i32
        %dma_wait3A_258 = arith.constant 0 : i32
        %dma_wait3A_259 = tpu.memref_slice %arg9[%run_scoped3A_161, %dma_wait3A_257, %dma_wait3A_258] : memref<8x128x64xf32, #tpu.memory_space<vmem>> -> memref<1x128x64xf32, #tpu.memory_space<vmem>>
        %dma_wait3A_260 = tpu.memref_squeeze %dma_wait3A_259 : memref<1x128x64xf32, #tpu.memory_space<vmem>> -> memref<128x64xf32, #tpu.memory_space<vmem>>
        %dma_wait3A_261 = arith.constant 0 : i32
        %dma_wait3A_262 = tpu.memref_slice %arg8[%add3A_160, %dma_wait3A_261] : memref<40x128xi32, #tpu.memory_space<vmem>> -> memref<1x128xi32, #tpu.memory_space<vmem>>
        %dma_wait3A_263 = tpu.memref_squeeze %dma_wait3A_262 : memref<1x128xi32, #tpu.memory_space<vmem>> -> memref<128xi32, #tpu.memory_space<vmem>>
        %dma_wait3A_264 = arith.constant 0 : i32
        %dma_wait3A_265 = arith.constant 0 : i32
        %dma_wait3A_266 = tpu.memref_slice %arg6[%dma_wait3A_264, %dma_wait3A_265] : memref<10240x64xf32, #tpu.memory_space<vmem_shared>> -> memref<10240x64xf32, #tpu.memory_space<vmem_shared>>
        tpu.wait_indirect_dma semaphore(%run_scoped3A_246 : memref<!tpu.dma_semaphore, #tpu.memory_space<semaphore_mem>>) src(%dma_wait3A_260 : memref<128x64xf32, #tpu.memory_space<vmem>>) dst(%dma_wait3A_266 : memref<10240x64xf32, #tpu.memory_space<vmem_shared>>)
        tpu.yield
      }) : () -> ()
      %dma_wait3A_162 = arith.constant 2 : i32
      %dma_wait3A_163 = arith.constant 0 : i32
      %dma_wait3A_164 = arith.constant 0 : i32
      %dma_wait3A_165 = tpu.memref_slice %arg9[%dma_wait3A_162, %dma_wait3A_163, %dma_wait3A_164] : memref<8x128x64xf32, #tpu.memory_space<vmem>> -> memref<1x128x64xf32, #tpu.memory_space<vmem>>
      %dma_wait3A_166 = tpu.memref_squeeze %dma_wait3A_165 : memref<1x128x64xf32, #tpu.memory_space<vmem>> -> memref<128x64xf32, #tpu.memory_space<vmem>>
      %dma_wait3A_167 = arith.constant 0 : i32
      %dma_wait3A_168 = tpu.memref_slice %arg7[%add3A_59, %dma_wait3A_167] : memref<40x128xi32, #tpu.memory_space<vmem>> -> memref<1x128xi32, #tpu.memory_space<vmem>>
      %dma_wait3A_169 = tpu.memref_squeeze %dma_wait3A_168 : memref<1x128xi32, #tpu.memory_space<vmem>> -> memref<128xi32, #tpu.memory_space<vmem>>
      %dma_wait3A_170 = arith.constant 0 : i32
      %dma_wait3A_171 = arith.constant 0 : i32
      %dma_wait3A_172 = tpu.memref_slice %arg2[%dma_wait3A_170, %dma_wait3A_171] : memref<10000x64xf32, #tpu.memory_space<hbm>> -> memref<10000x64xf32, #tpu.memory_space<hbm>>
      tpu.wait_indirect_dma semaphore(%arg13 : memref<!tpu.dma_semaphore, #tpu.memory_space<semaphore_mem>>) src(%dma_wait3A_172 : memref<10000x64xf32, #tpu.memory_space<hbm>>) dst(%dma_wait3A_166 : memref<128x64xf32, #tpu.memory_space<vmem>>)
      %add3A_173 = arith.constant 2 : i32
      %add3A_174 = arith.addi %mul3A_32, %add3A_173 : i32
      %run_scoped3A_175 = arith.constant 2 : i32
      "tpu.region"() ({
        %run_scoped3A_246 = tpu.sem_alloc : memref<!tpu.dma_semaphore, #tpu.memory_space<semaphore_mem>>
        %dma_start3A_247 = arith.constant 0 : i32
        %dma_start3A_248 = arith.constant 0 : i32
        %dma_start3A_249 = tpu.memref_slice %arg9[%run_scoped3A_175, %dma_start3A_247, %dma_start3A_248] : memref<8x128x64xf32, #tpu.memory_space<vmem>> -> memref<1x128x64xf32, #tpu.memory_space<vmem>>
        %dma_start3A_250 = tpu.memref_squeeze %dma_start3A_249 : memref<1x128x64xf32, #tpu.memory_space<vmem>> -> memref<128x64xf32, #tpu.memory_space<vmem>>
        %dma_start3A_251 = arith.constant 0 : i32
        %dma_start3A_252 = tpu.memref_slice %arg8[%add3A_174, %dma_start3A_251] : memref<40x128xi32, #tpu.memory_space<vmem>> -> memref<1x128xi32, #tpu.memory_space<vmem>>
        %dma_start3A_253 = tpu.memref_squeeze %dma_start3A_252 : memref<1x128xi32, #tpu.memory_space<vmem>> -> memref<128xi32, #tpu.memory_space<vmem>>
        %dma_start3A_254 = arith.constant 0 : i32
        %dma_start3A_255 = arith.constant 0 : i32
        %dma_start3A_256 = tpu.memref_slice %arg6[%dma_start3A_254, %dma_start3A_255] : memref<10240x64xf32, #tpu.memory_space<vmem_shared>> -> memref<10240x64xf32, #tpu.memory_space<vmem_shared>>
        tpu.enqueue_indirect_dma source(%dma_start3A_250 : memref<128x64xf32, #tpu.memory_space<vmem>>) target(%dma_start3A_256 : memref<10240x64xf32, #tpu.memory_space<vmem_shared>>) offsets(%dma_start3A_253 : memref<128xi32, #tpu.memory_space<vmem>>) semaphore(%run_scoped3A_246 : memref<!tpu.dma_semaphore, #tpu.memory_space<semaphore_mem>>) {add = true}
        %dma_wait3A_257 = arith.constant 0 : i32
        %dma_wait3A_258 = arith.constant 0 : i32
        %dma_wait3A_259 = tpu.memref_slice %arg9[%run_scoped3A_175, %dma_wait3A_257, %dma_wait3A_258] : memref<8x128x64xf32, #tpu.memory_space<vmem>> -> memref<1x128x64xf32, #tpu.memory_space<vmem>>
        %dma_wait3A_260 = tpu.memref_squeeze %dma_wait3A_259 : memref<1x128x64xf32, #tpu.memory_space<vmem>> -> memref<128x64xf32, #tpu.memory_space<vmem>>
        %dma_wait3A_261 = arith.constant 0 : i32
        %dma_wait3A_262 = tpu.memref_slice %arg8[%add3A_174, %dma_wait3A_261] : memref<40x128xi32, #tpu.memory_space<vmem>> -> memref<1x128xi32, #tpu.memory_space<vmem>>
        %dma_wait3A_263 = tpu.memref_squeeze %dma_wait3A_262 : memref<1x128xi32, #tpu.memory_space<vmem>> -> memref<128xi32, #tpu.memory_space<vmem>>
        %dma_wait3A_264 = arith.constant 0 : i32
        %dma_wait3A_265 = arith.constant 0 : i32
        %dma_wait3A_266 = tpu.memref_slice %arg6[%dma_wait3A_264, %dma_wait3A_265] : memref<10240x64xf32, #tpu.memory_space<vmem_shared>> -> memref<10240x64xf32, #tpu.memory_space<vmem_shared>>
        tpu.wait_indirect_dma semaphore(%run_scoped3A_246 : memref<!tpu.dma_semaphore, #tpu.memory_space<semaphore_mem>>) src(%dma_wait3A_260 : memref<128x64xf32, #tpu.memory_space<vmem>>) dst(%dma_wait3A_266 : memref<10240x64xf32, #tpu.memory_space<vmem_shared>>)
        tpu.yield
      }) : () -> ()
      %dma_wait3A_176 = arith.constant 3 : i32
      %dma_wait3A_177 = arith.constant 0 : i32
      %dma_wait3A_178 = arith.constant 0 : i32
      %dma_wait3A_179 = tpu.memref_slice %arg9[%dma_wait3A_176, %dma_wait3A_177, %dma_wait3A_178] : memref<8x128x64xf32, #tpu.memory_space<vmem>> -> memref<1x128x64xf32, #tpu.memory_space<vmem>>
      %dma_wait3A_180 = tpu.memref_squeeze %dma_wait3A_179 : memref<1x128x64xf32, #tpu.memory_space<vmem>> -> memref<128x64xf32, #tpu.memory_space<vmem>>
      %dma_wait3A_181 = arith.constant 0 : i32
      %dma_wait3A_182 = tpu.memref_slice %arg7[%add3A_72, %dma_wait3A_181] : memref<40x128xi32, #tpu.memory_space<vmem>> -> memref<1x128xi32, #tpu.memory_space<vmem>>
      %dma_wait3A_183 = tpu.memref_squeeze %dma_wait3A_182 : memref<1x128xi32, #tpu.memory_space<vmem>> -> memref<128xi32, #tpu.memory_space<vmem>>
      %dma_wait3A_184 = arith.constant 0 : i32
      %dma_wait3A_185 = arith.constant 0 : i32
      %dma_wait3A_186 = tpu.memref_slice %arg2[%dma_wait3A_184, %dma_wait3A_185] : memref<10000x64xf32, #tpu.memory_space<hbm>> -> memref<10000x64xf32, #tpu.memory_space<hbm>>
      tpu.wait_indirect_dma semaphore(%arg14 : memref<!tpu.dma_semaphore, #tpu.memory_space<semaphore_mem>>) src(%dma_wait3A_186 : memref<10000x64xf32, #tpu.memory_space<hbm>>) dst(%dma_wait3A_180 : memref<128x64xf32, #tpu.memory_space<vmem>>)
      %add3A_187 = arith.constant 3 : i32
      %add3A_188 = arith.addi %mul3A_32, %add3A_187 : i32
      %run_scoped3A_189 = arith.constant 3 : i32
      "tpu.region"() ({
        %run_scoped3A_246 = tpu.sem_alloc : memref<!tpu.dma_semaphore, #tpu.memory_space<semaphore_mem>>
        %dma_start3A_247 = arith.constant 0 : i32
        %dma_start3A_248 = arith.constant 0 : i32
        %dma_start3A_249 = tpu.memref_slice %arg9[%run_scoped3A_189, %dma_start3A_247, %dma_start3A_248] : memref<8x128x64xf32, #tpu.memory_space<vmem>> -> memref<1x128x64xf32, #tpu.memory_space<vmem>>
        %dma_start3A_250 = tpu.memref_squeeze %dma_start3A_249 : memref<1x128x64xf32, #tpu.memory_space<vmem>> -> memref<128x64xf32, #tpu.memory_space<vmem>>
        %dma_start3A_251 = arith.constant 0 : i32
        %dma_start3A_252 = tpu.memref_slice %arg8[%add3A_188, %dma_start3A_251] : memref<40x128xi32, #tpu.memory_space<vmem>> -> memref<1x128xi32, #tpu.memory_space<vmem>>
        %dma_start3A_253 = tpu.memref_squeeze %dma_start3A_252 : memref<1x128xi32, #tpu.memory_space<vmem>> -> memref<128xi32, #tpu.memory_space<vmem>>
        %dma_start3A_254 = arith.constant 0 : i32
        %dma_start3A_255 = arith.constant 0 : i32
        %dma_start3A_256 = tpu.memref_slice %arg6[%dma_start3A_254, %dma_start3A_255] : memref<10240x64xf32, #tpu.memory_space<vmem_shared>> -> memref<10240x64xf32, #tpu.memory_space<vmem_shared>>
        tpu.enqueue_indirect_dma source(%dma_start3A_250 : memref<128x64xf32, #tpu.memory_space<vmem>>) target(%dma_start3A_256 : memref<10240x64xf32, #tpu.memory_space<vmem_shared>>) offsets(%dma_start3A_253 : memref<128xi32, #tpu.memory_space<vmem>>) semaphore(%run_scoped3A_246 : memref<!tpu.dma_semaphore, #tpu.memory_space<semaphore_mem>>) {add = true}
        %dma_wait3A_257 = arith.constant 0 : i32
        %dma_wait3A_258 = arith.constant 0 : i32
        %dma_wait3A_259 = tpu.memref_slice %arg9[%run_scoped3A_189, %dma_wait3A_257, %dma_wait3A_258] : memref<8x128x64xf32, #tpu.memory_space<vmem>> -> memref<1x128x64xf32, #tpu.memory_space<vmem>>
        %dma_wait3A_260 = tpu.memref_squeeze %dma_wait3A_259 : memref<1x128x64xf32, #tpu.memory_space<vmem>> -> memref<128x64xf32, #tpu.memory_space<vmem>>
        %dma_wait3A_261 = arith.constant 0 : i32
        %dma_wait3A_262 = tpu.memref_slice %arg8[%add3A_188, %dma_wait3A_261] : memref<40x128xi32, #tpu.memory_space<vmem>> -> memref<1x128xi32, #tpu.memory_space<vmem>>
        %dma_wait3A_263 = tpu.memref_squeeze %dma_wait3A_262 : memref<1x128xi32, #tpu.memory_space<vmem>> -> memref<128xi32, #tpu.memory_space<vmem>>
        %dma_wait3A_264 = arith.constant 0 : i32
        %dma_wait3A_265 = arith.constant 0 : i32
        %dma_wait3A_266 = tpu.memref_slice %arg6[%dma_wait3A_264, %dma_wait3A_265] : memref<10240x64xf32, #tpu.memory_space<vmem_shared>> -> memref<10240x64xf32, #tpu.memory_space<vmem_shared>>
        tpu.wait_indirect_dma semaphore(%run_scoped3A_246 : memref<!tpu.dma_semaphore, #tpu.memory_space<semaphore_mem>>) src(%dma_wait3A_260 : memref<128x64xf32, #tpu.memory_space<vmem>>) dst(%dma_wait3A_266 : memref<10240x64xf32, #tpu.memory_space<vmem_shared>>)
        tpu.yield
      }) : () -> ()
      %dma_wait3A_190 = arith.constant 4 : i32
      %dma_wait3A_191 = arith.constant 0 : i32
      %dma_wait3A_192 = arith.constant 0 : i32
      %dma_wait3A_193 = tpu.memref_slice %arg9[%dma_wait3A_190, %dma_wait3A_191, %dma_wait3A_192] : memref<8x128x64xf32, #tpu.memory_space<vmem>> -> memref<1x128x64xf32, #tpu.memory_space<vmem>>
      %dma_wait3A_194 = tpu.memref_squeeze %dma_wait3A_193 : memref<1x128x64xf32, #tpu.memory_space<vmem>> -> memref<128x64xf32, #tpu.memory_space<vmem>>
      %dma_wait3A_195 = arith.constant 0 : i32
      %dma_wait3A_196 = tpu.memref_slice %arg7[%add3A_85, %dma_wait3A_195] : memref<40x128xi32, #tpu.memory_space<vmem>> -> memref<1x128xi32, #tpu.memory_space<vmem>>
      %dma_wait3A_197 = tpu.memref_squeeze %dma_wait3A_196 : memref<1x128xi32, #tpu.memory_space<vmem>> -> memref<128xi32, #tpu.memory_space<vmem>>
      %dma_wait3A_198 = arith.constant 0 : i32
      %dma_wait3A_199 = arith.constant 0 : i32
      %dma_wait3A_200 = tpu.memref_slice %arg2[%dma_wait3A_198, %dma_wait3A_199] : memref<10000x64xf32, #tpu.memory_space<hbm>> -> memref<10000x64xf32, #tpu.memory_space<hbm>>
      tpu.wait_indirect_dma semaphore(%arg15 : memref<!tpu.dma_semaphore, #tpu.memory_space<semaphore_mem>>) src(%dma_wait3A_200 : memref<10000x64xf32, #tpu.memory_space<hbm>>) dst(%dma_wait3A_194 : memref<128x64xf32, #tpu.memory_space<vmem>>)
      %add3A_201 = arith.constant 4 : i32
      %add3A_202 = arith.addi %mul3A_32, %add3A_201 : i32
      %run_scoped3A_203 = arith.constant 4 : i32
      "tpu.region"() ({
        %run_scoped3A_246 = tpu.sem_alloc : memref<!tpu.dma_semaphore, #tpu.memory_space<semaphore_mem>>
        %dma_start3A_247 = arith.constant 0 : i32
        %dma_start3A_248 = arith.constant 0 : i32
        %dma_start3A_249 = tpu.memref_slice %arg9[%run_scoped3A_203, %dma_start3A_247, %dma_start3A_248] : memref<8x128x64xf32, #tpu.memory_space<vmem>> -> memref<1x128x64xf32, #tpu.memory_space<vmem>>
        %dma_start3A_250 = tpu.memref_squeeze %dma_start3A_249 : memref<1x128x64xf32, #tpu.memory_space<vmem>> -> memref<128x64xf32, #tpu.memory_space<vmem>>
        %dma_start3A_251 = arith.constant 0 : i32
        %dma_start3A_252 = tpu.memref_slice %arg8[%add3A_202, %dma_start3A_251] : memref<40x128xi32, #tpu.memory_space<vmem>> -> memref<1x128xi32, #tpu.memory_space<vmem>>
        %dma_start3A_253 = tpu.memref_squeeze %dma_start3A_252 : memref<1x128xi32, #tpu.memory_space<vmem>> -> memref<128xi32, #tpu.memory_space<vmem>>
        %dma_start3A_254 = arith.constant 0 : i32
        %dma_start3A_255 = arith.constant 0 : i32
        %dma_start3A_256 = tpu.memref_slice %arg6[%dma_start3A_254, %dma_start3A_255] : memref<10240x64xf32, #tpu.memory_space<vmem_shared>> -> memref<10240x64xf32, #tpu.memory_space<vmem_shared>>
        tpu.enqueue_indirect_dma source(%dma_start3A_250 : memref<128x64xf32, #tpu.memory_space<vmem>>) target(%dma_start3A_256 : memref<10240x64xf32, #tpu.memory_space<vmem_shared>>) offsets(%dma_start3A_253 : memref<128xi32, #tpu.memory_space<vmem>>) semaphore(%run_scoped3A_246 : memref<!tpu.dma_semaphore, #tpu.memory_space<semaphore_mem>>) {add = true}
        %dma_wait3A_257 = arith.constant 0 : i32
        %dma_wait3A_258 = arith.constant 0 : i32
        %dma_wait3A_259 = tpu.memref_slice %arg9[%run_scoped3A_203, %dma_wait3A_257, %dma_wait3A_258] : memref<8x128x64xf32, #tpu.memory_space<vmem>> -> memref<1x128x64xf32, #tpu.memory_space<vmem>>
        %dma_wait3A_260 = tpu.memref_squeeze %dma_wait3A_259 : memref<1x128x64xf32, #tpu.memory_space<vmem>> -> memref<128x64xf32, #tpu.memory_space<vmem>>
        %dma_wait3A_261 = arith.constant 0 : i32
        %dma_wait3A_262 = tpu.memref_slice %arg8[%add3A_202, %dma_wait3A_261] : memref<40x128xi32, #tpu.memory_space<vmem>> -> memref<1x128xi32, #tpu.memory_space<vmem>>
        %dma_wait3A_263 = tpu.memref_squeeze %dma_wait3A_262 : memref<1x128xi32, #tpu.memory_space<vmem>> -> memref<128xi32, #tpu.memory_space<vmem>>
        %dma_wait3A_264 = arith.constant 0 : i32
        %dma_wait3A_265 = arith.constant 0 : i32
        %dma_wait3A_266 = tpu.memref_slice %arg6[%dma_wait3A_264, %dma_wait3A_265] : memref<10240x64xf32, #tpu.memory_space<vmem_shared>> -> memref<10240x64xf32, #tpu.memory_space<vmem_shared>>
        tpu.wait_indirect_dma semaphore(%run_scoped3A_246 : memref<!tpu.dma_semaphore, #tpu.memory_space<semaphore_mem>>) src(%dma_wait3A_260 : memref<128x64xf32, #tpu.memory_space<vmem>>) dst(%dma_wait3A_266 : memref<10240x64xf32, #tpu.memory_space<vmem_shared>>)
        tpu.yield
      }) : () -> ()
      %dma_wait3A_204 = arith.constant 5 : i32
      %dma_wait3A_205 = arith.constant 0 : i32
      %dma_wait3A_206 = arith.constant 0 : i32
      %dma_wait3A_207 = tpu.memref_slice %arg9[%dma_wait3A_204, %dma_wait3A_205, %dma_wait3A_206] : memref<8x128x64xf32, #tpu.memory_space<vmem>> -> memref<1x128x64xf32, #tpu.memory_space<vmem>>
      %dma_wait3A_208 = tpu.memref_squeeze %dma_wait3A_207 : memref<1x128x64xf32, #tpu.memory_space<vmem>> -> memref<128x64xf32, #tpu.memory_space<vmem>>
      %dma_wait3A_209 = arith.constant 0 : i32
      %dma_wait3A_210 = tpu.memref_slice %arg7[%add3A_98, %dma_wait3A_209] : memref<40x128xi32, #tpu.memory_space<vmem>> -> memref<1x128xi32, #tpu.memory_space<vmem>>
      %dma_wait3A_211 = tpu.memref_squeeze %dma_wait3A_210 : memref<1x128xi32, #tpu.memory_space<vmem>> -> memref<128xi32, #tpu.memory_space<vmem>>
      %dma_wait3A_212 = arith.constant 0 : i32
      %dma_wait3A_213 = arith.constant 0 : i32
      %dma_wait3A_214 = tpu.memref_slice %arg2[%dma_wait3A_212, %dma_wait3A_213] : memref<10000x64xf32, #tpu.memory_space<hbm>> -> memref<10000x64xf32, #tpu.memory_space<hbm>>
      tpu.wait_indirect_dma semaphore(%arg16 : memref<!tpu.dma_semaphore, #tpu.memory_space<semaphore_mem>>) src(%dma_wait3A_214 : memref<10000x64xf32, #tpu.memory_space<hbm>>) dst(%dma_wait3A_208 : memref<128x64xf32, #tpu.memory_space<vmem>>)
      %add3A_215 = arith.constant 5 : i32
      %add3A_216 = arith.addi %mul3A_32, %add3A_215 : i32
      %run_scoped3A_217 = arith.constant 5 : i32
      "tpu.region"() ({
        %run_scoped3A_246 = tpu.sem_alloc : memref<!tpu.dma_semaphore, #tpu.memory_space<semaphore_mem>>
        %dma_start3A_247 = arith.constant 0 : i32
        %dma_start3A_248 = arith.constant 0 : i32
        %dma_start3A_249 = tpu.memref_slice %arg9[%run_scoped3A_217, %dma_start3A_247, %dma_start3A_248] : memref<8x128x64xf32, #tpu.memory_space<vmem>> -> memref<1x128x64xf32, #tpu.memory_space<vmem>>
        %dma_start3A_250 = tpu.memref_squeeze %dma_start3A_249 : memref<1x128x64xf32, #tpu.memory_space<vmem>> -> memref<128x64xf32, #tpu.memory_space<vmem>>
        %dma_start3A_251 = arith.constant 0 : i32
        %dma_start3A_252 = tpu.memref_slice %arg8[%add3A_216, %dma_start3A_251] : memref<40x128xi32, #tpu.memory_space<vmem>> -> memref<1x128xi32, #tpu.memory_space<vmem>>
        %dma_start3A_253 = tpu.memref_squeeze %dma_start3A_252 : memref<1x128xi32, #tpu.memory_space<vmem>> -> memref<128xi32, #tpu.memory_space<vmem>>
        %dma_start3A_254 = arith.constant 0 : i32
        %dma_start3A_255 = arith.constant 0 : i32
        %dma_start3A_256 = tpu.memref_slice %arg6[%dma_start3A_254, %dma_start3A_255] : memref<10240x64xf32, #tpu.memory_space<vmem_shared>> -> memref<10240x64xf32, #tpu.memory_space<vmem_shared>>
        tpu.enqueue_indirect_dma source(%dma_start3A_250 : memref<128x64xf32, #tpu.memory_space<vmem>>) target(%dma_start3A_256 : memref<10240x64xf32, #tpu.memory_space<vmem_shared>>) offsets(%dma_start3A_253 : memref<128xi32, #tpu.memory_space<vmem>>) semaphore(%run_scoped3A_246 : memref<!tpu.dma_semaphore, #tpu.memory_space<semaphore_mem>>) {add = true}
        %dma_wait3A_257 = arith.constant 0 : i32
        %dma_wait3A_258 = arith.constant 0 : i32
        %dma_wait3A_259 = tpu.memref_slice %arg9[%run_scoped3A_217, %dma_wait3A_257, %dma_wait3A_258] : memref<8x128x64xf32, #tpu.memory_space<vmem>> -> memref<1x128x64xf32, #tpu.memory_space<vmem>>
        %dma_wait3A_260 = tpu.memref_squeeze %dma_wait3A_259 : memref<1x128x64xf32, #tpu.memory_space<vmem>> -> memref<128x64xf32, #tpu.memory_space<vmem>>
        %dma_wait3A_261 = arith.constant 0 : i32
        %dma_wait3A_262 = tpu.memref_slice %arg8[%add3A_216, %dma_wait3A_261] : memref<40x128xi32, #tpu.memory_space<vmem>> -> memref<1x128xi32, #tpu.memory_space<vmem>>
        %dma_wait3A_263 = tpu.memref_squeeze %dma_wait3A_262 : memref<1x128xi32, #tpu.memory_space<vmem>> -> memref<128xi32, #tpu.memory_space<vmem>>
        %dma_wait3A_264 = arith.constant 0 : i32
        %dma_wait3A_265 = arith.constant 0 : i32
        %dma_wait3A_266 = tpu.memref_slice %arg6[%dma_wait3A_264, %dma_wait3A_265] : memref<10240x64xf32, #tpu.memory_space<vmem_shared>> -> memref<10240x64xf32, #tpu.memory_space<vmem_shared>>
        tpu.wait_indirect_dma semaphore(%run_scoped3A_246 : memref<!tpu.dma_semaphore, #tpu.memory_space<semaphore_mem>>) src(%dma_wait3A_260 : memref<128x64xf32, #tpu.memory_space<vmem>>) dst(%dma_wait3A_266 : memref<10240x64xf32, #tpu.memory_space<vmem_shared>>)
        tpu.yield
      }) : () -> ()
      %dma_wait3A_218 = arith.constant 6 : i32
      %dma_wait3A_219 = arith.constant 0 : i32
      %dma_wait3A_220 = arith.constant 0 : i32
      %dma_wait3A_221 = tpu.memref_slice %arg9[%dma_wait3A_218, %dma_wait3A_219, %dma_wait3A_220] : memref<8x128x64xf32, #tpu.memory_space<vmem>> -> memref<1x128x64xf32, #tpu.memory_space<vmem>>
      %dma_wait3A_222 = tpu.memref_squeeze %dma_wait3A_221 : memref<1x128x64xf32, #tpu.memory_space<vmem>> -> memref<128x64xf32, #tpu.memory_space<vmem>>
      %dma_wait3A_223 = arith.constant 0 : i32
      %dma_wait3A_224 = tpu.memref_slice %arg7[%add3A_111, %dma_wait3A_223] : memref<40x128xi32, #tpu.memory_space<vmem>> -> memref<1x128xi32, #tpu.memory_space<vmem>>
      %dma_wait3A_225 = tpu.memref_squeeze %dma_wait3A_224 : memref<1x128xi32, #tpu.memory_space<vmem>> -> memref<128xi32, #tpu.memory_space<vmem>>
      %dma_wait3A_226 = arith.constant 0 : i32
      %dma_wait3A_227 = arith.constant 0 : i32
      %dma_wait3A_228 = tpu.memref_slice %arg2[%dma_wait3A_226, %dma_wait3A_227] : memref<10000x64xf32, #tpu.memory_space<hbm>> -> memref<10000x64xf32, #tpu.memory_space<hbm>>
      tpu.wait_indirect_dma semaphore(%arg17 : memref<!tpu.dma_semaphore, #tpu.memory_space<semaphore_mem>>) src(%dma_wait3A_228 : memref<10000x64xf32, #tpu.memory_space<hbm>>) dst(%dma_wait3A_222 : memref<128x64xf32, #tpu.memory_space<vmem>>)
      %add3A_229 = arith.constant 6 : i32
      %add3A_230 = arith.addi %mul3A_32, %add3A_229 : i32
      %run_scoped3A_231 = arith.constant 6 : i32
      "tpu.region"() ({
        %run_scoped3A_246 = tpu.sem_alloc : memref<!tpu.dma_semaphore, #tpu.memory_space<semaphore_mem>>
        %dma_start3A_247 = arith.constant 0 : i32
        %dma_start3A_248 = arith.constant 0 : i32
        %dma_start3A_249 = tpu.memref_slice %arg9[%run_scoped3A_231, %dma_start3A_247, %dma_start3A_248] : memref<8x128x64xf32, #tpu.memory_space<vmem>> -> memref<1x128x64xf32, #tpu.memory_space<vmem>>
        %dma_start3A_250 = tpu.memref_squeeze %dma_start3A_249 : memref<1x128x64xf32, #tpu.memory_space<vmem>> -> memref<128x64xf32, #tpu.memory_space<vmem>>
        %dma_start3A_251 = arith.constant 0 : i32
        %dma_start3A_252 = tpu.memref_slice %arg8[%add3A_230, %dma_start3A_251] : memref<40x128xi32, #tpu.memory_space<vmem>> -> memref<1x128xi32, #tpu.memory_space<vmem>>
        %dma_start3A_253 = tpu.memref_squeeze %dma_start3A_252 : memref<1x128xi32, #tpu.memory_space<vmem>> -> memref<128xi32, #tpu.memory_space<vmem>>
        %dma_start3A_254 = arith.constant 0 : i32
        %dma_start3A_255 = arith.constant 0 : i32
        %dma_start3A_256 = tpu.memref_slice %arg6[%dma_start3A_254, %dma_start3A_255] : memref<10240x64xf32, #tpu.memory_space<vmem_shared>> -> memref<10240x64xf32, #tpu.memory_space<vmem_shared>>
        tpu.enqueue_indirect_dma source(%dma_start3A_250 : memref<128x64xf32, #tpu.memory_space<vmem>>) target(%dma_start3A_256 : memref<10240x64xf32, #tpu.memory_space<vmem_shared>>) offsets(%dma_start3A_253 : memref<128xi32, #tpu.memory_space<vmem>>) semaphore(%run_scoped3A_246 : memref<!tpu.dma_semaphore, #tpu.memory_space<semaphore_mem>>) {add = true}
        %dma_wait3A_257 = arith.constant 0 : i32
        %dma_wait3A_258 = arith.constant 0 : i32
        %dma_wait3A_259 = tpu.memref_slice %arg9[%run_scoped3A_231, %dma_wait3A_257, %dma_wait3A_258] : memref<8x128x64xf32, #tpu.memory_space<vmem>> -> memref<1x128x64xf32, #tpu.memory_space<vmem>>
        %dma_wait3A_260 = tpu.memref_squeeze %dma_wait3A_259 : memref<1x128x64xf32, #tpu.memory_space<vmem>> -> memref<128x64xf32, #tpu.memory_space<vmem>>
        %dma_wait3A_261 = arith.constant 0 : i32
        %dma_wait3A_262 = tpu.memref_slice %arg8[%add3A_230, %dma_wait3A_261] : memref<40x128xi32, #tpu.memory_space<vmem>> -> memref<1x128xi32, #tpu.memory_space<vmem>>
        %dma_wait3A_263 = tpu.memref_squeeze %dma_wait3A_262 : memref<1x128xi32, #tpu.memory_space<vmem>> -> memref<128xi32, #tpu.memory_space<vmem>>
        %dma_wait3A_264 = arith.constant 0 : i32
        %dma_wait3A_265 = arith.constant 0 : i32
        %dma_wait3A_266 = tpu.memref_slice %arg6[%dma_wait3A_264, %dma_wait3A_265] : memref<10240x64xf32, #tpu.memory_space<vmem_shared>> -> memref<10240x64xf32, #tpu.memory_space<vmem_shared>>
        tpu.wait_indirect_dma semaphore(%run_scoped3A_246 : memref<!tpu.dma_semaphore, #tpu.memory_space<semaphore_mem>>) src(%dma_wait3A_260 : memref<128x64xf32, #tpu.memory_space<vmem>>) dst(%dma_wait3A_266 : memref<10240x64xf32, #tpu.memory_space<vmem_shared>>)
        tpu.yield
      }) : () -> ()
      %dma_wait3A_232 = arith.constant 7 : i32
      %dma_wait3A_233 = arith.constant 0 : i32
      %dma_wait3A_234 = arith.constant 0 : i32
      %dma_wait3A_235 = tpu.memref_slice %arg9[%dma_wait3A_232, %dma_wait3A_233, %dma_wait3A_234] : memref<8x128x64xf32, #tpu.memory_space<vmem>> -> memref<1x128x64xf32, #tpu.memory_space<vmem>>
      %dma_wait3A_236 = tpu.memref_squeeze %dma_wait3A_235 : memref<1x128x64xf32, #tpu.memory_space<vmem>> -> memref<128x64xf32, #tpu.memory_space<vmem>>
      %dma_wait3A_237 = arith.constant 0 : i32
      %dma_wait3A_238 = tpu.memref_slice %arg7[%add3A_124, %dma_wait3A_237] : memref<40x128xi32, #tpu.memory_space<vmem>> -> memref<1x128xi32, #tpu.memory_space<vmem>>
      %dma_wait3A_239 = tpu.memref_squeeze %dma_wait3A_238 : memref<1x128xi32, #tpu.memory_space<vmem>> -> memref<128xi32, #tpu.memory_space<vmem>>
      %dma_wait3A_240 = arith.constant 0 : i32
      %dma_wait3A_241 = arith.constant 0 : i32
      %dma_wait3A_242 = tpu.memref_slice %arg2[%dma_wait3A_240, %dma_wait3A_241] : memref<10000x64xf32, #tpu.memory_space<hbm>> -> memref<10000x64xf32, #tpu.memory_space<hbm>>
      tpu.wait_indirect_dma semaphore(%arg18 : memref<!tpu.dma_semaphore, #tpu.memory_space<semaphore_mem>>) src(%dma_wait3A_242 : memref<10000x64xf32, #tpu.memory_space<hbm>>) dst(%dma_wait3A_236 : memref<128x64xf32, #tpu.memory_space<vmem>>)
      %add3A_243 = arith.constant 7 : i32
      %add3A_244 = arith.addi %mul3A_32, %add3A_243 : i32
      %run_scoped3A_245 = arith.constant 7 : i32
      "tpu.region"() ({
        %run_scoped3A_246 = tpu.sem_alloc : memref<!tpu.dma_semaphore, #tpu.memory_space<semaphore_mem>>
        %dma_start3A_247 = arith.constant 0 : i32
        %dma_start3A_248 = arith.constant 0 : i32
        %dma_start3A_249 = tpu.memref_slice %arg9[%run_scoped3A_245, %dma_start3A_247, %dma_start3A_248] : memref<8x128x64xf32, #tpu.memory_space<vmem>> -> memref<1x128x64xf32, #tpu.memory_space<vmem>>
        %dma_start3A_250 = tpu.memref_squeeze %dma_start3A_249 : memref<1x128x64xf32, #tpu.memory_space<vmem>> -> memref<128x64xf32, #tpu.memory_space<vmem>>
        %dma_start3A_251 = arith.constant 0 : i32
        %dma_start3A_252 = tpu.memref_slice %arg8[%add3A_244, %dma_start3A_251] : memref<40x128xi32, #tpu.memory_space<vmem>> -> memref<1x128xi32, #tpu.memory_space<vmem>>
        %dma_start3A_253 = tpu.memref_squeeze %dma_start3A_252 : memref<1x128xi32, #tpu.memory_space<vmem>> -> memref<128xi32, #tpu.memory_space<vmem>>
        %dma_start3A_254 = arith.constant 0 : i32
        %dma_start3A_255 = arith.constant 0 : i32
        %dma_start3A_256 = tpu.memref_slice %arg6[%dma_start3A_254, %dma_start3A_255] : memref<10240x64xf32, #tpu.memory_space<vmem_shared>> -> memref<10240x64xf32, #tpu.memory_space<vmem_shared>>
        tpu.enqueue_indirect_dma source(%dma_start3A_250 : memref<128x64xf32, #tpu.memory_space<vmem>>) target(%dma_start3A_256 : memref<10240x64xf32, #tpu.memory_space<vmem_shared>>) offsets(%dma_start3A_253 : memref<128xi32, #tpu.memory_space<vmem>>) semaphore(%run_scoped3A_246 : memref<!tpu.dma_semaphore, #tpu.memory_space<semaphore_mem>>) {add = true}
        %dma_wait3A_257 = arith.constant 0 : i32
        %dma_wait3A_258 = arith.constant 0 : i32
        %dma_wait3A_259 = tpu.memref_slice %arg9[%run_scoped3A_245, %dma_wait3A_257, %dma_wait3A_258] : memref<8x128x64xf32, #tpu.memory_space<vmem>> -> memref<1x128x64xf32, #tpu.memory_space<vmem>>
        %dma_wait3A_260 = tpu.memref_squeeze %dma_wait3A_259 : memref<1x128x64xf32, #tpu.memory_space<vmem>> -> memref<128x64xf32, #tpu.memory_space<vmem>>
        %dma_wait3A_261 = arith.constant 0 : i32
        %dma_wait3A_262 = tpu.memref_slice %arg8[%add3A_244, %dma_wait3A_261] : memref<40x128xi32, #tpu.memory_space<vmem>> -> memref<1x128xi32, #tpu.memory_space<vmem>>
        %dma_wait3A_263 = tpu.memref_squeeze %dma_wait3A_262 : memref<1x128xi32, #tpu.memory_space<vmem>> -> memref<128xi32, #tpu.memory_space<vmem>>
        %dma_wait3A_264 = arith.constant 0 : i32
        %dma_wait3A_265 = arith.constant 0 : i32
        %dma_wait3A_266 = tpu.memref_slice %arg6[%dma_wait3A_264, %dma_wait3A_265] : memref<10240x64xf32, #tpu.memory_space<vmem_shared>> -> memref<10240x64xf32, #tpu.memory_space<vmem_shared>>
        tpu.wait_indirect_dma semaphore(%run_scoped3A_246 : memref<!tpu.dma_semaphore, #tpu.memory_space<semaphore_mem>>) src(%dma_wait3A_260 : memref<128x64xf32, #tpu.memory_space<vmem>>) dst(%dma_wait3A_266 : memref<10240x64xf32, #tpu.memory_space<vmem_shared>>)
        tpu.yield
      }) : () -> ()
    }
    %scan3A_21 = arith.constant 5 : i32
    %barrier3A_22 = arith.constant 0 : index
    tpu.barrier barrier_id(%barrier3A_22)
    %mul3A_23 = arith.constant 640 : i32
    %mul3A_24 = arith.muli %arg1, %mul3A_23 : i32
    %mul3A_25 = arith.constant 10240 : i32
    %mul3A_26 = arith.muli %arg0, %mul3A_25 : i32
    %mul3A_27 = arith.constant 640 : i32
    %mul3A_28 = arith.muli %arg1, %mul3A_27 : i32
    %add3A_29 = arith.addi %mul3A_26, %mul3A_28 : i32
    "tpu.region"() ({
      %run_scoped3A = tpu.sem_alloc : memref<!tpu.dma_semaphore, #tpu.memory_space<semaphore_mem>>
      %dma_start3A = arith.constant 0 : i32
      %dma_start3A_30 = tpu.memref_slice %arg5[%add3A_29, %dma_start3A] : memref<20480x64xf32, #tpu.memory_space<hbm>> -> memref<640x64xf32, #tpu.memory_space<hbm>>
      %dma_start3A_31 = arith.constant 0 : i32
      %dma_start3A_32 = tpu.memref_slice %arg6[%mul3A_24, %dma_start3A_31] : memref<10240x64xf32, #tpu.memory_space<vmem_shared>> -> memref<640x64xf32, #tpu.memory_space<vmem_shared>>
      tpu.enqueue_dma source(%dma_start3A_32 : memref<640x64xf32, #tpu.memory_space<vmem_shared>>) target(%dma_start3A_30 : memref<640x64xf32, #tpu.memory_space<hbm>>) target_semaphore(%run_scoped3A : memref<!tpu.dma_semaphore, #tpu.memory_space<semaphore_mem>>)
      %dma_wait3A = arith.constant 0 : i32
      %dma_wait3A_33 = tpu.memref_slice %arg5[%add3A_29, %dma_wait3A] : memref<20480x64xf32, #tpu.memory_space<hbm>> -> memref<640x64xf32, #tpu.memory_space<hbm>>
      %dma_wait3A_34 = arith.constant 0 : i32
      %dma_wait3A_35 = tpu.memref_slice %arg6[%mul3A_24, %dma_wait3A_34] : memref<10240x64xf32, #tpu.memory_space<vmem_shared>> -> memref<640x64xf32, #tpu.memory_space<vmem_shared>>
      tpu.wait_dma2 semaphore(%run_scoped3A : memref<!tpu.dma_semaphore, #tpu.memory_space<semaphore_mem>>) src(%dma_wait3A_35 : memref<640x64xf32, #tpu.memory_space<vmem_shared>>) dst(%dma_wait3A_33 : memref<640x64xf32, #tpu.memory_space<hbm>>)
      tpu.yield
    }) : () -> ()
    return
  }
}

module attributes {stable_mosaic.version = 14 : i64} {
  func.func @_tc1_body(%arg0: i32, %arg1: memref<1000x500xf32, #tpu.memory_space<vmem>>, %arg2: memref<1000x500xf32, #tpu.memory_space<vmem>>, %arg3: memref<500x64xf32, #tpu.memory_space<vmem>>, %arg4: memref<500x64xf32, #tpu.memory_space<vmem>>, %arg5: memref<1000x128xf32, #tpu.memory_space<vmem>>, %arg6: memref<1000x128xf32, #tpu.memory_space<vmem>>) attributes {dimension_semantics = [#tpu.dimension_semantics<arbitrary>], iteration_bounds = array<i64: 5>, scalar_prefetch = 0 : i64, scratch_operands = 0 : i64, tpu.core_type = #tpu.core_type<tc>, window_params = [{transform_indices = @transform_0, window_bounds = array<i64: 1000, 500>}, {transform_indices = @transform_1, window_bounds = array<i64: 1000, 500>}, {pipeline_mode = #tpu.pipeline_mode<synchronous>, transform_indices = @transform_2, window_bounds = array<i64: 500, 64>}, {pipeline_mode = #tpu.pipeline_mode<synchronous>, transform_indices = @transform_3, window_bounds = array<i64: 500, 64>}, {transform_indices = @transform_4, window_bounds = array<i64: 1000, 128>}, {transform_indices = @transform_5, window_bounds = array<i64: 1000, 128>}]} {
    %get3A = arith.constant 0 : index
    %get3A_0 = arith.constant 0 : index
    %get3A_1 = vector.load %arg1[%get3A, %get3A_0] : memref<1000x500xf32, #tpu.memory_space<vmem>>, vector<1000x500xf32>
    %abs3A = math.absf %get3A_1 : vector<1000x500xf32>
    %reduce_sum3A = arith.constant dense<0.000000e+00> : vector<1000xf32>
    %reduce_sum3A_2 = vector.multi_reduction <add>, %abs3A, %reduce_sum3A [1] : vector<1000x500xf32> to vector<1000xf32>
    %broadcast_in_dim3A = vector.shape_cast %reduce_sum3A_2 : vector<1000xf32> to vector<1000x1xf32>
    %max3A = arith.constant 9.99999996E-13 : f32
    %max3A_3 = vector.broadcast %max3A : f32 to vector<1000x1xf32>
    %max3A_4 = arith.maximumf %broadcast_in_dim3A, %max3A_3 : vector<1000x1xf32>
    %div3A = vector.broadcast %max3A_4 : vector<1000x1xf32> to vector<1000x500xf32>
    %div3A_5 = arith.divf %get3A_1, %div3A : vector<1000x500xf32>
    %get3A_6 = arith.constant 0 : index
    %get3A_7 = arith.constant 0 : index
    %get3A_8 = vector.load %arg3[%get3A_6, %get3A_7] : memref<500x64xf32, #tpu.memory_space<vmem>>, vector<500x64xf32>
    %dot_general3A = arith.constant dense<0.000000e+00> : vector<1000x64xf32>
    %dot_general3A_9 = tpu.matmul %div3A_5, %get3A_8, %dot_general3A {dimension_numbers = #tpu.dot_dimension_numbers<[1], [0], [0], [1], [0, 0, 1, 1], [], []>, transpose_lhs_hint = false} : vector<1000x500xf32>, vector<500x64xf32>, vector<1000x64xf32> -> vector<1000x64xf32>
    %get3A_10 = arith.constant 0 : index
    %get3A_11 = arith.constant 0 : index
    %get3A_12 = vector.load %arg4[%get3A_10, %get3A_11] : memref<500x64xf32, #tpu.memory_space<vmem>>, vector<500x64xf32>
    %dot_general3A_13 = arith.constant dense<0.000000e+00> : vector<1000x64xf32>
    %dot_general3A_14 = tpu.matmul %div3A_5, %get3A_12, %dot_general3A_13 {dimension_numbers = #tpu.dot_dimension_numbers<[1], [0], [0], [1], [0, 0, 1, 1], [], []>, transpose_lhs_hint = false} : vector<1000x500xf32>, vector<500x64xf32>, vector<1000x64xf32> -> vector<1000x64xf32>
    %get3A_15 = arith.constant 0 : index
    %get3A_16 = arith.constant 0 : index
    %get3A_17 = vector.load %arg2[%get3A_15, %get3A_16] : memref<1000x500xf32, #tpu.memory_space<vmem>>, vector<1000x500xf32>
    %abs3A_18 = math.absf %get3A_17 : vector<1000x500xf32>
    %reduce_sum3A_19 = arith.constant dense<0.000000e+00> : vector<1000xf32>
    %reduce_sum3A_20 = vector.multi_reduction <add>, %abs3A_18, %reduce_sum3A_19 [1] : vector<1000x500xf32> to vector<1000xf32>
    %broadcast_in_dim3A_21 = vector.shape_cast %reduce_sum3A_20 : vector<1000xf32> to vector<1000x1xf32>
    %max3A_22 = arith.constant 9.99999996E-13 : f32
    %max3A_23 = vector.broadcast %max3A_22 : f32 to vector<1000x1xf32>
    %max3A_24 = arith.maximumf %broadcast_in_dim3A_21, %max3A_23 : vector<1000x1xf32>
    %div3A_25 = vector.broadcast %max3A_24 : vector<1000x1xf32> to vector<1000x500xf32>
    %div3A_26 = arith.divf %get3A_17, %div3A_25 : vector<1000x500xf32>
    %get3A_27 = arith.constant 0 : index
    %get3A_28 = arith.constant 0 : index
    %get3A_29 = vector.load %arg3[%get3A_27, %get3A_28] : memref<500x64xf32, #tpu.memory_space<vmem>>, vector<500x64xf32>
    %dot_general3A_30 = arith.constant dense<0.000000e+00> : vector<1000x64xf32>
    %dot_general3A_31 = tpu.matmul %div3A_26, %get3A_29, %dot_general3A_30 {dimension_numbers = #tpu.dot_dimension_numbers<[1], [0], [0], [1], [0, 0, 1, 1], [], []>, transpose_lhs_hint = false} : vector<1000x500xf32>, vector<500x64xf32>, vector<1000x64xf32> -> vector<1000x64xf32>
    %get3A_32 = arith.constant 0 : index
    %get3A_33 = arith.constant 0 : index
    %get3A_34 = vector.load %arg4[%get3A_32, %get3A_33] : memref<500x64xf32, #tpu.memory_space<vmem>>, vector<500x64xf32>
    %dot_general3A_35 = arith.constant dense<0.000000e+00> : vector<1000x64xf32>
    %dot_general3A_36 = tpu.matmul %div3A_26, %get3A_34, %dot_general3A_35 {dimension_numbers = #tpu.dot_dimension_numbers<[1], [0], [0], [1], [0, 0, 1, 1], [], []>, transpose_lhs_hint = false} : vector<1000x500xf32>, vector<500x64xf32>, vector<1000x64xf32> -> vector<1000x64xf32>
    %concatenate3A = tpu.concatenate %dot_general3A_9, %dot_general3A_31 in 1 : vector<1000x64xf32>, vector<1000x64xf32> -> vector<1000x128xf32>
    %swap3A = arith.constant 0 : index
    %swap3A_37 = arith.constant 0 : index
    %swap3A_38 = vector.load %arg5[%swap3A, %swap3A_37] : memref<1000x128xf32, #tpu.memory_space<vmem>>, vector<1000x128xf32>
    tpu.vector_store %arg5[%swap3A, %swap3A_37], %concatenate3A {strides = array<i32>} : memref<1000x128xf32, #tpu.memory_space<vmem>>, vector<1000x128xf32>,
    %concatenate3A_39 = tpu.concatenate %dot_general3A_14, %dot_general3A_36 in 1 : vector<1000x64xf32>, vector<1000x64xf32> -> vector<1000x128xf32>
    %swap3A_40 = arith.constant 0 : index
    %swap3A_41 = arith.constant 0 : index
    %swap3A_42 = vector.load %arg6[%swap3A_40, %swap3A_41] : memref<1000x128xf32, #tpu.memory_space<vmem>>, vector<1000x128xf32>
    tpu.vector_store %arg6[%swap3A_40, %swap3A_41], %concatenate3A_39 {strides = array<i32>} : memref<1000x128xf32, #tpu.memory_space<vmem>>, vector<1000x128xf32>,
    return
  }
  func.func @transform_0(%arg0: i32) -> (i32, i32) {
    %c0_i32 = arith.constant 0 : i32
    %c0_i32_0 = arith.constant 0 : i32
    return %arg0, %c0_i32 : i32, i32
  }
  func.func @transform_1(%arg0: i32) -> (i32, i32) {
    %add3A = arith.constant 5 : i32
    %add3A_0 = arith.addi %add3A, %arg0 : i32
    %c0_i32 = arith.constant 0 : i32
    %c0_i32_1 = arith.constant 0 : i32
    return %add3A_0, %c0_i32 : i32, i32
  }
  func.func @transform_2(%arg0: i32) -> (i32, i32) {
    %c0_i32 = arith.constant 0 : i32
    %c0_i32_0 = arith.constant 0 : i32
    %c0_i32_1 = arith.constant 0 : i32
    return %c0_i32, %c0_i32_0 : i32, i32
  }
  func.func @transform_3(%arg0: i32) -> (i32, i32) {
    %c0_i32 = arith.constant 0 : i32
    %c0_i32_0 = arith.constant 0 : i32
    %c0_i32_1 = arith.constant 0 : i32
    return %c0_i32, %c0_i32_0 : i32, i32
  }
  func.func @transform_4(%arg0: i32) -> (i32, i32) {
    %c0_i32 = arith.constant 0 : i32
    %c0_i32_0 = arith.constant 0 : i32
    return %arg0, %c0_i32 : i32, i32
  }
  func.func @transform_5(%arg0: i32) -> (i32, i32) {
    %c0_i32 = arith.constant 0 : i32
    %c0_i32_0 = arith.constant 0 : i32
    return %arg0, %c0_i32 : i32, i32
  }
}

module attributes {stable_mosaic.version = 14 : i64} {
  func.func @_tc2_body(%arg0: i32, %arg1: memref<2x1000x128xf32, #tpu.memory_space<vmem>>, %arg2: memref<2x1000x128xf32, #tpu.memory_space<vmem>>, %arg3: memref<1000x128xf32, #tpu.memory_space<vmem>>, %arg4: memref<1x128xf32, #tpu.memory_space<vmem>>, %arg5: memref<128x128xf32, #tpu.memory_space<vmem>>, %arg6: memref<128x128xf32, #tpu.memory_space<vmem>>, %arg7: memref<1000x128xf32, #tpu.memory_space<vmem>>, %arg8: memref<1000x128xf32, #tpu.memory_space<vmem>>) attributes {dimension_semantics = [#tpu.dimension_semantics<arbitrary>], iteration_bounds = array<i64: 5>, scalar_prefetch = 0 : i64, scratch_operands = 0 : i64, tpu.core_type = #tpu.core_type<tc>, window_params = [{transform_indices = @transform_0, window_bounds = array<i64: 2, 1000, 128>}, {transform_indices = @transform_1, window_bounds = array<i64: 2, 1000, 128>}, {transform_indices = @transform_2, window_bounds = array<i64: 1000, 128>}, {pipeline_mode = #tpu.pipeline_mode<synchronous>, transform_indices = @transform_3, window_bounds = array<i64: 1, 128>}, {pipeline_mode = #tpu.pipeline_mode<synchronous>, transform_indices = @transform_4, window_bounds = array<i64: 128, 128>}, {pipeline_mode = #tpu.pipeline_mode<synchronous>, transform_indices = @transform_5, window_bounds = array<i64: 128, 128>}, {transform_indices = @transform_6, window_bounds = array<i64: 1000, 128>}, {transform_indices = @transform_7, window_bounds = array<i64: 1000, 128>}]} {
    %get3A = arith.constant 0 : index
    %get3A_0 = arith.constant 0 : index
    %get3A_1 = arith.constant 0 : index
    %get3A_2 = vector.load %arg1[%get3A, %get3A_0, %get3A_1] : memref<2x1000x128xf32, #tpu.memory_space<vmem>>, vector<1x1000x128xf32>
    %get3A_3 = vector.shape_cast %get3A_2 : vector<1x1000x128xf32> to vector<1000x128xf32>
    %get3A_4 = arith.constant 1 : index
    %get3A_5 = arith.constant 0 : index
    %get3A_6 = arith.constant 0 : index
    %get3A_7 = vector.load %arg1[%get3A_4, %get3A_5, %get3A_6] : memref<2x1000x128xf32, #tpu.memory_space<vmem>>, vector<1x1000x128xf32>
    %get3A_8 = vector.shape_cast %get3A_7 : vector<1x1000x128xf32> to vector<1000x128xf32>
    %add3A = arith.addf %get3A_3, %get3A_8 : vector<1000x128xf32>
    %get3A_9 = arith.constant 0 : index
    %get3A_10 = arith.constant 0 : index
    %get3A_11 = arith.constant 0 : index
    %get3A_12 = vector.load %arg2[%get3A_9, %get3A_10, %get3A_11] : memref<2x1000x128xf32, #tpu.memory_space<vmem>>, vector<1x1000x128xf32>
    %get3A_13 = vector.shape_cast %get3A_12 : vector<1x1000x128xf32> to vector<1000x128xf32>
    %get3A_14 = arith.constant 1 : index
    %get3A_15 = arith.constant 0 : index
    %get3A_16 = arith.constant 0 : index
    %get3A_17 = vector.load %arg2[%get3A_14, %get3A_15, %get3A_16] : memref<2x1000x128xf32, #tpu.memory_space<vmem>>, vector<1x1000x128xf32>
    %get3A_18 = vector.shape_cast %get3A_17 : vector<1x1000x128xf32> to vector<1000x128xf32>
    %add3A_19 = arith.addf %get3A_13, %get3A_18 : vector<1000x128xf32>
    %max3A = arith.constant 1.000000e+00 : f32
    %max3A_20 = vector.broadcast %max3A : f32 to vector<1000x128xf32>
    %max3A_21 = arith.maximumf %add3A_19, %max3A_20 : vector<1000x128xf32>
    %div3A = arith.constant 1.000000e+00 : f32
    %div3A_22 = vector.broadcast %div3A : f32 to vector<1000x128xf32>
    %div3A_23 = arith.divf %div3A_22, %max3A_21 : vector<1000x128xf32>
    %mul3A = arith.mulf %add3A, %div3A_23 : vector<1000x128xf32>
    %get3A_24 = arith.constant 0 : index
    %get3A_25 = arith.constant 0 : index
    %get3A_26 = vector.load %arg4[%get3A_24, %get3A_25] : memref<1x128xf32, #tpu.memory_space<vmem>>, vector<1x128xf32>
    %add3A_27 = vector.broadcast %get3A_26 : vector<1x128xf32> to vector<1000x128xf32>
    %add3A_28 = arith.addf %mul3A, %add3A_27 : vector<1000x128xf32>
    %get3A_29 = arith.constant 0 : index
    %get3A_30 = arith.constant 0 : index
    %get3A_31 = vector.load %arg3[%get3A_29, %get3A_30] : memref<1000x128xf32, #tpu.memory_space<vmem>>, vector<1000x128xf32>
    %add3A_32 = arith.addf %add3A_28, %get3A_31 : vector<1000x128xf32>
    %get3A_33 = arith.constant 0 : index
    %get3A_34 = arith.constant 0 : index
    %get3A_35 = vector.load %arg5[%get3A_33, %get3A_34] : memref<128x128xf32, #tpu.memory_space<vmem>>, vector<128x128xf32>
    %dot_general3A = arith.constant dense<0.000000e+00> : vector<1000x128xf32>
    %dot_general3A_36 = tpu.matmul %add3A_32, %get3A_35, %dot_general3A {dimension_numbers = #tpu.dot_dimension_numbers<[1], [0], [0], [1], [0, 0, 1, 1], [], []>, transpose_lhs_hint = false} : vector<1000x128xf32>, vector<128x128xf32>, vector<1000x128xf32> -> vector<1000x128xf32>
    %swap3A = arith.constant 0 : index
    %swap3A_37 = arith.constant 0 : index
    %swap3A_38 = vector.load %arg7[%swap3A, %swap3A_37] : memref<1000x128xf32, #tpu.memory_space<vmem>>, vector<1000x128xf32>
    tpu.vector_store %arg7[%swap3A, %swap3A_37], %dot_general3A_36 {strides = array<i32>} : memref<1000x128xf32, #tpu.memory_space<vmem>>, vector<1000x128xf32>,
    %get3A_39 = arith.constant 0 : index
    %get3A_40 = arith.constant 0 : index
    %get3A_41 = vector.load %arg6[%get3A_39, %get3A_40] : memref<128x128xf32, #tpu.memory_space<vmem>>, vector<128x128xf32>
    %dot_general3A_42 = arith.constant dense<0.000000e+00> : vector<1000x128xf32>
    %dot_general3A_43 = tpu.matmul %add3A_32, %get3A_41, %dot_general3A_42 {dimension_numbers = #tpu.dot_dimension_numbers<[1], [0], [0], [1], [0, 0, 1, 1], [], []>, transpose_lhs_hint = false} : vector<1000x128xf32>, vector<128x128xf32>, vector<1000x128xf32> -> vector<1000x128xf32>
    %swap3A_44 = arith.constant 0 : index
    %swap3A_45 = arith.constant 0 : index
    %swap3A_46 = vector.load %arg8[%swap3A_44, %swap3A_45] : memref<1000x128xf32, #tpu.memory_space<vmem>>, vector<1000x128xf32>
    tpu.vector_store %arg8[%swap3A_44, %swap3A_45], %dot_general3A_43 {strides = array<i32>} : memref<1000x128xf32, #tpu.memory_space<vmem>>, vector<1000x128xf32>,
    return
  }
  func.func @transform_0(%arg0: i32) -> (i32, i32, i32) {
    %c0_i32 = arith.constant 0 : i32
    %c0_i32_0 = arith.constant 0 : i32
    %c0_i32_1 = arith.constant 0 : i32
    return %c0_i32, %arg0, %c0_i32_0 : i32, i32, i32
  }
  func.func @transform_1(%arg0: i32) -> (i32, i32, i32) {
    %c0_i32 = arith.constant 0 : i32
    %c0_i32_0 = arith.constant 0 : i32
    %c0_i32_1 = arith.constant 0 : i32
    return %c0_i32, %arg0, %c0_i32_0 : i32, i32, i32
  }
  func.func @transform_2(%arg0: i32) -> (i32, i32) {
    %c0_i32 = arith.constant 0 : i32
    %c0_i32_0 = arith.constant 0 : i32
    return %arg0, %c0_i32 : i32, i32
  }
  func.func @transform_3(%arg0: i32) -> (i32, i32) {
    %c0_i32 = arith.constant 0 : i32
    %c0_i32_0 = arith.constant 0 : i32
    %c0_i32_1 = arith.constant 0 : i32
    return %c0_i32, %c0_i32_0 : i32, i32
  }
  func.func @transform_4(%arg0: i32) -> (i32, i32) {
    %c0_i32 = arith.constant 0 : i32
    %c0_i32_0 = arith.constant 0 : i32
    %c0_i32_1 = arith.constant 0 : i32
    return %c0_i32, %c0_i32_0 : i32, i32
  }
  func.func @transform_5(%arg0: i32) -> (i32, i32) {
    %c0_i32 = arith.constant 0 : i32
    %c0_i32_0 = arith.constant 0 : i32
    %c0_i32_1 = arith.constant 0 : i32
    return %c0_i32, %c0_i32_0 : i32, i32
  }
  func.func @transform_6(%arg0: i32) -> (i32, i32) {
    %c0_i32 = arith.constant 0 : i32
    %c0_i32_0 = arith.constant 0 : i32
    return %arg0, %c0_i32 : i32, i32
  }
  func.func @transform_7(%arg0: i32) -> (i32, i32) {
    %c0_i32 = arith.constant 0 : i32
    %c0_i32_0 = arith.constant 0 : i32
    return %arg0, %c0_i32 : i32, i32
  }
}

module attributes {stable_mosaic.version = 14 : i64} {
  func.func @_tc4_body(%arg0: i32, %arg1: memref<2x1000x128xf32, #tpu.memory_space<vmem>>, %arg2: memref<2x1000x128xf32, #tpu.memory_space<vmem>>, %arg3: memref<1000x128xf32, #tpu.memory_space<vmem>>, %arg4: memref<1x128xf32, #tpu.memory_space<vmem>>, %arg5: memref<1x1x1000xi32, #tpu.memory_space<vmem>>, %arg6: memref<1x1x1000xi32, #tpu.memory_space<vmem>>, %arg7: memref<64x200xf32, #tpu.memory_space<vmem>>, %arg8: memref<1x200xf32, #tpu.memory_space<vmem>>, %arg9: memref<200x100xf32, #tpu.memory_space<vmem>>, %arg10: memref<1x100xf32, #tpu.memory_space<vmem>>, %arg11: memref<100x100xf32, #tpu.memory_space<vmem>>, %arg12: memref<1x100xf32, #tpu.memory_space<vmem>>, %arg13: memref<100x80xf32, #tpu.memory_space<vmem>>, %arg14: memref<1x80xf32, #tpu.memory_space<vmem>>, %arg15: memref<64x80xf32, #tpu.memory_space<vmem>>, %arg16: memref<64x64xf32, #tpu.memory_space<vmem>>, %arg17: memref<64x1xf32, #tpu.memory_space<vmem>>) attributes {dimension_semantics = [#tpu.dimension_semantics<arbitrary>], iteration_bounds = array<i64: 5>, scalar_prefetch = 0 : i64, scratch_operands = 2 : i64, tpu.core_type = #tpu.core_type<tc>, window_params = [{transform_indices = @transform_0, window_bounds = array<i64: 2, 1000, 128>}, {transform_indices = @transform_1, window_bounds = array<i64: 2, 1000, 128>}, {transform_indices = @transform_2, window_bounds = array<i64: 1000, 128>}, {pipeline_mode = #tpu.pipeline_mode<synchronous>, transform_indices = @transform_3, window_bounds = array<i64: 1, 128>}, {transform_indices = @transform_4, window_bounds = array<i64: 1, 1, 1000>}, {transform_indices = @transform_5, window_bounds = array<i64: 1, 1, 1000>}, {pipeline_mode = #tpu.pipeline_mode<synchronous>, transform_indices = @transform_6, window_bounds = array<i64: 64, 200>}, {pipeline_mode = #tpu.pipeline_mode<synchronous>, transform_indices = @transform_7, window_bounds = array<i64: 1, 200>}, {pipeline_mode = #tpu.pipeline_mode<synchronous>, transform_indices = @transform_8, window_bounds = array<i64: 200, 100>}, {pipeline_mode = #tpu.pipeline_mode<synchronous>, transform_indices = @transform_9, window_bounds = array<i64: 1, 100>}, {pipeline_mode = #tpu.pipeline_mode<synchronous>, transform_indices = @transform_10, window_bounds = array<i64: 100, 100>}, {pipeline_mode = #tpu.pipeline_mode<synchronous>, transform_indices = @transform_11, window_bounds = array<i64: 1, 100>}, {pipeline_mode = #tpu.pipeline_mode<synchronous>, transform_indices = @transform_12, window_bounds = array<i64: 100, 80>}, {pipeline_mode = #tpu.pipeline_mode<synchronous>, transform_indices = @transform_13, window_bounds = array<i64: 1, 80>}, {pipeline_mode = #tpu.pipeline_mode<synchronous>, transform_indices = @transform_14, window_bounds = array<i64: 64, 80>}]} {
    %eq3A = arith.constant 0 : i32
    %eq3A_0 = arith.cmpi eq, %arg0, %eq3A : i32
    %convert_element_type3A = arith.extui %eq3A_0 : i1 to i32
    %cond3A = arith.constant 0 : i32
    %cond3A_1 = arith.cmpi ne, %convert_element_type3A, %cond3A : i32
    scf.if %cond3A_1 {
      %broadcast_in_dim3A_84 = arith.constant 0.000000e+00 : f32
      %broadcast_in_dim3A_85 = vector.broadcast %broadcast_in_dim3A_84 : f32 to vector<64x64xf32>
      %swap3A_86 = arith.constant 0 : index
      %swap3A_87 = arith.constant 0 : index
      %swap3A_88 = vector.load %arg16[%swap3A_86, %swap3A_87] : memref<64x64xf32, #tpu.memory_space<vmem>>, vector<64x64xf32>
      tpu.vector_store %arg16[%swap3A_86, %swap3A_87], %broadcast_in_dim3A_85 {strides = array<i32>} : memref<64x64xf32, #tpu.memory_space<vmem>>, vector<64x64xf32>,
      %broadcast_in_dim3A_89 = arith.constant 0.000000e+00 : f32
      %broadcast_in_dim3A_90 = vector.broadcast %broadcast_in_dim3A_89 : f32 to vector<64x1xf32>
      %swap3A_91 = arith.constant 0 : index
      %swap3A_92 = arith.constant 0 : index
      %swap3A_93 = vector.load %arg17[%swap3A_91, %swap3A_92] : memref<64x1xf32, #tpu.memory_space<vmem>>, vector<64x1xf32>
      tpu.vector_store %arg17[%swap3A_91, %swap3A_92], %broadcast_in_dim3A_90 {strides = array<i32>} : memref<64x1xf32, #tpu.memory_space<vmem>>, vector<64x1xf32>,
    } else {
    }
    %get3A = arith.constant 0 : index
    %get3A_2 = arith.constant 0 : index
    %get3A_3 = arith.constant 0 : index
    %get3A_4 = vector.load %arg1[%get3A, %get3A_2, %get3A_3] : memref<2x1000x128xf32, #tpu.memory_space<vmem>>, vector<1x1000x128xf32>
    %get3A_5 = vector.shape_cast %get3A_4 : vector<1x1000x128xf32> to vector<1000x128xf32>
    %get3A_6 = arith.constant 1 : index
    %get3A_7 = arith.constant 0 : index
    %get3A_8 = arith.constant 0 : index
    %get3A_9 = vector.load %arg1[%get3A_6, %get3A_7, %get3A_8] : memref<2x1000x128xf32, #tpu.memory_space<vmem>>, vector<1x1000x128xf32>
    %get3A_10 = vector.shape_cast %get3A_9 : vector<1x1000x128xf32> to vector<1000x128xf32>
    %add3A = arith.addf %get3A_5, %get3A_10 : vector<1000x128xf32>
    %get3A_11 = arith.constant 0 : index
    %get3A_12 = arith.constant 0 : index
    %get3A_13 = arith.constant 0 : index
    %get3A_14 = vector.load %arg2[%get3A_11, %get3A_12, %get3A_13] : memref<2x1000x128xf32, #tpu.memory_space<vmem>>, vector<1x1000x128xf32>
    %get3A_15 = vector.shape_cast %get3A_14 : vector<1x1000x128xf32> to vector<1000x128xf32>
    %get3A_16 = arith.constant 1 : index
    %get3A_17 = arith.constant 0 : index
    %get3A_18 = arith.constant 0 : index
    %get3A_19 = vector.load %arg2[%get3A_16, %get3A_17, %get3A_18] : memref<2x1000x128xf32, #tpu.memory_space<vmem>>, vector<1x1000x128xf32>
    %get3A_20 = vector.shape_cast %get3A_19 : vector<1x1000x128xf32> to vector<1000x128xf32>
    %add3A_21 = arith.addf %get3A_15, %get3A_20 : vector<1000x128xf32>
    %max3A = arith.constant 1.000000e+00 : f32
    %max3A_22 = vector.broadcast %max3A : f32 to vector<1000x128xf32>
    %max3A_23 = arith.maximumf %add3A_21, %max3A_22 : vector<1000x128xf32>
    %div3A = arith.constant 1.000000e+00 : f32
    %div3A_24 = vector.broadcast %div3A : f32 to vector<1000x128xf32>
    %div3A_25 = arith.divf %div3A_24, %max3A_23 : vector<1000x128xf32>
    %mul3A = arith.mulf %add3A, %div3A_25 : vector<1000x128xf32>
    %get3A_26 = arith.constant 0 : index
    %get3A_27 = arith.constant 0 : index
    %get3A_28 = vector.load %arg4[%get3A_26, %get3A_27] : memref<1x128xf32, #tpu.memory_space<vmem>>, vector<1x128xf32>
    %add3A_29 = vector.broadcast %get3A_28 : vector<1x128xf32> to vector<1000x128xf32>
    %add3A_30 = arith.addf %mul3A, %add3A_29 : vector<1000x128xf32>
    %get3A_31 = arith.constant 0 : index
    %get3A_32 = arith.constant 0 : index
    %get3A_33 = vector.load %arg3[%get3A_31, %get3A_32] : memref<1000x128xf32, #tpu.memory_space<vmem>>, vector<1000x128xf32>
    %add3A_34 = arith.addf %add3A_30, %get3A_33 : vector<1000x128xf32>
    %iota3A = tpu.iota {dimensions = array<i32: 1>} : vector<1000x64xi32>
    %get3A_35 = arith.constant 0 : index
    %get3A_36 = arith.constant 0 : index
    %get3A_37 = arith.constant 0 : index
    %get3A_38 = vector.load %arg5[%get3A_35, %get3A_36, %get3A_37] : memref<1x1x1000xi32, #tpu.memory_space<vmem>>, vector<1x1x1000xi32>
    %get3A_39 = vector.shape_cast %get3A_38 : vector<1x1x1000xi32> to vector<1000xi32>
    %broadcast_in_dim3A = vector.shape_cast %get3A_39 : vector<1000xi32> to vector<1000x1xi32>
    %eq3A_40 = vector.broadcast %broadcast_in_dim3A : vector<1000x1xi32> to vector<1000x64xi32>
    %eq3A_41 = arith.cmpi eq, %eq3A_40, %iota3A : vector<1000x64xi32>
    %convert_element_type3A_42 = arith.extui %eq3A_41 : vector<1000x64xi1> to vector<1000x64xi32>
    %convert_element_type3A_43 = arith.sitofp %convert_element_type3A_42 : vector<1000x64xi32> to vector<1000x64xf32>
    %get3A_44 = arith.constant 0 : index
    %get3A_45 = arith.constant 0 : index
    %get3A_46 = arith.constant 0 : index
    %get3A_47 = vector.load %arg6[%get3A_44, %get3A_45, %get3A_46] : memref<1x1x1000xi32, #tpu.memory_space<vmem>>, vector<1x1x1000xi32>
    %get3A_48 = vector.shape_cast %get3A_47 : vector<1x1x1000xi32> to vector<1000xi32>
    %broadcast_in_dim3A_49 = vector.shape_cast %get3A_48 : vector<1000xi32> to vector<1000x1xi32>
    %eq3A_50 = vector.broadcast %broadcast_in_dim3A_49 : vector<1000x1xi32> to vector<1000x64xi32>
    %eq3A_51 = arith.cmpi eq, %eq3A_50, %iota3A : vector<1000x64xi32>
    %convert_element_type3A_52 = arith.extui %eq3A_51 : vector<1000x64xi1> to vector<1000x64xi32>
    %convert_element_type3A_53 = arith.sitofp %convert_element_type3A_52 : vector<1000x64xi32> to vector<1000x64xf32>
    %broadcast_in_dim3A_54 = arith.constant 1.000000e+00 : f32
    %broadcast_in_dim3A_55 = vector.broadcast %broadcast_in_dim3A_54 : f32 to vector<1000x1xf32>
    %get3A_56 = arith.constant 0 : index
    %get3A_57 = arith.constant 0 : index
    %get3A_58 = vector.load %arg16[%get3A_56, %get3A_57] : memref<64x64xf32, #tpu.memory_space<vmem>>, vector<64x64xf32>
    %slice3A = vector.extract_strided_slice %add3A_34 {offsets = [0, 0], sizes = [1000, 64], strides = [1, 1]} : vector<1000x128xf32> to vector<1000x64xf32>
    %dot_general3A = arith.constant dense<0.000000e+00> : vector<64x64xf32>
    %dot_general3A_59 = tpu.matmul %convert_element_type3A_43, %slice3A, %dot_general3A {dimension_numbers = #tpu.dot_dimension_numbers<[0], [0], [1], [1], [0, 1, 1, 1], [], []>, transpose_lhs_hint = false} : vector<1000x64xf32>, vector<1000x64xf32>, vector<64x64xf32> -> vector<64x64xf32>
    %slice3A_60 = vector.extract_strided_slice %add3A_34 {offsets = [0, 64], sizes = [1000, 64], strides = [1, 1]} : vector<1000x128xf32> to vector<1000x64xf32>
    %dot_general3A_61 = arith.constant dense<0.000000e+00> : vector<64x64xf32>
    %dot_general3A_62 = tpu.matmul %convert_element_type3A_53, %slice3A_60, %dot_general3A_61 {dimension_numbers = #tpu.dot_dimension_numbers<[0], [0], [1], [1], [0, 1, 1, 1], [], []>, transpose_lhs_hint = false} : vector<1000x64xf32>, vector<1000x64xf32>, vector<64x64xf32> -> vector<64x64xf32>
    %add3A_63 = arith.addf %dot_general3A_59, %dot_general3A_62 : vector<64x64xf32>
    %add3A_64 = arith.addf %get3A_58, %add3A_63 : vector<64x64xf32>
    %swap3A = arith.constant 0 : index
    %swap3A_65 = arith.constant 0 : index
    %swap3A_66 = vector.load %arg16[%swap3A, %swap3A_65] : memref<64x64xf32, #tpu.memory_space<vmem>>, vector<64x64xf32>
    tpu.vector_store %arg16[%swap3A, %swap3A_65], %add3A_64 {strides = array<i32>} : memref<64x64xf32, #tpu.memory_space<vmem>>, vector<64x64xf32>,
    %get3A_67 = arith.constant 0 : index
    %get3A_68 = arith.constant 0 : index
    %get3A_69 = vector.load %arg17[%get3A_67, %get3A_68] : memref<64x1xf32, #tpu.memory_space<vmem>>, vector<64x1xf32>
    %dot_general3A_70 = arith.constant dense<0.000000e+00> : vector<64x1xf32>
    %dot_general3A_71 = tpu.matmul %convert_element_type3A_43, %broadcast_in_dim3A_55, %dot_general3A_70 {dimension_numbers = #tpu.dot_dimension_numbers<[0], [0], [1], [1], [0, 1, 1, 1], [], []>, transpose_lhs_hint = false} : vector<1000x64xf32>, vector<1000x1xf32>, vector<64x1xf32> -> vector<64x1xf32>
    %dot_general3A_72 = arith.constant dense<0.000000e+00> : vector<64x1xf32>
    %dot_general3A_73 = tpu.matmul %convert_element_type3A_53, %broadcast_in_dim3A_55, %dot_general3A_72 {dimension_numbers = #tpu.dot_dimension_numbers<[0], [0], [1], [1], [0, 1, 1, 1], [], []>, transpose_lhs_hint = false} : vector<1000x64xf32>, vector<1000x1xf32>, vector<64x1xf32> -> vector<64x1xf32>
    %add3A_74 = arith.addf %dot_general3A_71, %dot_general3A_73 : vector<64x1xf32>
    %add3A_75 = arith.addf %get3A_69, %add3A_74 : vector<64x1xf32>
    %swap3A_76 = arith.constant 0 : index
    %swap3A_77 = arith.constant 0 : index
    %swap3A_78 = vector.load %arg17[%swap3A_76, %swap3A_77] : memref<64x1xf32, #tpu.memory_space<vmem>>, vector<64x1xf32>
    tpu.vector_store %arg17[%swap3A_76, %swap3A_77], %add3A_75 {strides = array<i32>} : memref<64x1xf32, #tpu.memory_space<vmem>>, vector<64x1xf32>,
    %eq3A_79 = arith.constant 4 : i32
    %eq3A_80 = arith.cmpi eq, %arg0, %eq3A_79 : i32
    %convert_element_type3A_81 = arith.extui %eq3A_80 : i1 to i32
    %cond3A_82 = arith.constant 0 : i32
    %cond3A_83 = arith.cmpi ne, %convert_element_type3A_81, %cond3A_82 : i32
    scf.if %cond3A_83 {
      %get3A_84 = arith.constant 0 : index
      %get3A_85 = arith.constant 0 : index
      %get3A_86 = vector.load %arg16[%get3A_84, %get3A_85] : memref<64x64xf32, #tpu.memory_space<vmem>>, vector<64x64xf32>
      %get3A_87 = arith.constant 0 : index
      %get3A_88 = arith.constant 0 : index
      %get3A_89 = vector.load %arg17[%get3A_87, %get3A_88] : memref<64x1xf32, #tpu.memory_space<vmem>>, vector<64x1xf32>
      %max3A_90 = arith.constant 1.000000e+00 : f32
      %max3A_91 = vector.broadcast %max3A_90 : f32 to vector<64x1xf32>
      %max3A_92 = arith.maximumf %get3A_89, %max3A_91 : vector<64x1xf32>
      %div3A_93 = arith.constant 1.000000e+00 : f32
      %div3A_94 = vector.broadcast %div3A_93 : f32 to vector<64x1xf32>
      %div3A_95 = arith.divf %div3A_94, %max3A_92 : vector<64x1xf32>
      %mul3A_96 = vector.broadcast %div3A_95 : vector<64x1xf32> to vector<64x64xf32>
      %mul3A_97 = arith.mulf %get3A_86, %mul3A_96 : vector<64x64xf32>
      %get3A_98 = arith.constant 0 : index
      %get3A_99 = arith.constant 0 : index
      %get3A_100 = vector.load %arg7[%get3A_98, %get3A_99] : memref<64x200xf32, #tpu.memory_space<vmem>>, vector<64x200xf32>
      %dot_general3A_101 = arith.constant dense<0.000000e+00> : vector<64x200xf32>
      %dot_general3A_102 = tpu.matmul %mul3A_97, %get3A_100, %dot_general3A_101 {dimension_numbers = #tpu.dot_dimension_numbers<[1], [0], [0], [1], [0, 0, 1, 1], [], []>, transpose_lhs_hint = false} : vector<64x64xf32>, vector<64x200xf32>, vector<64x200xf32> -> vector<64x200xf32>
      %get3A_103 = arith.constant 0 : index
      %get3A_104 = arith.constant 0 : index
      %get3A_105 = vector.load %arg8[%get3A_103, %get3A_104] : memref<1x200xf32, #tpu.memory_space<vmem>>, vector<1x200xf32>
      %add3A_106 = vector.broadcast %get3A_105 : vector<1x200xf32> to vector<64x200xf32>
      %add3A_107 = arith.addf %dot_general3A_102, %add3A_106 : vector<64x200xf32>
      %tanh3A = math.tanh %add3A_107 : vector<64x200xf32>
      %get3A_108 = arith.constant 0 : index
      %get3A_109 = arith.constant 0 : index
      %get3A_110 = vector.load %arg9[%get3A_108, %get3A_109] : memref<200x100xf32, #tpu.memory_space<vmem>>, vector<200x100xf32>
      %dot_general3A_111 = arith.constant dense<0.000000e+00> : vector<64x100xf32>
      %dot_general3A_112 = tpu.matmul %tanh3A, %get3A_110, %dot_general3A_111 {dimension_numbers = #tpu.dot_dimension_numbers<[1], [0], [0], [1], [0, 0, 1, 1], [], []>, transpose_lhs_hint = false} : vector<64x200xf32>, vector<200x100xf32>, vector<64x100xf32> -> vector<64x100xf32>
      %get3A_113 = arith.constant 0 : index
      %get3A_114 = arith.constant 0 : index
      %get3A_115 = vector.load %arg10[%get3A_113, %get3A_114] : memref<1x100xf32, #tpu.memory_space<vmem>>, vector<1x100xf32>
      %add3A_116 = vector.broadcast %get3A_115 : vector<1x100xf32> to vector<64x100xf32>
      %add3A_117 = arith.addf %dot_general3A_112, %add3A_116 : vector<64x100xf32>
      %tanh3A_118 = math.tanh %add3A_117 : vector<64x100xf32>
      %get3A_119 = arith.constant 0 : index
      %get3A_120 = arith.constant 0 : index
      %get3A_121 = vector.load %arg11[%get3A_119, %get3A_120] : memref<100x100xf32, #tpu.memory_space<vmem>>, vector<100x100xf32>
      %dot_general3A_122 = arith.constant dense<0.000000e+00> : vector<64x100xf32>
      %dot_general3A_123 = tpu.matmul %tanh3A_118, %get3A_121, %dot_general3A_122 {dimension_numbers = #tpu.dot_dimension_numbers<[1], [0], [0], [1], [0, 0, 1, 1], [], []>, transpose_lhs_hint = false} : vector<64x100xf32>, vector<100x100xf32>, vector<64x100xf32> -> vector<64x100xf32>
      %get3A_124 = arith.constant 0 : index
      %get3A_125 = arith.constant 0 : index
      %get3A_126 = vector.load %arg12[%get3A_124, %get3A_125] : memref<1x100xf32, #tpu.memory_space<vmem>>, vector<1x100xf32>
      %add3A_127 = vector.broadcast %get3A_126 : vector<1x100xf32> to vector<64x100xf32>
      %add3A_128 = arith.addf %dot_general3A_123, %add3A_127 : vector<64x100xf32>
      %tanh3A_129 = math.tanh %add3A_128 : vector<64x100xf32>
      %get3A_130 = arith.constant 0 : index
      %get3A_131 = arith.constant 0 : index
      %get3A_132 = vector.load %arg13[%get3A_130, %get3A_131] : memref<100x80xf32, #tpu.memory_space<vmem>>, vector<100x80xf32>
      %dot_general3A_133 = arith.constant dense<0.000000e+00> : vector<64x80xf32>
      %dot_general3A_134 = tpu.matmul %tanh3A_129, %get3A_132, %dot_general3A_133 {dimension_numbers = #tpu.dot_dimension_numbers<[1], [0], [0], [1], [0, 0, 1, 1], [], []>, transpose_lhs_hint = false} : vector<64x100xf32>, vector<100x80xf32>, vector<64x80xf32> -> vector<64x80xf32>
      %get3A_135 = arith.constant 0 : index
      %get3A_136 = arith.constant 0 : index
      %get3A_137 = vector.load %arg14[%get3A_135, %get3A_136] : memref<1x80xf32, #tpu.memory_space<vmem>>, vector<1x80xf32>
      %add3A_138 = vector.broadcast %get3A_137 : vector<1x80xf32> to vector<64x80xf32>
      %add3A_139 = arith.addf %dot_general3A_134, %add3A_138 : vector<64x80xf32>
      %swap3A_140 = arith.constant 0 : index
      %swap3A_141 = arith.constant 0 : index
      %swap3A_142 = vector.load %arg15[%swap3A_140, %swap3A_141] : memref<64x80xf32, #tpu.memory_space<vmem>>, vector<64x80xf32>
      tpu.vector_store %arg15[%swap3A_140, %swap3A_141], %add3A_139 {strides = array<i32>} : memref<64x80xf32, #tpu.memory_space<vmem>>, vector<64x80xf32>,
    } else {
    }
    return
  }
  func.func @transform_0(%arg0: i32) -> (i32, i32, i32) {
    %c0_i32 = arith.constant 0 : i32
    %c0_i32_0 = arith.constant 0 : i32
    %c0_i32_1 = arith.constant 0 : i32
    return %c0_i32, %arg0, %c0_i32_0 : i32, i32, i32
  }
  func.func @transform_1(%arg0: i32) -> (i32, i32, i32) {
    %c0_i32 = arith.constant 0 : i32
    %c0_i32_0 = arith.constant 0 : i32
    %c0_i32_1 = arith.constant 0 : i32
    return %c0_i32, %arg0, %c0_i32_0 : i32, i32, i32
  }
  func.func @transform_2(%arg0: i32) -> (i32, i32) {
    %c0_i32 = arith.constant 0 : i32
    %c0_i32_0 = arith.constant 0 : i32
    return %arg0, %c0_i32 : i32, i32
  }
  func.func @transform_3(%arg0: i32) -> (i32, i32) {
    %c0_i32 = arith.constant 0 : i32
    %c0_i32_0 = arith.constant 0 : i32
    %c0_i32_1 = arith.constant 0 : i32
    return %c0_i32, %c0_i32_0 : i32, i32
  }
  func.func @transform_4(%arg0: i32) -> (i32, i32, i32) {
    %c0_i32 = arith.constant 0 : i32
    %c0_i32_0 = arith.constant 0 : i32
    %c0_i32_1 = arith.constant 0 : i32
    return %arg0, %c0_i32, %c0_i32_0 : i32, i32, i32
  }
  func.func @transform_5(%arg0: i32) -> (i32, i32, i32) {
    %add3A = arith.constant 5 : i32
    %add3A_0 = arith.addi %add3A, %arg0 : i32
    %c0_i32 = arith.constant 0 : i32
    %c0_i32_1 = arith.constant 0 : i32
    %c0_i32_2 = arith.constant 0 : i32
    return %add3A_0, %c0_i32, %c0_i32_1 : i32, i32, i32
  }
  func.func @transform_6(%arg0: i32) -> (i32, i32) {
    %c0_i32 = arith.constant 0 : i32
    %c0_i32_0 = arith.constant 0 : i32
    %c0_i32_1 = arith.constant 0 : i32
    return %c0_i32, %c0_i32_0 : i32, i32
  }
  func.func @transform_7(%arg0: i32) -> (i32, i32) {
    %c0_i32 = arith.constant 0 : i32
    %c0_i32_0 = arith.constant 0 : i32
    %c0_i32_1 = arith.constant 0 : i32
    return %c0_i32, %c0_i32_0 : i32, i32
  }
  func.func @transform_8(%arg0: i32) -> (i32, i32) {
    %c0_i32 = arith.constant 0 : i32
    %c0_i32_0 = arith.constant 0 : i32
    %c0_i32_1 = arith.constant 0 : i32
    return %c0_i32, %c0_i32_0 : i32, i32
  }
  func.func @transform_9(%arg0: i32) -> (i32, i32) {
    %c0_i32 = arith.constant 0 : i32
    %c0_i32_0 = arith.constant 0 : i32
    %c0_i32_1 = arith.constant 0 : i32
    return %c0_i32, %c0_i32_0 : i32, i32
  }
  func.func @transform_10(%arg0: i32) -> (i32, i32) {
    %c0_i32 = arith.constant 0 : i32
    %c0_i32_0 = arith.constant 0 : i32
    %c0_i32_1 = arith.constant 0 : i32
    return %c0_i32, %c0_i32_0 : i32, i32
  }
  func.func @transform_11(%arg0: i32) -> (i32, i32) {
    %c0_i32 = arith.constant 0 : i32
    %c0_i32_0 = arith.constant 0 : i32
    %c0_i32_1 = arith.constant 0 : i32
    return %c0_i32, %c0_i32_0 : i32, i32
  }
  func.func @transform_12(%arg0: i32) -> (i32, i32) {
    %c0_i32 = arith.constant 0 : i32
    %c0_i32_0 = arith.constant 0 : i32
    %c0_i32_1 = arith.constant 0 : i32
    return %c0_i32, %c0_i32_0 : i32, i32
  }
  func.func @transform_13(%arg0: i32) -> (i32, i32) {
    %c0_i32 = arith.constant 0 : i32
    %c0_i32_0 = arith.constant 0 : i32
    %c0_i32_1 = arith.constant 0 : i32
    return %c0_i32, %c0_i32_0 : i32, i32
  }
  func.func @transform_14(%arg0: i32) -> (i32, i32) {
    %c0_i32 = arith.constant 0 : i32
    %c0_i32_0 = arith.constant 0 : i32
    %c0_i32_1 = arith.constant 0 : i32
    return %c0_i32, %c0_i32_0 : i32, i32
  }
}

</mosaic_0001>

<sc_bundles>
// kernel: kernel.10.cloned.1.call-start
scs
__scs_entry_jumppad:
0x0: {  	(pc) =	sbr.rel $0x88, $3  }
0x1: {  	(tag) =	ssettag $0x0;
	lr =	simm.s32 $0x1  }
0x2: {  	[smem:$0x3F81] =	sst lr;
	_ =	strace $0xD0000000  }
0x3: {  	_ = 	snop  }
0x4: {  	_ = 	snop  }
0x5: {  	_ = 	snop  }
0x6: {  	_ = 	snop  }
0x7: {  	_ = 	snop  }
__scs_overlays_trampoline_lowered:
0x8: {  	[smem:$0x3F90] =	sst s0  }
0x9: {  	[smem:$0x3F91] =	sst s1  }
0xa: {  	[smem:$0x3F92] =	sst s2  }
0xb: {  	[smem:$0x3F93] =	sst s3  }
0xc: {  	[smem:$0x3F94] =	sst s4  }
0xd: {  	[smem:$0x3F95] =	sst s5  }
0xe: {  	[smem:$0x3F96] =	sst s6  }
0xf: {  	[smem:$0x3F97] =	sst s7  }
0x10: {  	[smem:$0x3F98] =	sst s8  }
0x11: {  	[smem:$0x3F99] =	sst s9;
	s0 =	simm.s32 @!p0 $0x0  }
0x12: {  	s1 =	sld [smem:$0x3F7F];
	s0 =	simm.s32 @p0 $0x1  }
0x13: {  	[smem:$0x3F9A] =	sst s0;
	s0 =	simm.s32 @!p1 $0x0  }
0x14: {  	s2 =	sld [smem:$0x3F7E];
	s0 =	simm.s32 @p1 $0x1  }
0x15: {  	[smem:$0x3F9B] =	sst s0;
	s0 =	simm.s32 @!p2 $0x0  }
0x16: {  	s3 =	sld [smem:$0x3FDB];
	s0 =	simm.s32 @p2 $0x1  }
0x17: {  	s4 =	simm.s32 $0x1BF5;
	[smem:$0x3F9D] =	sst s0  }
0x18: {  	s0 =	sld [smem:$0x3F80];
	_ =	swait.ge [sflag:s4], $0x0  }
0x19: {  	s7 =	sld [smem:$0x3F81]  }
0x1a: {  	s8 =	sadd.s32 $0xFFFFE003, lr  }
0x1b: {  	s9 =	sadd.s32 $0xFFFFFEF7, lr;
	s5 =	simm.s32 $0xFFFFFFFF;
	p2 =	slt.u32 s8, $0xFFFFF086  }
0x1c: {  	p1 =	slt.u32 s9, $0xF7A;
	s5 =	simm.s32 @!p2 $0x0  }
0x1d: {  	s5 =	simm.s32 @p1 $0x1;
	p0 =	seq.s32 s7, s2  }
0x1e: {  	s7 =	smul.u32 @!p0 $0xF7A, s2;
	p2 =	seq.s32 @!p0 s5, $0x0  }
0x1f: {  	s9 =	smul.u32 $0xF7A, s1;
	s8 =	simm.s32 @!p0 $0x1BF5;
	p2 =	por !p2, p0  }
0x20: {  	[sflag:s8] =	ssyncset.s32 @!p0 $0xFFFFF086;
	s6 =	sadd.s32 @!p0 s3, s7;
	s7 =	simm.s32 @!p0 $0x108  }
0x21: {  	s3 =	sadd.s32 s3, s9;
	s6 =	sadd.s32 @!p0 $0x88, s6;
	s7 =	simm.s32 @p2 $0x1082  }
0x22: {  	[simem:s7], [sflag:s8] =	dma.local @!p0 [hbm:s6], $0xF7A  }
0x23: {  	s9 =	sor.u32 $0xD0000000, s2;
	s6 =	simm.s32 $0x108;
	_ =	swait.ge @!p0 [sflag:s8], $0x0  }
0x24: {  	s3 =	sadd.s32 $0x88, s3;
	s6 =	simm.s32 @!p1 $0x1082;
	[sflag:s4] =	ssyncset.s32 $0xFFFFF086  }
0x25: {  	[simem:s6], [sflag:s4] =	dma.local [hbm:s3], $0xF7A  }
0x26: {  	[smem:$0x3F81] =	sst s1;
	(tag) =	ssettag s2;
	_ =	strace s9  }
0x27: {  	s1 =	sld [smem:$0x3F91]  }
0x28: {  	s2 =	sld [smem:$0x3F92]  }
0x29: {  	s4 =	sld [smem:$0x3F94]  }
0x2a: {  	p0 =	seq.s32 s5, $0x0;
	s5 =	sld [smem:$0x3F95]  }
0x2b: {  	s6 =	sld [smem:$0x3F96]  }
0x2c: {  	s7 =	sld [smem:$0x3F97]  }
0x2d: {  	s3 =	simm.s32 $0x108;
	s8 =	sld [smem:$0x3F98]  }
0x2e: {  	s3 =	simm.s32 @!p0 $0x1082;
	s9 =	sld [smem:$0x3F99]  }
0x2f: {  	lr =	sadd.s32 s0, s3;
	s0 =	sld [smem:$0x3F90]  }
0x30: {  	s3 =	sld [smem:$0x3F93]  }
0x31: {  	[smem:$0x3F9C] =	sst s10  }
0x32: {  	s10 =	sld [smem:$0x3F9A];
	_ =	sdelay $0x3  }
0x33: {  	p0 =	seq.s32 s10, $0x1;
	s10 =	sld [smem:$0x3F9C];
	_ =	sdelay $0x3  }
0x34: {  	[smem:$0x3F9C] =	sst s10  }
0x35: {  	s10 =	sld [smem:$0x3F9B];
	_ =	sdelay $0x3  }
0x36: {  	p1 =	seq.s32 s10, $0x1;
	s10 =	sld [smem:$0x3F9C];
	_ =	sdelay $0x3  }
0x37: {  	[smem:$0x3F9C] =	sst s10  }
0x38: {  	s10 =	sld [smem:$0x3F9D]  }
0x39: {  	_ = 	snop;
	(pc) =	sbr.ind lr, $3  }
0x3a: {  	_ = 	snop  }
0x3b: {  	_ = 	snop  }
0x3c: {  	p2 =	seq.s32 s10, $0x1;
	s10 =	sld [smem:$0x3F9C]  }
0x3d: {  	_ =	shalt  }
0x3e: {  	_ =	shalt  }
0x3f: {  	_ =	shalt  }
0x40: {  	_ =	shalt  }
0x41: {  	_ =	shalt  }
0x42: {  	_ =	shalt  }
0x43: {  	_ =	shalt  }
0x44: {  	_ =	shalt  }
0x45: {  	_ =	shalt  }
0x46: {  	_ =	shalt  }
0x47: {  	_ =	shalt  }
0x48: {  	_ =	shalt  }
0x49: {  	_ =	shalt  }
0x4a: {  	_ =	shalt  }
0x4b: {  	_ =	shalt  }
0x4c: {  	_ =	shalt  }
0x4d: {  	_ =	shalt  }
0x4e: {  	_ =	shalt  }
0x4f: {  	_ =	shalt  }
0x50: {  	_ =	shalt  }
0x51: {  	_ =	shalt  }
0x52: {  	_ =	shalt  }
0x53: {  	_ =	shalt  }
0x54: {  	_ =	shalt  }
0x55: {  	_ =	shalt  }
0x56: {  	_ =	shalt  }
0x57: {  	_ =	shalt  }
0x58: {  	_ =	shalt  }
0x59: {  	_ =	shalt  }
0x5a: {  	_ =	shalt  }
0x5b: {  	_ =	shalt  }
0x5c: {  	_ =	shalt  }
0x5d: {  	_ =	shalt  }
0x5e: {  	_ =	shalt  }
0x5f: {  	_ =	shalt  }
0x60: {  	_ =	shalt  }
0x61: {  	_ =	shalt  }
0x62: {  	_ =	shalt  }
0x63: {  	_ =	shalt  }
0x64: {  	_ =	shalt  }
0x65: {  	_ =	shalt  }
0x66: {  	_ =	shalt  }
0x67: {  	_ =	shalt  }
0x68: {  	_ =	shalt  }
0x69: {  	_ =	shalt  }
0x6a: {  	_ =	shalt  }
0x6b: {  	_ =	shalt  }
0x6c: {  	_ =	shalt  }
0x6d: {  	_ =	shalt  }
0x6e: {  	_ =	shalt  }
0x6f: {  	_ =	shalt  }
0x70: {  	_ =	shalt  }
0x71: {  	_ =	shalt  }
0x72: {  	_ =	shalt  }
0x73: {  	_ =	shalt  }
0x74: {  	_ =	shalt  }
0x75: {  	_ =	shalt  }
0x76: {  	_ =	shalt  }
0x77: {  	_ =	shalt  }
0x78: {  	_ =	shalt  }
0x79: {  	_ =	shalt  }
0x7a: {  	_ =	shalt  }
0x7b: {  	_ =	shalt  }
0x7c: {  	_ =	shalt  }
0x7d: {  	_ =	shalt  }
0x7e: {  	_ =	shalt  }
0x7f: {  	_ =	shalt  }
0x80: {  	_ =	shalt  }
0x81: {  	_ =	shalt  }
0x82: {  	_ =	shalt  }
0x83: {  	_ =	shalt  }
0x84: {  	_ =	shalt  }
0x85: {  	_ =	shalt  }
0x86: {  	_ =	shalt  }
0x87: {  	_ =	shalt  }
.Lfunc_end0:
.L_simem_size_0:
called_computation_lowered:
.L_overlay_start_0:
0x88: {  	s2 =	sld [smem:$0x3FD9]  }
0x89: {  	s3 =	sld [smem:$0x3FFE];
	_ =	sdelay $0x1  }
0x8a: {  	s1 =	srdreg.scid  }
0x8b: {  	s0 =	sand.u32 $0x1, s1  }
0x8c: {  	s17 =	sshll.u32 s0, $0xA;
	s2 =	sadd.s32 s3, s2  }
0x8d: {  	s2 =	sadd.s32 s2, s17  }
0x8e: {  	[smem:$0x3FA8] =	sst s2  }
0x8f: {  	_ = 	snop  }
0x90: {  	(tm) =	ssettm $0x1  }
0x91: {  	s18 =	sld [smem:$0x3FFB];
	_ =	sdelay $0x3  }
0x92: {  	_ =	strace s18  }
0x93: {  	s2 =	sld [smem:$0x3FFC];
	_ =	sdelay $0x3  }
0x94: {  	_ =	strace s2  }
0x95: {  	s2 =	sld [smem:$0x3FFD];
	_ =	sdelay $0x3  }
0x96: {  	_ =	strace s2  }
0x97: {  	_ =	strace $0x8FFFFFFF  }
0x98: {  	s19 =	sld [smem:$0x3FDB];
	_ =	sdelay $0x1  }
0x99: {  	s20 =	simm.s32 $_scs_section_size  }
0x9a: {  	s4 =	simm.s32 $_size__tile_overlayer_lowered;
	s5 =	simm.s32 $_tile_overlayer_lowered  }
0x9b: {  	s6 =	simm.s32 $0x1BFF;
	s21 =	sshll.u32 s5, $0x1;
	s3 =	sadd.s32 s20, s19  }
0x9c: {  	s22 =	simm.s32 $0x0;
	s4 =	sshll.u32 s4, $0x1;
	s5 =	sadd.s32 s21, s3  }
0x9d: {  	[timem:s22], [sflag:s6] =	dma.local [hbm:s5], s4  }
0x9e: {  	_ =	swait.ge [sflag:s6], s4  }
0x9f: {  	s4 =	ssub.s32 $0x0, s4;
	[sflag:s6] =	ssyncset.done $0x0  }
0xa0: {  	[sflag:s6] =	ssyncadd.s32 s4;
	_ =	sdelay $0x1  }
0xa1: {  	s23 =	simm.s32 $0x1B8B  }
0xa2: {  	_ =	swait.ge [sflag:s23], $0x1  }
0xa3: {  	[sflag:s23] =	ssyncset.done $0x0  }
0xa4: {  	[sflag:s23] =	ssyncadd.s32 $0xFFFFFFFF  }
0xa5: {  	s4 =	sld [smem:$0x0]  }
0xa6: {  	s5 =	sand.u32 $0xFFFFFFFE, s1  }
0xa7: {  	p0 =	sne.s32 s1, s5  }
0xa8: {  	s5 =	sshll.u32 @p0 s5, $0xE  }
0xa9: {  	s5 =	sadd.s32 @p0 $0x11B8D, s5;
	s6 =	sshll.u32 @p0 s4, $0x11  }
0xaa: {  	s5 =	sor.u32 @p0 s6, s5  }
0xab: {  	[sflag:s5] =	ssyncadd.remote.s32 @p0 $0x1;
	_ =	sdelay $0x1  }
0xac: {  	s5 =	simm.s32 @p0 $0x1B8D  }
0xad: {  	_ =	swait.eq @p0 [sflag:s5], $0x1  }
0xae: {  	[sflag:s5] =	ssyncadd.s32 @p0 $0xFFFFFFFF  }
0xaf: {  	s6 =	sshll.u32 @!p0 s1, $0xE  }
0xb0: {  	s6 =	sor.u32 @!p0 $0x4000, s6;
	s5 =	simm.s32 @!p0 $0x1B8D  }
0xb1: {  	s4 =	sshll.u32 @!p0 s4, $0x11;
	s6 =	sadd.s32 @!p0 $0x11B8D, s6;
	_ =	swait.eq @!p0 [sflag:s5], $0x1  }
0xb2: {  	s4 =	sor.u32 @!p0 s4, s6;
	[sflag:s5] =	ssyncadd.s32 @!p0 $0xFFFFFFFF  }
0xb3: {  	s25 =	simm.s32 $0x1B8E;
	s24 =	sld [smem:$0x3FFE];
	[sflag:s4] =	ssyncadd.remote.s32 @!p0 $0x1  }
0xb4: {  	s26 =	simm.s32 $execute0_lowered;
	[smem:$0x3FD2] =	sst s25  }
0xb5: {  	s5 =	sshll.u32 s26, $0x1;
	_ =	strace $0x80000049;
	[dreg:$0x1] =	wrdreg $0xFFFFFFFF  }
0xb6: {  	s28 =	simm.s32 $_size_execute0_lowered;
	s3 =	sadd.s32 s3, s5;
	[dreg:$0x0] =	wrdreg $0x0  }
0xb7: {  	s5 =	sshll.u32 s28, $0x1;
	[dreg:$0x2] =	wrdreg s3  }
0xb8: {  	[dreg:$0x3] =	wrdreg s5  }
0xb9: {  	[dreg:$0x4] =	wrdreg $0xC0  }
0xba: {  	_ =	task [dreg:s22], $0x5FFFF  }
0xbb: {  	[dreg:$0x1] =	wrdreg $0xFFFFFFFF  }
0xbc: {  	[dreg:$0x0] =	wrdreg $0x60  }
0xbd: {  	[dreg:$0x2] =	wrdreg s24  }
0xbe: {  	[dreg:$0x3] =	wrdreg $0x0  }
0xbf: {  	[dreg:$0x4] =	wrdreg $0x9  }
0xc0: {  	_ =	task.clear_ibuf [dreg:s22], $0x5FFFF;
	_ =	strace $0x90000049  }
0xc1: {  	s29 =	simm.s32 $0x9;
	_ =	strace $0x8000004B  }
0xc2: {  	_ =	swait.ge [sflag:s29], $0x1  }
0xc3: {  	[sflag:s29] =	ssyncadd.s32 $0xFFFFFFFF  }
0xc4: {  	_ =	strace $0x9000004B  }
0xc5: {  	_ =	sfence  }
0xc6: {  	s30 =	sld [smem:$0x0];
	_ =	sdelay $0x2  }
0xc7: {  	s31 =	sshll.u32 s1, $0xD;
	s1 =	sshrl.u32 s1, $0x2  }
0xc8: {  	s4 =	sand.u32 $0x4000, s31;
	s1 =	sadd.s32 s1, s30  }
0xc9: {  	s0 =	sor.u32 s4, s0;
	s1 =	sshll.u32 s1, $0x11  }
0xca: {  	s0 =	sor.u32 s1, s0  }
0xcb: {  	s0 =	sadd.s32 $0x8F2B, s0  }
0xcc: {  	[sflag:s0] =	ssyncadd.remote.s32 $0x1  }
0xcd: {  	_ =	sfence.sel $0xFFFF  }
0xce: {  	[dreg:$0x0] =	wrdreg $0xFFFFFFFF;
	(pc) =	sbr.abs _section_cstart, $3  }
0xcf: {  	[dreg:$0x1] =	wrdreg $0xFFFFFFFF  }
0xd0: {  	_ =	task.clear_ibuf [dreg:s22], $0x2FFFF;
	_ =	strace $0x9FFFFFFF  }
0xd1: {  	(tm) =	ssettm $0x7FFFFFFF  }
tec
execute0_lowered:
.L_overlay_start_1:
0x0: {  	(tag) =	ssettag $0x1  }
0x1: {  	s5 =	rddreg [dreg:$0x0]  }
0x2: {  	s0 =	srdreg.scid;
	s2 =	rddreg [dreg:$0x1];
	s3 =	simm.s32 $0x0  }
0x3: {  	s10 =	simm.s32 $0xA000;
	s11 =	simm.s32 $0x80;
	s4 =	sand.u32 $0x1, s0  }
0x4: {  	s12 =	simm.s32 $0xB400;
	s0 =	stileid.u32;
	s7 =	smul.u32 $0x14000, s4  }
0x5: {  	[smem:$0x7FF] =	sst s3;
	s1 =	sshll.u32 s4, $0x4;
	s8 =	smul.u32 $0x1400, s0  }
0x6: {  	s4 =	ssub.s32 $0x2, s4;
	s9 =	smul.u32 $0x28000, s0;
	s13 =	sshll.u32 s0, $0x6  }
0x7: {  	s1 =	sor.u32 s0, s1;
	s30 =	sshrl.u32 s4, $0x1;
	s13 =	sor.u32 $0x1C01, s13  }
0x8: {  	s6 =	smul.u32 $0x280, s1;
	s1 =	rddreg [dreg:$0x2];
	_ =	strace $0x8000004A  }
0x9: {  	s7 =	sadd.s32 s8, s7;
	s8 =	ssub.s32 s4, s30;
	s31 =	sshrl.u32 s9, $0x2  }
0xa: {  	s9 =	simm.s32 $0x1;
	s4 =	sadd.s32 s31, s2;
	s6 =	sadd.s32 s6, s5  }
0xb: {  	s7 =	sadd.s32 s7, s5;
	s14 =	sshrl.u32 s4, $0x3;
	s5 =	sadd.s32 $0x1EA00, s6  }
0xc: {  	v0 =	vimm.f32 $0.0e+00;
	v1 =	vimm.f32 $1.000000000e+00;
	s6 =	sadd.s32 $0x4BA00, s7;
	s7 =	smax.u32 s8, $0x1;
	s8 =	simm.s32 $0xD400  }
.LBB2_1:
0xd: {  	[tilespmem:$0xD400] =	vst v0  }
0xe: {  	[tilespmem:$0xD410] =	vst v0  }
0xf: {  	[tilespmem:$0xD420] =	vst v0  }
0x10: {  	[tilespmem:$0xD430] =	vst v0  }
0x11: {  	[tilespmem:$0xD440] =	vst v0  }
0x12: {  	[tilespmem:$0xD450] =	vst v0  }
0x13: {  	[tilespmem:$0xD460] =	vst v0  }
0x14: {  	[tilespmem:$0xD470] =	vst v0  }
0x15: {  	[tilespmem:$0xD480] =	vst v0  }
0x16: {  	[tilespmem:$0xD490] =	vst v0  }
0x17: {  	[tilespmem:$0xD4A0] =	vst v0  }
0x18: {  	[tilespmem:$0xD4B0] =	vst v0  }
0x19: {  	[tilespmem:$0xD4C0] =	vst v0  }
0x1a: {  	[tilespmem:$0xD4D0] =	vst v0  }
0x1b: {  	[tilespmem:$0xD4E0] =	vst v0  }
0x1c: {  	[tilespmem:$0xD4F0] =	vst v0  }
0x1d: {  	[tilespmem:$0xD500] =	vst v0  }
0x1e: {  	[tilespmem:$0xD510] =	vst v0  }
0x1f: {  	[tilespmem:$0xD520] =	vst v0  }
0x20: {  	[tilespmem:$0xD530] =	vst v0  }
0x21: {  	[tilespmem:$0xD540] =	vst v0  }
0x22: {  	[tilespmem:$0xD550] =	vst v0  }
0x23: {  	[tilespmem:$0xD560] =	vst v0  }
0x24: {  	[tilespmem:$0xD570] =	vst v0  }
0x25: {  	[tilespmem:$0xD580] =	vst v0  }
0x26: {  	[tilespmem:$0xD590] =	vst v0  }
0x27: {  	[tilespmem:$0xD5A0] =	vst v0  }
0x28: {  	[tilespmem:$0xD5B0] =	vst v0  }
0x29: {  	[tilespmem:$0xD5C0] =	vst v0  }
0x2a: {  	[tilespmem:$0xD5D0] =	vst v0  }
0x2b: {  	[tilespmem:$0xD5E0] =	vst v0  }
0x2c: {  	[tilespmem:$0xD5F0] =	vst v0  }
0x2d: {  	[tilespmem:$0xD600] =	vst v0  }
0x2e: {  	[tilespmem:$0xD610] =	vst v0  }
0x2f: {  	[tilespmem:$0xD620] =	vst v0  }
0x30: {  	[tilespmem:$0xD630] =	vst v0  }
0x31: {  	[tilespmem:$0xD640] =	vst v0  }
0x32: {  	[tilespmem:$0xD650] =	vst v0  }
0x33: {  	[tilespmem:$0xD660] =	vst v0  }
0x34: {  	[tilespmem:$0xD670] =	vst v0  }
0x35: {  	[tilespmem:$0xD680] =	vst v0  }
0x36: {  	[tilespmem:$0xD690] =	vst v0  }
0x37: {  	[tilespmem:$0xD6A0] =	vst v0  }
0x38: {  	[tilespmem:$0xD6B0] =	vst v0  }
0x39: {  	[tilespmem:$0xD6C0] =	vst v0  }
0x3a: {  	[tilespmem:$0xD6D0] =	vst v0  }
0x3b: {  	[tilespmem:$0xD6E0] =	vst v0  }
0x3c: {  	[tilespmem:$0xD6F0] =	vst v0  }
0x3d: {  	[tilespmem:$0xD700] =	vst v0  }
0x3e: {  	[tilespmem:$0xD710] =	vst v0  }
0x3f: {  	[tilespmem:$0xD720] =	vst v0  }
0x40: {  	[tilespmem:$0xD730] =	vst v0  }
0x41: {  	[tilespmem:$0xD740] =	vst v0  }
0x42: {  	[tilespmem:$0xD750] =	vst v0  }
0x43: {  	[tilespmem:$0xD760] =	vst v0  }
0x44: {  	[tilespmem:$0xD770] =	vst v0  }
0x45: {  	[tilespmem:$0xD780] =	vst v0  }
0x46: {  	[tilespmem:$0xD790] =	vst v0  }
0x47: {  	[tilespmem:$0xD7A0] =	vst v0  }
0x48: {  	[tilespmem:$0xD7B0] =	vst v0  }
0x49: {  	[tilespmem:$0xD7C0] =	vst v0  }
0x4a: {  	[tilespmem:$0xD7D0] =	vst v0  }
0x4b: {  	[tilespmem:$0xD7E0] =	vst v0  }
0x4c: {  	[tilespmem:$0xD7F0] =	vst v0;
	s15 =	sadd.s32 $0x0, s4  }
0x4d: {  	[spmem:s15] =	stream.linear.scatter [tilespmem:s8], [sflag:$0x1], $0x400, $0x38;
	[tilespmem:$0xD800] =	vst v63  }
0x4e: {  	s15 =	simm.s32 $0x1000;
	_ =	swait.ge [sflag:s9], $0x400  }
.LBB2_2:
0x4f: {  	s16 =	sshra.s32 s15, $0x2;
	[sflag:s9] =	ssyncset.done $0x0;
	p0 =	sne.s32 s15, $0x27000  }
.Ltmp0:
0x50: {  	s16 =	sadd.s32 s16, s4;
	[sflag:s9] =	ssyncadd.s32 $0xFFFFFC00;
	(pc) =	sbr.rel @p0 .LBB2_2-.Ltmp0, $3  }
0x51: {  	[spmem:s16] =	stream.linear.scatter [tilespmem:s8], [sflag:$0x1], $0x400, $0x38;
	[tilespmem:$0xD800] =	vst v63  }
0x52: {  	s15 =	sadd.s32 $0x1000, s15;
	_ =	sdelay $0x1  }
0x53: {  	_ =	swait.ge [sflag:s9], $0x400  }
0x54: {  	[sflag:s9] =	ssyncset.done $0x0  }
0x55: {  	s16 =	simm.s32 $0x100;
	s15 =	simm.s32 $0x0;
	[sflag:s9] =	ssyncadd.s32 $0xFFFFFC00  }
.LBB2_4:
0x56: {  	p0 =	sne.s32 s16, $0x7F00;
	[tilespmem:s15+$0xB430] =	vst v1;
	s17 =	smov.u32 s16;
	s16 =	sadd.s32 $0x100, s16  }
.Ltmp1:
0x57: {  	[tilespmem:s15+$0xB420] =	vst v1;
	(pc) =	sbr.rel @p0 .LBB2_4-.Ltmp1, $3  }
0x58: {  	[tilespmem:s15+$0xB400] =	vst v1  }
0x59: {  	[tilespmem:s15+$0xB410] =	vst v1;
	_ =	sdelay $0x1  }
0x5a: {  	s15 =	sshra.s32 s17, $0x2  }
0x5b: {  	[tilespmem:s15+$0xB430] =	vst v1  }
0x5c: {  	[tilespmem:s15+$0xB420] =	vst v1  }
0x5d: {  	[tilespmem:s15+$0xB400] =	vst v1  }
0x5e: {  	[tilespmem:s15+$0xB410] =	vst v1;
	s30 =	simm.s32 $0x0  }
0x5f: {  	[tilespmem:s10], [sflag:$0x1] =	stream.linear.gather [hbm4b:s5+s30], $0x1400, $0x38;
	[tilespmem:$0xD800] =	vst v63  }
0x60: {  	_ =	swait.ge [sflag:s9], $0x1400  }
0x61: {  	[sflag:s9] =	ssyncset.done $0x0  }
0x62: {  	[sflag:s9] =	ssyncadd.s32 $0xFFFFEC00  }
0x63: {  	s31 =	simm.s32 $0xA000;
	[bflag:$0x0] =	sbarrier.arrive $0xFFFF  }
0x64: {  	[spmem:s2] =	stream.indirect.scatter.add.f32 [tilespmem:s12], [sflag:$0x1], $0x40, s31, s11, $0xb8;
	[tilespmem:$0xD800] =	vst v63  }
0x65: {  	s15 =	simm.s32 $0x200;
	_ =	swait.ge [sflag:s9], $0x2000  }
.LBB2_6:
0x66: {  	s16 =	sshra.s32 s15, $0x2;
	[sflag:s9] =	ssyncset.done $0x0;
	p0 =	sne.s32 s15, $0x4E00  }
.Ltmp2:
0x67: {  	s16 =	sadd.s32 $0xA000, s16;
	[sflag:s9] =	ssyncadd.s32 $0xFFFFE000;
	(pc) =	sbr.rel @p0 .LBB2_6-.Ltmp2, $3  }
0x68: {  	[spmem:s2] =	stream.indirect.scatter.add.f32 [tilespmem:s12], [sflag:$0x1], $0x40, s16, s11, $0xb8;
	[tilespmem:$0xD800] =	vst v63  }
0x69: {  	s15 =	sadd.s32 $0x200, s15;
	_ =	sdelay $0x1  }
0x6a: {  	_ =	swait.ge [sflag:s9], $0x2000  }
0x6b: {  	[sflag:s9] =	ssyncset.done $0x0;
	s3 =	sadd.s32 $0x1, s3  }
0x6c: {  	[sflag:s9] =	ssyncadd.s32 $0xFFFFE000;
	p0 =	sne.s32 s3, s7  }
.Ltmp3:
0x6d: {  	[bflag:$0x0] =	sbarrier.arrive $0xFFFF;
	(pc) =	sbr.rel @p0 .LBB2_1-.Ltmp3, $4  }
0x6e: {  	[hbm:s6], [sflag:s13] =	dma.local [spmem:s14], $0x1400  }
0x6f: {  	_ =	swait.ge [sflag:s9], $0x1400  }
0x70: {  	[sflag:s9] =	ssyncset.done $0x0  }
0x71: {  	[sflag:s9] =	ssyncadd.s32 $0xFFFFEC00  }
0x72: {  	_ =	sfence.sel $0x180000  }
0x73: {  	[bflag:$0x0] =	sbarrier.arrive $0xFFFF  }
0x74: {  	p0 =	sne.s32 s0, $0x0;
	_ =	strace $0x9000004A  }
0x75: {  	s0 =	sadd.s32 @!p0 $0x100000, s1;
	[bflag:$0x2] =	sbarrier.arrive $0xFFFF  }
0x76: {  	[sflag:s0] =	ssyncadd.tile.s32 @!p0 $0x1;
	_ =	shalt  }
.Lfunc_end2:
_tile_overlayer_lowered:
.L_overlay_start_2:
0x77: {  	(tag) =	ssettag $0x2  }
0x78: {  	s0 =	rddreg [dreg:$0x0];
	s2 =	stileid.u32  }
0x79: {  	s1 =	rddreg [dreg:$0x1];
	p0 =	sne.s32 s2, $0x0  }
0x7a: {  	s3 =	rddreg [dreg:$0x2];
	[bflag:$0x3] =	sbarrier.arrive $0xFFFF;
	s2 =	simm.s32 @!p0 $0x1C01  }
0x7b: {  	[timem:s3], [sflag:s2] =	dma.local @!p0 [hbm:s0], s1  }
0x7c: {  	s0 =	simm.s32 @!p0 $0x1  }
0x7d: {  	_ =	swait.ge @!p0 [sflag:s0], s1  }
0x7e: {  	s1 =	ssub.s32 @!p0 $0x0, s1;
	[sflag:s0] =	ssyncset.done @!p0 $0x0  }
0x7f: {  	[sflag:s0] =	ssyncadd.s32 @!p0 s1  }
0x80: {  	[bflag:$0x3] =	sbarrier.arrive $0xFFFF  }
0x81: {  	_ =	shalt  }

// kernel: kernel.13.cloned.1.call-start
scs
__scs_entry_jumppad:
0x0: {  	(pc) =	sbr.rel $0x88, $3  }
0x1: {  	(tag) =	ssettag $0x0;
	lr =	simm.s32 $0x1  }
0x2: {  	[smem:$0x3F81] =	sst lr;
	_ =	strace $0xD0000000  }
0x3: {  	_ = 	snop  }
0x4: {  	_ = 	snop  }
0x5: {  	_ = 	snop  }
0x6: {  	_ = 	snop  }
0x7: {  	_ = 	snop  }
__scs_overlays_trampoline_lowered:
0x8: {  	[smem:$0x3F90] =	sst s0  }
0x9: {  	[smem:$0x3F91] =	sst s1  }
0xa: {  	[smem:$0x3F92] =	sst s2  }
0xb: {  	[smem:$0x3F93] =	sst s3  }
0xc: {  	[smem:$0x3F94] =	sst s4  }
0xd: {  	[smem:$0x3F95] =	sst s5  }
0xe: {  	[smem:$0x3F96] =	sst s6  }
0xf: {  	[smem:$0x3F97] =	sst s7  }
0x10: {  	[smem:$0x3F98] =	sst s8  }
0x11: {  	[smem:$0x3F99] =	sst s9;
	s0 =	simm.s32 @!p0 $0x0  }
0x12: {  	s1 =	sld [smem:$0x3F7F];
	s0 =	simm.s32 @p0 $0x1  }
0x13: {  	[smem:$0x3F9A] =	sst s0;
	s0 =	simm.s32 @!p1 $0x0  }
0x14: {  	s2 =	sld [smem:$0x3F7E];
	s0 =	simm.s32 @p1 $0x1  }
0x15: {  	[smem:$0x3F9B] =	sst s0;
	s0 =	simm.s32 @!p2 $0x0  }
0x16: {  	s3 =	sld [smem:$0x3FDB];
	s0 =	simm.s32 @p2 $0x1  }
0x17: {  	s4 =	simm.s32 $0x1BF5;
	[smem:$0x3F9D] =	sst s0  }
0x18: {  	s0 =	sld [smem:$0x3F80];
	_ =	swait.ge [sflag:s4], $0x0  }
0x19: {  	s7 =	sld [smem:$0x3F81]  }
0x1a: {  	s8 =	sadd.s32 $0xFFFFE003, lr  }
0x1b: {  	s9 =	sadd.s32 $0xFFFFFEF7, lr;
	s5 =	simm.s32 $0xFFFFFFFF;
	p2 =	slt.u32 s8, $0xFFFFF086  }
0x1c: {  	p1 =	slt.u32 s9, $0xF7A;
	s5 =	simm.s32 @!p2 $0x0  }
0x1d: {  	s5 =	simm.s32 @p1 $0x1;
	p0 =	seq.s32 s7, s2  }
0x1e: {  	s7 =	smul.u32 @!p0 $0xF7A, s2;
	p2 =	seq.s32 @!p0 s5, $0x0  }
0x1f: {  	s9 =	smul.u32 $0xF7A, s1;
	s8 =	simm.s32 @!p0 $0x1BF5;
	p2 =	por !p2, p0  }
0x20: {  	[sflag:s8] =	ssyncset.s32 @!p0 $0xFFFFF086;
	s6 =	sadd.s32 @!p0 s3, s7;
	s7 =	simm.s32 @!p0 $0x108  }
0x21: {  	s3 =	sadd.s32 s3, s9;
	s6 =	sadd.s32 @!p0 $0x88, s6;
	s7 =	simm.s32 @p2 $0x1082  }
0x22: {  	[simem:s7], [sflag:s8] =	dma.local @!p0 [hbm:s6], $0xF7A  }
0x23: {  	s9 =	sor.u32 $0xD0000000, s2;
	s6 =	simm.s32 $0x108;
	_ =	swait.ge @!p0 [sflag:s8], $0x0  }
0x24: {  	s3 =	sadd.s32 $0x88, s3;
	s6 =	simm.s32 @!p1 $0x1082;
	[sflag:s4] =	ssyncset.s32 $0xFFFFF086  }
0x25: {  	[simem:s6], [sflag:s4] =	dma.local [hbm:s3], $0xF7A  }
0x26: {  	[smem:$0x3F81] =	sst s1;
	(tag) =	ssettag s2;
	_ =	strace s9  }
0x27: {  	s1 =	sld [smem:$0x3F91]  }
0x28: {  	s2 =	sld [smem:$0x3F92]  }
0x29: {  	s4 =	sld [smem:$0x3F94]  }
0x2a: {  	p0 =	seq.s32 s5, $0x0;
	s5 =	sld [smem:$0x3F95]  }
0x2b: {  	s6 =	sld [smem:$0x3F96]  }
0x2c: {  	s7 =	sld [smem:$0x3F97]  }
0x2d: {  	s3 =	simm.s32 $0x108;
	s8 =	sld [smem:$0x3F98]  }
0x2e: {  	s3 =	simm.s32 @!p0 $0x1082;
	s9 =	sld [smem:$0x3F99]  }
0x2f: {  	lr =	sadd.s32 s0, s3;
	s0 =	sld [smem:$0x3F90]  }
0x30: {  	s3 =	sld [smem:$0x3F93]  }
0x31: {  	[smem:$0x3F9C] =	sst s10  }
0x32: {  	s10 =	sld [smem:$0x3F9A];
	_ =	sdelay $0x3  }
0x33: {  	p0 =	seq.s32 s10, $0x1;
	s10 =	sld [smem:$0x3F9C];
	_ =	sdelay $0x3  }
0x34: {  	[smem:$0x3F9C] =	sst s10  }
0x35: {  	s10 =	sld [smem:$0x3F9B];
	_ =	sdelay $0x3  }
0x36: {  	p1 =	seq.s32 s10, $0x1;
	s10 =	sld [smem:$0x3F9C];
	_ =	sdelay $0x3  }
0x37: {  	[smem:$0x3F9C] =	sst s10  }
0x38: {  	s10 =	sld [smem:$0x3F9D]  }
0x39: {  	_ = 	snop;
	(pc) =	sbr.ind lr, $3  }
0x3a: {  	_ = 	snop  }
0x3b: {  	_ = 	snop  }
0x3c: {  	p2 =	seq.s32 s10, $0x1;
	s10 =	sld [smem:$0x3F9C]  }
0x3d: {  	_ =	shalt  }
0x3e: {  	_ =	shalt  }
0x3f: {  	_ =	shalt  }
0x40: {  	_ =	shalt  }
0x41: {  	_ =	shalt  }
0x42: {  	_ =	shalt  }
0x43: {  	_ =	shalt  }
0x44: {  	_ =	shalt  }
0x45: {  	_ =	shalt  }
0x46: {  	_ =	shalt  }
0x47: {  	_ =	shalt  }
0x48: {  	_ =	shalt  }
0x49: {  	_ =	shalt  }
0x4a: {  	_ =	shalt  }
0x4b: {  	_ =	shalt  }
0x4c: {  	_ =	shalt  }
0x4d: {  	_ =	shalt  }
0x4e: {  	_ =	shalt  }
0x4f: {  	_ =	shalt  }
0x50: {  	_ =	shalt  }
0x51: {  	_ =	shalt  }
0x52: {  	_ =	shalt  }
0x53: {  	_ =	shalt  }
0x54: {  	_ =	shalt  }
0x55: {  	_ =	shalt  }
0x56: {  	_ =	shalt  }
0x57: {  	_ =	shalt  }
0x58: {  	_ =	shalt  }
0x59: {  	_ =	shalt  }
0x5a: {  	_ =	shalt  }
0x5b: {  	_ =	shalt  }
0x5c: {  	_ =	shalt  }
0x5d: {  	_ =	shalt  }
0x5e: {  	_ =	shalt  }
0x5f: {  	_ =	shalt  }
0x60: {  	_ =	shalt  }
0x61: {  	_ =	shalt  }
0x62: {  	_ =	shalt  }
0x63: {  	_ =	shalt  }
0x64: {  	_ =	shalt  }
0x65: {  	_ =	shalt  }
0x66: {  	_ =	shalt  }
0x67: {  	_ =	shalt  }
0x68: {  	_ =	shalt  }
0x69: {  	_ =	shalt  }
0x6a: {  	_ =	shalt  }
0x6b: {  	_ =	shalt  }
0x6c: {  	_ =	shalt  }
0x6d: {  	_ =	shalt  }
0x6e: {  	_ =	shalt  }
0x6f: {  	_ =	shalt  }
0x70: {  	_ =	shalt  }
0x71: {  	_ =	shalt  }
0x72: {  	_ =	shalt  }
0x73: {  	_ =	shalt  }
0x74: {  	_ =	shalt  }
0x75: {  	_ =	shalt  }
0x76: {  	_ =	shalt  }
0x77: {  	_ =	shalt  }
0x78: {  	_ =	shalt  }
0x79: {  	_ =	shalt  }
0x7a: {  	_ =	shalt  }
0x7b: {  	_ =	shalt  }
0x7c: {  	_ =	shalt  }
0x7d: {  	_ =	shalt  }
0x7e: {  	_ =	shalt  }
0x7f: {  	_ =	shalt  }
0x80: {  	_ =	shalt  }
0x81: {  	_ =	shalt  }
0x82: {  	_ =	shalt  }
0x83: {  	_ =	shalt  }
0x84: {  	_ =	shalt  }
0x85: {  	_ =	shalt  }
0x86: {  	_ =	shalt  }
0x87: {  	_ =	shalt  }
.Lfunc_end0:
.L_simem_size_0:
called_computation.1_lowered:
.L_overlay_start_0:
0x88: {  	s2 =	sld [smem:$0x3FD9]  }
0x89: {  	s3 =	sld [smem:$0x3FFE];
	_ =	sdelay $0x1  }
0x8a: {  	s1 =	srdreg.scid  }
0x8b: {  	s0 =	sand.u32 $0x1, s1  }
0x8c: {  	s16 =	sshll.u32 s0, $0xA;
	s2 =	sadd.s32 s3, s2  }
0x8d: {  	s2 =	sadd.s32 s2, s16  }
0x8e: {  	[smem:$0x3FA8] =	sst s2  }
0x8f: {  	_ = 	snop  }
0x90: {  	(tm) =	ssettm $0x1  }
0x91: {  	s17 =	sld [smem:$0x3FFB];
	_ =	sdelay $0x3  }
0x92: {  	_ =	strace s17  }
0x93: {  	s2 =	sld [smem:$0x3FFC];
	_ =	sdelay $0x3  }
0x94: {  	_ =	strace s2  }
0x95: {  	s2 =	sld [smem:$0x3FFD];
	_ =	sdelay $0x3  }
0x96: {  	_ =	strace s2  }
0x97: {  	_ =	strace $0x8FFFFFFF  }
0x98: {  	s18 =	sld [smem:$0x3FDB];
	_ =	sdelay $0x1  }
0x99: {  	s19 =	simm.s32 $_scs_section_size  }
0x9a: {  	s4 =	simm.s32 $_size__tile_overlayer_lowered;
	s5 =	simm.s32 $_tile_overlayer_lowered  }
0x9b: {  	s22 =	simm.s32 $0x1BFF;
	s21 =	sshll.u32 s5, $0x1;
	s2 =	sadd.s32 s19, s18  }
0x9c: {  	s6 =	simm.s32 $0x0;
	s20 =	sshll.u32 s4, $0x1;
	s4 =	sadd.s32 s21, s2  }
0x9d: {  	[timem:s6], [sflag:s22] =	dma.local [hbm:s4], s20  }
0x9e: {  	_ =	swait.ge [sflag:s22], s20  }
0x9f: {  	s3 =	ssub.s32 $0x0, s20;
	[sflag:s22] =	ssyncset.done $0x0  }
0xa0: {  	[sflag:s22] =	ssyncadd.s32 s3;
	_ =	sdelay $0x1  }
0xa1: {  	s23 =	simm.s32 $0x1B8B  }
0xa2: {  	_ =	swait.ge [sflag:s23], $0x1  }
0xa3: {  	[sflag:s23] =	ssyncset.done $0x0  }
0xa4: {  	s25 =	simm.s32 $0x1B8E;
	s24 =	sld [smem:$0x3FFE];
	[sflag:s23] =	ssyncadd.s32 $0xFFFFFFFF  }
0xa5: {  	s26 =	simm.s32 $execute0_lowered;
	[smem:$0x3FD2] =	sst s25  }
0xa6: {  	s4 =	sshll.u32 s26, $0x1;
	_ =	strace $0x80000046;
	[dreg:$0x1] =	wrdreg $0xFFFFFFFF  }
0xa7: {  	s28 =	simm.s32 $_size_execute0_lowered;
	s2 =	sadd.s32 s2, s4;
	[dreg:$0x0] =	wrdreg $0x0  }
0xa8: {  	s4 =	sshll.u32 s28, $0x1;
	[dreg:$0x2] =	wrdreg s2  }
0xa9: {  	[dreg:$0x3] =	wrdreg s4  }
0xaa: {  	[dreg:$0x4] =	wrdreg $0xC0  }
0xab: {  	_ =	task [dreg:s6], $0x5FFFF  }
0xac: {  	[dreg:$0x1] =	wrdreg $0xFFFFFFFF  }
0xad: {  	[dreg:$0x0] =	wrdreg $0x60  }
0xae: {  	[dreg:$0x2] =	wrdreg s24  }
0xaf: {  	[dreg:$0x3] =	wrdreg $0x0  }
0xb0: {  	[dreg:$0x4] =	wrdreg $0xA  }
0xb1: {  	_ =	task.clear_ibuf [dreg:s6], $0x5FFFF;
	_ =	strace $0x90000046  }
0xb2: {  	s29 =	simm.s32 $0xA;
	_ =	strace $0x80000048  }
0xb3: {  	_ =	swait.ge [sflag:s29], $0x1  }
0xb4: {  	[sflag:s29] =	ssyncadd.s32 $0xFFFFFFFF  }
0xb5: {  	_ =	strace $0x90000048  }
0xb6: {  	_ =	sfence  }
0xb7: {  	s30 =	sld [smem:$0x0];
	_ =	sdelay $0x2  }
0xb8: {  	s31 =	sshll.u32 s1, $0xD;
	s1 =	sshrl.u32 s1, $0x2  }
0xb9: {  	s3 =	sand.u32 $0x4000, s31;
	s1 =	sadd.s32 s1, s30  }
0xba: {  	s0 =	sor.u32 s3, s0;
	s1 =	sshll.u32 s1, $0x11  }
0xbb: {  	s0 =	sor.u32 s1, s0  }
0xbc: {  	s0 =	sadd.s32 $0x8F2B, s0  }
0xbd: {  	[sflag:s0] =	ssyncadd.remote.s32 $0x1  }
0xbe: {  	_ =	sfence.sel $0xFFFF  }
0xbf: {  	[dreg:$0x0] =	wrdreg $0xFFFFFFFF;
	(pc) =	sbr.abs _section_cstart, $3  }
0xc0: {  	[dreg:$0x1] =	wrdreg $0xFFFFFFFF  }
0xc1: {  	_ =	task.clear_ibuf [dreg:s6], $0x2FFFF;
	_ =	strace $0x9FFFFFFF  }
0xc2: {  	(tm) =	ssettm $0x7FFFFFFF  }
0xc3: {  	_ =	shalt  }
tec
execute0_lowered:
.L_overlay_start_1:
0x0: {  	(tag) =	ssettag $0x1  }
0x1: {  	s0 =	srdreg.scid;
	s5 =	rddreg [dreg:$0x0]  }
0x2: {  	s8 =	stileid.u32;
	s2 =	rddreg [dreg:$0x1];
	s3 =	simm.s32 $0x0  }
0x3: {  	s10 =	simm.s32 $0x1C800;
	s11 =	simm.s32 $0x9;
	s14 =	simm.s32 $0x80  }
0x4: {  	s15 =	simm.s32 $0xC800;
	s16 =	simm.s32 $0xE800;
	s17 =	simm.s32 $0x10800  }
0x5: {  	s18 =	simm.s32 $0x12800;
	s19 =	simm.s32 $0x14800;
	s20 =	simm.s32 $0x16800  }
0x6: {  	s21 =	simm.s32 $0x18800;
	s22 =	simm.s32 $0x1A800;
	s23 =	simm.s32 $0x1  }
0x7: {  	s28 =	simm.s32 $0x5;
	s29 =	simm.s32 $0x6;
	s30 =	simm.s32 $0x7  }
0x8: {  	s31 =	simm.s32 $0x8;
	s0 =	sand.u32 $0x1, s0;
	[smem:$0x7FF] =	sst s3  }
0x9: {  	s7 =	smul.u32 $0x1400, s8;
	s4 =	sadd.s32 $0x6000, s5;
	s1 =	sshll.u32 s0, $0x4  }
0xa: {  	s6 =	smul.u32 $0x14000, s0;
	_ =	strace $0x80000047;
	s0 =	ssub.s32 $0x2, s0  }
0xb: {  	s1 =	sor.u32 s8, s1;
	s8 =	smul.u32 $0x28000, s8;
	s24 =	sshrl.u32 s0, $0x1  }
0xc: {  	s1 =	smul.u32 $0x280, s1;
	s6 =	sadd.s32 s7, s6;
	s0 =	ssub.s32 s0, s24  }
0xd: {  	s24 =	simm.s32 $0x2;
	s9 =	sadd.s32 s6, s5;
	s25 =	sshrl.u32 s8, $0x2  }
0xe: {  	s1 =	sadd.s32 s1, s5;
	s5 =	sadd.s32 s25, s2;
	s8 =	sadd.s32 $0x23A00, s9  }
0xf: {  	s9 =	smax.u32 s0, $0x1;
	s25 =	simm.s32 $0x3;
	s26 =	sadd.s32 $0x19A00, s1  }
0x10: {  	v0 =	vimm.f32 $0.0e+00;
	s7 =	sadd.s32 $0x1EA00, s1;
	[dreg:$0x3] =	wrdreg s26;
	s26 =	simm.s32 $0x4  }
.LBB2_1:
0x11: {  	[tilespmem:$0x1C800] =	vst v0  }
0x12: {  	[tilespmem:$0x1C810] =	vst v0  }
0x13: {  	[tilespmem:$0x1C820] =	vst v0  }
0x14: {  	[tilespmem:$0x1C830] =	vst v0  }
0x15: {  	[tilespmem:$0x1C840] =	vst v0  }
0x16: {  	[tilespmem:$0x1C850] =	vst v0  }
0x17: {  	[tilespmem:$0x1C860] =	vst v0  }
0x18: {  	[tilespmem:$0x1C870] =	vst v0  }
0x19: {  	[tilespmem:$0x1C880] =	vst v0  }
0x1a: {  	[tilespmem:$0x1C890] =	vst v0  }
0x1b: {  	[tilespmem:$0x1C8A0] =	vst v0  }
0x1c: {  	[tilespmem:$0x1C8B0] =	vst v0  }
0x1d: {  	[tilespmem:$0x1C8C0] =	vst v0  }
0x1e: {  	[tilespmem:$0x1C8D0] =	vst v0  }
0x1f: {  	[tilespmem:$0x1C8E0] =	vst v0  }
0x20: {  	[tilespmem:$0x1C8F0] =	vst v0  }
0x21: {  	[tilespmem:$0x1C900] =	vst v0  }
0x22: {  	[tilespmem:$0x1C910] =	vst v0  }
0x23: {  	[tilespmem:$0x1C920] =	vst v0  }
0x24: {  	[tilespmem:$0x1C930] =	vst v0  }
0x25: {  	[tilespmem:$0x1C940] =	vst v0  }
0x26: {  	[tilespmem:$0x1C950] =	vst v0  }
0x27: {  	[tilespmem:$0x1C960] =	vst v0  }
0x28: {  	[tilespmem:$0x1C970] =	vst v0  }
0x29: {  	[tilespmem:$0x1C980] =	vst v0  }
0x2a: {  	[tilespmem:$0x1C990] =	vst v0  }
0x2b: {  	[tilespmem:$0x1C9A0] =	vst v0  }
0x2c: {  	[tilespmem:$0x1C9B0] =	vst v0  }
0x2d: {  	[tilespmem:$0x1C9C0] =	vst v0  }
0x2e: {  	[tilespmem:$0x1C9D0] =	vst v0  }
0x2f: {  	[tilespmem:$0x1C9E0] =	vst v0  }
0x30: {  	[tilespmem:$0x1C9F0] =	vst v0  }
0x31: {  	[tilespmem:$0x1CA00] =	vst v0  }
0x32: {  	[tilespmem:$0x1CA10] =	vst v0  }
0x33: {  	[tilespmem:$0x1CA20] =	vst v0  }
0x34: {  	[tilespmem:$0x1CA30] =	vst v0  }
0x35: {  	[tilespmem:$0x1CA40] =	vst v0  }
0x36: {  	[tilespmem:$0x1CA50] =	vst v0  }
0x37: {  	[tilespmem:$0x1CA60] =	vst v0  }
0x38: {  	[tilespmem:$0x1CA70] =	vst v0  }
0x39: {  	[tilespmem:$0x1CA80] =	vst v0  }
0x3a: {  	[tilespmem:$0x1CA90] =	vst v0  }
0x3b: {  	[tilespmem:$0x1CAA0] =	vst v0  }
0x3c: {  	[tilespmem:$0x1CAB0] =	vst v0  }
0x3d: {  	[tilespmem:$0x1CAC0] =	vst v0  }
0x3e: {  	[tilespmem:$0x1CAD0] =	vst v0  }
0x3f: {  	[tilespmem:$0x1CAE0] =	vst v0  }
0x40: {  	[tilespmem:$0x1CAF0] =	vst v0  }
0x41: {  	[tilespmem:$0x1CB00] =	vst v0  }
0x42: {  	[tilespmem:$0x1CB10] =	vst v0  }
0x43: {  	[tilespmem:$0x1CB20] =	vst v0  }
0x44: {  	[tilespmem:$0x1CB30] =	vst v0  }
0x45: {  	[tilespmem:$0x1CB40] =	vst v0  }
0x46: {  	[tilespmem:$0x1CB50] =	vst v0  }
0x47: {  	[tilespmem:$0x1CB60] =	vst v0  }
0x48: {  	[tilespmem:$0x1CB70] =	vst v0  }
0x49: {  	[tilespmem:$0x1CB80] =	vst v0  }
0x4a: {  	[tilespmem:$0x1CB90] =	vst v0  }
0x4b: {  	[tilespmem:$0x1CBA0] =	vst v0  }
0x4c: {  	[tilespmem:$0x1CBB0] =	vst v0  }
0x4d: {  	[tilespmem:$0x1CBC0] =	vst v0  }
0x4e: {  	[tilespmem:$0x1CBD0] =	vst v0  }
0x4f: {  	[tilespmem:$0x1CBE0] =	vst v0  }
0x50: {  	[tilespmem:$0x1CBF0] =	vst v0;
	s0 =	sadd.s32 $0x0, s5  }
0x51: {  	[spmem:s0] =	stream.linear.scatter [tilespmem:s10], [sflag:$0x9], $0x400, $0x38;
	[tilespmem:$0x1CC00] =	vst v63  }
0x52: {  	s1 =	simm.s32 $0x1000;
	_ =	swait.ge [sflag:s11], $0x400  }
.LBB2_2:
0x53: {  	s0 =	sshra.s32 s1, $0x2;
	[sflag:s11] =	ssyncset.done $0x0;
	p0 =	sne.s32 s1, $0x27000  }
.Ltmp0:
0x54: {  	s0 =	sadd.s32 s0, s5;
	[sflag:s11] =	ssyncadd.s32 $0xFFFFFC00;
	(pc) =	sbr.rel @p0 .LBB2_2-.Ltmp0, $3  }
0x55: {  	[spmem:s0] =	stream.linear.scatter [tilespmem:s10], [sflag:$0x9], $0x400, $0x38;
	[tilespmem:$0x1CC00] =	vst v63  }
0x56: {  	s1 =	sadd.s32 $0x1000, s1;
	_ =	sdelay $0x1  }
0x57: {  	_ =	swait.ge [sflag:s11], $0x400  }
0x58: {  	[sflag:s11] =	ssyncset.done $0x0;
	s0 =	simm.s32 $0x0  }
0x59: {  	s1 =	rddreg [dreg:$0x3];
	s6 =	simm.s32 $0xA000;
	[sflag:s11] =	ssyncadd.s32 $0xFFFFFC00  }
0x5a: {  	[tilespmem:s6], [sflag:$0x9] =	stream.linear.gather [hbm4b:s1+s0], $0x1400, $0x38;
	[tilespmem:$0x1CC00] =	vst v63  }
0x5b: {  	_ =	swait.ge [sflag:s11], $0x1400  }
0x5c: {  	[sflag:s11] =	ssyncset.done $0x0  }
0x5d: {  	s13 =	simm.s32 $0xB400;
	[sflag:s11] =	ssyncadd.s32 $0xFFFFEC00  }
0x5e: {  	[tilespmem:s13], [sflag:$0x9] =	stream.linear.gather [hbm4b:s7+s0], $0x1400, $0x38;
	[tilespmem:$0x1CC00] =	vst v63  }
0x5f: {  	_ =	swait.ge [sflag:s11], $0x1400  }
0x60: {  	[sflag:s11] =	ssyncset.done $0x0  }
0x61: {  	[sflag:s11] =	ssyncadd.s32 $0xFFFFEC00  }
0x62: {  	s1 =	simm.s32 $0xA000;
	[bflag:$0x0] =	sbarrier.arrive $0xFFFF  }
0x63: {  	[tilespmem:s15], [sflag:$0x1] =	stream.indirect.gather [hbm4b:s4+s14], $0x40, s1, s14, $0xb8;
	[tilespmem:$0x1CC00] =	vst v63  }
0x64: {  	s6 =	simm.s32 $0xA080  }
0x65: {  	[tilespmem:s16], [sflag:$0x2] =	stream.indirect.gather [hbm4b:s4+s14], $0x40, s6, s14, $0xb8;
	[tilespmem:$0x1CC00] =	vst v63  }
0x66: {  	s12 =	simm.s32 $0xA100  }
0x67: {  	[tilespmem:s17], [sflag:$0x3] =	stream.indirect.gather [hbm4b:s4+s14], $0x40, s12, s14, $0xb8;
	[tilespmem:$0x1CC00] =	vst v63  }
0x68: {  	s13 =	simm.s32 $0xA180  }
0x69: {  	[tilespmem:s18], [sflag:$0x4] =	stream.indirect.gather [hbm4b:s4+s14], $0x40, s13, s14, $0xb8;
	[tilespmem:$0x1CC00] =	vst v63  }
0x6a: {  	s1 =	simm.s32 $0xA200  }
0x6b: {  	[tilespmem:s19], [sflag:$0x5] =	stream.indirect.gather [hbm4b:s4+s14], $0x40, s1, s14, $0xb8;
	[tilespmem:$0x1CC00] =	vst v63  }
0x6c: {  	s6 =	simm.s32 $0xA280  }
0x6d: {  	[tilespmem:s20], [sflag:$0x6] =	stream.indirect.gather [hbm4b:s4+s14], $0x40, s6, s14, $0xb8;
	[tilespmem:$0x1CC00] =	vst v63  }
0x6e: {  	s12 =	simm.s32 $0xA300  }
0x6f: {  	[tilespmem:s21], [sflag:$0x7] =	stream.indirect.gather [hbm4b:s4+s14], $0x40, s12, s14, $0xb8;
	[tilespmem:$0x1CC00] =	vst v63  }
0x70: {  	s13 =	simm.s32 $0xA380  }
0x71: {  	[tilespmem:s22], [sflag:$0x8] =	stream.indirect.gather [hbm4b:s4+s14], $0x40, s13, s14, $0xb8;
	[tilespmem:$0x1CC00] =	vst v63  }
0x72: {  	_ =	swait.ge [sflag:s23], $0x2000  }
0x73: {  	[sflag:s23] =	ssyncset.done $0x0  }
0x74: {  	s1 =	simm.s32 $0xB400;
	[sflag:s23] =	ssyncadd.s32 $0xFFFFE000  }
0x75: {  	[spmem:s2] =	stream.indirect.scatter.add.f32 [tilespmem:s15], [sflag:$0x9], $0x40, s1, s14, $0xb8;
	[tilespmem:$0x1CC00] =	vst v63  }
0x76: {  	_ =	swait.ge [sflag:s11], $0x2000  }
0x77: {  	[sflag:s11] =	ssyncset.done $0x0  }
0x78: {  	[sflag:s11] =	ssyncadd.s32 $0xFFFFE000  }
0x79: {  	_ =	swait.ge [sflag:s24], $0x2000  }
0x7a: {  	[sflag:s24] =	ssyncset.done $0x0  }
0x7b: {  	s6 =	simm.s32 $0xB480;
	[sflag:s24] =	ssyncadd.s32 $0xFFFFE000  }
0x7c: {  	[spmem:s2] =	stream.indirect.scatter.add.f32 [tilespmem:s16], [sflag:$0x9], $0x40, s6, s14, $0xb8;
	[tilespmem:$0x1CC00] =	vst v63  }
0x7d: {  	_ =	swait.ge [sflag:s11], $0x2000  }
0x7e: {  	[sflag:s11] =	ssyncset.done $0x0  }
0x7f: {  	[sflag:s11] =	ssyncadd.s32 $0xFFFFE000  }
0x80: {  	_ =	swait.ge [sflag:s25], $0x2000  }
0x81: {  	[sflag:s25] =	ssyncset.done $0x0  }
0x82: {  	s12 =	simm.s32 $0xB500;
	[sflag:s25] =	ssyncadd.s32 $0xFFFFE000  }
0x83: {  	[spmem:s2] =	stream.indirect.scatter.add.f32 [tilespmem:s17], [sflag:$0x9], $0x40, s12, s14, $0xb8;
	[tilespmem:$0x1CC00] =	vst v63  }
0x84: {  	_ =	swait.ge [sflag:s11], $0x2000  }
0x85: {  	[sflag:s11] =	ssyncset.done $0x0  }
0x86: {  	[sflag:s11] =	ssyncadd.s32 $0xFFFFE000  }
0x87: {  	_ =	swait.ge [sflag:s26], $0x2000  }
0x88: {  	[sflag:s26] =	ssyncset.done $0x0  }
0x89: {  	s13 =	simm.s32 $0xB580;
	[sflag:s26] =	ssyncadd.s32 $0xFFFFE000  }
0x8a: {  	[spmem:s2] =	stream.indirect.scatter.add.f32 [tilespmem:s18], [sflag:$0x9], $0x40, s13, s14, $0xb8;
	[tilespmem:$0x1CC00] =	vst v63  }
0x8b: {  	_ =	swait.ge [sflag:s11], $0x2000  }
0x8c: {  	[sflag:s11] =	ssyncset.done $0x0  }
0x8d: {  	[sflag:s11] =	ssyncadd.s32 $0xFFFFE000  }
0x8e: {  	_ =	swait.ge [sflag:s28], $0x2000  }
0x8f: {  	[sflag:s28] =	ssyncset.done $0x0  }
0x90: {  	s1 =	simm.s32 $0xB600;
	[sflag:s28] =	ssyncadd.s32 $0xFFFFE000  }
0x91: {  	[spmem:s2] =	stream.indirect.scatter.add.f32 [tilespmem:s19], [sflag:$0x9], $0x40, s1, s14, $0xb8;
	[tilespmem:$0x1CC00] =	vst v63  }
0x92: {  	_ =	swait.ge [sflag:s11], $0x2000  }
0x93: {  	[sflag:s11] =	ssyncset.done $0x0  }
0x94: {  	[sflag:s11] =	ssyncadd.s32 $0xFFFFE000  }
0x95: {  	_ =	swait.ge [sflag:s29], $0x2000  }
0x96: {  	[sflag:s29] =	ssyncset.done $0x0  }
0x97: {  	s6 =	simm.s32 $0xB680;
	[sflag:s29] =	ssyncadd.s32 $0xFFFFE000  }
0x98: {  	[spmem:s2] =	stream.indirect.scatter.add.f32 [tilespmem:s20], [sflag:$0x9], $0x40, s6, s14, $0xb8;
	[tilespmem:$0x1CC00] =	vst v63  }
0x99: {  	_ =	swait.ge [sflag:s11], $0x2000  }
0x9a: {  	[sflag:s11] =	ssyncset.done $0x0  }
0x9b: {  	[sflag:s11] =	ssyncadd.s32 $0xFFFFE000  }
0x9c: {  	_ =	swait.ge [sflag:s30], $0x2000  }
0x9d: {  	[sflag:s30] =	ssyncset.done $0x0  }
0x9e: {  	s12 =	simm.s32 $0xB700;
	[sflag:s30] =	ssyncadd.s32 $0xFFFFE000  }
0x9f: {  	[spmem:s2] =	stream.indirect.scatter.add.f32 [tilespmem:s21], [sflag:$0x9], $0x40, s12, s14, $0xb8;
	[tilespmem:$0x1CC00] =	vst v63  }
0xa0: {  	_ =	swait.ge [sflag:s11], $0x2000  }
0xa1: {  	[sflag:s11] =	ssyncset.done $0x0  }
0xa2: {  	[sflag:s11] =	ssyncadd.s32 $0xFFFFE000  }
0xa3: {  	_ =	swait.ge [sflag:s31], $0x2000  }
0xa4: {  	[sflag:s31] =	ssyncset.done $0x0  }
0xa5: {  	s13 =	simm.s32 $0xB780;
	[sflag:s31] =	ssyncadd.s32 $0xFFFFE000  }
0xa6: {  	[spmem:s2] =	stream.indirect.scatter.add.f32 [tilespmem:s22], [sflag:$0x9], $0x40, s13, s14, $0xb8;
	[tilespmem:$0x1CC00] =	vst v63  }
0xa7: {  	_ =	swait.ge [sflag:s11], $0x2000  }
0xa8: {  	s1 =	simm.s32 $0x400;
	s12 =	simm.s32 $0x2000;
	[sflag:s11] =	ssyncset.done $0x0  }
.LBB2_4:
0xa9: {  	s6 =	sadd.s32 $0xA000, s1  }
0xaa: {  	[sflag:s11] =	ssyncadd.s32 $0xFFFFE000;
	s13 =	smov.u32 s12;
	s0 =	sadd.s32 $0x1000, s12  }
0xab: {  	[tilespmem:s15], [sflag:$0x1] =	stream.indirect.gather [hbm4b:s4+s14], $0x40, s6, s14, $0xb8;
	[tilespmem:$0x1CC00] =	vst v63  }
0xac: {  	p0 =	sne.s32 s12, $0x4000;
	s6 =	sadd.s32 $0xA080, s1  }
0xad: {  	[tilespmem:s16], [sflag:$0x2] =	stream.indirect.gather [hbm4b:s4+s14], $0x40, s6, s14, $0xb8;
	[tilespmem:$0x1CC00] =	vst v63  }
0xae: {  	s6 =	sadd.s32 $0xA100, s1  }
0xaf: {  	[tilespmem:s17], [sflag:$0x3] =	stream.indirect.gather [hbm4b:s4+s14], $0x40, s6, s14, $0xb8;
	[tilespmem:$0x1CC00] =	vst v63  }
0xb0: {  	s6 =	sadd.s32 $0xA180, s1  }
0xb1: {  	[tilespmem:s18], [sflag:$0x4] =	stream.indirect.gather [hbm4b:s4+s14], $0x40, s6, s14, $0xb8;
	[tilespmem:$0x1CC00] =	vst v63  }
0xb2: {  	s6 =	sadd.s32 $0xA200, s1  }
0xb3: {  	[tilespmem:s19], [sflag:$0x5] =	stream.indirect.gather [hbm4b:s4+s14], $0x40, s6, s14, $0xb8;
	[tilespmem:$0x1CC00] =	vst v63  }
0xb4: {  	s6 =	sadd.s32 $0xA280, s1  }
0xb5: {  	[tilespmem:s20], [sflag:$0x6] =	stream.indirect.gather [hbm4b:s4+s14], $0x40, s6, s14, $0xb8;
	[tilespmem:$0x1CC00] =	vst v63  }
0xb6: {  	s6 =	sadd.s32 $0xA300, s1  }
0xb7: {  	[tilespmem:s21], [sflag:$0x7] =	stream.indirect.gather [hbm4b:s4+s14], $0x40, s6, s14, $0xb8;
	[tilespmem:$0x1CC00] =	vst v63  }
0xb8: {  	s6 =	sadd.s32 $0xA380, s1  }
0xb9: {  	[tilespmem:s22], [sflag:$0x8] =	stream.indirect.gather [hbm4b:s4+s14], $0x40, s6, s14, $0xb8;
	[tilespmem:$0x1CC00] =	vst v63  }
0xba: {  	_ =	swait.ge [sflag:s23], $0x2000  }
0xbb: {  	[sflag:s23] =	ssyncset.done $0x0  }
0xbc: {  	s6 =	sadd.s32 $0xB400, s1;
	[sflag:s23] =	ssyncadd.s32 $0xFFFFE000  }
0xbd: {  	[spmem:s2] =	stream.indirect.scatter.add.f32 [tilespmem:s15], [sflag:$0x9], $0x40, s6, s14, $0xb8;
	[tilespmem:$0x1CC00] =	vst v63  }
0xbe: {  	_ =	swait.ge [sflag:s11], $0x2000  }
0xbf: {  	[sflag:s11] =	ssyncset.done $0x0  }
0xc0: {  	[sflag:s11] =	ssyncadd.s32 $0xFFFFE000  }
0xc1: {  	_ =	swait.ge [sflag:s24], $0x2000  }
0xc2: {  	[sflag:s24] =	ssyncset.done $0x0  }
0xc3: {  	s6 =	sadd.s32 $0xB480, s1;
	[sflag:s24] =	ssyncadd.s32 $0xFFFFE000  }
0xc4: {  	[spmem:s2] =	stream.indirect.scatter.add.f32 [tilespmem:s16], [sflag:$0x9], $0x40, s6, s14, $0xb8;
	[tilespmem:$0x1CC00] =	vst v63  }
0xc5: {  	_ =	swait.ge [sflag:s11], $0x2000  }
0xc6: {  	[sflag:s11] =	ssyncset.done $0x0  }
0xc7: {  	[sflag:s11] =	ssyncadd.s32 $0xFFFFE000  }
0xc8: {  	_ =	swait.ge [sflag:s25], $0x2000  }
0xc9: {  	[sflag:s25] =	ssyncset.done $0x0  }
0xca: {  	s6 =	sadd.s32 $0xB500, s1;
	[sflag:s25] =	ssyncadd.s32 $0xFFFFE000  }
0xcb: {  	[spmem:s2] =	stream.indirect.scatter.add.f32 [tilespmem:s17], [sflag:$0x9], $0x40, s6, s14, $0xb8;
	[tilespmem:$0x1CC00] =	vst v63  }
0xcc: {  	_ =	swait.ge [sflag:s11], $0x2000  }
0xcd: {  	[sflag:s11] =	ssyncset.done $0x0  }
0xce: {  	[sflag:s11] =	ssyncadd.s32 $0xFFFFE000  }
0xcf: {  	_ =	swait.ge [sflag:s26], $0x2000  }
0xd0: {  	[sflag:s26] =	ssyncset.done $0x0  }
0xd1: {  	s6 =	sadd.s32 $0xB580, s1;
	[sflag:s26] =	ssyncadd.s32 $0xFFFFE000  }
0xd2: {  	[spmem:s2] =	stream.indirect.scatter.add.f32 [tilespmem:s18], [sflag:$0x9], $0x40, s6, s14, $0xb8;
	[tilespmem:$0x1CC00] =	vst v63  }
0xd3: {  	_ =	swait.ge [sflag:s11], $0x2000  }
0xd4: {  	[sflag:s11] =	ssyncset.done $0x0  }
0xd5: {  	[sflag:s11] =	ssyncadd.s32 $0xFFFFE000  }
0xd6: {  	_ =	swait.ge [sflag:s28], $0x2000  }
0xd7: {  	[sflag:s28] =	ssyncset.done $0x0  }
0xd8: {  	s6 =	sadd.s32 $0xB600, s1;
	[sflag:s28] =	ssyncadd.s32 $0xFFFFE000  }
0xd9: {  	[spmem:s2] =	stream.indirect.scatter.add.f32 [tilespmem:s19], [sflag:$0x9], $0x40, s6, s14, $0xb8;
	[tilespmem:$0x1CC00] =	vst v63  }
0xda: {  	_ =	swait.ge [sflag:s11], $0x2000  }
0xdb: {  	[sflag:s11] =	ssyncset.done $0x0  }
0xdc: {  	[sflag:s11] =	ssyncadd.s32 $0xFFFFE000  }
0xdd: {  	_ =	swait.ge [sflag:s29], $0x2000  }
0xde: {  	[sflag:s29] =	ssyncset.done $0x0  }
0xdf: {  	s6 =	sadd.s32 $0xB680, s1;
	[sflag:s29] =	ssyncadd.s32 $0xFFFFE000  }
0xe0: {  	[spmem:s2] =	stream.indirect.scatter.add.f32 [tilespmem:s20], [sflag:$0x9], $0x40, s6, s14, $0xb8;
	[tilespmem:$0x1CC00] =	vst v63  }
0xe1: {  	_ =	swait.ge [sflag:s11], $0x2000  }
0xe2: {  	[sflag:s11] =	ssyncset.done $0x0  }
0xe3: {  	[sflag:s11] =	ssyncadd.s32 $0xFFFFE000  }
0xe4: {  	_ =	swait.ge [sflag:s30], $0x2000  }
0xe5: {  	[sflag:s30] =	ssyncset.done $0x0  }
0xe6: {  	s6 =	sadd.s32 $0xB700, s1;
	[sflag:s30] =	ssyncadd.s32 $0xFFFFE000  }
0xe7: {  	[spmem:s2] =	stream.indirect.scatter.add.f32 [tilespmem:s21], [sflag:$0x9], $0x40, s6, s14, $0xb8;
	[tilespmem:$0x1CC00] =	vst v63  }
0xe8: {  	_ =	swait.ge [sflag:s11], $0x2000  }
0xe9: {  	[sflag:s11] =	ssyncset.done $0x0  }
0xea: {  	[sflag:s11] =	ssyncadd.s32 $0xFFFFE000  }
0xeb: {  	_ =	swait.ge [sflag:s31], $0x2000  }
.Ltmp1:
0xec: {  	[sflag:s31] =	ssyncset.done $0x0;
	(pc) =	sbr.rel @p0 .LBB2_4-.Ltmp1, $4  }
0xed: {  	s1 =	sadd.s32 $0xB780, s1;
	[sflag:s31] =	ssyncadd.s32 $0xFFFFE000  }
0xee: {  	[spmem:s2] =	stream.indirect.scatter.add.f32 [tilespmem:s22], [sflag:$0x9], $0x40, s1, s14, $0xb8;
	[tilespmem:$0x1CC00] =	vst v63  }
0xef: {  	_ =	swait.ge [sflag:s11], $0x2000  }
0xf0: {  	s12 =	smov.u32 s0;
	s1 =	sshra.s32 s13, $0x2;
	[sflag:s11] =	ssyncset.done $0x0  }
0xf1: {  	s0 =	sadd.s32 $0xA000, s1;
	[sflag:s11] =	ssyncadd.s32 $0xFFFFE000  }
0xf2: {  	[tilespmem:s15], [sflag:$0x1] =	stream.indirect.gather [hbm4b:s4+s14], $0x40, s0, s14, $0xb8;
	[tilespmem:$0x1CC00] =	vst v63  }
0xf3: {  	s12 =	sadd.s32 $0xA080, s1  }
0xf4: {  	[tilespmem:s16], [sflag:$0x2] =	stream.indirect.gather [hbm4b:s4+s14], $0x40, s12, s14, $0xb8;
	[tilespmem:$0x1CC00] =	vst v63  }
0xf5: {  	s13 =	sadd.s32 $0xA100, s1  }
0xf6: {  	[tilespmem:s17], [sflag:$0x3] =	stream.indirect.gather [hbm4b:s4+s14], $0x40, s13, s14, $0xb8;
	[tilespmem:$0x1CC00] =	vst v63  }
0xf7: {  	s6 =	sadd.s32 $0xA180, s1  }
0xf8: {  	[tilespmem:s18], [sflag:$0x4] =	stream.indirect.gather [hbm4b:s4+s14], $0x40, s6, s14, $0xb8;
	[tilespmem:$0x1CC00] =	vst v63  }
0xf9: {  	s12 =	sadd.s32 $0xA200, s1  }
0xfa: {  	[tilespmem:s19], [sflag:$0x5] =	stream.indirect.gather [hbm4b:s4+s14], $0x40, s12, s14, $0xb8;
	[tilespmem:$0x1CC00] =	vst v63  }
0xfb: {  	s13 =	sadd.s32 $0xA280, s1  }
0xfc: {  	[tilespmem:s20], [sflag:$0x6] =	stream.indirect.gather [hbm4b:s4+s14], $0x40, s13, s14, $0xb8;
	[tilespmem:$0x1CC00] =	vst v63  }
0xfd: {  	s6 =	sadd.s32 $0xA300, s1  }
0xfe: {  	[tilespmem:s21], [sflag:$0x7] =	stream.indirect.gather [hbm4b:s4+s14], $0x40, s6, s14, $0xb8;
	[tilespmem:$0x1CC00] =	vst v63  }
0xff: {  	s12 =	sadd.s32 $0xA380, s1  }
0x100: {  	[tilespmem:s22], [sflag:$0x8] =	stream.indirect.gather [hbm4b:s4+s14], $0x40, s12, s14, $0xb8;
	[tilespmem:$0x1CC00] =	vst v63  }
0x101: {  	_ =	swait.ge [sflag:s23], $0x2000  }
0x102: {  	[sflag:s23] =	ssyncset.done $0x0  }
0x103: {  	s13 =	sadd.s32 $0xB400, s1;
	[sflag:s23] =	ssyncadd.s32 $0xFFFFE000  }
0x104: {  	[spmem:s2] =	stream.indirect.scatter.add.f32 [tilespmem:s15], [sflag:$0x9], $0x40, s13, s14, $0xb8;
	[tilespmem:$0x1CC00] =	vst v63  }
0x105: {  	_ =	swait.ge [sflag:s11], $0x2000  }
0x106: {  	[sflag:s11] =	ssyncset.done $0x0  }
0x107: {  	[sflag:s11] =	ssyncadd.s32 $0xFFFFE000  }
0x108: {  	_ =	swait.ge [sflag:s24], $0x2000  }
0x109: {  	[sflag:s24] =	ssyncset.done $0x0  }
0x10a: {  	s6 =	sadd.s32 $0xB480, s1;
	[sflag:s24] =	ssyncadd.s32 $0xFFFFE000  }
0x10b: {  	[spmem:s2] =	stream.indirect.scatter.add.f32 [tilespmem:s16], [sflag:$0x9], $0x40, s6, s14, $0xb8;
	[tilespmem:$0x1CC00] =	vst v63  }
0x10c: {  	_ =	swait.ge [sflag:s11], $0x2000  }
0x10d: {  	[sflag:s11] =	ssyncset.done $0x0  }
0x10e: {  	[sflag:s11] =	ssyncadd.s32 $0xFFFFE000  }
0x10f: {  	_ =	swait.ge [sflag:s25], $0x2000  }
0x110: {  	[sflag:s25] =	ssyncset.done $0x0  }
0x111: {  	s12 =	sadd.s32 $0xB500, s1;
	[sflag:s25] =	ssyncadd.s32 $0xFFFFE000  }
0x112: {  	[spmem:s2] =	stream.indirect.scatter.add.f32 [tilespmem:s17], [sflag:$0x9], $0x40, s12, s14, $0xb8;
	[tilespmem:$0x1CC00] =	vst v63  }
0x113: {  	_ =	swait.ge [sflag:s11], $0x2000  }
0x114: {  	[sflag:s11] =	ssyncset.done $0x0  }
0x115: {  	[sflag:s11] =	ssyncadd.s32 $0xFFFFE000  }
0x116: {  	_ =	swait.ge [sflag:s26], $0x2000  }
0x117: {  	[sflag:s26] =	ssyncset.done $0x0  }
0x118: {  	s13 =	sadd.s32 $0xB580, s1;
	[sflag:s26] =	ssyncadd.s32 $0xFFFFE000  }
0x119: {  	[spmem:s2] =	stream.indirect.scatter.add.f32 [tilespmem:s18], [sflag:$0x9], $0x40, s13, s14, $0xb8;
	[tilespmem:$0x1CC00] =	vst v63  }
0x11a: {  	_ =	swait.ge [sflag:s11], $0x2000  }
0x11b: {  	[sflag:s11] =	ssyncset.done $0x0  }
0x11c: {  	[sflag:s11] =	ssyncadd.s32 $0xFFFFE000  }
0x11d: {  	_ =	swait.ge [sflag:s28], $0x2000  }
0x11e: {  	[sflag:s28] =	ssyncset.done $0x0  }
0x11f: {  	s6 =	sadd.s32 $0xB600, s1;
	[sflag:s28] =	ssyncadd.s32 $0xFFFFE000  }
0x120: {  	[spmem:s2] =	stream.indirect.scatter.add.f32 [tilespmem:s19], [sflag:$0x9], $0x40, s6, s14, $0xb8;
	[tilespmem:$0x1CC00] =	vst v63  }
0x121: {  	_ =	swait.ge [sflag:s11], $0x2000  }
0x122: {  	[sflag:s11] =	ssyncset.done $0x0  }
0x123: {  	[sflag:s11] =	ssyncadd.s32 $0xFFFFE000  }
0x124: {  	_ =	swait.ge [sflag:s29], $0x2000  }
0x125: {  	[sflag:s29] =	ssyncset.done $0x0  }
0x126: {  	s12 =	sadd.s32 $0xB680, s1;
	[sflag:s29] =	ssyncadd.s32 $0xFFFFE000  }
0x127: {  	[spmem:s2] =	stream.indirect.scatter.add.f32 [tilespmem:s20], [sflag:$0x9], $0x40, s12, s14, $0xb8;
	[tilespmem:$0x1CC00] =	vst v63  }
0x128: {  	_ =	swait.ge [sflag:s11], $0x2000  }
0x129: {  	[sflag:s11] =	ssyncset.done $0x0  }
0x12a: {  	[sflag:s11] =	ssyncadd.s32 $0xFFFFE000  }
0x12b: {  	_ =	swait.ge [sflag:s30], $0x2000  }
0x12c: {  	[sflag:s30] =	ssyncset.done $0x0  }
0x12d: {  	s13 =	sadd.s32 $0xB700, s1;
	[sflag:s30] =	ssyncadd.s32 $0xFFFFE000  }
0x12e: {  	[spmem:s2] =	stream.indirect.scatter.add.f32 [tilespmem:s21], [sflag:$0x9], $0x40, s13, s14, $0xb8;
	[tilespmem:$0x1CC00] =	vst v63  }
0x12f: {  	_ =	swait.ge [sflag:s11], $0x2000  }
0x130: {  	[sflag:s11] =	ssyncset.done $0x0  }
0x131: {  	[sflag:s11] =	ssyncadd.s32 $0xFFFFE000  }
0x132: {  	_ =	swait.ge [sflag:s31], $0x2000  }
0x133: {  	[sflag:s31] =	ssyncset.done $0x0  }
0x134: {  	s6 =	sadd.s32 $0xB780, s1;
	[sflag:s31] =	ssyncadd.s32 $0xFFFFE000  }
0x135: {  	[spmem:s2] =	stream.indirect.scatter.add.f32 [tilespmem:s22], [sflag:$0x9], $0x40, s6, s14, $0xb8;
	[tilespmem:$0x1CC00] =	vst v63  }
0x136: {  	s12 =	stileid.u32;
	_ =	swait.ge [sflag:s11], $0x2000  }
0x137: {  	s3 =	sadd.s32 $0x1, s3;
	s0 =	sshll.u32 s12, $0x6;
	[sflag:s11] =	ssyncset.done $0x0  }
0x138: {  	p0 =	sne.s32 s3, s9;
	s0 =	sor.u32 $0x1C09, s0;
	[sflag:s11] =	ssyncadd.s32 $0xFFFFE000  }
.Ltmp2:
0x139: {  	s13 =	sshrl.u32 s5, $0x3;
	[bflag:$0x0] =	sbarrier.arrive $0xFFFF;
	(pc) =	sbr.rel @p0 .LBB2_1-.Ltmp2, $4  }
0x13a: {  	[hbm:s8], [sflag:s0] =	dma.local [spmem:s13], $0x1400  }
0x13b: {  	_ =	swait.ge [sflag:s11], $0x1400  }
0x13c: {  	[sflag:s11] =	ssyncset.done $0x0  }
0x13d: {  	[sflag:s11] =	ssyncadd.s32 $0xFFFFEC00  }
0x13e: {  	_ =	sfence.sel $0x180000  }
0x13f: {  	[bflag:$0x0] =	sbarrier.arrive $0xFFFF  }
0x140: {  	_ =	strace $0x90000047  }
0x141: {  	s0 =	stileid.u32;
	[bflag:$0x2] =	sbarrier.arrive $0xFFFF  }
0x142: {  	p0 =	sne.s32 s0, $0x0;
	s0 =	rddreg [dreg:$0x2]  }
0x143: {  	s0 =	sadd.s32 @!p0 $0x100000, s0  }
0x144: {  	[sflag:s0] =	ssyncadd.tile.s32 @!p0 $0x1;
	_ =	shalt  }
.Lfunc_end2:
_tile_overlayer_lowered:
.L_overlay_start_2:
0x145: {  	(tag) =	ssettag $0x2  }
0x146: {  	s0 =	rddreg [dreg:$0x0];
	s2 =	stileid.u32  }
0x147: {  	s1 =	rddreg [dreg:$0x1];
	p0 =	sne.s32 s2, $0x0  }
0x148: {  	s3 =	rddreg [dreg:$0x2];
	[bflag:$0x3] =	sbarrier.arrive $0xFFFF;
	s2 =	simm.s32 @!p0 $0x1C09  }
0x149: {  	[timem:s3], [sflag:s2] =	dma.local @!p0 [hbm:s0], s1  }
0x14a: {  	s0 =	simm.s32 @!p0 $0x9  }
0x14b: {  	_ =	swait.ge @!p0 [sflag:s0], s1  }
0x14c: {  	s1 =	ssub.s32 @!p0 $0x0, s1;
	[sflag:s0] =	ssyncset.done @!p0 $0x0  }
0x14d: {  	[sflag:s0] =	ssyncadd.s32 @!p0 s1  }
0x14e: {  	[bflag:$0x3] =	sbarrier.arrive $0xFFFF  }
0x14f: {  	_ =	shalt  }

// kernel: kernel.16.cloned.1.call-start
scs
__scs_entry_jumppad:
0x0: {  	(pc) =	sbr.rel $0x88, $3  }
0x1: {  	(tag) =	ssettag $0x0;
	lr =	simm.s32 $0x1  }
0x2: {  	[smem:$0x3F81] =	sst lr;
	_ =	strace $0xD0000000  }
0x3: {  	_ = 	snop  }
0x4: {  	_ = 	snop  }
0x5: {  	_ = 	snop  }
0x6: {  	_ = 	snop  }
0x7: {  	_ = 	snop  }
__scs_overlays_trampoline_lowered:
0x8: {  	[smem:$0x3F90] =	sst s0  }
0x9: {  	[smem:$0x3F91] =	sst s1  }
0xa: {  	[smem:$0x3F92] =	sst s2  }
0xb: {  	[smem:$0x3F93] =	sst s3  }
0xc: {  	[smem:$0x3F94] =	sst s4  }
0xd: {  	[smem:$0x3F95] =	sst s5  }
0xe: {  	[smem:$0x3F96] =	sst s6  }
0xf: {  	[smem:$0x3F97] =	sst s7  }
0x10: {  	[smem:$0x3F98] =	sst s8  }
0x11: {  	[smem:$0x3F99] =	sst s9;
	s0 =	simm.s32 @!p0 $0x0  }
0x12: {  	s1 =	sld [smem:$0x3F7F];
	s0 =	simm.s32 @p0 $0x1  }
0x13: {  	[smem:$0x3F9A] =	sst s0;
	s0 =	simm.s32 @!p1 $0x0  }
0x14: {  	s2 =	sld [smem:$0x3F7E];
	s0 =	simm.s32 @p1 $0x1  }
0x15: {  	[smem:$0x3F9B] =	sst s0;
	s0 =	simm.s32 @!p2 $0x0  }
0x16: {  	s3 =	sld [smem:$0x3FDB];
	s0 =	simm.s32 @p2 $0x1  }
0x17: {  	s4 =	simm.s32 $0x1BF5;
	[smem:$0x3F9D] =	sst s0  }
0x18: {  	s0 =	sld [smem:$0x3F80];
	_ =	swait.ge [sflag:s4], $0x0  }
0x19: {  	s7 =	sld [smem:$0x3F81]  }
0x1a: {  	s8 =	sadd.s32 $0xFFFFE003, lr  }
0x1b: {  	s9 =	sadd.s32 $0xFFFFFEF7, lr;
	s5 =	simm.s32 $0xFFFFFFFF;
	p2 =	slt.u32 s8, $0xFFFFF086  }
0x1c: {  	p1 =	slt.u32 s9, $0xF7A;
	s5 =	simm.s32 @!p2 $0x0  }
0x1d: {  	s5 =	simm.s32 @p1 $0x1;
	p0 =	seq.s32 s7, s2  }
0x1e: {  	s7 =	smul.u32 @!p0 $0xF7A, s2;
	p2 =	seq.s32 @!p0 s5, $0x0  }
0x1f: {  	s9 =	smul.u32 $0xF7A, s1;
	s8 =	simm.s32 @!p0 $0x1BF5;
	p2 =	por !p2, p0  }
0x20: {  	[sflag:s8] =	ssyncset.s32 @!p0 $0xFFFFF086;
	s6 =	sadd.s32 @!p0 s3, s7;
	s7 =	simm.s32 @!p0 $0x108  }
0x21: {  	s3 =	sadd.s32 s3, s9;
	s6 =	sadd.s32 @!p0 $0x88, s6;
	s7 =	simm.s32 @p2 $0x1082  }
0x22: {  	[simem:s7], [sflag:s8] =	dma.local @!p0 [hbm:s6], $0xF7A  }
0x23: {  	s9 =	sor.u32 $0xD0000000, s2;
	s6 =	simm.s32 $0x108;
	_ =	swait.ge @!p0 [sflag:s8], $0x0  }
0x24: {  	s3 =	sadd.s32 $0x88, s3;
	s6 =	simm.s32 @!p1 $0x1082;
	[sflag:s4] =	ssyncset.s32 $0xFFFFF086  }
0x25: {  	[simem:s6], [sflag:s4] =	dma.local [hbm:s3], $0xF7A  }
0x26: {  	[smem:$0x3F81] =	sst s1;
	(tag) =	ssettag s2;
	_ =	strace s9  }
0x27: {  	s1 =	sld [smem:$0x3F91]  }
0x28: {  	s2 =	sld [smem:$0x3F92]  }
0x29: {  	s4 =	sld [smem:$0x3F94]  }
0x2a: {  	p0 =	seq.s32 s5, $0x0;
	s5 =	sld [smem:$0x3F95]  }
0x2b: {  	s6 =	sld [smem:$0x3F96]  }
0x2c: {  	s7 =	sld [smem:$0x3F97]  }
0x2d: {  	s3 =	simm.s32 $0x108;
	s8 =	sld [smem:$0x3F98]  }
0x2e: {  	s3 =	simm.s32 @!p0 $0x1082;
	s9 =	sld [smem:$0x3F99]  }
0x2f: {  	lr =	sadd.s32 s0, s3;
	s0 =	sld [smem:$0x3F90]  }
0x30: {  	s3 =	sld [smem:$0x3F93]  }
0x31: {  	[smem:$0x3F9C] =	sst s10  }
0x32: {  	s10 =	sld [smem:$0x3F9A];
	_ =	sdelay $0x3  }
0x33: {  	p0 =	seq.s32 s10, $0x1;
	s10 =	sld [smem:$0x3F9C];
	_ =	sdelay $0x3  }
0x34: {  	[smem:$0x3F9C] =	sst s10  }
0x35: {  	s10 =	sld [smem:$0x3F9B];
	_ =	sdelay $0x3  }
0x36: {  	p1 =	seq.s32 s10, $0x1;
	s10 =	sld [smem:$0x3F9C];
	_ =	sdelay $0x3  }
0x37: {  	[smem:$0x3F9C] =	sst s10  }
0x38: {  	s10 =	sld [smem:$0x3F9D]  }
0x39: {  	_ = 	snop;
	(pc) =	sbr.ind lr, $3  }
0x3a: {  	_ = 	snop  }
0x3b: {  	_ = 	snop  }
0x3c: {  	p2 =	seq.s32 s10, $0x1;
	s10 =	sld [smem:$0x3F9C]  }
0x3d: {  	_ =	shalt  }
0x3e: {  	_ =	shalt  }
0x3f: {  	_ =	shalt  }
0x40: {  	_ =	shalt  }
0x41: {  	_ =	shalt  }
0x42: {  	_ =	shalt  }
0x43: {  	_ =	shalt  }
0x44: {  	_ =	shalt  }
0x45: {  	_ =	shalt  }
0x46: {  	_ =	shalt  }
0x47: {  	_ =	shalt  }
0x48: {  	_ =	shalt  }
0x49: {  	_ =	shalt  }
0x4a: {  	_ =	shalt  }
0x4b: {  	_ =	shalt  }
0x4c: {  	_ =	shalt  }
0x4d: {  	_ =	shalt  }
0x4e: {  	_ =	shalt  }
0x4f: {  	_ =	shalt  }
0x50: {  	_ =	shalt  }
0x51: {  	_ =	shalt  }
0x52: {  	_ =	shalt  }
0x53: {  	_ =	shalt  }
0x54: {  	_ =	shalt  }
0x55: {  	_ =	shalt  }
0x56: {  	_ =	shalt  }
0x57: {  	_ =	shalt  }
0x58: {  	_ =	shalt  }
0x59: {  	_ =	shalt  }
0x5a: {  	_ =	shalt  }
0x5b: {  	_ =	shalt  }
0x5c: {  	_ =	shalt  }
0x5d: {  	_ =	shalt  }
0x5e: {  	_ =	shalt  }
0x5f: {  	_ =	shalt  }
0x60: {  	_ =	shalt  }
0x61: {  	_ =	shalt  }
0x62: {  	_ =	shalt  }
0x63: {  	_ =	shalt  }
0x64: {  	_ =	shalt  }
0x65: {  	_ =	shalt  }
0x66: {  	_ =	shalt  }
0x67: {  	_ =	shalt  }
0x68: {  	_ =	shalt  }
0x69: {  	_ =	shalt  }
0x6a: {  	_ =	shalt  }
0x6b: {  	_ =	shalt  }
0x6c: {  	_ =	shalt  }
0x6d: {  	_ =	shalt  }
0x6e: {  	_ =	shalt  }
0x6f: {  	_ =	shalt  }
0x70: {  	_ =	shalt  }
0x71: {  	_ =	shalt  }
0x72: {  	_ =	shalt  }
0x73: {  	_ =	shalt  }
0x74: {  	_ =	shalt  }
0x75: {  	_ =	shalt  }
0x76: {  	_ =	shalt  }
0x77: {  	_ =	shalt  }
0x78: {  	_ =	shalt  }
0x79: {  	_ =	shalt  }
0x7a: {  	_ =	shalt  }
0x7b: {  	_ =	shalt  }
0x7c: {  	_ =	shalt  }
0x7d: {  	_ =	shalt  }
0x7e: {  	_ =	shalt  }
0x7f: {  	_ =	shalt  }
0x80: {  	_ =	shalt  }
0x81: {  	_ =	shalt  }
0x82: {  	_ =	shalt  }
0x83: {  	_ =	shalt  }
0x84: {  	_ =	shalt  }
0x85: {  	_ =	shalt  }
0x86: {  	_ =	shalt  }
0x87: {  	_ =	shalt  }
.Lfunc_end0:
.L_simem_size_0:
called_computation.2_lowered:
.L_overlay_start_0:
0x88: {  	s2 =	sld [smem:$0x3FD9]  }
0x89: {  	s3 =	sld [smem:$0x3FFE];
	_ =	sdelay $0x1  }
0x8a: {  	s1 =	srdreg.scid  }
0x8b: {  	s0 =	sand.u32 $0x1, s1  }
0x8c: {  	s16 =	sshll.u32 s0, $0xA;
	s2 =	sadd.s32 s3, s2  }
0x8d: {  	s2 =	sadd.s32 s2, s16  }
0x8e: {  	[smem:$0x3FA8] =	sst s2  }
0x8f: {  	_ = 	snop  }
0x90: {  	(tm) =	ssettm $0x1  }
0x91: {  	s17 =	sld [smem:$0x3FFB];
	_ =	sdelay $0x3  }
0x92: {  	_ =	strace s17  }
0x93: {  	s2 =	sld [smem:$0x3FFC];
	_ =	sdelay $0x3  }
0x94: {  	_ =	strace s2  }
0x95: {  	s2 =	sld [smem:$0x3FFD];
	_ =	sdelay $0x3  }
0x96: {  	_ =	strace s2  }
0x97: {  	_ =	strace $0x8FFFFFFF  }
0x98: {  	s18 =	sld [smem:$0x3FDB];
	_ =	sdelay $0x1  }
0x99: {  	s19 =	simm.s32 $_scs_section_size  }
0x9a: {  	s4 =	simm.s32 $_size__tile_overlayer_lowered;
	s5 =	simm.s32 $_tile_overlayer_lowered  }
0x9b: {  	s22 =	simm.s32 $0x1BFF;
	s21 =	sshll.u32 s5, $0x1;
	s2 =	sadd.s32 s19, s18  }
0x9c: {  	s6 =	simm.s32 $0x0;
	s20 =	sshll.u32 s4, $0x1;
	s4 =	sadd.s32 s21, s2  }
0x9d: {  	[timem:s6], [sflag:s22] =	dma.local [hbm:s4], s20  }
0x9e: {  	_ =	swait.ge [sflag:s22], s20  }
0x9f: {  	s3 =	ssub.s32 $0x0, s20;
	[sflag:s22] =	ssyncset.done $0x0  }
0xa0: {  	[sflag:s22] =	ssyncadd.s32 s3;
	_ =	sdelay $0x1  }
0xa1: {  	s23 =	simm.s32 $0x1B8B  }
0xa2: {  	_ =	swait.ge [sflag:s23], $0x1  }
0xa3: {  	[sflag:s23] =	ssyncset.done $0x0  }
0xa4: {  	s25 =	simm.s32 $0x1B8E;
	s24 =	sld [smem:$0x3FFE];
	[sflag:s23] =	ssyncadd.s32 $0xFFFFFFFF  }
0xa5: {  	s26 =	simm.s32 $execute0_lowered;
	[smem:$0x3FD2] =	sst s25  }
0xa6: {  	s4 =	sshll.u32 s26, $0x1;
	_ =	strace $0x8000004C;
	[dreg:$0x1] =	wrdreg $0xFFFFFFFF  }
0xa7: {  	s28 =	simm.s32 $_size_execute0_lowered;
	s2 =	sadd.s32 s2, s4;
	[dreg:$0x0] =	wrdreg $0x0  }
0xa8: {  	s4 =	sshll.u32 s28, $0x1;
	[dreg:$0x2] =	wrdreg s2  }
0xa9: {  	[dreg:$0x3] =	wrdreg s4  }
0xaa: {  	[dreg:$0x4] =	wrdreg $0xC0  }
0xab: {  	_ =	task [dreg:s6], $0x5FFFF  }
0xac: {  	[dreg:$0x1] =	wrdreg $0xFFFFFFFF  }
0xad: {  	[dreg:$0x0] =	wrdreg $0x60  }
0xae: {  	[dreg:$0x2] =	wrdreg s24  }
0xaf: {  	[dreg:$0x3] =	wrdreg $0x0  }
0xb0: {  	[dreg:$0x4] =	wrdreg $0x9  }
0xb1: {  	_ =	task.clear_ibuf [dreg:s6], $0x5FFFF;
	_ =	strace $0x9000004C  }
0xb2: {  	s29 =	simm.s32 $0x9;
	_ =	strace $0x8000004E  }
0xb3: {  	_ =	swait.ge [sflag:s29], $0x1  }
0xb4: {  	[sflag:s29] =	ssyncadd.s32 $0xFFFFFFFF  }
0xb5: {  	_ =	strace $0x9000004E  }
0xb6: {  	_ =	sfence  }
0xb7: {  	s30 =	sld [smem:$0x0];
	_ =	sdelay $0x2  }
0xb8: {  	s31 =	sshll.u32 s1, $0xD;
	s1 =	sshrl.u32 s1, $0x2  }
0xb9: {  	s3 =	sand.u32 $0x4000, s31;
	s1 =	sadd.s32 s1, s30  }
0xba: {  	s0 =	sor.u32 s3, s0;
	s1 =	sshll.u32 s1, $0x11  }
0xbb: {  	s0 =	sor.u32 s1, s0  }
0xbc: {  	s0 =	sadd.s32 $0x8F2B, s0  }
0xbd: {  	[sflag:s0] =	ssyncadd.remote.s32 $0x1  }
0xbe: {  	_ =	sfence.sel $0xFFFF  }
0xbf: {  	[dreg:$0x0] =	wrdreg $0xFFFFFFFF;
	(pc) =	sbr.abs _section_cstart, $3  }
0xc0: {  	[dreg:$0x1] =	wrdreg $0xFFFFFFFF  }
0xc1: {  	_ =	task.clear_ibuf [dreg:s6], $0x2FFFF;
	_ =	strace $0x9FFFFFFF  }
0xc2: {  	(tm) =	ssettm $0x7FFFFFFF  }
0xc3: {  	_ =	shalt  }
tec
execute0_lowered:
.L_overlay_start_1:
0x0: {  	(tag) =	ssettag $0x1  }
0x1: {  	s0 =	srdreg.scid;
	s5 =	rddreg [dreg:$0x0]  }
0x2: {  	s8 =	stileid.u32;
	s2 =	rddreg [dreg:$0x1];
	s3 =	simm.s32 $0x0  }
0x3: {  	s10 =	simm.s32 $0x1C800;
	s11 =	simm.s32 $0x9;
	s14 =	simm.s32 $0x80  }
0x4: {  	s15 =	simm.s32 $0xC800;
	s16 =	simm.s32 $0xE800;
	s17 =	simm.s32 $0x10800  }
0x5: {  	s18 =	simm.s32 $0x12800;
	s19 =	simm.s32 $0x14800;
	s20 =	simm.s32 $0x16800  }
0x6: {  	s21 =	simm.s32 $0x18800;
	s22 =	simm.s32 $0x1A800;
	s23 =	simm.s32 $0x1  }
0x7: {  	s28 =	simm.s32 $0x5;
	s29 =	simm.s32 $0x6;
	s30 =	simm.s32 $0x7  }
0x8: {  	s31 =	simm.s32 $0x8;
	s0 =	sand.u32 $0x1, s0;
	[smem:$0x7FF] =	sst s3  }
0x9: {  	s7 =	smul.u32 $0x1400, s8;
	s4 =	sadd.s32 $0x6000, s5;
	s1 =	sshll.u32 s0, $0x4  }
0xa: {  	s6 =	smul.u32 $0x14000, s0;
	_ =	strace $0x8000004D;
	s0 =	ssub.s32 $0x2, s0  }
0xb: {  	s1 =	sor.u32 s8, s1;
	s8 =	smul.u32 $0x28000, s8;
	s24 =	sshrl.u32 s0, $0x1  }
0xc: {  	s1 =	smul.u32 $0x280, s1;
	s6 =	sadd.s32 s7, s6;
	s0 =	ssub.s32 s0, s24  }
0xd: {  	s24 =	simm.s32 $0x2;
	s9 =	sadd.s32 s6, s5;
	s25 =	sshrl.u32 s8, $0x2  }
0xe: {  	s1 =	sadd.s32 s1, s5;
	s5 =	sadd.s32 s25, s2;
	s8 =	sadd.s32 $0x23A00, s9  }
0xf: {  	s9 =	smax.u32 s0, $0x1;
	s25 =	simm.s32 $0x3;
	s26 =	sadd.s32 $0x19A00, s1  }
0x10: {  	v0 =	vimm.f32 $0.0e+00;
	s7 =	sadd.s32 $0x1EA00, s1;
	[dreg:$0x3] =	wrdreg s26;
	s26 =	simm.s32 $0x4  }
.LBB2_1:
0x11: {  	[tilespmem:$0x1C800] =	vst v0  }
0x12: {  	[tilespmem:$0x1C810] =	vst v0  }
0x13: {  	[tilespmem:$0x1C820] =	vst v0  }
0x14: {  	[tilespmem:$0x1C830] =	vst v0  }
0x15: {  	[tilespmem:$0x1C840] =	vst v0  }
0x16: {  	[tilespmem:$0x1C850] =	vst v0  }
0x17: {  	[tilespmem:$0x1C860] =	vst v0  }
0x18: {  	[tilespmem:$0x1C870] =	vst v0  }
0x19: {  	[tilespmem:$0x1C880] =	vst v0  }
0x1a: {  	[tilespmem:$0x1C890] =	vst v0  }
0x1b: {  	[tilespmem:$0x1C8A0] =	vst v0  }
0x1c: {  	[tilespmem:$0x1C8B0] =	vst v0  }
0x1d: {  	[tilespmem:$0x1C8C0] =	vst v0  }
0x1e: {  	[tilespmem:$0x1C8D0] =	vst v0  }
0x1f: {  	[tilespmem:$0x1C8E0] =	vst v0  }
0x20: {  	[tilespmem:$0x1C8F0] =	vst v0  }
0x21: {  	[tilespmem:$0x1C900] =	vst v0  }
0x22: {  	[tilespmem:$0x1C910] =	vst v0  }
0x23: {  	[tilespmem:$0x1C920] =	vst v0  }
0x24: {  	[tilespmem:$0x1C930] =	vst v0  }
0x25: {  	[tilespmem:$0x1C940] =	vst v0  }
0x26: {  	[tilespmem:$0x1C950] =	vst v0  }
0x27: {  	[tilespmem:$0x1C960] =	vst v0  }
0x28: {  	[tilespmem:$0x1C970] =	vst v0  }
0x29: {  	[tilespmem:$0x1C980] =	vst v0  }
0x2a: {  	[tilespmem:$0x1C990] =	vst v0  }
0x2b: {  	[tilespmem:$0x1C9A0] =	vst v0  }
0x2c: {  	[tilespmem:$0x1C9B0] =	vst v0  }
0x2d: {  	[tilespmem:$0x1C9C0] =	vst v0  }
0x2e: {  	[tilespmem:$0x1C9D0] =	vst v0  }
0x2f: {  	[tilespmem:$0x1C9E0] =	vst v0  }
0x30: {  	[tilespmem:$0x1C9F0] =	vst v0  }
0x31: {  	[tilespmem:$0x1CA00] =	vst v0  }
0x32: {  	[tilespmem:$0x1CA10] =	vst v0  }
0x33: {  	[tilespmem:$0x1CA20] =	vst v0  }
0x34: {  	[tilespmem:$0x1CA30] =	vst v0  }
0x35: {  	[tilespmem:$0x1CA40] =	vst v0  }
0x36: {  	[tilespmem:$0x1CA50] =	vst v0  }
0x37: {  	[tilespmem:$0x1CA60] =	vst v0  }
0x38: {  	[tilespmem:$0x1CA70] =	vst v0  }
0x39: {  	[tilespmem:$0x1CA80] =	vst v0  }
0x3a: {  	[tilespmem:$0x1CA90] =	vst v0  }
0x3b: {  	[tilespmem:$0x1CAA0] =	vst v0  }
0x3c: {  	[tilespmem:$0x1CAB0] =	vst v0  }
0x3d: {  	[tilespmem:$0x1CAC0] =	vst v0  }
0x3e: {  	[tilespmem:$0x1CAD0] =	vst v0  }
0x3f: {  	[tilespmem:$0x1CAE0] =	vst v0  }
0x40: {  	[tilespmem:$0x1CAF0] =	vst v0  }
0x41: {  	[tilespmem:$0x1CB00] =	vst v0  }
0x42: {  	[tilespmem:$0x1CB10] =	vst v0  }
0x43: {  	[tilespmem:$0x1CB20] =	vst v0  }
0x44: {  	[tilespmem:$0x1CB30] =	vst v0  }
0x45: {  	[tilespmem:$0x1CB40] =	vst v0  }
0x46: {  	[tilespmem:$0x1CB50] =	vst v0  }
0x47: {  	[tilespmem:$0x1CB60] =	vst v0  }
0x48: {  	[tilespmem:$0x1CB70] =	vst v0  }
0x49: {  	[tilespmem:$0x1CB80] =	vst v0  }
0x4a: {  	[tilespmem:$0x1CB90] =	vst v0  }
0x4b: {  	[tilespmem:$0x1CBA0] =	vst v0  }
0x4c: {  	[tilespmem:$0x1CBB0] =	vst v0  }
0x4d: {  	[tilespmem:$0x1CBC0] =	vst v0  }
0x4e: {  	[tilespmem:$0x1CBD0] =	vst v0  }
0x4f: {  	[tilespmem:$0x1CBE0] =	vst v0  }
0x50: {  	[tilespmem:$0x1CBF0] =	vst v0;
	s0 =	sadd.s32 $0x0, s5  }
0x51: {  	[spmem:s0] =	stream.linear.scatter [tilespmem:s10], [sflag:$0x9], $0x400, $0x38;
	[tilespmem:$0x1CC00] =	vst v63  }
0x52: {  	s1 =	simm.s32 $0x1000;
	_ =	swait.ge [sflag:s11], $0x400  }
.LBB2_2:
0x53: {  	s0 =	sshra.s32 s1, $0x2;
	[sflag:s11] =	ssyncset.done $0x0;
	p0 =	sne.s32 s1, $0x27000  }
.Ltmp0:
0x54: {  	s0 =	sadd.s32 s0, s5;
	[sflag:s11] =	ssyncadd.s32 $0xFFFFFC00;
	(pc) =	sbr.rel @p0 .LBB2_2-.Ltmp0, $3  }
0x55: {  	[spmem:s0] =	stream.linear.scatter [tilespmem:s10], [sflag:$0x9], $0x400, $0x38;
	[tilespmem:$0x1CC00] =	vst v63  }
0x56: {  	s1 =	sadd.s32 $0x1000, s1;
	_ =	sdelay $0x1  }
0x57: {  	_ =	swait.ge [sflag:s11], $0x400  }
0x58: {  	[sflag:s11] =	ssyncset.done $0x0;
	s0 =	simm.s32 $0x0  }
0x59: {  	s1 =	rddreg [dreg:$0x3];
	s6 =	simm.s32 $0xA000;
	[sflag:s11] =	ssyncadd.s32 $0xFFFFFC00  }
0x5a: {  	[tilespmem:s6], [sflag:$0x9] =	stream.linear.gather [hbm4b:s1+s0], $0x1400, $0x38;
	[tilespmem:$0x1CC00] =	vst v63  }
0x5b: {  	_ =	swait.ge [sflag:s11], $0x1400  }
0x5c: {  	[sflag:s11] =	ssyncset.done $0x0  }
0x5d: {  	s13 =	simm.s32 $0xB400;
	[sflag:s11] =	ssyncadd.s32 $0xFFFFEC00  }
0x5e: {  	[tilespmem:s13], [sflag:$0x9] =	stream.linear.gather [hbm4b:s7+s0], $0x1400, $0x38;
	[tilespmem:$0x1CC00] =	vst v63  }
0x5f: {  	_ =	swait.ge [sflag:s11], $0x1400  }
0x60: {  	[sflag:s11] =	ssyncset.done $0x0  }
0x61: {  	[sflag:s11] =	ssyncadd.s32 $0xFFFFEC00  }
0x62: {  	s1 =	simm.s32 $0xA000;
	[bflag:$0x0] =	sbarrier.arrive $0xFFFF  }
0x63: {  	[tilespmem:s15], [sflag:$0x1] =	stream.indirect.gather [hbm4b:s4+s14], $0x40, s1, s14, $0xb8;
	[tilespmem:$0x1CC00] =	vst v63  }
0x64: {  	s6 =	simm.s32 $0xA080  }
0x65: {  	[tilespmem:s16], [sflag:$0x2] =	stream.indirect.gather [hbm4b:s4+s14], $0x40, s6, s14, $0xb8;
	[tilespmem:$0x1CC00] =	vst v63  }
0x66: {  	s12 =	simm.s32 $0xA100  }
0x67: {  	[tilespmem:s17], [sflag:$0x3] =	stream.indirect.gather [hbm4b:s4+s14], $0x40, s12, s14, $0xb8;
	[tilespmem:$0x1CC00] =	vst v63  }
0x68: {  	s13 =	simm.s32 $0xA180  }
0x69: {  	[tilespmem:s18], [sflag:$0x4] =	stream.indirect.gather [hbm4b:s4+s14], $0x40, s13, s14, $0xb8;
	[tilespmem:$0x1CC00] =	vst v63  }
0x6a: {  	s1 =	simm.s32 $0xA200  }
0x6b: {  	[tilespmem:s19], [sflag:$0x5] =	stream.indirect.gather [hbm4b:s4+s14], $0x40, s1, s14, $0xb8;
	[tilespmem:$0x1CC00] =	vst v63  }
0x6c: {  	s6 =	simm.s32 $0xA280  }
0x6d: {  	[tilespmem:s20], [sflag:$0x6] =	stream.indirect.gather [hbm4b:s4+s14], $0x40, s6, s14, $0xb8;
	[tilespmem:$0x1CC00] =	vst v63  }
0x6e: {  	s12 =	simm.s32 $0xA300  }
0x6f: {  	[tilespmem:s21], [sflag:$0x7] =	stream.indirect.gather [hbm4b:s4+s14], $0x40, s12, s14, $0xb8;
	[tilespmem:$0x1CC00] =	vst v63  }
0x70: {  	s13 =	simm.s32 $0xA380  }
0x71: {  	[tilespmem:s22], [sflag:$0x8] =	stream.indirect.gather [hbm4b:s4+s14], $0x40, s13, s14, $0xb8;
	[tilespmem:$0x1CC00] =	vst v63  }
0x72: {  	_ =	swait.ge [sflag:s23], $0x2000  }
0x73: {  	[sflag:s23] =	ssyncset.done $0x0  }
0x74: {  	s1 =	simm.s32 $0xB400;
	[sflag:s23] =	ssyncadd.s32 $0xFFFFE000  }
0x75: {  	[spmem:s2] =	stream.indirect.scatter.add.f32 [tilespmem:s15], [sflag:$0x9], $0x40, s1, s14, $0xb8;
	[tilespmem:$0x1CC00] =	vst v63  }
0x76: {  	_ =	swait.ge [sflag:s11], $0x2000  }
0x77: {  	[sflag:s11] =	ssyncset.done $0x0  }
0x78: {  	[sflag:s11] =	ssyncadd.s32 $0xFFFFE000  }
0x79: {  	_ =	swait.ge [sflag:s24], $0x2000  }
0x7a: {  	[sflag:s24] =	ssyncset.done $0x0  }
0x7b: {  	s6 =	simm.s32 $0xB480;
	[sflag:s24] =	ssyncadd.s32 $0xFFFFE000  }
0x7c: {  	[spmem:s2] =	stream.indirect.scatter.add.f32 [tilespmem:s16], [sflag:$0x9], $0x40, s6, s14, $0xb8;
	[tilespmem:$0x1CC00] =	vst v63  }
0x7d: {  	_ =	swait.ge [sflag:s11], $0x2000  }
0x7e: {  	[sflag:s11] =	ssyncset.done $0x0  }
0x7f: {  	[sflag:s11] =	ssyncadd.s32 $0xFFFFE000  }
0x80: {  	_ =	swait.ge [sflag:s25], $0x2000  }
0x81: {  	[sflag:s25] =	ssyncset.done $0x0  }
0x82: {  	s12 =	simm.s32 $0xB500;
	[sflag:s25] =	ssyncadd.s32 $0xFFFFE000  }
0x83: {  	[spmem:s2] =	stream.indirect.scatter.add.f32 [tilespmem:s17], [sflag:$0x9], $0x40, s12, s14, $0xb8;
	[tilespmem:$0x1CC00] =	vst v63  }
0x84: {  	_ =	swait.ge [sflag:s11], $0x2000  }
0x85: {  	[sflag:s11] =	ssyncset.done $0x0  }
0x86: {  	[sflag:s11] =	ssyncadd.s32 $0xFFFFE000  }
0x87: {  	_ =	swait.ge [sflag:s26], $0x2000  }
0x88: {  	[sflag:s26] =	ssyncset.done $0x0  }
0x89: {  	s13 =	simm.s32 $0xB580;
	[sflag:s26] =	ssyncadd.s32 $0xFFFFE000  }
0x8a: {  	[spmem:s2] =	stream.indirect.scatter.add.f32 [tilespmem:s18], [sflag:$0x9], $0x40, s13, s14, $0xb8;
	[tilespmem:$0x1CC00] =	vst v63  }
0x8b: {  	_ =	swait.ge [sflag:s11], $0x2000  }
0x8c: {  	[sflag:s11] =	ssyncset.done $0x0  }
0x8d: {  	[sflag:s11] =	ssyncadd.s32 $0xFFFFE000  }
0x8e: {  	_ =	swait.ge [sflag:s28], $0x2000  }
0x8f: {  	[sflag:s28] =	ssyncset.done $0x0  }
0x90: {  	s1 =	simm.s32 $0xB600;
	[sflag:s28] =	ssyncadd.s32 $0xFFFFE000  }
0x91: {  	[spmem:s2] =	stream.indirect.scatter.add.f32 [tilespmem:s19], [sflag:$0x9], $0x40, s1, s14, $0xb8;
	[tilespmem:$0x1CC00] =	vst v63  }
0x92: {  	_ =	swait.ge [sflag:s11], $0x2000  }
0x93: {  	[sflag:s11] =	ssyncset.done $0x0  }
0x94: {  	[sflag:s11] =	ssyncadd.s32 $0xFFFFE000  }
0x95: {  	_ =	swait.ge [sflag:s29], $0x2000  }
0x96: {  	[sflag:s29] =	ssyncset.done $0x0  }
0x97: {  	s6 =	simm.s32 $0xB680;
	[sflag:s29] =	ssyncadd.s32 $0xFFFFE000  }
0x98: {  	[spmem:s2] =	stream.indirect.scatter.add.f32 [tilespmem:s20], [sflag:$0x9], $0x40, s6, s14, $0xb8;
	[tilespmem:$0x1CC00] =	vst v63  }
0x99: {  	_ =	swait.ge [sflag:s11], $0x2000  }
0x9a: {  	[sflag:s11] =	ssyncset.done $0x0  }
0x9b: {  	[sflag:s11] =	ssyncadd.s32 $0xFFFFE000  }
0x9c: {  	_ =	swait.ge [sflag:s30], $0x2000  }
0x9d: {  	[sflag:s30] =	ssyncset.done $0x0  }
0x9e: {  	s12 =	simm.s32 $0xB700;
	[sflag:s30] =	ssyncadd.s32 $0xFFFFE000  }
0x9f: {  	[spmem:s2] =	stream.indirect.scatter.add.f32 [tilespmem:s21], [sflag:$0x9], $0x40, s12, s14, $0xb8;
	[tilespmem:$0x1CC00] =	vst v63  }
0xa0: {  	_ =	swait.ge [sflag:s11], $0x2000  }
0xa1: {  	[sflag:s11] =	ssyncset.done $0x0  }
0xa2: {  	[sflag:s11] =	ssyncadd.s32 $0xFFFFE000  }
0xa3: {  	_ =	swait.ge [sflag:s31], $0x2000  }
0xa4: {  	[sflag:s31] =	ssyncset.done $0x0  }
0xa5: {  	s13 =	simm.s32 $0xB780;
	[sflag:s31] =	ssyncadd.s32 $0xFFFFE000  }
0xa6: {  	[spmem:s2] =	stream.indirect.scatter.add.f32 [tilespmem:s22], [sflag:$0x9], $0x40, s13, s14, $0xb8;
	[tilespmem:$0x1CC00] =	vst v63  }
0xa7: {  	_ =	swait.ge [sflag:s11], $0x2000  }
0xa8: {  	s1 =	simm.s32 $0x400;
	s12 =	simm.s32 $0x2000;
	[sflag:s11] =	ssyncset.done $0x0  }
.LBB2_4:
0xa9: {  	s6 =	sadd.s32 $0xA000, s1  }
0xaa: {  	[sflag:s11] =	ssyncadd.s32 $0xFFFFE000;
	s13 =	smov.u32 s12;
	s0 =	sadd.s32 $0x1000, s12  }
0xab: {  	[tilespmem:s15], [sflag:$0x1] =	stream.indirect.gather [hbm4b:s4+s14], $0x40, s6, s14, $0xb8;
	[tilespmem:$0x1CC00] =	vst v63  }
0xac: {  	p0 =	sne.s32 s12, $0x4000;
	s6 =	sadd.s32 $0xA080, s1  }
0xad: {  	[tilespmem:s16], [sflag:$0x2] =	stream.indirect.gather [hbm4b:s4+s14], $0x40, s6, s14, $0xb8;
	[tilespmem:$0x1CC00] =	vst v63  }
0xae: {  	s6 =	sadd.s32 $0xA100, s1  }
0xaf: {  	[tilespmem:s17], [sflag:$0x3] =	stream.indirect.gather [hbm4b:s4+s14], $0x40, s6, s14, $0xb8;
	[tilespmem:$0x1CC00] =	vst v63  }
0xb0: {  	s6 =	sadd.s32 $0xA180, s1  }
0xb1: {  	[tilespmem:s18], [sflag:$0x4] =	stream.indirect.gather [hbm4b:s4+s14], $0x40, s6, s14, $0xb8;
	[tilespmem:$0x1CC00] =	vst v63  }
0xb2: {  	s6 =	sadd.s32 $0xA200, s1  }
0xb3: {  	[tilespmem:s19], [sflag:$0x5] =	stream.indirect.gather [hbm4b:s4+s14], $0x40, s6, s14, $0xb8;
	[tilespmem:$0x1CC00] =	vst v63  }
0xb4: {  	s6 =	sadd.s32 $0xA280, s1  }
0xb5: {  	[tilespmem:s20], [sflag:$0x6] =	stream.indirect.gather [hbm4b:s4+s14], $0x40, s6, s14, $0xb8;
	[tilespmem:$0x1CC00] =	vst v63  }
0xb6: {  	s6 =	sadd.s32 $0xA300, s1  }
0xb7: {  	[tilespmem:s21], [sflag:$0x7] =	stream.indirect.gather [hbm4b:s4+s14], $0x40, s6, s14, $0xb8;
	[tilespmem:$0x1CC00] =	vst v63  }
0xb8: {  	s6 =	sadd.s32 $0xA380, s1  }
0xb9: {  	[tilespmem:s22], [sflag:$0x8] =	stream.indirect.gather [hbm4b:s4+s14], $0x40, s6, s14, $0xb8;
	[tilespmem:$0x1CC00] =	vst v63  }
0xba: {  	_ =	swait.ge [sflag:s23], $0x2000  }
0xbb: {  	[sflag:s23] =	ssyncset.done $0x0  }
0xbc: {  	s6 =	sadd.s32 $0xB400, s1;
	[sflag:s23] =	ssyncadd.s32 $0xFFFFE000  }
0xbd: {  	[spmem:s2] =	stream.indirect.scatter.add.f32 [tilespmem:s15], [sflag:$0x9], $0x40, s6, s14, $0xb8;
	[tilespmem:$0x1CC00] =	vst v63  }
0xbe: {  	_ =	swait.ge [sflag:s11], $0x2000  }
0xbf: {  	[sflag:s11] =	ssyncset.done $0x0  }
0xc0: {  	[sflag:s11] =	ssyncadd.s32 $0xFFFFE000  }
0xc1: {  	_ =	swait.ge [sflag:s24], $0x2000  }
0xc2: {  	[sflag:s24] =	ssyncset.done $0x0  }
0xc3: {  	s6 =	sadd.s32 $0xB480, s1;
	[sflag:s24] =	ssyncadd.s32 $0xFFFFE000  }
0xc4: {  	[spmem:s2] =	stream.indirect.scatter.add.f32 [tilespmem:s16], [sflag:$0x9], $0x40, s6, s14, $0xb8;
	[tilespmem:$0x1CC00] =	vst v63  }
0xc5: {  	_ =	swait.ge [sflag:s11], $0x2000  }
0xc6: {  	[sflag:s11] =	ssyncset.done $0x0  }
0xc7: {  	[sflag:s11] =	ssyncadd.s32 $0xFFFFE000  }
0xc8: {  	_ =	swait.ge [sflag:s25], $0x2000  }
0xc9: {  	[sflag:s25] =	ssyncset.done $0x0  }
0xca: {  	s6 =	sadd.s32 $0xB500, s1;
	[sflag:s25] =	ssyncadd.s32 $0xFFFFE000  }
0xcb: {  	[spmem:s2] =	stream.indirect.scatter.add.f32 [tilespmem:s17], [sflag:$0x9], $0x40, s6, s14, $0xb8;
	[tilespmem:$0x1CC00] =	vst v63  }
0xcc: {  	_ =	swait.ge [sflag:s11], $0x2000  }
0xcd: {  	[sflag:s11] =	ssyncset.done $0x0  }
0xce: {  	[sflag:s11] =	ssyncadd.s32 $0xFFFFE000  }
0xcf: {  	_ =	swait.ge [sflag:s26], $0x2000  }
0xd0: {  	[sflag:s26] =	ssyncset.done $0x0  }
0xd1: {  	s6 =	sadd.s32 $0xB580, s1;
	[sflag:s26] =	ssyncadd.s32 $0xFFFFE000  }
0xd2: {  	[spmem:s2] =	stream.indirect.scatter.add.f32 [tilespmem:s18], [sflag:$0x9], $0x40, s6, s14, $0xb8;
	[tilespmem:$0x1CC00] =	vst v63  }
0xd3: {  	_ =	swait.ge [sflag:s11], $0x2000  }
0xd4: {  	[sflag:s11] =	ssyncset.done $0x0  }
0xd5: {  	[sflag:s11] =	ssyncadd.s32 $0xFFFFE000  }
0xd6: {  	_ =	swait.ge [sflag:s28], $0x2000  }
0xd7: {  	[sflag:s28] =	ssyncset.done $0x0  }
0xd8: {  	s6 =	sadd.s32 $0xB600, s1;
	[sflag:s28] =	ssyncadd.s32 $0xFFFFE000  }
0xd9: {  	[spmem:s2] =	stream.indirect.scatter.add.f32 [tilespmem:s19], [sflag:$0x9], $0x40, s6, s14, $0xb8;
	[tilespmem:$0x1CC00] =	vst v63  }
0xda: {  	_ =	swait.ge [sflag:s11], $0x2000  }
0xdb: {  	[sflag:s11] =	ssyncset.done $0x0  }
0xdc: {  	[sflag:s11] =	ssyncadd.s32 $0xFFFFE000  }
0xdd: {  	_ =	swait.ge [sflag:s29], $0x2000  }
0xde: {  	[sflag:s29] =	ssyncset.done $0x0  }
0xdf: {  	s6 =	sadd.s32 $0xB680, s1;
	[sflag:s29] =	ssyncadd.s32 $0xFFFFE000  }
0xe0: {  	[spmem:s2] =	stream.indirect.scatter.add.f32 [tilespmem:s20], [sflag:$0x9], $0x40, s6, s14, $0xb8;
	[tilespmem:$0x1CC00] =	vst v63  }
0xe1: {  	_ =	swait.ge [sflag:s11], $0x2000  }
0xe2: {  	[sflag:s11] =	ssyncset.done $0x0  }
0xe3: {  	[sflag:s11] =	ssyncadd.s32 $0xFFFFE000  }
0xe4: {  	_ =	swait.ge [sflag:s30], $0x2000  }
0xe5: {  	[sflag:s30] =	ssyncset.done $0x0  }
0xe6: {  	s6 =	sadd.s32 $0xB700, s1;
	[sflag:s30] =	ssyncadd.s32 $0xFFFFE000  }
0xe7: {  	[spmem:s2] =	stream.indirect.scatter.add.f32 [tilespmem:s21], [sflag:$0x9], $0x40, s6, s14, $0xb8;
	[tilespmem:$0x1CC00] =	vst v63  }
0xe8: {  	_ =	swait.ge [sflag:s11], $0x2000  }
0xe9: {  	[sflag:s11] =	ssyncset.done $0x0  }
0xea: {  	[sflag:s11] =	ssyncadd.s32 $0xFFFFE000  }
0xeb: {  	_ =	swait.ge [sflag:s31], $0x2000  }
.Ltmp1:
0xec: {  	[sflag:s31] =	ssyncset.done $0x0;
	(pc) =	sbr.rel @p0 .LBB2_4-.Ltmp1, $4  }
0xed: {  	s1 =	sadd.s32 $0xB780, s1;
	[sflag:s31] =	ssyncadd.s32 $0xFFFFE000  }
0xee: {  	[spmem:s2] =	stream.indirect.scatter.add.f32 [tilespmem:s22], [sflag:$0x9], $0x40, s1, s14, $0xb8;
	[tilespmem:$0x1CC00] =	vst v63  }
0xef: {  	_ =	swait.ge [sflag:s11], $0x2000  }
0xf0: {  	s12 =	smov.u32 s0;
	s1 =	sshra.s32 s13, $0x2;
	[sflag:s11] =	ssyncset.done $0x0  }
0xf1: {  	s0 =	sadd.s32 $0xA000, s1;
	[sflag:s11] =	ssyncadd.s32 $0xFFFFE000  }
0xf2: {  	[tilespmem:s15], [sflag:$0x1] =	stream.indirect.gather [hbm4b:s4+s14], $0x40, s0, s14, $0xb8;
	[tilespmem:$0x1CC00] =	vst v63  }
0xf3: {  	s12 =	sadd.s32 $0xA080, s1  }
0xf4: {  	[tilespmem:s16], [sflag:$0x2] =	stream.indirect.gather [hbm4b:s4+s14], $0x40, s12, s14, $0xb8;
	[tilespmem:$0x1CC00] =	vst v63  }
0xf5: {  	s13 =	sadd.s32 $0xA100, s1  }
0xf6: {  	[tilespmem:s17], [sflag:$0x3] =	stream.indirect.gather [hbm4b:s4+s14], $0x40, s13, s14, $0xb8;
	[tilespmem:$0x1CC00] =	vst v63  }
0xf7: {  	s6 =	sadd.s32 $0xA180, s1  }
0xf8: {  	[tilespmem:s18], [sflag:$0x4] =	stream.indirect.gather [hbm4b:s4+s14], $0x40, s6, s14, $0xb8;
	[tilespmem:$0x1CC00] =	vst v63  }
0xf9: {  	s12 =	sadd.s32 $0xA200, s1  }
0xfa: {  	[tilespmem:s19], [sflag:$0x5] =	stream.indirect.gather [hbm4b:s4+s14], $0x40, s12, s14, $0xb8;
	[tilespmem:$0x1CC00] =	vst v63  }
0xfb: {  	s13 =	sadd.s32 $0xA280, s1  }
0xfc: {  	[tilespmem:s20], [sflag:$0x6] =	stream.indirect.gather [hbm4b:s4+s14], $0x40, s13, s14, $0xb8;
	[tilespmem:$0x1CC00] =	vst v63  }
0xfd: {  	s6 =	sadd.s32 $0xA300, s1  }
0xfe: {  	[tilespmem:s21], [sflag:$0x7] =	stream.indirect.gather [hbm4b:s4+s14], $0x40, s6, s14, $0xb8;
	[tilespmem:$0x1CC00] =	vst v63  }
0xff: {  	s12 =	sadd.s32 $0xA380, s1  }
0x100: {  	[tilespmem:s22], [sflag:$0x8] =	stream.indirect.gather [hbm4b:s4+s14], $0x40, s12, s14, $0xb8;
	[tilespmem:$0x1CC00] =	vst v63  }
0x101: {  	_ =	swait.ge [sflag:s23], $0x2000  }
0x102: {  	[sflag:s23] =	ssyncset.done $0x0  }
0x103: {  	s13 =	sadd.s32 $0xB400, s1;
	[sflag:s23] =	ssyncadd.s32 $0xFFFFE000  }
0x104: {  	[spmem:s2] =	stream.indirect.scatter.add.f32 [tilespmem:s15], [sflag:$0x9], $0x40, s13, s14, $0xb8;
	[tilespmem:$0x1CC00] =	vst v63  }
0x105: {  	_ =	swait.ge [sflag:s11], $0x2000  }
0x106: {  	[sflag:s11] =	ssyncset.done $0x0  }
0x107: {  	[sflag:s11] =	ssyncadd.s32 $0xFFFFE000  }
0x108: {  	_ =	swait.ge [sflag:s24], $0x2000  }
0x109: {  	[sflag:s24] =	ssyncset.done $0x0  }
0x10a: {  	s6 =	sadd.s32 $0xB480, s1;
	[sflag:s24] =	ssyncadd.s32 $0xFFFFE000  }
0x10b: {  	[spmem:s2] =	stream.indirect.scatter.add.f32 [tilespmem:s16], [sflag:$0x9], $0x40, s6, s14, $0xb8;
	[tilespmem:$0x1CC00] =	vst v63  }
0x10c: {  	_ =	swait.ge [sflag:s11], $0x2000  }
0x10d: {  	[sflag:s11] =	ssyncset.done $0x0  }
0x10e: {  	[sflag:s11] =	ssyncadd.s32 $0xFFFFE000  }
0x10f: {  	_ =	swait.ge [sflag:s25], $0x2000  }
0x110: {  	[sflag:s25] =	ssyncset.done $0x0  }
0x111: {  	s12 =	sadd.s32 $0xB500, s1;
	[sflag:s25] =	ssyncadd.s32 $0xFFFFE000  }
0x112: {  	[spmem:s2] =	stream.indirect.scatter.add.f32 [tilespmem:s17], [sflag:$0x9], $0x40, s12, s14, $0xb8;
	[tilespmem:$0x1CC00] =	vst v63  }
0x113: {  	_ =	swait.ge [sflag:s11], $0x2000  }
0x114: {  	[sflag:s11] =	ssyncset.done $0x0  }
0x115: {  	[sflag:s11] =	ssyncadd.s32 $0xFFFFE000  }
0x116: {  	_ =	swait.ge [sflag:s26], $0x2000  }
0x117: {  	[sflag:s26] =	ssyncset.done $0x0  }
0x118: {  	s13 =	sadd.s32 $0xB580, s1;
	[sflag:s26] =	ssyncadd.s32 $0xFFFFE000  }
0x119: {  	[spmem:s2] =	stream.indirect.scatter.add.f32 [tilespmem:s18], [sflag:$0x9], $0x40, s13, s14, $0xb8;
	[tilespmem:$0x1CC00] =	vst v63  }
0x11a: {  	_ =	swait.ge [sflag:s11], $0x2000  }
0x11b: {  	[sflag:s11] =	ssyncset.done $0x0  }
0x11c: {  	[sflag:s11] =	ssyncadd.s32 $0xFFFFE000  }
0x11d: {  	_ =	swait.ge [sflag:s28], $0x2000  }
0x11e: {  	[sflag:s28] =	ssyncset.done $0x0  }
0x11f: {  	s6 =	sadd.s32 $0xB600, s1;
	[sflag:s28] =	ssyncadd.s32 $0xFFFFE000  }
0x120: {  	[spmem:s2] =	stream.indirect.scatter.add.f32 [tilespmem:s19], [sflag:$0x9], $0x40, s6, s14, $0xb8;
	[tilespmem:$0x1CC00] =	vst v63  }
0x121: {  	_ =	swait.ge [sflag:s11], $0x2000  }
0x122: {  	[sflag:s11] =	ssyncset.done $0x0  }
0x123: {  	[sflag:s11] =	ssyncadd.s32 $0xFFFFE000  }
0x124: {  	_ =	swait.ge [sflag:s29], $0x2000  }
0x125: {  	[sflag:s29] =	ssyncset.done $0x0  }
0x126: {  	s12 =	sadd.s32 $0xB680, s1;
	[sflag:s29] =	ssyncadd.s32 $0xFFFFE000  }
0x127: {  	[spmem:s2] =	stream.indirect.scatter.add.f32 [tilespmem:s20], [sflag:$0x9], $0x40, s12, s14, $0xb8;
	[tilespmem:$0x1CC00] =	vst v63  }
0x128: {  	_ =	swait.ge [sflag:s11], $0x2000  }
0x129: {  	[sflag:s11] =	ssyncset.done $0x0  }
0x12a: {  	[sflag:s11] =	ssyncadd.s32 $0xFFFFE000  }
0x12b: {  	_ =	swait.ge [sflag:s30], $0x2000  }
0x12c: {  	[sflag:s30] =	ssyncset.done $0x0  }
0x12d: {  	s13 =	sadd.s32 $0xB700, s1;
	[sflag:s30] =	ssyncadd.s32 $0xFFFFE000  }
0x12e: {  	[spmem:s2] =	stream.indirect.scatter.add.f32 [tilespmem:s21], [sflag:$0x9], $0x40, s13, s14, $0xb8;
	[tilespmem:$0x1CC00] =	vst v63  }
0x12f: {  	_ =	swait.ge [sflag:s11], $0x2000  }
0x130: {  	[sflag:s11] =	ssyncset.done $0x0  }
0x131: {  	[sflag:s11] =	ssyncadd.s32 $0xFFFFE000  }
0x132: {  	_ =	swait.ge [sflag:s31], $0x2000  }
0x133: {  	[sflag:s31] =	ssyncset.done $0x0  }
0x134: {  	s6 =	sadd.s32 $0xB780, s1;
	[sflag:s31] =	ssyncadd.s32 $0xFFFFE000  }
0x135: {  	[spmem:s2] =	stream.indirect.scatter.add.f32 [tilespmem:s22], [sflag:$0x9], $0x40, s6, s14, $0xb8;
	[tilespmem:$0x1CC00] =	vst v63  }
0x136: {  	s12 =	stileid.u32;
	_ =	swait.ge [sflag:s11], $0x2000  }
0x137: {  	s3 =	sadd.s32 $0x1, s3;
	s0 =	sshll.u32 s12, $0x6;
	[sflag:s11] =	ssyncset.done $0x0  }
0x138: {  	p0 =	sne.s32 s3, s9;
	s0 =	sor.u32 $0x1C09, s0;
	[sflag:s11] =	ssyncadd.s32 $0xFFFFE000  }
.Ltmp2:
0x139: {  	s13 =	sshrl.u32 s5, $0x3;
	[bflag:$0x0] =	sbarrier.arrive $0xFFFF;
	(pc) =	sbr.rel @p0 .LBB2_1-.Ltmp2, $4  }
0x13a: {  	[hbm:s8], [sflag:s0] =	dma.local [spmem:s13], $0x1400  }
0x13b: {  	_ =	swait.ge [sflag:s11], $0x1400  }
0x13c: {  	[sflag:s11] =	ssyncset.done $0x0  }
0x13d: {  	[sflag:s11] =	ssyncadd.s32 $0xFFFFEC00  }
0x13e: {  	_ =	sfence.sel $0x180000  }
0x13f: {  	[bflag:$0x0] =	sbarrier.arrive $0xFFFF  }
0x140: {  	_ =	strace $0x9000004D  }
0x141: {  	s0 =	stileid.u32;
	[bflag:$0x2] =	sbarrier.arrive $0xFFFF  }
0x142: {  	p0 =	sne.s32 s0, $0x0;
	s0 =	rddreg [dreg:$0x2]  }
0x143: {  	s0 =	sadd.s32 @!p0 $0x100000, s0  }
0x144: {  	[sflag:s0] =	ssyncadd.tile.s32 @!p0 $0x1;
	_ =	shalt  }
.Lfunc_end2:
_tile_overlayer_lowered:
.L_overlay_start_2:
0x145: {  	(tag) =	ssettag $0x2  }
0x146: {  	s0 =	rddreg [dreg:$0x0];
	s2 =	stileid.u32  }
0x147: {  	s1 =	rddreg [dreg:$0x1];
	p0 =	sne.s32 s2, $0x0  }
0x148: {  	s3 =	rddreg [dreg:$0x2];
	[bflag:$0x3] =	sbarrier.arrive $0xFFFF;
	s2 =	simm.s32 @!p0 $0x1C09  }
0x149: {  	[timem:s3], [sflag:s2] =	dma.local @!p0 [hbm:s0], s1  }
0x14a: {  	s0 =	simm.s32 @!p0 $0x9  }
0x14b: {  	_ =	swait.ge @!p0 [sflag:s0], s1  }
0x14c: {  	s1 =	ssub.s32 @!p0 $0x0, s1;
	[sflag:s0] =	ssyncset.done @!p0 $0x0  }
0x14d: {  	[sflag:s0] =	ssyncadd.s32 @!p0 s1  }
0x14e: {  	[bflag:$0x3] =	sbarrier.arrive $0xFFFF  }
0x14f: {  	_ =	shalt  }

// kernel: kernel.19.cloned.1.call-start
scs
__scs_entry_jumppad:
0x0: {  	(pc) =	sbr.rel $0x88, $3  }
0x1: {  	(tag) =	ssettag $0x0;
	lr =	simm.s32 $0x1  }
0x2: {  	[smem:$0x3F81] =	sst lr;
	_ =	strace $0xD0000000  }
0x3: {  	_ = 	snop  }
0x4: {  	_ = 	snop  }
0x5: {  	_ = 	snop  }
0x6: {  	_ = 	snop  }
0x7: {  	_ = 	snop  }
__scs_overlays_trampoline_lowered:
0x8: {  	[smem:$0x3F90] =	sst s0  }
0x9: {  	[smem:$0x3F91] =	sst s1  }
0xa: {  	[smem:$0x3F92] =	sst s2  }
0xb: {  	[smem:$0x3F93] =	sst s3  }
0xc: {  	[smem:$0x3F94] =	sst s4  }
0xd: {  	[smem:$0x3F95] =	sst s5  }
0xe: {  	[smem:$0x3F96] =	sst s6  }
0xf: {  	[smem:$0x3F97] =	sst s7  }
0x10: {  	[smem:$0x3F98] =	sst s8  }
0x11: {  	[smem:$0x3F99] =	sst s9;
	s0 =	simm.s32 @!p0 $0x0  }
0x12: {  	s1 =	sld [smem:$0x3F7F];
	s0 =	simm.s32 @p0 $0x1  }
0x13: {  	[smem:$0x3F9A] =	sst s0;
	s0 =	simm.s32 @!p1 $0x0  }
0x14: {  	s2 =	sld [smem:$0x3F7E];
	s0 =	simm.s32 @p1 $0x1  }
0x15: {  	[smem:$0x3F9B] =	sst s0;
	s0 =	simm.s32 @!p2 $0x0  }
0x16: {  	s3 =	sld [smem:$0x3FDB];
	s0 =	simm.s32 @p2 $0x1  }
0x17: {  	s4 =	simm.s32 $0x1BF5;
	[smem:$0x3F9D] =	sst s0  }
0x18: {  	s0 =	sld [smem:$0x3F80];
	_ =	swait.ge [sflag:s4], $0x0  }
0x19: {  	s7 =	sld [smem:$0x3F81]  }
0x1a: {  	s8 =	sadd.s32 $0xFFFFE003, lr  }
0x1b: {  	s9 =	sadd.s32 $0xFFFFFEF7, lr;
	s5 =	simm.s32 $0xFFFFFFFF;
	p2 =	slt.u32 s8, $0xFFFFF086  }
0x1c: {  	p1 =	slt.u32 s9, $0xF7A;
	s5 =	simm.s32 @!p2 $0x0  }
0x1d: {  	s5 =	simm.s32 @p1 $0x1;
	p0 =	seq.s32 s7, s2  }
0x1e: {  	s7 =	smul.u32 @!p0 $0xF7A, s2;
	p2 =	seq.s32 @!p0 s5, $0x0  }
0x1f: {  	s9 =	smul.u32 $0xF7A, s1;
	s8 =	simm.s32 @!p0 $0x1BF5;
	p2 =	por !p2, p0  }
0x20: {  	[sflag:s8] =	ssyncset.s32 @!p0 $0xFFFFF086;
	s6 =	sadd.s32 @!p0 s3, s7;
	s7 =	simm.s32 @!p0 $0x108  }
0x21: {  	s3 =	sadd.s32 s3, s9;
	s6 =	sadd.s32 @!p0 $0x88, s6;
	s7 =	simm.s32 @p2 $0x1082  }
0x22: {  	[simem:s7], [sflag:s8] =	dma.local @!p0 [hbm:s6], $0xF7A  }
0x23: {  	s9 =	sor.u32 $0xD0000000, s2;
	s6 =	simm.s32 $0x108;
	_ =	swait.ge @!p0 [sflag:s8], $0x0  }
0x24: {  	s3 =	sadd.s32 $0x88, s3;
	s6 =	simm.s32 @!p1 $0x1082;
	[sflag:s4] =	ssyncset.s32 $0xFFFFF086  }
0x25: {  	[simem:s6], [sflag:s4] =	dma.local [hbm:s3], $0xF7A  }
0x26: {  	[smem:$0x3F81] =	sst s1;
	(tag) =	ssettag s2;
	_ =	strace s9  }
0x27: {  	s1 =	sld [smem:$0x3F91]  }
0x28: {  	s2 =	sld [smem:$0x3F92]  }
0x29: {  	s4 =	sld [smem:$0x3F94]  }
0x2a: {  	p0 =	seq.s32 s5, $0x0;
	s5 =	sld [smem:$0x3F95]  }
0x2b: {  	s6 =	sld [smem:$0x3F96]  }
0x2c: {  	s7 =	sld [smem:$0x3F97]  }
0x2d: {  	s3 =	simm.s32 $0x108;
	s8 =	sld [smem:$0x3F98]  }
0x2e: {  	s3 =	simm.s32 @!p0 $0x1082;
	s9 =	sld [smem:$0x3F99]  }
0x2f: {  	lr =	sadd.s32 s0, s3;
	s0 =	sld [smem:$0x3F90]  }
0x30: {  	s3 =	sld [smem:$0x3F93]  }
0x31: {  	[smem:$0x3F9C] =	sst s10  }
0x32: {  	s10 =	sld [smem:$0x3F9A];
	_ =	sdelay $0x3  }
0x33: {  	p0 =	seq.s32 s10, $0x1;
	s10 =	sld [smem:$0x3F9C];
	_ =	sdelay $0x3  }
0x34: {  	[smem:$0x3F9C] =	sst s10  }
0x35: {  	s10 =	sld [smem:$0x3F9B];
	_ =	sdelay $0x3  }
0x36: {  	p1 =	seq.s32 s10, $0x1;
	s10 =	sld [smem:$0x3F9C];
	_ =	sdelay $0x3  }
0x37: {  	[smem:$0x3F9C] =	sst s10  }
0x38: {  	s10 =	sld [smem:$0x3F9D]  }
0x39: {  	_ = 	snop;
	(pc) =	sbr.ind lr, $3  }
0x3a: {  	_ = 	snop  }
0x3b: {  	_ = 	snop  }
0x3c: {  	p2 =	seq.s32 s10, $0x1;
	s10 =	sld [smem:$0x3F9C]  }
0x3d: {  	_ =	shalt  }
0x3e: {  	_ =	shalt  }
0x3f: {  	_ =	shalt  }
0x40: {  	_ =	shalt  }
0x41: {  	_ =	shalt  }
0x42: {  	_ =	shalt  }
0x43: {  	_ =	shalt  }
0x44: {  	_ =	shalt  }
0x45: {  	_ =	shalt  }
0x46: {  	_ =	shalt  }
0x47: {  	_ =	shalt  }
0x48: {  	_ =	shalt  }
0x49: {  	_ =	shalt  }
0x4a: {  	_ =	shalt  }
0x4b: {  	_ =	shalt  }
0x4c: {  	_ =	shalt  }
0x4d: {  	_ =	shalt  }
0x4e: {  	_ =	shalt  }
0x4f: {  	_ =	shalt  }
0x50: {  	_ =	shalt  }
0x51: {  	_ =	shalt  }
0x52: {  	_ =	shalt  }
0x53: {  	_ =	shalt  }
0x54: {  	_ =	shalt  }
0x55: {  	_ =	shalt  }
0x56: {  	_ =	shalt  }
0x57: {  	_ =	shalt  }
0x58: {  	_ =	shalt  }
0x59: {  	_ =	shalt  }
0x5a: {  	_ =	shalt  }
0x5b: {  	_ =	shalt  }
0x5c: {  	_ =	shalt  }
0x5d: {  	_ =	shalt  }
0x5e: {  	_ =	shalt  }
0x5f: {  	_ =	shalt  }
0x60: {  	_ =	shalt  }
0x61: {  	_ =	shalt  }
0x62: {  	_ =	shalt  }
0x63: {  	_ =	shalt  }
0x64: {  	_ =	shalt  }
0x65: {  	_ =	shalt  }
0x66: {  	_ =	shalt  }
0x67: {  	_ =	shalt  }
0x68: {  	_ =	shalt  }
0x69: {  	_ =	shalt  }
0x6a: {  	_ =	shalt  }
0x6b: {  	_ =	shalt  }
0x6c: {  	_ =	shalt  }
0x6d: {  	_ =	shalt  }
0x6e: {  	_ =	shalt  }
0x6f: {  	_ =	shalt  }
0x70: {  	_ =	shalt  }
0x71: {  	_ =	shalt  }
0x72: {  	_ =	shalt  }
0x73: {  	_ =	shalt  }
0x74: {  	_ =	shalt  }
0x75: {  	_ =	shalt  }
0x76: {  	_ =	shalt  }
0x77: {  	_ =	shalt  }
0x78: {  	_ =	shalt  }
0x79: {  	_ =	shalt  }
0x7a: {  	_ =	shalt  }
0x7b: {  	_ =	shalt  }
0x7c: {  	_ =	shalt  }
0x7d: {  	_ =	shalt  }
0x7e: {  	_ =	shalt  }
0x7f: {  	_ =	shalt  }
0x80: {  	_ =	shalt  }
0x81: {  	_ =	shalt  }
0x82: {  	_ =	shalt  }
0x83: {  	_ =	shalt  }
0x84: {  	_ =	shalt  }
0x85: {  	_ =	shalt  }
0x86: {  	_ =	shalt  }
0x87: {  	_ =	shalt  }
.Lfunc_end0:
.L_simem_size_0:
called_computation.3_lowered:
.L_overlay_start_0:
0x88: {  	s2 =	sld [smem:$0x3FD9]  }
0x89: {  	s3 =	sld [smem:$0x3FFE];
	_ =	sdelay $0x1  }
0x8a: {  	s1 =	srdreg.scid  }
0x8b: {  	s0 =	sand.u32 $0x1, s1  }
0x8c: {  	s16 =	sshll.u32 s0, $0xA;
	s2 =	sadd.s32 s3, s2  }
0x8d: {  	s2 =	sadd.s32 s2, s16  }
0x8e: {  	[smem:$0x3FA8] =	sst s2  }
0x8f: {  	_ = 	snop  }
0x90: {  	(tm) =	ssettm $0x1  }
0x91: {  	s17 =	sld [smem:$0x3FFB];
	_ =	sdelay $0x3  }
0x92: {  	_ =	strace s17  }
0x93: {  	s2 =	sld [smem:$0x3FFC];
	_ =	sdelay $0x3  }
0x94: {  	_ =	strace s2  }
0x95: {  	s2 =	sld [smem:$0x3FFD];
	_ =	sdelay $0x3  }
0x96: {  	_ =	strace s2  }
0x97: {  	_ =	strace $0x8FFFFFFF  }
0x98: {  	s18 =	sld [smem:$0x3FDB];
	_ =	sdelay $0x1  }
0x99: {  	s19 =	simm.s32 $_scs_section_size  }
0x9a: {  	s4 =	simm.s32 $_size__tile_overlayer_lowered;
	s5 =	simm.s32 $_tile_overlayer_lowered  }
0x9b: {  	s22 =	simm.s32 $0x1BFF;
	s21 =	sshll.u32 s5, $0x1;
	s2 =	sadd.s32 s19, s18  }
0x9c: {  	s6 =	simm.s32 $0x0;
	s20 =	sshll.u32 s4, $0x1;
	s4 =	sadd.s32 s21, s2  }
0x9d: {  	[timem:s6], [sflag:s22] =	dma.local [hbm:s4], s20  }
0x9e: {  	_ =	swait.ge [sflag:s22], s20  }
0x9f: {  	s3 =	ssub.s32 $0x0, s20;
	[sflag:s22] =	ssyncset.done $0x0  }
0xa0: {  	[sflag:s22] =	ssyncadd.s32 s3;
	_ =	sdelay $0x1  }
0xa1: {  	s23 =	simm.s32 $0x1B8B  }
0xa2: {  	_ =	swait.ge [sflag:s23], $0x1  }
0xa3: {  	[sflag:s23] =	ssyncset.done $0x0  }
0xa4: {  	s25 =	simm.s32 $0x1B8E;
	s24 =	sld [smem:$0x3FFE];
	[sflag:s23] =	ssyncadd.s32 $0xFFFFFFFF  }
0xa5: {  	s26 =	simm.s32 $execute0_lowered;
	[smem:$0x3FD2] =	sst s25  }
0xa6: {  	s4 =	sshll.u32 s26, $0x1;
	_ =	strace $0x8000004F;
	[dreg:$0x1] =	wrdreg $0xFFFFFFFF  }
0xa7: {  	s28 =	simm.s32 $_size_execute0_lowered;
	s2 =	sadd.s32 s2, s4;
	[dreg:$0x0] =	wrdreg $0x0  }
0xa8: {  	s4 =	sshll.u32 s28, $0x1;
	[dreg:$0x2] =	wrdreg s2  }
0xa9: {  	[dreg:$0x3] =	wrdreg s4  }
0xaa: {  	[dreg:$0x4] =	wrdreg $0xC0  }
0xab: {  	_ =	task [dreg:s6], $0x5FFFF  }
0xac: {  	[dreg:$0x1] =	wrdreg $0xFFFFFFFF  }
0xad: {  	[dreg:$0x0] =	wrdreg $0x60  }
0xae: {  	[dreg:$0x2] =	wrdreg s24  }
0xaf: {  	[dreg:$0x3] =	wrdreg $0x0  }
0xb0: {  	[dreg:$0x4] =	wrdreg $0x9  }
0xb1: {  	_ =	task.clear_ibuf [dreg:s6], $0x5FFFF;
	_ =	strace $0x9000004F  }
0xb2: {  	s29 =	simm.s32 $0x9;
	_ =	strace $0x80000051  }
0xb3: {  	_ =	swait.ge [sflag:s29], $0x1  }
0xb4: {  	[sflag:s29] =	ssyncadd.s32 $0xFFFFFFFF  }
0xb5: {  	_ =	strace $0x90000051  }
0xb6: {  	_ =	sfence  }
0xb7: {  	s30 =	sld [smem:$0x0];
	_ =	sdelay $0x2  }
0xb8: {  	s31 =	sshll.u32 s1, $0xD;
	s1 =	sshrl.u32 s1, $0x2  }
0xb9: {  	s3 =	sand.u32 $0x4000, s31;
	s1 =	sadd.s32 s1, s30  }
0xba: {  	s0 =	sor.u32 s3, s0;
	s1 =	sshll.u32 s1, $0x11  }
0xbb: {  	s0 =	sor.u32 s1, s0  }
0xbc: {  	s0 =	sadd.s32 $0x8F2B, s0  }
0xbd: {  	[sflag:s0] =	ssyncadd.remote.s32 $0x1  }
0xbe: {  	_ =	sfence.sel $0xFFFF  }
0xbf: {  	[dreg:$0x0] =	wrdreg $0xFFFFFFFF;
	(pc) =	sbr.abs _section_cstart, $3  }
0xc0: {  	[dreg:$0x1] =	wrdreg $0xFFFFFFFF  }
0xc1: {  	_ =	task.clear_ibuf [dreg:s6], $0x2FFFF;
	_ =	strace $0x9FFFFFFF  }
0xc2: {  	(tm) =	ssettm $0x7FFFFFFF  }
0xc3: {  	_ =	shalt  }
tec
execute0_lowered:
.L_overlay_start_1:
0x0: {  	(tag) =	ssettag $0x1  }
0x1: {  	s0 =	srdreg.scid;
	s5 =	rddreg [dreg:$0x0]  }
0x2: {  	s8 =	stileid.u32;
	s2 =	rddreg [dreg:$0x1];
	s3 =	simm.s32 $0x0  }
0x3: {  	s10 =	simm.s32 $0x1C800;
	s11 =	simm.s32 $0x9;
	s14 =	simm.s32 $0x80  }
0x4: {  	s15 =	simm.s32 $0xC800;
	s16 =	simm.s32 $0xE800;
	s17 =	simm.s32 $0x10800  }
0x5: {  	s18 =	simm.s32 $0x12800;
	s19 =	simm.s32 $0x14800;
	s20 =	simm.s32 $0x16800  }
0x6: {  	s21 =	simm.s32 $0x18800;
	s22 =	simm.s32 $0x1A800;
	s23 =	simm.s32 $0x1  }
0x7: {  	s28 =	simm.s32 $0x5;
	s29 =	simm.s32 $0x6;
	s30 =	simm.s32 $0x7  }
0x8: {  	s31 =	simm.s32 $0x8;
	s0 =	sand.u32 $0x1, s0;
	[smem:$0x7FF] =	sst s3  }
0x9: {  	s7 =	smul.u32 $0x1400, s8;
	s4 =	sadd.s32 $0x6000, s5;
	s1 =	sshll.u32 s0, $0x4  }
0xa: {  	s6 =	smul.u32 $0x14000, s0;
	_ =	strace $0x80000050;
	s0 =	ssub.s32 $0x2, s0  }
0xb: {  	s1 =	sor.u32 s8, s1;
	s8 =	smul.u32 $0x28000, s8;
	s24 =	sshrl.u32 s0, $0x1  }
0xc: {  	s1 =	smul.u32 $0x280, s1;
	s6 =	sadd.s32 s7, s6;
	s0 =	ssub.s32 s0, s24  }
0xd: {  	s24 =	simm.s32 $0x2;
	s9 =	sadd.s32 s6, s5;
	s25 =	sshrl.u32 s8, $0x2  }
0xe: {  	s1 =	sadd.s32 s1, s5;
	s5 =	sadd.s32 s25, s2;
	s8 =	sadd.s32 $0x23A00, s9  }
0xf: {  	s9 =	smax.u32 s0, $0x1;
	s25 =	simm.s32 $0x3;
	s26 =	sadd.s32 $0x19A00, s1  }
0x10: {  	v0 =	vimm.f32 $0.0e+00;
	s7 =	sadd.s32 $0x1EA00, s1;
	[dreg:$0x3] =	wrdreg s26;
	s26 =	simm.s32 $0x4  }
.LBB2_1:
0x11: {  	[tilespmem:$0x1C800] =	vst v0  }
0x12: {  	[tilespmem:$0x1C810] =	vst v0  }
0x13: {  	[tilespmem:$0x1C820] =	vst v0  }
0x14: {  	[tilespmem:$0x1C830] =	vst v0  }
0x15: {  	[tilespmem:$0x1C840] =	vst v0  }
0x16: {  	[tilespmem:$0x1C850] =	vst v0  }
0x17: {  	[tilespmem:$0x1C860] =	vst v0  }
0x18: {  	[tilespmem:$0x1C870] =	vst v0  }
0x19: {  	[tilespmem:$0x1C880] =	vst v0  }
0x1a: {  	[tilespmem:$0x1C890] =	vst v0  }
0x1b: {  	[tilespmem:$0x1C8A0] =	vst v0  }
0x1c: {  	[tilespmem:$0x1C8B0] =	vst v0  }
0x1d: {  	[tilespmem:$0x1C8C0] =	vst v0  }
0x1e: {  	[tilespmem:$0x1C8D0] =	vst v0  }
0x1f: {  	[tilespmem:$0x1C8E0] =	vst v0  }
0x20: {  	[tilespmem:$0x1C8F0] =	vst v0  }
0x21: {  	[tilespmem:$0x1C900] =	vst v0  }
0x22: {  	[tilespmem:$0x1C910] =	vst v0  }
0x23: {  	[tilespmem:$0x1C920] =	vst v0  }
0x24: {  	[tilespmem:$0x1C930] =	vst v0  }
0x25: {  	[tilespmem:$0x1C940] =	vst v0  }
0x26: {  	[tilespmem:$0x1C950] =	vst v0  }
0x27: {  	[tilespmem:$0x1C960] =	vst v0  }
0x28: {  	[tilespmem:$0x1C970] =	vst v0  }
0x29: {  	[tilespmem:$0x1C980] =	vst v0  }
0x2a: {  	[tilespmem:$0x1C990] =	vst v0  }
0x2b: {  	[tilespmem:$0x1C9A0] =	vst v0  }
0x2c: {  	[tilespmem:$0x1C9B0] =	vst v0  }
0x2d: {  	[tilespmem:$0x1C9C0] =	vst v0  }
0x2e: {  	[tilespmem:$0x1C9D0] =	vst v0  }
0x2f: {  	[tilespmem:$0x1C9E0] =	vst v0  }
0x30: {  	[tilespmem:$0x1C9F0] =	vst v0  }
0x31: {  	[tilespmem:$0x1CA00] =	vst v0  }
0x32: {  	[tilespmem:$0x1CA10] =	vst v0  }
0x33: {  	[tilespmem:$0x1CA20] =	vst v0  }
0x34: {  	[tilespmem:$0x1CA30] =	vst v0  }
0x35: {  	[tilespmem:$0x1CA40] =	vst v0  }
0x36: {  	[tilespmem:$0x1CA50] =	vst v0  }
0x37: {  	[tilespmem:$0x1CA60] =	vst v0  }
0x38: {  	[tilespmem:$0x1CA70] =	vst v0  }
0x39: {  	[tilespmem:$0x1CA80] =	vst v0  }
0x3a: {  	[tilespmem:$0x1CA90] =	vst v0  }
0x3b: {  	[tilespmem:$0x1CAA0] =	vst v0  }
0x3c: {  	[tilespmem:$0x1CAB0] =	vst v0  }
0x3d: {  	[tilespmem:$0x1CAC0] =	vst v0  }
0x3e: {  	[tilespmem:$0x1CAD0] =	vst v0  }
0x3f: {  	[tilespmem:$0x1CAE0] =	vst v0  }
0x40: {  	[tilespmem:$0x1CAF0] =	vst v0  }
0x41: {  	[tilespmem:$0x1CB00] =	vst v0  }
0x42: {  	[tilespmem:$0x1CB10] =	vst v0  }
0x43: {  	[tilespmem:$0x1CB20] =	vst v0  }
0x44: {  	[tilespmem:$0x1CB30] =	vst v0  }
0x45: {  	[tilespmem:$0x1CB40] =	vst v0  }
0x46: {  	[tilespmem:$0x1CB50] =	vst v0  }
0x47: {  	[tilespmem:$0x1CB60] =	vst v0  }
0x48: {  	[tilespmem:$0x1CB70] =	vst v0  }
0x49: {  	[tilespmem:$0x1CB80] =	vst v0  }
0x4a: {  	[tilespmem:$0x1CB90] =	vst v0  }
0x4b: {  	[tilespmem:$0x1CBA0] =	vst v0  }
0x4c: {  	[tilespmem:$0x1CBB0] =	vst v0  }
0x4d: {  	[tilespmem:$0x1CBC0] =	vst v0  }
0x4e: {  	[tilespmem:$0x1CBD0] =	vst v0  }
0x4f: {  	[tilespmem:$0x1CBE0] =	vst v0  }
0x50: {  	[tilespmem:$0x1CBF0] =	vst v0;
	s0 =	sadd.s32 $0x0, s5  }
0x51: {  	[spmem:s0] =	stream.linear.scatter [tilespmem:s10], [sflag:$0x9], $0x400, $0x38;
	[tilespmem:$0x1CC00] =	vst v63  }
0x52: {  	s1 =	simm.s32 $0x1000;
	_ =	swait.ge [sflag:s11], $0x400  }
.LBB2_2:
0x53: {  	s0 =	sshra.s32 s1, $0x2;
	[sflag:s11] =	ssyncset.done $0x0;
	p0 =	sne.s32 s1, $0x27000  }
.Ltmp0:
0x54: {  	s0 =	sadd.s32 s0, s5;
	[sflag:s11] =	ssyncadd.s32 $0xFFFFFC00;
	(pc) =	sbr.rel @p0 .LBB2_2-.Ltmp0, $3  }
0x55: {  	[spmem:s0] =	stream.linear.scatter [tilespmem:s10], [sflag:$0x9], $0x400, $0x38;
	[tilespmem:$0x1CC00] =	vst v63  }
0x56: {  	s1 =	sadd.s32 $0x1000, s1;
	_ =	sdelay $0x1  }
0x57: {  	_ =	swait.ge [sflag:s11], $0x400  }
0x58: {  	[sflag:s11] =	ssyncset.done $0x0;
	s0 =	simm.s32 $0x0  }
0x59: {  	s1 =	rddreg [dreg:$0x3];
	s6 =	simm.s32 $0xA000;
	[sflag:s11] =	ssyncadd.s32 $0xFFFFFC00  }
0x5a: {  	[tilespmem:s6], [sflag:$0x9] =	stream.linear.gather [hbm4b:s1+s0], $0x1400, $0x38;
	[tilespmem:$0x1CC00] =	vst v63  }
0x5b: {  	_ =	swait.ge [sflag:s11], $0x1400  }
0x5c: {  	[sflag:s11] =	ssyncset.done $0x0  }
0x5d: {  	s13 =	simm.s32 $0xB400;
	[sflag:s11] =	ssyncadd.s32 $0xFFFFEC00  }
0x5e: {  	[tilespmem:s13], [sflag:$0x9] =	stream.linear.gather [hbm4b:s7+s0], $0x1400, $0x38;
	[tilespmem:$0x1CC00] =	vst v63  }
0x5f: {  	_ =	swait.ge [sflag:s11], $0x1400  }
0x60: {  	[sflag:s11] =	ssyncset.done $0x0  }
0x61: {  	[sflag:s11] =	ssyncadd.s32 $0xFFFFEC00  }
0x62: {  	s1 =	simm.s32 $0xA000;
	[bflag:$0x0] =	sbarrier.arrive $0xFFFF  }
0x63: {  	[tilespmem:s15], [sflag:$0x1] =	stream.indirect.gather [hbm4b:s4+s14], $0x40, s1, s14, $0xb8;
	[tilespmem:$0x1CC00] =	vst v63  }
0x64: {  	s6 =	simm.s32 $0xA080  }
0x65: {  	[tilespmem:s16], [sflag:$0x2] =	stream.indirect.gather [hbm4b:s4+s14], $0x40, s6, s14, $0xb8;
	[tilespmem:$0x1CC00] =	vst v63  }
0x66: {  	s12 =	simm.s32 $0xA100  }
0x67: {  	[tilespmem:s17], [sflag:$0x3] =	stream.indirect.gather [hbm4b:s4+s14], $0x40, s12, s14, $0xb8;
	[tilespmem:$0x1CC00] =	vst v63  }
0x68: {  	s13 =	simm.s32 $0xA180  }
0x69: {  	[tilespmem:s18], [sflag:$0x4] =	stream.indirect.gather [hbm4b:s4+s14], $0x40, s13, s14, $0xb8;
	[tilespmem:$0x1CC00] =	vst v63  }
0x6a: {  	s1 =	simm.s32 $0xA200  }
0x6b: {  	[tilespmem:s19], [sflag:$0x5] =	stream.indirect.gather [hbm4b:s4+s14], $0x40, s1, s14, $0xb8;
	[tilespmem:$0x1CC00] =	vst v63  }
0x6c: {  	s6 =	simm.s32 $0xA280  }
0x6d: {  	[tilespmem:s20], [sflag:$0x6] =	stream.indirect.gather [hbm4b:s4+s14], $0x40, s6, s14, $0xb8;
	[tilespmem:$0x1CC00] =	vst v63  }
0x6e: {  	s12 =	simm.s32 $0xA300  }
0x6f: {  	[tilespmem:s21], [sflag:$0x7] =	stream.indirect.gather [hbm4b:s4+s14], $0x40, s12, s14, $0xb8;
	[tilespmem:$0x1CC00] =	vst v63  }
0x70: {  	s13 =	simm.s32 $0xA380  }
0x71: {  	[tilespmem:s22], [sflag:$0x8] =	stream.indirect.gather [hbm4b:s4+s14], $0x40, s13, s14, $0xb8;
	[tilespmem:$0x1CC00] =	vst v63  }
0x72: {  	_ =	swait.ge [sflag:s23], $0x2000  }
0x73: {  	[sflag:s23] =	ssyncset.done $0x0  }
0x74: {  	s1 =	simm.s32 $0xB400;
	[sflag:s23] =	ssyncadd.s32 $0xFFFFE000  }
0x75: {  	[spmem:s2] =	stream.indirect.scatter.add.f32 [tilespmem:s15], [sflag:$0x9], $0x40, s1, s14, $0xb8;
	[tilespmem:$0x1CC00] =	vst v63  }
0x76: {  	_ =	swait.ge [sflag:s11], $0x2000  }
0x77: {  	[sflag:s11] =	ssyncset.done $0x0  }
0x78: {  	[sflag:s11] =	ssyncadd.s32 $0xFFFFE000  }
0x79: {  	_ =	swait.ge [sflag:s24], $0x2000  }
0x7a: {  	[sflag:s24] =	ssyncset.done $0x0  }
0x7b: {  	s6 =	simm.s32 $0xB480;
	[sflag:s24] =	ssyncadd.s32 $0xFFFFE000  }
0x7c: {  	[spmem:s2] =	stream.indirect.scatter.add.f32 [tilespmem:s16], [sflag:$0x9], $0x40, s6, s14, $0xb8;
	[tilespmem:$0x1CC00] =	vst v63  }
0x7d: {  	_ =	swait.ge [sflag:s11], $0x2000  }
0x7e: {  	[sflag:s11] =	ssyncset.done $0x0  }
0x7f: {  	[sflag:s11] =	ssyncadd.s32 $0xFFFFE000  }
0x80: {  	_ =	swait.ge [sflag:s25], $0x2000  }
0x81: {  	[sflag:s25] =	ssyncset.done $0x0  }
0x82: {  	s12 =	simm.s32 $0xB500;
	[sflag:s25] =	ssyncadd.s32 $0xFFFFE000  }
0x83: {  	[spmem:s2] =	stream.indirect.scatter.add.f32 [tilespmem:s17], [sflag:$0x9], $0x40, s12, s14, $0xb8;
	[tilespmem:$0x1CC00] =	vst v63  }
0x84: {  	_ =	swait.ge [sflag:s11], $0x2000  }
0x85: {  	[sflag:s11] =	ssyncset.done $0x0  }
0x86: {  	[sflag:s11] =	ssyncadd.s32 $0xFFFFE000  }
0x87: {  	_ =	swait.ge [sflag:s26], $0x2000  }
0x88: {  	[sflag:s26] =	ssyncset.done $0x0  }
0x89: {  	s13 =	simm.s32 $0xB580;
	[sflag:s26] =	ssyncadd.s32 $0xFFFFE000  }
0x8a: {  	[spmem:s2] =	stream.indirect.scatter.add.f32 [tilespmem:s18], [sflag:$0x9], $0x40, s13, s14, $0xb8;
	[tilespmem:$0x1CC00] =	vst v63  }
0x8b: {  	_ =	swait.ge [sflag:s11], $0x2000  }
0x8c: {  	[sflag:s11] =	ssyncset.done $0x0  }
0x8d: {  	[sflag:s11] =	ssyncadd.s32 $0xFFFFE000  }
0x8e: {  	_ =	swait.ge [sflag:s28], $0x2000  }
0x8f: {  	[sflag:s28] =	ssyncset.done $0x0  }
0x90: {  	s1 =	simm.s32 $0xB600;
	[sflag:s28] =	ssyncadd.s32 $0xFFFFE000  }
0x91: {  	[spmem:s2] =	stream.indirect.scatter.add.f32 [tilespmem:s19], [sflag:$0x9], $0x40, s1, s14, $0xb8;
	[tilespmem:$0x1CC00] =	vst v63  }
0x92: {  	_ =	swait.ge [sflag:s11], $0x2000  }
0x93: {  	[sflag:s11] =	ssyncset.done $0x0  }
0x94: {  	[sflag:s11] =	ssyncadd.s32 $0xFFFFE000  }
0x95: {  	_ =	swait.ge [sflag:s29], $0x2000  }
0x96: {  	[sflag:s29] =	ssyncset.done $0x0  }
0x97: {  	s6 =	simm.s32 $0xB680;
	[sflag:s29] =	ssyncadd.s32 $0xFFFFE000  }
0x98: {  	[spmem:s2] =	stream.indirect.scatter.add.f32 [tilespmem:s20], [sflag:$0x9], $0x40, s6, s14, $0xb8;
	[tilespmem:$0x1CC00] =	vst v63  }
0x99: {  	_ =	swait.ge [sflag:s11], $0x2000  }
0x9a: {  	[sflag:s11] =	ssyncset.done $0x0  }
0x9b: {  	[sflag:s11] =	ssyncadd.s32 $0xFFFFE000  }
0x9c: {  	_ =	swait.ge [sflag:s30], $0x2000  }
0x9d: {  	[sflag:s30] =	ssyncset.done $0x0  }
0x9e: {  	s12 =	simm.s32 $0xB700;
	[sflag:s30] =	ssyncadd.s32 $0xFFFFE000  }
0x9f: {  	[spmem:s2] =	stream.indirect.scatter.add.f32 [tilespmem:s21], [sflag:$0x9], $0x40, s12, s14, $0xb8;
	[tilespmem:$0x1CC00] =	vst v63  }
0xa0: {  	_ =	swait.ge [sflag:s11], $0x2000  }
0xa1: {  	[sflag:s11] =	ssyncset.done $0x0  }
0xa2: {  	[sflag:s11] =	ssyncadd.s32 $0xFFFFE000  }
0xa3: {  	_ =	swait.ge [sflag:s31], $0x2000  }
0xa4: {  	[sflag:s31] =	ssyncset.done $0x0  }
0xa5: {  	s13 =	simm.s32 $0xB780;
	[sflag:s31] =	ssyncadd.s32 $0xFFFFE000  }
0xa6: {  	[spmem:s2] =	stream.indirect.scatter.add.f32 [tilespmem:s22], [sflag:$0x9], $0x40, s13, s14, $0xb8;
	[tilespmem:$0x1CC00] =	vst v63  }
0xa7: {  	_ =	swait.ge [sflag:s11], $0x2000  }
0xa8: {  	s1 =	simm.s32 $0x400;
	s12 =	simm.s32 $0x2000;
	[sflag:s11] =	ssyncset.done $0x0  }
.LBB2_4:
0xa9: {  	s6 =	sadd.s32 $0xA000, s1  }
0xaa: {  	[sflag:s11] =	ssyncadd.s32 $0xFFFFE000;
	s13 =	smov.u32 s12;
	s0 =	sadd.s32 $0x1000, s12  }
0xab: {  	[tilespmem:s15], [sflag:$0x1] =	stream.indirect.gather [hbm4b:s4+s14], $0x40, s6, s14, $0xb8;
	[tilespmem:$0x1CC00] =	vst v63  }
0xac: {  	p0 =	sne.s32 s12, $0x4000;
	s6 =	sadd.s32 $0xA080, s1  }
0xad: {  	[tilespmem:s16], [sflag:$0x2] =	stream.indirect.gather [hbm4b:s4+s14], $0x40, s6, s14, $0xb8;
	[tilespmem:$0x1CC00] =	vst v63  }
0xae: {  	s6 =	sadd.s32 $0xA100, s1  }
0xaf: {  	[tilespmem:s17], [sflag:$0x3] =	stream.indirect.gather [hbm4b:s4+s14], $0x40, s6, s14, $0xb8;
	[tilespmem:$0x1CC00] =	vst v63  }
0xb0: {  	s6 =	sadd.s32 $0xA180, s1  }
0xb1: {  	[tilespmem:s18], [sflag:$0x4] =	stream.indirect.gather [hbm4b:s4+s14], $0x40, s6, s14, $0xb8;
	[tilespmem:$0x1CC00] =	vst v63  }
0xb2: {  	s6 =	sadd.s32 $0xA200, s1  }
0xb3: {  	[tilespmem:s19], [sflag:$0x5] =	stream.indirect.gather [hbm4b:s4+s14], $0x40, s6, s14, $0xb8;
	[tilespmem:$0x1CC00] =	vst v63  }
0xb4: {  	s6 =	sadd.s32 $0xA280, s1  }
0xb5: {  	[tilespmem:s20], [sflag:$0x6] =	stream.indirect.gather [hbm4b:s4+s14], $0x40, s6, s14, $0xb8;
	[tilespmem:$0x1CC00] =	vst v63  }
0xb6: {  	s6 =	sadd.s32 $0xA300, s1  }
0xb7: {  	[tilespmem:s21], [sflag:$0x7] =	stream.indirect.gather [hbm4b:s4+s14], $0x40, s6, s14, $0xb8;
	[tilespmem:$0x1CC00] =	vst v63  }
0xb8: {  	s6 =	sadd.s32 $0xA380, s1  }
0xb9: {  	[tilespmem:s22], [sflag:$0x8] =	stream.indirect.gather [hbm4b:s4+s14], $0x40, s6, s14, $0xb8;
	[tilespmem:$0x1CC00] =	vst v63  }
0xba: {  	_ =	swait.ge [sflag:s23], $0x2000  }
0xbb: {  	[sflag:s23] =	ssyncset.done $0x0  }
0xbc: {  	s6 =	sadd.s32 $0xB400, s1;
	[sflag:s23] =	ssyncadd.s32 $0xFFFFE000  }
0xbd: {  	[spmem:s2] =	stream.indirect.scatter.add.f32 [tilespmem:s15], [sflag:$0x9], $0x40, s6, s14, $0xb8;
	[tilespmem:$0x1CC00] =	vst v63  }
0xbe: {  	_ =	swait.ge [sflag:s11], $0x2000  }
0xbf: {  	[sflag:s11] =	ssyncset.done $0x0  }
0xc0: {  	[sflag:s11] =	ssyncadd.s32 $0xFFFFE000  }
0xc1: {  	_ =	swait.ge [sflag:s24], $0x2000  }
0xc2: {  	[sflag:s24] =	ssyncset.done $0x0  }
0xc3: {  	s6 =	sadd.s32 $0xB480, s1;
	[sflag:s24] =	ssyncadd.s32 $0xFFFFE000  }
0xc4: {  	[spmem:s2] =	stream.indirect.scatter.add.f32 [tilespmem:s16], [sflag:$0x9], $0x40, s6, s14, $0xb8;
	[tilespmem:$0x1CC00] =	vst v63  }
0xc5: {  	_ =	swait.ge [sflag:s11], $0x2000  }
0xc6: {  	[sflag:s11] =	ssyncset.done $0x0  }
0xc7: {  	[sflag:s11] =	ssyncadd.s32 $0xFFFFE000  }
0xc8: {  	_ =	swait.ge [sflag:s25], $0x2000  }
0xc9: {  	[sflag:s25] =	ssyncset.done $0x0  }
0xca: {  	s6 =	sadd.s32 $0xB500, s1;
	[sflag:s25] =	ssyncadd.s32 $0xFFFFE000  }
0xcb: {  	[spmem:s2] =	stream.indirect.scatter.add.f32 [tilespmem:s17], [sflag:$0x9], $0x40, s6, s14, $0xb8;
	[tilespmem:$0x1CC00] =	vst v63  }
0xcc: {  	_ =	swait.ge [sflag:s11], $0x2000  }
0xcd: {  	[sflag:s11] =	ssyncset.done $0x0  }
0xce: {  	[sflag:s11] =	ssyncadd.s32 $0xFFFFE000  }
0xcf: {  	_ =	swait.ge [sflag:s26], $0x2000  }
0xd0: {  	[sflag:s26] =	ssyncset.done $0x0  }
0xd1: {  	s6 =	sadd.s32 $0xB580, s1;
	[sflag:s26] =	ssyncadd.s32 $0xFFFFE000  }
0xd2: {  	[spmem:s2] =	stream.indirect.scatter.add.f32 [tilespmem:s18], [sflag:$0x9], $0x40, s6, s14, $0xb8;
	[tilespmem:$0x1CC00] =	vst v63  }
0xd3: {  	_ =	swait.ge [sflag:s11], $0x2000  }
0xd4: {  	[sflag:s11] =	ssyncset.done $0x0  }
0xd5: {  	[sflag:s11] =	ssyncadd.s32 $0xFFFFE000  }
0xd6: {  	_ =	swait.ge [sflag:s28], $0x2000  }
0xd7: {  	[sflag:s28] =	ssyncset.done $0x0  }
0xd8: {  	s6 =	sadd.s32 $0xB600, s1;
	[sflag:s28] =	ssyncadd.s32 $0xFFFFE000  }
0xd9: {  	[spmem:s2] =	stream.indirect.scatter.add.f32 [tilespmem:s19], [sflag:$0x9], $0x40, s6, s14, $0xb8;
	[tilespmem:$0x1CC00] =	vst v63  }
0xda: {  	_ =	swait.ge [sflag:s11], $0x2000  }
0xdb: {  	[sflag:s11] =	ssyncset.done $0x0  }
0xdc: {  	[sflag:s11] =	ssyncadd.s32 $0xFFFFE000  }
0xdd: {  	_ =	swait.ge [sflag:s29], $0x2000  }
0xde: {  	[sflag:s29] =	ssyncset.done $0x0  }
0xdf: {  	s6 =	sadd.s32 $0xB680, s1;
	[sflag:s29] =	ssyncadd.s32 $0xFFFFE000  }
0xe0: {  	[spmem:s2] =	stream.indirect.scatter.add.f32 [tilespmem:s20], [sflag:$0x9], $0x40, s6, s14, $0xb8;
	[tilespmem:$0x1CC00] =	vst v63  }
0xe1: {  	_ =	swait.ge [sflag:s11], $0x2000  }
0xe2: {  	[sflag:s11] =	ssyncset.done $0x0  }
0xe3: {  	[sflag:s11] =	ssyncadd.s32 $0xFFFFE000  }
0xe4: {  	_ =	swait.ge [sflag:s30], $0x2000  }
0xe5: {  	[sflag:s30] =	ssyncset.done $0x0  }
0xe6: {  	s6 =	sadd.s32 $0xB700, s1;
	[sflag:s30] =	ssyncadd.s32 $0xFFFFE000  }
0xe7: {  	[spmem:s2] =	stream.indirect.scatter.add.f32 [tilespmem:s21], [sflag:$0x9], $0x40, s6, s14, $0xb8;
	[tilespmem:$0x1CC00] =	vst v63  }
0xe8: {  	_ =	swait.ge [sflag:s11], $0x2000  }
0xe9: {  	[sflag:s11] =	ssyncset.done $0x0  }
0xea: {  	[sflag:s11] =	ssyncadd.s32 $0xFFFFE000  }
0xeb: {  	_ =	swait.ge [sflag:s31], $0x2000  }
.Ltmp1:
0xec: {  	[sflag:s31] =	ssyncset.done $0x0;
	(pc) =	sbr.rel @p0 .LBB2_4-.Ltmp1, $4  }
0xed: {  	s1 =	sadd.s32 $0xB780, s1;
	[sflag:s31] =	ssyncadd.s32 $0xFFFFE000  }
0xee: {  	[spmem:s2] =	stream.indirect.scatter.add.f32 [tilespmem:s22], [sflag:$0x9], $0x40, s1, s14, $0xb8;
	[tilespmem:$0x1CC00] =	vst v63  }
0xef: {  	_ =	swait.ge [sflag:s11], $0x2000  }
0xf0: {  	s12 =	smov.u32 s0;
	s1 =	sshra.s32 s13, $0x2;
	[sflag:s11] =	ssyncset.done $0x0  }
0xf1: {  	s0 =	sadd.s32 $0xA000, s1;
	[sflag:s11] =	ssyncadd.s32 $0xFFFFE000  }
0xf2: {  	[tilespmem:s15], [sflag:$0x1] =	stream.indirect.gather [hbm4b:s4+s14], $0x40, s0, s14, $0xb8;
	[tilespmem:$0x1CC00] =	vst v63  }
0xf3: {  	s12 =	sadd.s32 $0xA080, s1  }
0xf4: {  	[tilespmem:s16], [sflag:$0x2] =	stream.indirect.gather [hbm4b:s4+s14], $0x40, s12, s14, $0xb8;
	[tilespmem:$0x1CC00] =	vst v63  }
0xf5: {  	s13 =	sadd.s32 $0xA100, s1  }
0xf6: {  	[tilespmem:s17], [sflag:$0x3] =	stream.indirect.gather [hbm4b:s4+s14], $0x40, s13, s14, $0xb8;
	[tilespmem:$0x1CC00] =	vst v63  }
0xf7: {  	s6 =	sadd.s32 $0xA180, s1  }
0xf8: {  	[tilespmem:s18], [sflag:$0x4] =	stream.indirect.gather [hbm4b:s4+s14], $0x40, s6, s14, $0xb8;
	[tilespmem:$0x1CC00] =	vst v63  }
0xf9: {  	s12 =	sadd.s32 $0xA200, s1  }
0xfa: {  	[tilespmem:s19], [sflag:$0x5] =	stream.indirect.gather [hbm4b:s4+s14], $0x40, s12, s14, $0xb8;
	[tilespmem:$0x1CC00] =	vst v63  }
0xfb: {  	s13 =	sadd.s32 $0xA280, s1  }
0xfc: {  	[tilespmem:s20], [sflag:$0x6] =	stream.indirect.gather [hbm4b:s4+s14], $0x40, s13, s14, $0xb8;
	[tilespmem:$0x1CC00] =	vst v63  }
0xfd: {  	s6 =	sadd.s32 $0xA300, s1  }
0xfe: {  	[tilespmem:s21], [sflag:$0x7] =	stream.indirect.gather [hbm4b:s4+s14], $0x40, s6, s14, $0xb8;
	[tilespmem:$0x1CC00] =	vst v63  }
0xff: {  	s12 =	sadd.s32 $0xA380, s1  }
0x100: {  	[tilespmem:s22], [sflag:$0x8] =	stream.indirect.gather [hbm4b:s4+s14], $0x40, s12, s14, $0xb8;
	[tilespmem:$0x1CC00] =	vst v63  }
0x101: {  	_ =	swait.ge [sflag:s23], $0x2000  }
0x102: {  	[sflag:s23] =	ssyncset.done $0x0  }
0x103: {  	s13 =	sadd.s32 $0xB400, s1;
	[sflag:s23] =	ssyncadd.s32 $0xFFFFE000  }
0x104: {  	[spmem:s2] =	stream.indirect.scatter.add.f32 [tilespmem:s15], [sflag:$0x9], $0x40, s13, s14, $0xb8;
	[tilespmem:$0x1CC00] =	vst v63  }
0x105: {  	_ =	swait.ge [sflag:s11], $0x2000  }
0x106: {  	[sflag:s11] =	ssyncset.done $0x0  }
0x107: {  	[sflag:s11] =	ssyncadd.s32 $0xFFFFE000  }
0x108: {  	_ =	swait.ge [sflag:s24], $0x2000  }
0x109: {  	[sflag:s24] =	ssyncset.done $0x0  }
0x10a: {  	s6 =	sadd.s32 $0xB480, s1;
	[sflag:s24] =	ssyncadd.s32 $0xFFFFE000  }
0x10b: {  	[spmem:s2] =	stream.indirect.scatter.add.f32 [tilespmem:s16], [sflag:$0x9], $0x40, s6, s14, $0xb8;
	[tilespmem:$0x1CC00] =	vst v63  }
0x10c: {  	_ =	swait.ge [sflag:s11], $0x2000  }
0x10d: {  	[sflag:s11] =	ssyncset.done $0x0  }
0x10e: {  	[sflag:s11] =	ssyncadd.s32 $0xFFFFE000  }
0x10f: {  	_ =	swait.ge [sflag:s25], $0x2000  }
0x110: {  	[sflag:s25] =	ssyncset.done $0x0  }
0x111: {  	s12 =	sadd.s32 $0xB500, s1;
	[sflag:s25] =	ssyncadd.s32 $0xFFFFE000  }
0x112: {  	[spmem:s2] =	stream.indirect.scatter.add.f32 [tilespmem:s17], [sflag:$0x9], $0x40, s12, s14, $0xb8;
	[tilespmem:$0x1CC00] =	vst v63  }
0x113: {  	_ =	swait.ge [sflag:s11], $0x2000  }
0x114: {  	[sflag:s11] =	ssyncset.done $0x0  }
0x115: {  	[sflag:s11] =	ssyncadd.s32 $0xFFFFE000  }
0x116: {  	_ =	swait.ge [sflag:s26], $0x2000  }
0x117: {  	[sflag:s26] =	ssyncset.done $0x0  }
0x118: {  	s13 =	sadd.s32 $0xB580, s1;
	[sflag:s26] =	ssyncadd.s32 $0xFFFFE000  }
0x119: {  	[spmem:s2] =	stream.indirect.scatter.add.f32 [tilespmem:s18], [sflag:$0x9], $0x40, s13, s14, $0xb8;
	[tilespmem:$0x1CC00] =	vst v63  }
0x11a: {  	_ =	swait.ge [sflag:s11], $0x2000  }
0x11b: {  	[sflag:s11] =	ssyncset.done $0x0  }
0x11c: {  	[sflag:s11] =	ssyncadd.s32 $0xFFFFE000  }
0x11d: {  	_ =	swait.ge [sflag:s28], $0x2000  }
0x11e: {  	[sflag:s28] =	ssyncset.done $0x0  }
0x11f: {  	s6 =	sadd.s32 $0xB600, s1;
	[sflag:s28] =	ssyncadd.s32 $0xFFFFE000  }
0x120: {  	[spmem:s2] =	stream.indirect.scatter.add.f32 [tilespmem:s19], [sflag:$0x9], $0x40, s6, s14, $0xb8;
	[tilespmem:$0x1CC00] =	vst v63  }
0x121: {  	_ =	swait.ge [sflag:s11], $0x2000  }
0x122: {  	[sflag:s11] =	ssyncset.done $0x0  }
0x123: {  	[sflag:s11] =	ssyncadd.s32 $0xFFFFE000  }
0x124: {  	_ =	swait.ge [sflag:s29], $0x2000  }
0x125: {  	[sflag:s29] =	ssyncset.done $0x0  }
0x126: {  	s12 =	sadd.s32 $0xB680, s1;
	[sflag:s29] =	ssyncadd.s32 $0xFFFFE000  }
0x127: {  	[spmem:s2] =	stream.indirect.scatter.add.f32 [tilespmem:s20], [sflag:$0x9], $0x40, s12, s14, $0xb8;
	[tilespmem:$0x1CC00] =	vst v63  }
0x128: {  	_ =	swait.ge [sflag:s11], $0x2000  }
0x129: {  	[sflag:s11] =	ssyncset.done $0x0  }
0x12a: {  	[sflag:s11] =	ssyncadd.s32 $0xFFFFE000  }
0x12b: {  	_ =	swait.ge [sflag:s30], $0x2000  }
0x12c: {  	[sflag:s30] =	ssyncset.done $0x0  }
0x12d: {  	s13 =	sadd.s32 $0xB700, s1;
	[sflag:s30] =	ssyncadd.s32 $0xFFFFE000  }
0x12e: {  	[spmem:s2] =	stream.indirect.scatter.add.f32 [tilespmem:s21], [sflag:$0x9], $0x40, s13, s14, $0xb8;
	[tilespmem:$0x1CC00] =	vst v63  }
0x12f: {  	_ =	swait.ge [sflag:s11], $0x2000  }
0x130: {  	[sflag:s11] =	ssyncset.done $0x0  }
0x131: {  	[sflag:s11] =	ssyncadd.s32 $0xFFFFE000  }
0x132: {  	_ =	swait.ge [sflag:s31], $0x2000  }
0x133: {  	[sflag:s31] =	ssyncset.done $0x0  }
0x134: {  	s6 =	sadd.s32 $0xB780, s1;
	[sflag:s31] =	ssyncadd.s32 $0xFFFFE000  }
0x135: {  	[spmem:s2] =	stream.indirect.scatter.add.f32 [tilespmem:s22], [sflag:$0x9], $0x40, s6, s14, $0xb8;
	[tilespmem:$0x1CC00] =	vst v63  }
0x136: {  	s12 =	stileid.u32;
	_ =	swait.ge [sflag:s11], $0x2000  }
0x137: {  	s3 =	sadd.s32 $0x1, s3;
	s0 =	sshll.u32 s12, $0x6;
	[sflag:s11] =	ssyncset.done $0x0  }
0x138: {  	p0 =	sne.s32 s3, s9;
	s0 =	sor.u32 $0x1C09, s0;
	[sflag:s11] =	ssyncadd.s32 $0xFFFFE000  }
.Ltmp2:
0x139: {  	s13 =	sshrl.u32 s5, $0x3;
	[bflag:$0x0] =	sbarrier.arrive $0xFFFF;
	(pc) =	sbr.rel @p0 .LBB2_1-.Ltmp2, $4  }
0x13a: {  	[hbm:s8], [sflag:s0] =	dma.local [spmem:s13], $0x1400  }
0x13b: {  	_ =	swait.ge [sflag:s11], $0x1400  }
0x13c: {  	[sflag:s11] =	ssyncset.done $0x0  }
0x13d: {  	[sflag:s11] =	ssyncadd.s32 $0xFFFFEC00  }
0x13e: {  	_ =	sfence.sel $0x180000  }
0x13f: {  	[bflag:$0x0] =	sbarrier.arrive $0xFFFF  }
0x140: {  	_ =	strace $0x90000050  }
0x141: {  	s0 =	stileid.u32;
	[bflag:$0x2] =	sbarrier.arrive $0xFFFF  }
0x142: {  	p0 =	sne.s32 s0, $0x0;
	s0 =	rddreg [dreg:$0x2]  }
0x143: {  	s0 =	sadd.s32 @!p0 $0x100000, s0  }
0x144: {  	[sflag:s0] =	ssyncadd.tile.s32 @!p0 $0x1;
	_ =	shalt  }
.Lfunc_end2:
_tile_overlayer_lowered:
.L_overlay_start_2:
0x145: {  	(tag) =	ssettag $0x2  }
0x146: {  	s0 =	rddreg [dreg:$0x0];
	s2 =	stileid.u32  }
0x147: {  	s1 =	rddreg [dreg:$0x1];
	p0 =	sne.s32 s2, $0x0  }
0x148: {  	s3 =	rddreg [dreg:$0x2];
	[bflag:$0x3] =	sbarrier.arrive $0xFFFF;
	s2 =	simm.s32 @!p0 $0x1C09  }
0x149: {  	[timem:s3], [sflag:s2] =	dma.local @!p0 [hbm:s0], s1  }
0x14a: {  	s0 =	simm.s32 @!p0 $0x9  }
0x14b: {  	_ =	swait.ge @!p0 [sflag:s0], s1  }
0x14c: {  	s1 =	ssub.s32 @!p0 $0x0, s1;
	[sflag:s0] =	ssyncset.done @!p0 $0x0  }
0x14d: {  	[sflag:s0] =	ssyncadd.s32 @!p0 s1  }
0x14e: {  	[bflag:$0x3] =	sbarrier.arrive $0xFFFF  }
0x14f: {  	_ =	shalt  }

</sc_bundles>
